<compile_context>
chip_gen: v7x
topology: tpu7x:2x2x1
jax: 0.10.2.dev20260603
libtpu: 0.0.44.dev20260713+nightly
codegen_flags: <defaults>
</compile_context>

<pallas_src>
import jax
import jax.numpy as jnp
from jax import lax
from jax.experimental import pallas as pl
from jax.experimental.pallas import tpu as pltpu
from jax.experimental.pallas import tpu_sc as plsc

N_NODES = 50000
N_EDGES = 800000
IN_CH = 128
HID = 64
HALF = HID // 2
N_GRAPHS = 64

NC = 2
NS = 16
CHUNK = 128

E_PAD = 819200
N_CHUNK_ROWS = E_PAD // CHUNK
ACC_ROWS = 50176
ROWS_PT = ACC_ROWS // NS
TRASH = N_NODES

IDXR = 2
BCHUNK = IDXR * CHUNK
CPT_AGG = E_PAD // NS // BCHUNK
STG_AGG = 25
SPC_AGG = CPT_AGG // STG_AGG
CPT_DEG = E_PAD // (NC * NS) // CHUNK
STG_DEG = 5
SPC_DEG = CPT_DEG // STG_DEG

ROW_BLK = 2000
N_BLK = N_NODES // ROW_BLK

_sc_mesh = plsc.VectorSubcoreMesh(
    core_axis_name="c", subcore_axis_name="s", num_cores=NC, num_subcores=NS)


def _deg_body(col2, zeros16, ones16, out, col_st, ones_v, acc):
    c = lax.axis_index("c")
    s = lax.axis_index("s")
    pltpu.sync_copy(zeros16, acc.at[pl.ds(s * ROWS_PT, ROWS_PT)])
    pltpu.sync_copy(ones16, ones_v)
    plsc.subcore_barrier()
    base = (c * NS + s) * CPT_DEG

    def stage(st, carry):
        crb = base + st * SPC_DEG
        pltpu.sync_copy(col2.at[pl.ds(crb, SPC_DEG)], col_st)
        for j in range(SPC_DEG):
            pltpu.sync_copy(ones_v, acc.at[col_st.at[j]], add=True)
        return carry

    lax.fori_loop(0, STG_DEG, stage, 0)
    plsc.subcore_barrier()
    pltpu.sync_copy(acc.at[pl.ds(s * ROWS_PT, ROWS_PT)],
                    out.at[c, pl.ds(s * ROWS_PT, ROWS_PT)])


_deg_call = pl.kernel(
    _deg_body,
    out_type=jax.ShapeDtypeStruct((NC, ACC_ROWS, 16), jnp.float32),
    mesh=_sc_mesh,
    scratch_types=[
        pltpu.VMEM((SPC_DEG, CHUNK), jnp.int32),
        pltpu.VMEM((CHUNK, 16), jnp.float32),
        pltpu.VMEM_SHARED((ACC_ROWS, 16), jnp.float32),
    ],
    compiler_params=pltpu.CompilerParams(use_tc_tiling_on_sc=False),
)


NBUF = 6
KLAG = 3
G_RPT = N_NODES // NS


def _agg_body(gsplit, row3, col3, zerosb, out, row_st, col_st, msg, g_sh, acc,
              gsems, ssems):
    c = lax.axis_index("c")
    s = lax.axis_index("s")
    pltpu.sync_copy(zerosb, acc.at[pl.ds(s * ROWS_PT, ROWS_PT)])
    pltpu.sync_copy(gsplit.at[c, pl.ds(s * G_RPT, G_RPT)],
                    g_sh.at[pl.ds(s * G_RPT, G_RPT)])
    plsc.subcore_barrier()
    base = s * CPT_AGG

    def stage(st, carry):
        crb = base + st * SPC_AGG
        pltpu.sync_copy(row3.at[pl.ds(crb, SPC_AGG)], row_st)
        pltpu.sync_copy(col3.at[pl.ds(crb, SPC_AGG)], col_st)
        for j in range(SPC_AGG + KLAG):
            if j < SPC_AGG:
                b = j % NBUF
                if j >= NBUF:
                    pltpu.make_async_copy(msg.at[b],
                                          acc.at[col_st.at[j - NBUF]],
                                          ssems.at[b]).wait()
                pltpu.async_copy(g_sh.at[row_st.at[j]], msg.at[b], gsems.at[b])
            i = j - KLAG
            if i >= 0:
                bi = i % NBUF
                pltpu.make_async_copy(g_sh.at[row_st.at[i]], msg.at[bi],
                                      gsems.at[bi]).wait()
                pltpu.async_copy(msg.at[bi], acc.at[col_st.at[i]],
                                 ssems.at[bi], add=True)
        for k in range(NBUF):
            i = SPC_AGG - NBUF + k
            pltpu.make_async_copy(msg.at[i % NBUF], acc.at[col_st.at[i]],
                                  ssems.at[i % NBUF]).wait()
        return carry

    lax.fori_loop(0, STG_AGG, stage, 0)
    plsc.subcore_barrier()
    pltpu.sync_copy(acc.at[pl.ds(s * ROWS_PT, ROWS_PT)],
                    out.at[c, pl.ds(s * ROWS_PT, ROWS_PT)])


_agg_call = pl.kernel(
    _agg_body,
    out_type=jax.ShapeDtypeStruct((NC, ACC_ROWS, HALF), jnp.bfloat16),
    mesh=_sc_mesh,
    scratch_types=[
        pltpu.VMEM((SPC_AGG, BCHUNK), jnp.int32),
        pltpu.VMEM((SPC_AGG, BCHUNK), jnp.int32),
        pltpu.VMEM((NBUF, BCHUNK, HALF), jnp.bfloat16),
        pltpu.VMEM_SHARED((N_NODES, HALF), jnp.bfloat16),
        pltpu.VMEM_SHARED((ACC_ROWS, HALF), jnp.bfloat16),
        pltpu.SemaphoreType.DMA((NBUF,)),
        pltpu.SemaphoreType.DMA((NBUF,)),
    ],
    compiler_params=pltpu.CompilerParams(use_tc_tiling_on_sc=False),
)


def _enc_body(degp_ref, x_ref, w_ref, dis_ref, gb_ref):
    deg = degp_ref[0, :, 0] + degp_ref[1, :, 0] + 1.0
    dis = lax.rsqrt(deg)[:, None]
    dis_ref[...] = dis
    g = jnp.dot(x_ref[...], w_ref[...], preferred_element_type=jnp.float32)
    g = g * dis
    gb_ref[0] = g[:, :HALF].astype(jnp.bfloat16)
    gb_ref[1] = g[:, HALF:].astype(jnp.bfloat16)


def _enc_call(degp, x, w1):
    return pl.pallas_call(
        _enc_body,
        grid=(N_BLK,),
        in_specs=[
            pl.BlockSpec((NC, ROW_BLK, 16), lambda i: (0, i, 0)),
            pl.BlockSpec((ROW_BLK, IN_CH), lambda i: (i, 0)),
            pl.BlockSpec((IN_CH, HID), lambda i: (0, 0)),
        ],
        out_specs=[
            pl.BlockSpec((ROW_BLK, 1), lambda i: (i, 0)),
            pl.BlockSpec((NC, ROW_BLK, HALF), lambda i: (0, i, 0)),
        ],
        out_shape=[
            jax.ShapeDtypeStruct((N_NODES, 1), jnp.float32),
            jax.ShapeDtypeStruct((NC, N_NODES, HALF), jnp.bfloat16),
        ],
    )(degp, x, w1)


def _layer_body(aggp_ref, gb_ref, dis_ref, w_ref, b_ref, gnb_ref):
    dis = dis_ref[...]
    h0 = jnp.maximum(
        dis * (aggp_ref[0].astype(jnp.float32) + gb_ref[0].astype(jnp.float32))
        + b_ref[0], 0.0)
    h1 = jnp.maximum(
        dis * (aggp_ref[1].astype(jnp.float32) + gb_ref[1].astype(jnp.float32))
        + b_ref[1], 0.0)
    gn = (jnp.dot(h0, w_ref[:HALF, :], preferred_element_type=jnp.float32)
          + jnp.dot(h1, w_ref[HALF:, :], preferred_element_type=jnp.float32))
    gn = gn * dis
    gnb_ref[0] = gn[:, :HALF].astype(jnp.bfloat16)
    gnb_ref[1] = gn[:, HALF:].astype(jnp.bfloat16)


def _layer_call(aggp, gb, dis, w, b):
    return pl.pallas_call(
        _layer_body,
        grid=(N_BLK,),
        in_specs=[
            pl.BlockSpec((NC, ROW_BLK, HALF), lambda i: (0, i, 0)),
            pl.BlockSpec((NC, ROW_BLK, HALF), lambda i: (0, i, 0)),
            pl.BlockSpec((ROW_BLK, 1), lambda i: (i, 0)),
            pl.BlockSpec((HID, HID), lambda i: (0, 0)),
            pl.BlockSpec((NC, 1, HALF), lambda i: (0, 0, 0)),
        ],
        out_specs=pl.BlockSpec((NC, ROW_BLK, HALF), lambda i: (0, i, 0)),
        out_shape=jax.ShapeDtypeStruct((NC, N_NODES, HALF), jnp.bfloat16),
    )(aggp, gb, dis, w, b)


def _pool_body(aggp_ref, gb_ref, dis_ref, b_ref, batch_ref, sums_ref, cnt_ref):
    i = pl.program_id(0)
    dis = dis_ref[...]
    h0 = jnp.maximum(
        dis * (aggp_ref[0].astype(jnp.float32) + gb_ref[0].astype(jnp.float32))
        + b_ref[0], 0.0)
    h1 = jnp.maximum(
        dis * (aggp_ref[1].astype(jnp.float32) + gb_ref[1].astype(jnp.float32))
        + b_ref[1], 0.0)
    bv = batch_ref[...][:, 0]
    gids = lax.broadcasted_iota(jnp.int32, (N_GRAPHS, ROW_BLK), 0)
    m = (gids == bv[None, :]).astype(jnp.float32)
    s0 = jnp.dot(m, h0, preferred_element_type=jnp.float32)
    s1 = jnp.dot(m, h1, preferred_element_type=jnp.float32)
    pc = jnp.sum(m, axis=1, keepdims=True)

    @pl.when(i == 0)
    def _():
        sums_ref[0] = s0
        sums_ref[1] = s1
        cnt_ref[...] = pc

    @pl.when(i > 0)
    def _():
        sums_ref[0] += s0
        sums_ref[1] += s1
        cnt_ref[...] += pc


def _pool_call(aggp, gb, dis, b, batch2):
    return pl.pallas_call(
        _pool_body,
        grid=(N_BLK,),
        in_specs=[
            pl.BlockSpec((NC, ROW_BLK, HALF), lambda i: (0, i, 0)),
            pl.BlockSpec((NC, ROW_BLK, HALF), lambda i: (0, i, 0)),
            pl.BlockSpec((ROW_BLK, 1), lambda i: (i, 0)),
            pl.BlockSpec((NC, 1, HALF), lambda i: (0, 0, 0)),
            pl.BlockSpec((ROW_BLK, 1), lambda i: (i, 0)),
        ],
        out_specs=[
            pl.BlockSpec((NC, N_GRAPHS, HALF), lambda i: (0, 0, 0)),
            pl.BlockSpec((N_GRAPHS, 1), lambda i: (0, 0)),
        ],
        out_shape=[
            jax.ShapeDtypeStruct((NC, N_GRAPHS, HALF), jnp.float32),
            jax.ShapeDtypeStruct((N_GRAPHS, 1), jnp.float32),
        ],
    )(aggp, gb, dis, b, batch2)


def _head_body(sums_ref, cnt_ref, meta_ref, wh1_ref, wm_ref, bh1_ref, wh2_ref,
               bh2_ref, out_ref):
    inv = 1.0 / jnp.maximum(cnt_ref[...], 1.0)
    p0 = sums_ref[0] * inv
    p1 = sums_ref[1] * inv
    z1 = (jnp.dot(p0, wh1_ref[:HALF, :], preferred_element_type=jnp.float32)
          + jnp.dot(p1, wh1_ref[HALF:, :], preferred_element_type=jnp.float32)
          + jnp.dot(meta_ref[...], wm_ref[...],
                    preferred_element_type=jnp.float32)
          + bh1_ref[...])
    z1 = jnp.maximum(z1, 0.0)
    out_ref[...] = jnp.dot(z1, wh2_ref[...],
                           preferred_element_type=jnp.float32) + bh2_ref[...]


def _head_call(sums, cnt, meta, wh1a, wm, bh1, wh2, bh2):
    return pl.pallas_call(
        _head_body,
        out_shape=jax.ShapeDtypeStruct((N_GRAPHS, 1), jnp.float32),
    )(sums, cnt, meta, wh1a, wm, bh1, wh2, bh2)


def kernel(x, edge_index, batch, metadata, W1, b1, W2, b2, W3, b3, Wh1, bh1,
           Wh2, bh2):
    pad = E_PAD - N_EDGES
    rowp = jnp.concatenate(
        [edge_index[0], jnp.zeros((pad,), edge_index.dtype)]).astype(jnp.int32)
    colp = jnp.concatenate(
        [edge_index[1], jnp.full((pad,), TRASH, edge_index.dtype)]).astype(jnp.int32)
    colp2 = colp.reshape(N_CHUNK_ROWS, CHUNK)
    rowp3 = rowp.reshape(N_CHUNK_ROWS // IDXR, BCHUNK)
    colp3 = colp.reshape(N_CHUNK_ROWS // IDXR, BCHUNK)
    zeros16 = jnp.zeros((ROWS_PT, 16), jnp.float32)
    zerosb = jnp.zeros((ROWS_PT, HALF), jnp.bfloat16)
    ones16 = jnp.ones((CHUNK, 16), jnp.float32)

    degp = _deg_call(colp2, zeros16, ones16)
    dis, g1b = _enc_call(degp, x, W1)

    def agg(gb):
        return _agg_call(gb, rowp3, colp3, zerosb)

    b1r = b1.reshape(NC, 1, HALF)
    b2r = b2.reshape(NC, 1, HALF)
    b3r = b3.reshape(NC, 1, HALF)

    agg1 = agg(g1b)
    g2b = _layer_call(agg1, g1b, dis, W2, b1r)
    agg2 = agg(g2b)
    g3b = _layer_call(agg2, g2b, dis, W3, b2r)
    agg3 = agg(g3b)

    sums, cnt = _pool_call(agg3, g3b, dis, b3r,
                           batch.reshape(N_NODES, 1).astype(jnp.int32))
    out = _head_call(sums, cnt, metadata, Wh1[:HID], Wh1[HID:],
                     bh1.reshape(1, HID), Wh2, bh2.reshape(1, 1))
    return out

# --- scband reference (transcript-rebuilt; emitter-appended) ---
"""Pipeline reference for scband-hybrid-xgmodel-14018773254871 (READ-ONLY COPY).

The authoritative reference and input builder live on the scoring server;
editing this copy changes nothing except your own understanding.
"""

import jax, jax.numpy as jnp
import numpy as np

N_NODES = 50000
N_EDGES = 800000
IN_CH = 128
HID = 64
META = 4
NUM_GRAPHS = 64


def gcn_conv(x, edge_index, W, b, n_nodes):
    # PyG GCNConv: x' = D^{-1/2} (A + I) D^{-1/2} X W + b
    h = x @ W
    loops = jnp.arange(n_nodes, dtype=edge_index.dtype)
    row = jnp.concatenate([edge_index[0], loops])
    col = jnp.concatenate([edge_index[1], loops])
    deg = jax.ops.segment_sum(jnp.ones(row.shape, dtype=h.dtype), col, num_segments=n_nodes)
    dis = jnp.where(deg > 0, jax.lax.rsqrt(jnp.maximum(deg, 1e-12)), 0.0)
    norm = dis[row] * dis[col]
    msg = h[row] * norm[:, None]
    out = jax.ops.segment_sum(msg, col, num_segments=n_nodes)
    return out + b


def setup_inputs(seed: int = 0) -> dict:
    key = jax.random.key(seed)
    ks = jax.random.split(key, 16)
    x = jax.random.normal(ks[0], (N_NODES, IN_CH), dtype=jnp.float32)
    edge_index = jax.random.randint(ks[1], (2, N_EDGES), 0, N_NODES, dtype=jnp.int32)
    batch = jnp.sort(jax.random.randint(ks[2], (N_NODES,), 0, NUM_GRAPHS, dtype=jnp.int32))
    metadata = jax.random.normal(ks[3], (NUM_GRAPHS, META), dtype=jnp.float32)
    W1 = jax.random.normal(ks[4], (IN_CH, HID), dtype=jnp.float32) * 0.05
    b1 = jnp.zeros((HID,), dtype=jnp.float32)
    W2 = jax.random.normal(ks[5], (HID, HID), dtype=jnp.float32) * 0.05
    b2 = jnp.zeros((HID,), dtype=jnp.float32)
    W3 = jax.random.normal(ks[6], (HID, HID), dtype=jnp.float32) * 0.05
    b3 = jnp.zeros((HID,), dtype=jnp.float32)
    Wh1 = jax.random.normal(ks[7], (HID + META, HID), dtype=jnp.float32) * 0.05
    bh1 = jnp.zeros((HID,), dtype=jnp.float32)
    Wh2 = jax.random.normal(ks[8], (HID, 1), dtype=jnp.float32) * 0.05
    bh2 = jnp.zeros((1,), dtype=jnp.float32)
    return {"x": x, "edge_index": edge_index, "batch": batch, "metadata": metadata,
            "W1": W1, "b1": b1, "W2": W2, "b2": b2, "W3": W3, "b3": b3,
            "Wh1": Wh1, "bh1": bh1, "Wh2": Wh2, "bh2": bh2}


def reference(x, edge_index, batch, metadata, W1, b1, W2, b2, W3, b3, Wh1, bh1, Wh2, bh2):
    n = x.shape[0]
    # encode: 3x (GCNConv -> relu -> dropout(eval: no-op))
    h = jax.nn.relu(gcn_conv(x, edge_index, W1, b1, n))
    h = jax.nn.relu(gcn_conv(h, edge_index, W2, b2, n))
    h = jax.nn.relu(gcn_conv(h, edge_index, W3, b3, n))
    # global_mean_pool over batch assignment
    sums = jax.ops.segment_sum(h, batch, num_segments=NUM_GRAPHS)
    cnt = jax.ops.segment_sum(jnp.ones((n,), dtype=h.dtype), batch, num_segments=NUM_GRAPHS)
    pooled = sums / jnp.maximum(cnt, 1.0)[:, None]
    # head: Linear -> ReLU -> Dropout(no-op) -> Linear
    z = jnp.concatenate([pooled, metadata], axis=1)
    z = jax.nn.relu(z @ Wh1 + bh1)
    return z @ Wh2 + bh2

if __name__ == "__main__":
    import jax
    _d = setup_inputs()
    print(jax.jit(kernel)(*tuple(_d.values())))

</pallas_src>

<mosaic_0001>
#map = affine_map<(d0, d1) -> (0, 0)>
#map1 = affine_map<(d0, d1) -> (0, 0, 0)>
module attributes {stable_mosaic.version = 14 : i64} {
  func.func @_deg_body(%arg0: i32, %arg1: i32, %arg2: memref<6400x128xi32, #tpu.memory_space<hbm>>, %arg3: memref<3136x16xf32, #tpu.memory_space<hbm>>, %arg4: memref<128x16xf32, #tpu.memory_space<hbm>>, %arg5: memref<2x50176x16xf32, #tpu.memory_space<hbm>>, %arg6: memref<40x128xi32, #tpu.memory_space<vmem>>, %arg7: memref<128x16xf32, #tpu.memory_space<vmem>>, %arg8: memref<50176x16xf32, #tpu.memory_space<vmem_shared>>) attributes {dimension_semantics = [#tpu.dimension_semantics<core_parallel>, #tpu.dimension_semantics<subcore_parallel>], iteration_bounds = array<i64: 2, 16>, scalar_prefetch = 0 : i64, scratch_operands = 3 : i64, tpu.core_type = #tpu.core_type<sc_vector_subcore>, window_params = [{transform_indices = #map}, {transform_indices = #map}, {transform_indices = #map}, {transform_indices = #map1}]} {
    %mul3A = arith.constant 3136 : i32
    %mul3A_0 = arith.muli %arg1, %mul3A : i32
    "tpu.region"() ({
      %run_scoped3A = tpu.sem_alloc : memref<!tpu.dma_semaphore, #tpu.memory_space<semaphore_mem>>
      %dma_start3A = arith.constant 0 : i32
      %dma_start3A_15 = tpu.memref_slice %arg8[%mul3A_0, %dma_start3A] : memref<50176x16xf32, #tpu.memory_space<vmem_shared>> -> memref<3136x16xf32, #tpu.memory_space<vmem_shared>>
      tpu.enqueue_dma source(%arg3 : memref<3136x16xf32, #tpu.memory_space<hbm>>) target(%dma_start3A_15 : memref<3136x16xf32, #tpu.memory_space<vmem_shared>>) target_semaphore(%run_scoped3A : memref<!tpu.dma_semaphore, #tpu.memory_space<semaphore_mem>>)
      %dma_wait3A = arith.constant 0 : i32
      %dma_wait3A_16 = tpu.memref_slice %arg8[%mul3A_0, %dma_wait3A] : memref<50176x16xf32, #tpu.memory_space<vmem_shared>> -> memref<3136x16xf32, #tpu.memory_space<vmem_shared>>
      tpu.wait_dma2 semaphore(%run_scoped3A : memref<!tpu.dma_semaphore, #tpu.memory_space<semaphore_mem>>) src(%arg3 : memref<3136x16xf32, #tpu.memory_space<hbm>>) dst(%dma_wait3A_16 : memref<3136x16xf32, #tpu.memory_space<vmem_shared>>)
      tpu.yield
    }) : () -> ()
    "tpu.region"() ({
      %run_scoped3A = tpu.sem_alloc : memref<!tpu.dma_semaphore, #tpu.memory_space<semaphore_mem>>
      tpu.enqueue_dma source(%arg4 : memref<128x16xf32, #tpu.memory_space<hbm>>) target(%arg7 : memref<128x16xf32, #tpu.memory_space<vmem>>) target_semaphore(%run_scoped3A : memref<!tpu.dma_semaphore, #tpu.memory_space<semaphore_mem>>)
      tpu.wait_dma2 semaphore(%run_scoped3A : memref<!tpu.dma_semaphore, #tpu.memory_space<semaphore_mem>>) src(%arg4 : memref<128x16xf32, #tpu.memory_space<hbm>>) dst(%arg7 : memref<128x16xf32, #tpu.memory_space<vmem>>)
      tpu.yield
    }) : () -> ()
    %barrier3A = arith.constant 0 : index
    tpu.barrier barrier_id(%barrier3A)
    %mul3A_1 = arith.constant 16 : i32
    %mul3A_2 = arith.muli %arg0, %mul3A_1 : i32
    %add3A = arith.addi %mul3A_2, %arg1 : i32
    %mul3A_3 = arith.constant 200 : i32
    %mul3A_4 = arith.muli %add3A, %mul3A_3 : i32
    %scan3A = arith.constant 0 : i32
    %scan3A_5 = arith.constant 0 : i32
    %scan3A_6 = arith.constant 5 : i32
    %scan3A_7 = arith.addi %scan3A_5, %scan3A_6 : i32
    %scan3A_8 = arith.constant 1 : i32
    scf.for %scan3A_15 = %scan3A_5 to %scan3A_7 step %scan3A_8  : i32 {
      %mul3A_16 = arith.constant 40 : i32
      %mul3A_17 = arith.muli %scan3A_15, %mul3A_16 : i32
      %add3A_18 = arith.addi %mul3A_4, %mul3A_17 : i32
      "tpu.region"() ({
        %run_scoped3A_58 = tpu.sem_alloc : memref<!tpu.dma_semaphore, #tpu.memory_space<semaphore_mem>>
        %dma_start3A = arith.constant 0 : i32
        %dma_start3A_59 = tpu.memref_slice %arg2[%add3A_18, %dma_start3A] : memref<6400x128xi32, #tpu.memory_space<hbm>> -> memref<40x128xi32, #tpu.memory_space<hbm>>
        %dma_start3A_60 = arith.constant 0 : i32
        %dma_start3A_61 = tpu.memref_slice %arg2[%add3A_18, %dma_start3A_60] : memref<6400x128xi32, #tpu.memory_space<hbm>> -> memref<40x128xi32, #tpu.memory_space<hbm>>
        tpu.enqueue_dma source(%dma_start3A_61 : memref<40x128xi32, #tpu.memory_space<hbm>>) target(%arg6 : memref<40x128xi32, #tpu.memory_space<vmem>>) target_semaphore(%run_scoped3A_58 : memref<!tpu.dma_semaphore, #tpu.memory_space<semaphore_mem>>)
        %dma_wait3A = arith.constant 0 : i32
        %dma_wait3A_62 = tpu.memref_slice %arg2[%add3A_18, %dma_wait3A] : memref<6400x128xi32, #tpu.memory_space<hbm>> -> memref<40x128xi32, #tpu.memory_space<hbm>>
        %dma_wait3A_63 = arith.constant 0 : i32
        %dma_wait3A_64 = tpu.memref_slice %arg2[%add3A_18, %dma_wait3A_63] : memref<6400x128xi32, #tpu.memory_space<hbm>> -> memref<40x128xi32, #tpu.memory_space<hbm>>
        tpu.wait_dma2 semaphore(%run_scoped3A_58 : memref<!tpu.dma_semaphore, #tpu.memory_space<semaphore_mem>>) src(%dma_wait3A_64 : memref<40x128xi32, #tpu.memory_space<hbm>>) dst(%arg6 : memref<40x128xi32, #tpu.memory_space<vmem>>)
        tpu.yield
      }) : () -> ()
      %run_scoped3A = arith.constant 0 : i32
      "tpu.region"() ({
        %run_scoped3A_58 = tpu.sem_alloc : memref<!tpu.dma_semaphore, #tpu.memory_space<semaphore_mem>>
        %dma_start3A = arith.constant 0 : i32
        %dma_start3A_59 = tpu.memref_slice %arg6[%run_scoped3A, %dma_start3A] : memref<40x128xi32, #tpu.memory_space<vmem>> -> memref<1x128xi32, #tpu.memory_space<vmem>>
        %dma_start3A_60 = tpu.memref_squeeze %dma_start3A_59 : memref<1x128xi32, #tpu.memory_space<vmem>> -> memref<128xi32, #tpu.memory_space<vmem>>
        %dma_start3A_61 = arith.constant 0 : i32
        %dma_start3A_62 = arith.constant 0 : i32
        %dma_start3A_63 = tpu.memref_slice %arg8[%dma_start3A_61, %dma_start3A_62] : memref<50176x16xf32, #tpu.memory_space<vmem_shared>> -> memref<50176x16xf32, #tpu.memory_space<vmem_shared>>
        tpu.enqueue_indirect_dma source(%arg7 : memref<128x16xf32, #tpu.memory_space<vmem>>) target(%dma_start3A_63 : memref<50176x16xf32, #tpu.memory_space<vmem_shared>>) offsets(%dma_start3A_60 : memref<128xi32, #tpu.memory_space<vmem>>) semaphore(%run_scoped3A_58 : memref<!tpu.dma_semaphore, #tpu.memory_space<semaphore_mem>>) {add = true}
        %dma_wait3A = arith.constant 0 : i32
        %dma_wait3A_64 = tpu.memref_slice %arg6[%run_scoped3A, %dma_wait3A] : memref<40x128xi32, #tpu.memory_space<vmem>> -> memref<1x128xi32, #tpu.memory_space<vmem>>
        %dma_wait3A_65 = tpu.memref_squeeze %dma_wait3A_64 : memref<1x128xi32, #tpu.memory_space<vmem>> -> memref<128xi32, #tpu.memory_space<vmem>>
        %dma_wait3A_66 = arith.constant 0 : i32
        %dma_wait3A_67 = arith.constant 0 : i32
        %dma_wait3A_68 = tpu.memref_slice %arg8[%dma_wait3A_66, %dma_wait3A_67] : memref<50176x16xf32, #tpu.memory_space<vmem_shared>> -> memref<50176x16xf32, #tpu.memory_space<vmem_shared>>
        tpu.wait_indirect_dma semaphore(%run_scoped3A_58 : memref<!tpu.dma_semaphore, #tpu.memory_space<semaphore_mem>>) src(%arg7 : memref<128x16xf32, #tpu.memory_space<vmem>>) dst(%dma_wait3A_68 : memref<50176x16xf32, #tpu.memory_space<vmem_shared>>)
        tpu.yield
      }) : () -> ()
      %run_scoped3A_19 = arith.constant 1 : i32
      "tpu.region"() ({
        %run_scoped3A_58 = tpu.sem_alloc : memref<!tpu.dma_semaphore, #tpu.memory_space<semaphore_mem>>
        %dma_start3A = arith.constant 0 : i32
        %dma_start3A_59 = tpu.memref_slice %arg6[%run_scoped3A_19, %dma_start3A] : memref<40x128xi32, #tpu.memory_space<vmem>> -> memref<1x128xi32, #tpu.memory_space<vmem>>
        %dma_start3A_60 = tpu.memref_squeeze %dma_start3A_59 : memref<1x128xi32, #tpu.memory_space<vmem>> -> memref<128xi32, #tpu.memory_space<vmem>>
        %dma_start3A_61 = arith.constant 0 : i32
        %dma_start3A_62 = arith.constant 0 : i32
        %dma_start3A_63 = tpu.memref_slice %arg8[%dma_start3A_61, %dma_start3A_62] : memref<50176x16xf32, #tpu.memory_space<vmem_shared>> -> memref<50176x16xf32, #tpu.memory_space<vmem_shared>>
        tpu.enqueue_indirect_dma source(%arg7 : memref<128x16xf32, #tpu.memory_space<vmem>>) target(%dma_start3A_63 : memref<50176x16xf32, #tpu.memory_space<vmem_shared>>) offsets(%dma_start3A_60 : memref<128xi32, #tpu.memory_space<vmem>>) semaphore(%run_scoped3A_58 : memref<!tpu.dma_semaphore, #tpu.memory_space<semaphore_mem>>) {add = true}
        %dma_wait3A = arith.constant 0 : i32
        %dma_wait3A_64 = tpu.memref_slice %arg6[%run_scoped3A_19, %dma_wait3A] : memref<40x128xi32, #tpu.memory_space<vmem>> -> memref<1x128xi32, #tpu.memory_space<vmem>>
        %dma_wait3A_65 = tpu.memref_squeeze %dma_wait3A_64 : memref<1x128xi32, #tpu.memory_space<vmem>> -> memref<128xi32, #tpu.memory_space<vmem>>
        %dma_wait3A_66 = arith.constant 0 : i32
        %dma_wait3A_67 = arith.constant 0 : i32
        %dma_wait3A_68 = tpu.memref_slice %arg8[%dma_wait3A_66, %dma_wait3A_67] : memref<50176x16xf32, #tpu.memory_space<vmem_shared>> -> memref<50176x16xf32, #tpu.memory_space<vmem_shared>>
        tpu.wait_indirect_dma semaphore(%run_scoped3A_58 : memref<!tpu.dma_semaphore, #tpu.memory_space<semaphore_mem>>) src(%arg7 : memref<128x16xf32, #tpu.memory_space<vmem>>) dst(%dma_wait3A_68 : memref<50176x16xf32, #tpu.memory_space<vmem_shared>>)
        tpu.yield
      }) : () -> ()
      %run_scoped3A_20 = arith.constant 2 : i32
      "tpu.region"() ({
        %run_scoped3A_58 = tpu.sem_alloc : memref<!tpu.dma_semaphore, #tpu.memory_space<semaphore_mem>>
        %dma_start3A = arith.constant 0 : i32
        %dma_start3A_59 = tpu.memref_slice %arg6[%run_scoped3A_20, %dma_start3A] : memref<40x128xi32, #tpu.memory_space<vmem>> -> memref<1x128xi32, #tpu.memory_space<vmem>>
        %dma_start3A_60 = tpu.memref_squeeze %dma_start3A_59 : memref<1x128xi32, #tpu.memory_space<vmem>> -> memref<128xi32, #tpu.memory_space<vmem>>
        %dma_start3A_61 = arith.constant 0 : i32
        %dma_start3A_62 = arith.constant 0 : i32
        %dma_start3A_63 = tpu.memref_slice %arg8[%dma_start3A_61, %dma_start3A_62] : memref<50176x16xf32, #tpu.memory_space<vmem_shared>> -> memref<50176x16xf32, #tpu.memory_space<vmem_shared>>
        tpu.enqueue_indirect_dma source(%arg7 : memref<128x16xf32, #tpu.memory_space<vmem>>) target(%dma_start3A_63 : memref<50176x16xf32, #tpu.memory_space<vmem_shared>>) offsets(%dma_start3A_60 : memref<128xi32, #tpu.memory_space<vmem>>) semaphore(%run_scoped3A_58 : memref<!tpu.dma_semaphore, #tpu.memory_space<semaphore_mem>>) {add = true}
        %dma_wait3A = arith.constant 0 : i32
        %dma_wait3A_64 = tpu.memref_slice %arg6[%run_scoped3A_20, %dma_wait3A] : memref<40x128xi32, #tpu.memory_space<vmem>> -> memref<1x128xi32, #tpu.memory_space<vmem>>
        %dma_wait3A_65 = tpu.memref_squeeze %dma_wait3A_64 : memref<1x128xi32, #tpu.memory_space<vmem>> -> memref<128xi32, #tpu.memory_space<vmem>>
        %dma_wait3A_66 = arith.constant 0 : i32
        %dma_wait3A_67 = arith.constant 0 : i32
        %dma_wait3A_68 = tpu.memref_slice %arg8[%dma_wait3A_66, %dma_wait3A_67] : memref<50176x16xf32, #tpu.memory_space<vmem_shared>> -> memref<50176x16xf32, #tpu.memory_space<vmem_shared>>
        tpu.wait_indirect_dma semaphore(%run_scoped3A_58 : memref<!tpu.dma_semaphore, #tpu.memory_space<semaphore_mem>>) src(%arg7 : memref<128x16xf32, #tpu.memory_space<vmem>>) dst(%dma_wait3A_68 : memref<50176x16xf32, #tpu.memory_space<vmem_shared>>)
        tpu.yield
      }) : () -> ()
      %run_scoped3A_21 = arith.constant 3 : i32
      "tpu.region"() ({
        %run_scoped3A_58 = tpu.sem_alloc : memref<!tpu.dma_semaphore, #tpu.memory_space<semaphore_mem>>
        %dma_start3A = arith.constant 0 : i32
        %dma_start3A_59 = tpu.memref_slice %arg6[%run_scoped3A_21, %dma_start3A] : memref<40x128xi32, #tpu.memory_space<vmem>> -> memref<1x128xi32, #tpu.memory_space<vmem>>
        %dma_start3A_60 = tpu.memref_squeeze %dma_start3A_59 : memref<1x128xi32, #tpu.memory_space<vmem>> -> memref<128xi32, #tpu.memory_space<vmem>>
        %dma_start3A_61 = arith.constant 0 : i32
        %dma_start3A_62 = arith.constant 0 : i32
        %dma_start3A_63 = tpu.memref_slice %arg8[%dma_start3A_61, %dma_start3A_62] : memref<50176x16xf32, #tpu.memory_space<vmem_shared>> -> memref<50176x16xf32, #tpu.memory_space<vmem_shared>>
        tpu.enqueue_indirect_dma source(%arg7 : memref<128x16xf32, #tpu.memory_space<vmem>>) target(%dma_start3A_63 : memref<50176x16xf32, #tpu.memory_space<vmem_shared>>) offsets(%dma_start3A_60 : memref<128xi32, #tpu.memory_space<vmem>>) semaphore(%run_scoped3A_58 : memref<!tpu.dma_semaphore, #tpu.memory_space<semaphore_mem>>) {add = true}
        %dma_wait3A = arith.constant 0 : i32
        %dma_wait3A_64 = tpu.memref_slice %arg6[%run_scoped3A_21, %dma_wait3A] : memref<40x128xi32, #tpu.memory_space<vmem>> -> memref<1x128xi32, #tpu.memory_space<vmem>>
        %dma_wait3A_65 = tpu.memref_squeeze %dma_wait3A_64 : memref<1x128xi32, #tpu.memory_space<vmem>> -> memref<128xi32, #tpu.memory_space<vmem>>
        %dma_wait3A_66 = arith.constant 0 : i32
        %dma_wait3A_67 = arith.constant 0 : i32
        %dma_wait3A_68 = tpu.memref_slice %arg8[%dma_wait3A_66, %dma_wait3A_67] : memref<50176x16xf32, #tpu.memory_space<vmem_shared>> -> memref<50176x16xf32, #tpu.memory_space<vmem_shared>>
        tpu.wait_indirect_dma semaphore(%run_scoped3A_58 : memref<!tpu.dma_semaphore, #tpu.memory_space<semaphore_mem>>) src(%arg7 : memref<128x16xf32, #tpu.memory_space<vmem>>) dst(%dma_wait3A_68 : memref<50176x16xf32, #tpu.memory_space<vmem_shared>>)
        tpu.yield
      }) : () -> ()
      %run_scoped3A_22 = arith.constant 4 : i32
      "tpu.region"() ({
        %run_scoped3A_58 = tpu.sem_alloc : memref<!tpu.dma_semaphore, #tpu.memory_space<semaphore_mem>>
        %dma_start3A = arith.constant 0 : i32
        %dma_start3A_59 = tpu.memref_slice %arg6[%run_scoped3A_22, %dma_start3A] : memref<40x128xi32, #tpu.memory_space<vmem>> -> memref<1x128xi32, #tpu.memory_space<vmem>>
        %dma_start3A_60 = tpu.memref_squeeze %dma_start3A_59 : memref<1x128xi32, #tpu.memory_space<vmem>> -> memref<128xi32, #tpu.memory_space<vmem>>
        %dma_start3A_61 = arith.constant 0 : i32
        %dma_start3A_62 = arith.constant 0 : i32
        %dma_start3A_63 = tpu.memref_slice %arg8[%dma_start3A_61, %dma_start3A_62] : memref<50176x16xf32, #tpu.memory_space<vmem_shared>> -> memref<50176x16xf32, #tpu.memory_space<vmem_shared>>
        tpu.enqueue_indirect_dma source(%arg7 : memref<128x16xf32, #tpu.memory_space<vmem>>) target(%dma_start3A_63 : memref<50176x16xf32, #tpu.memory_space<vmem_shared>>) offsets(%dma_start3A_60 : memref<128xi32, #tpu.memory_space<vmem>>) semaphore(%run_scoped3A_58 : memref<!tpu.dma_semaphore, #tpu.memory_space<semaphore_mem>>) {add = true}
        %dma_wait3A = arith.constant 0 : i32
        %dma_wait3A_64 = tpu.memref_slice %arg6[%run_scoped3A_22, %dma_wait3A] : memref<40x128xi32, #tpu.memory_space<vmem>> -> memref<1x128xi32, #tpu.memory_space<vmem>>
        %dma_wait3A_65 = tpu.memref_squeeze %dma_wait3A_64 : memref<1x128xi32, #tpu.memory_space<vmem>> -> memref<128xi32, #tpu.memory_space<vmem>>
        %dma_wait3A_66 = arith.constant 0 : i32
        %dma_wait3A_67 = arith.constant 0 : i32
        %dma_wait3A_68 = tpu.memref_slice %arg8[%dma_wait3A_66, %dma_wait3A_67] : memref<50176x16xf32, #tpu.memory_space<vmem_shared>> -> memref<50176x16xf32, #tpu.memory_space<vmem_shared>>
        tpu.wait_indirect_dma semaphore(%run_scoped3A_58 : memref<!tpu.dma_semaphore, #tpu.memory_space<semaphore_mem>>) src(%arg7 : memref<128x16xf32, #tpu.memory_space<vmem>>) dst(%dma_wait3A_68 : memref<50176x16xf32, #tpu.memory_space<vmem_shared>>)
        tpu.yield
      }) : () -> ()
      %run_scoped3A_23 = arith.constant 5 : i32
      "tpu.region"() ({
        %run_scoped3A_58 = tpu.sem_alloc : memref<!tpu.dma_semaphore, #tpu.memory_space<semaphore_mem>>
        %dma_start3A = arith.constant 0 : i32
        %dma_start3A_59 = tpu.memref_slice %arg6[%run_scoped3A_23, %dma_start3A] : memref<40x128xi32, #tpu.memory_space<vmem>> -> memref<1x128xi32, #tpu.memory_space<vmem>>
        %dma_start3A_60 = tpu.memref_squeeze %dma_start3A_59 : memref<1x128xi32, #tpu.memory_space<vmem>> -> memref<128xi32, #tpu.memory_space<vmem>>
        %dma_start3A_61 = arith.constant 0 : i32
        %dma_start3A_62 = arith.constant 0 : i32
        %dma_start3A_63 = tpu.memref_slice %arg8[%dma_start3A_61, %dma_start3A_62] : memref<50176x16xf32, #tpu.memory_space<vmem_shared>> -> memref<50176x16xf32, #tpu.memory_space<vmem_shared>>
        tpu.enqueue_indirect_dma source(%arg7 : memref<128x16xf32, #tpu.memory_space<vmem>>) target(%dma_start3A_63 : memref<50176x16xf32, #tpu.memory_space<vmem_shared>>) offsets(%dma_start3A_60 : memref<128xi32, #tpu.memory_space<vmem>>) semaphore(%run_scoped3A_58 : memref<!tpu.dma_semaphore, #tpu.memory_space<semaphore_mem>>) {add = true}
        %dma_wait3A = arith.constant 0 : i32
        %dma_wait3A_64 = tpu.memref_slice %arg6[%run_scoped3A_23, %dma_wait3A] : memref<40x128xi32, #tpu.memory_space<vmem>> -> memref<1x128xi32, #tpu.memory_space<vmem>>
        %dma_wait3A_65 = tpu.memref_squeeze %dma_wait3A_64 : memref<1x128xi32, #tpu.memory_space<vmem>> -> memref<128xi32, #tpu.memory_space<vmem>>
        %dma_wait3A_66 = arith.constant 0 : i32
        %dma_wait3A_67 = arith.constant 0 : i32
        %dma_wait3A_68 = tpu.memref_slice %arg8[%dma_wait3A_66, %dma_wait3A_67] : memref<50176x16xf32, #tpu.memory_space<vmem_shared>> -> memref<50176x16xf32, #tpu.memory_space<vmem_shared>>
        tpu.wait_indirect_dma semaphore(%run_scoped3A_58 : memref<!tpu.dma_semaphore, #tpu.memory_space<semaphore_mem>>) src(%arg7 : memref<128x16xf32, #tpu.memory_space<vmem>>) dst(%dma_wait3A_68 : memref<50176x16xf32, #tpu.memory_space<vmem_shared>>)
        tpu.yield
      }) : () -> ()
      %run_scoped3A_24 = arith.constant 6 : i32
      "tpu.region"() ({
        %run_scoped3A_58 = tpu.sem_alloc : memref<!tpu.dma_semaphore, #tpu.memory_space<semaphore_mem>>
        %dma_start3A = arith.constant 0 : i32
        %dma_start3A_59 = tpu.memref_slice %arg6[%run_scoped3A_24, %dma_start3A] : memref<40x128xi32, #tpu.memory_space<vmem>> -> memref<1x128xi32, #tpu.memory_space<vmem>>
        %dma_start3A_60 = tpu.memref_squeeze %dma_start3A_59 : memref<1x128xi32, #tpu.memory_space<vmem>> -> memref<128xi32, #tpu.memory_space<vmem>>
        %dma_start3A_61 = arith.constant 0 : i32
        %dma_start3A_62 = arith.constant 0 : i32
        %dma_start3A_63 = tpu.memref_slice %arg8[%dma_start3A_61, %dma_start3A_62] : memref<50176x16xf32, #tpu.memory_space<vmem_shared>> -> memref<50176x16xf32, #tpu.memory_space<vmem_shared>>
        tpu.enqueue_indirect_dma source(%arg7 : memref<128x16xf32, #tpu.memory_space<vmem>>) target(%dma_start3A_63 : memref<50176x16xf32, #tpu.memory_space<vmem_shared>>) offsets(%dma_start3A_60 : memref<128xi32, #tpu.memory_space<vmem>>) semaphore(%run_scoped3A_58 : memref<!tpu.dma_semaphore, #tpu.memory_space<semaphore_mem>>) {add = true}
        %dma_wait3A = arith.constant 0 : i32
        %dma_wait3A_64 = tpu.memref_slice %arg6[%run_scoped3A_24, %dma_wait3A] : memref<40x128xi32, #tpu.memory_space<vmem>> -> memref<1x128xi32, #tpu.memory_space<vmem>>
        %dma_wait3A_65 = tpu.memref_squeeze %dma_wait3A_64 : memref<1x128xi32, #tpu.memory_space<vmem>> -> memref<128xi32, #tpu.memory_space<vmem>>
        %dma_wait3A_66 = arith.constant 0 : i32
        %dma_wait3A_67 = arith.constant 0 : i32
        %dma_wait3A_68 = tpu.memref_slice %arg8[%dma_wait3A_66, %dma_wait3A_67] : memref<50176x16xf32, #tpu.memory_space<vmem_shared>> -> memref<50176x16xf32, #tpu.memory_space<vmem_shared>>
        tpu.wait_indirect_dma semaphore(%run_scoped3A_58 : memref<!tpu.dma_semaphore, #tpu.memory_space<semaphore_mem>>) src(%arg7 : memref<128x16xf32, #tpu.memory_space<vmem>>) dst(%dma_wait3A_68 : memref<50176x16xf32, #tpu.memory_space<vmem_shared>>)
        tpu.yield
      }) : () -> ()
      %run_scoped3A_25 = arith.constant 7 : i32
      "tpu.region"() ({
        %run_scoped3A_58 = tpu.sem_alloc : memref<!tpu.dma_semaphore, #tpu.memory_space<semaphore_mem>>
        %dma_start3A = arith.constant 0 : i32
        %dma_start3A_59 = tpu.memref_slice %arg6[%run_scoped3A_25, %dma_start3A] : memref<40x128xi32, #tpu.memory_space<vmem>> -> memref<1x128xi32, #tpu.memory_space<vmem>>
        %dma_start3A_60 = tpu.memref_squeeze %dma_start3A_59 : memref<1x128xi32, #tpu.memory_space<vmem>> -> memref<128xi32, #tpu.memory_space<vmem>>
        %dma_start3A_61 = arith.constant 0 : i32
        %dma_start3A_62 = arith.constant 0 : i32
        %dma_start3A_63 = tpu.memref_slice %arg8[%dma_start3A_61, %dma_start3A_62] : memref<50176x16xf32, #tpu.memory_space<vmem_shared>> -> memref<50176x16xf32, #tpu.memory_space<vmem_shared>>
        tpu.enqueue_indirect_dma source(%arg7 : memref<128x16xf32, #tpu.memory_space<vmem>>) target(%dma_start3A_63 : memref<50176x16xf32, #tpu.memory_space<vmem_shared>>) offsets(%dma_start3A_60 : memref<128xi32, #tpu.memory_space<vmem>>) semaphore(%run_scoped3A_58 : memref<!tpu.dma_semaphore, #tpu.memory_space<semaphore_mem>>) {add = true}
        %dma_wait3A = arith.constant 0 : i32
        %dma_wait3A_64 = tpu.memref_slice %arg6[%run_scoped3A_25, %dma_wait3A] : memref<40x128xi32, #tpu.memory_space<vmem>> -> memref<1x128xi32, #tpu.memory_space<vmem>>
        %dma_wait3A_65 = tpu.memref_squeeze %dma_wait3A_64 : memref<1x128xi32, #tpu.memory_space<vmem>> -> memref<128xi32, #tpu.memory_space<vmem>>
        %dma_wait3A_66 = arith.constant 0 : i32
        %dma_wait3A_67 = arith.constant 0 : i32
        %dma_wait3A_68 = tpu.memref_slice %arg8[%dma_wait3A_66, %dma_wait3A_67] : memref<50176x16xf32, #tpu.memory_space<vmem_shared>> -> memref<50176x16xf32, #tpu.memory_space<vmem_shared>>
        tpu.wait_indirect_dma semaphore(%run_scoped3A_58 : memref<!tpu.dma_semaphore, #tpu.memory_space<semaphore_mem>>) src(%arg7 : memref<128x16xf32, #tpu.memory_space<vmem>>) dst(%dma_wait3A_68 : memref<50176x16xf32, #tpu.memory_space<vmem_shared>>)
        tpu.yield
      }) : () -> ()
      %run_scoped3A_26 = arith.constant 8 : i32
      "tpu.region"() ({
        %run_scoped3A_58 = tpu.sem_alloc : memref<!tpu.dma_semaphore, #tpu.memory_space<semaphore_mem>>
        %dma_start3A = arith.constant 0 : i32
        %dma_start3A_59 = tpu.memref_slice %arg6[%run_scoped3A_26, %dma_start3A] : memref<40x128xi32, #tpu.memory_space<vmem>> -> memref<1x128xi32, #tpu.memory_space<vmem>>
        %dma_start3A_60 = tpu.memref_squeeze %dma_start3A_59 : memref<1x128xi32, #tpu.memory_space<vmem>> -> memref<128xi32, #tpu.memory_space<vmem>>
        %dma_start3A_61 = arith.constant 0 : i32
        %dma_start3A_62 = arith.constant 0 : i32
        %dma_start3A_63 = tpu.memref_slice %arg8[%dma_start3A_61, %dma_start3A_62] : memref<50176x16xf32, #tpu.memory_space<vmem_shared>> -> memref<50176x16xf32, #tpu.memory_space<vmem_shared>>
        tpu.enqueue_indirect_dma source(%arg7 : memref<128x16xf32, #tpu.memory_space<vmem>>) target(%dma_start3A_63 : memref<50176x16xf32, #tpu.memory_space<vmem_shared>>) offsets(%dma_start3A_60 : memref<128xi32, #tpu.memory_space<vmem>>) semaphore(%run_scoped3A_58 : memref<!tpu.dma_semaphore, #tpu.memory_space<semaphore_mem>>) {add = true}
        %dma_wait3A = arith.constant 0 : i32
        %dma_wait3A_64 = tpu.memref_slice %arg6[%run_scoped3A_26, %dma_wait3A] : memref<40x128xi32, #tpu.memory_space<vmem>> -> memref<1x128xi32, #tpu.memory_space<vmem>>
        %dma_wait3A_65 = tpu.memref_squeeze %dma_wait3A_64 : memref<1x128xi32, #tpu.memory_space<vmem>> -> memref<128xi32, #tpu.memory_space<vmem>>
        %dma_wait3A_66 = arith.constant 0 : i32
        %dma_wait3A_67 = arith.constant 0 : i32
        %dma_wait3A_68 = tpu.memref_slice %arg8[%dma_wait3A_66, %dma_wait3A_67] : memref<50176x16xf32, #tpu.memory_space<vmem_shared>> -> memref<50176x16xf32, #tpu.memory_space<vmem_shared>>
        tpu.wait_indirect_dma semaphore(%run_scoped3A_58 : memref<!tpu.dma_semaphore, #tpu.memory_space<semaphore_mem>>) src(%arg7 : memref<128x16xf32, #tpu.memory_space<vmem>>) dst(%dma_wait3A_68 : memref<50176x16xf32, #tpu.memory_space<vmem_shared>>)
        tpu.yield
      }) : () -> ()
      %run_scoped3A_27 = arith.constant 9 : i32
      "tpu.region"() ({
        %run_scoped3A_58 = tpu.sem_alloc : memref<!tpu.dma_semaphore, #tpu.memory_space<semaphore_mem>>
        %dma_start3A = arith.constant 0 : i32
        %dma_start3A_59 = tpu.memref_slice %arg6[%run_scoped3A_27, %dma_start3A] : memref<40x128xi32, #tpu.memory_space<vmem>> -> memref<1x128xi32, #tpu.memory_space<vmem>>
        %dma_start3A_60 = tpu.memref_squeeze %dma_start3A_59 : memref<1x128xi32, #tpu.memory_space<vmem>> -> memref<128xi32, #tpu.memory_space<vmem>>
        %dma_start3A_61 = arith.constant 0 : i32
        %dma_start3A_62 = arith.constant 0 : i32
        %dma_start3A_63 = tpu.memref_slice %arg8[%dma_start3A_61, %dma_start3A_62] : memref<50176x16xf32, #tpu.memory_space<vmem_shared>> -> memref<50176x16xf32, #tpu.memory_space<vmem_shared>>
        tpu.enqueue_indirect_dma source(%arg7 : memref<128x16xf32, #tpu.memory_space<vmem>>) target(%dma_start3A_63 : memref<50176x16xf32, #tpu.memory_space<vmem_shared>>) offsets(%dma_start3A_60 : memref<128xi32, #tpu.memory_space<vmem>>) semaphore(%run_scoped3A_58 : memref<!tpu.dma_semaphore, #tpu.memory_space<semaphore_mem>>) {add = true}
        %dma_wait3A = arith.constant 0 : i32
        %dma_wait3A_64 = tpu.memref_slice %arg6[%run_scoped3A_27, %dma_wait3A] : memref<40x128xi32, #tpu.memory_space<vmem>> -> memref<1x128xi32, #tpu.memory_space<vmem>>
        %dma_wait3A_65 = tpu.memref_squeeze %dma_wait3A_64 : memref<1x128xi32, #tpu.memory_space<vmem>> -> memref<128xi32, #tpu.memory_space<vmem>>
        %dma_wait3A_66 = arith.constant 0 : i32
        %dma_wait3A_67 = arith.constant 0 : i32
        %dma_wait3A_68 = tpu.memref_slice %arg8[%dma_wait3A_66, %dma_wait3A_67] : memref<50176x16xf32, #tpu.memory_space<vmem_shared>> -> memref<50176x16xf32, #tpu.memory_space<vmem_shared>>
        tpu.wait_indirect_dma semaphore(%run_scoped3A_58 : memref<!tpu.dma_semaphore, #tpu.memory_space<semaphore_mem>>) src(%arg7 : memref<128x16xf32, #tpu.memory_space<vmem>>) dst(%dma_wait3A_68 : memref<50176x16xf32, #tpu.memory_space<vmem_shared>>)
        tpu.yield
      }) : () -> ()
      %run_scoped3A_28 = arith.constant 10 : i32
      "tpu.region"() ({
        %run_scoped3A_58 = tpu.sem_alloc : memref<!tpu.dma_semaphore, #tpu.memory_space<semaphore_mem>>
        %dma_start3A = arith.constant 0 : i32
        %dma_start3A_59 = tpu.memref_slice %arg6[%run_scoped3A_28, %dma_start3A] : memref<40x128xi32, #tpu.memory_space<vmem>> -> memref<1x128xi32, #tpu.memory_space<vmem>>
        %dma_start3A_60 = tpu.memref_squeeze %dma_start3A_59 : memref<1x128xi32, #tpu.memory_space<vmem>> -> memref<128xi32, #tpu.memory_space<vmem>>
        %dma_start3A_61 = arith.constant 0 : i32
        %dma_start3A_62 = arith.constant 0 : i32
        %dma_start3A_63 = tpu.memref_slice %arg8[%dma_start3A_61, %dma_start3A_62] : memref<50176x16xf32, #tpu.memory_space<vmem_shared>> -> memref<50176x16xf32, #tpu.memory_space<vmem_shared>>
        tpu.enqueue_indirect_dma source(%arg7 : memref<128x16xf32, #tpu.memory_space<vmem>>) target(%dma_start3A_63 : memref<50176x16xf32, #tpu.memory_space<vmem_shared>>) offsets(%dma_start3A_60 : memref<128xi32, #tpu.memory_space<vmem>>) semaphore(%run_scoped3A_58 : memref<!tpu.dma_semaphore, #tpu.memory_space<semaphore_mem>>) {add = true}
        %dma_wait3A = arith.constant 0 : i32
        %dma_wait3A_64 = tpu.memref_slice %arg6[%run_scoped3A_28, %dma_wait3A] : memref<40x128xi32, #tpu.memory_space<vmem>> -> memref<1x128xi32, #tpu.memory_space<vmem>>
        %dma_wait3A_65 = tpu.memref_squeeze %dma_wait3A_64 : memref<1x128xi32, #tpu.memory_space<vmem>> -> memref<128xi32, #tpu.memory_space<vmem>>
        %dma_wait3A_66 = arith.constant 0 : i32
        %dma_wait3A_67 = arith.constant 0 : i32
        %dma_wait3A_68 = tpu.memref_slice %arg8[%dma_wait3A_66, %dma_wait3A_67] : memref<50176x16xf32, #tpu.memory_space<vmem_shared>> -> memref<50176x16xf32, #tpu.memory_space<vmem_shared>>
        tpu.wait_indirect_dma semaphore(%run_scoped3A_58 : memref<!tpu.dma_semaphore, #tpu.memory_space<semaphore_mem>>) src(%arg7 : memref<128x16xf32, #tpu.memory_space<vmem>>) dst(%dma_wait3A_68 : memref<50176x16xf32, #tpu.memory_space<vmem_shared>>)
        tpu.yield
      }) : () -> ()
      %run_scoped3A_29 = arith.constant 11 : i32
      "tpu.region"() ({
        %run_scoped3A_58 = tpu.sem_alloc : memref<!tpu.dma_semaphore, #tpu.memory_space<semaphore_mem>>
        %dma_start3A = arith.constant 0 : i32
        %dma_start3A_59 = tpu.memref_slice %arg6[%run_scoped3A_29, %dma_start3A] : memref<40x128xi32, #tpu.memory_space<vmem>> -> memref<1x128xi32, #tpu.memory_space<vmem>>
        %dma_start3A_60 = tpu.memref_squeeze %dma_start3A_59 : memref<1x128xi32, #tpu.memory_space<vmem>> -> memref<128xi32, #tpu.memory_space<vmem>>
        %dma_start3A_61 = arith.constant 0 : i32
        %dma_start3A_62 = arith.constant 0 : i32
        %dma_start3A_63 = tpu.memref_slice %arg8[%dma_start3A_61, %dma_start3A_62] : memref<50176x16xf32, #tpu.memory_space<vmem_shared>> -> memref<50176x16xf32, #tpu.memory_space<vmem_shared>>
        tpu.enqueue_indirect_dma source(%arg7 : memref<128x16xf32, #tpu.memory_space<vmem>>) target(%dma_start3A_63 : memref<50176x16xf32, #tpu.memory_space<vmem_shared>>) offsets(%dma_start3A_60 : memref<128xi32, #tpu.memory_space<vmem>>) semaphore(%run_scoped3A_58 : memref<!tpu.dma_semaphore, #tpu.memory_space<semaphore_mem>>) {add = true}
        %dma_wait3A = arith.constant 0 : i32
        %dma_wait3A_64 = tpu.memref_slice %arg6[%run_scoped3A_29, %dma_wait3A] : memref<40x128xi32, #tpu.memory_space<vmem>> -> memref<1x128xi32, #tpu.memory_space<vmem>>
        %dma_wait3A_65 = tpu.memref_squeeze %dma_wait3A_64 : memref<1x128xi32, #tpu.memory_space<vmem>> -> memref<128xi32, #tpu.memory_space<vmem>>
        %dma_wait3A_66 = arith.constant 0 : i32
        %dma_wait3A_67 = arith.constant 0 : i32
        %dma_wait3A_68 = tpu.memref_slice %arg8[%dma_wait3A_66, %dma_wait3A_67] : memref<50176x16xf32, #tpu.memory_space<vmem_shared>> -> memref<50176x16xf32, #tpu.memory_space<vmem_shared>>
        tpu.wait_indirect_dma semaphore(%run_scoped3A_58 : memref<!tpu.dma_semaphore, #tpu.memory_space<semaphore_mem>>) src(%arg7 : memref<128x16xf32, #tpu.memory_space<vmem>>) dst(%dma_wait3A_68 : memref<50176x16xf32, #tpu.memory_space<vmem_shared>>)
        tpu.yield
      }) : () -> ()
      %run_scoped3A_30 = arith.constant 12 : i32
      "tpu.region"() ({
        %run_scoped3A_58 = tpu.sem_alloc : memref<!tpu.dma_semaphore, #tpu.memory_space<semaphore_mem>>
        %dma_start3A = arith.constant 0 : i32
        %dma_start3A_59 = tpu.memref_slice %arg6[%run_scoped3A_30, %dma_start3A] : memref<40x128xi32, #tpu.memory_space<vmem>> -> memref<1x128xi32, #tpu.memory_space<vmem>>
        %dma_start3A_60 = tpu.memref_squeeze %dma_start3A_59 : memref<1x128xi32, #tpu.memory_space<vmem>> -> memref<128xi32, #tpu.memory_space<vmem>>
        %dma_start3A_61 = arith.constant 0 : i32
        %dma_start3A_62 = arith.constant 0 : i32
        %dma_start3A_63 = tpu.memref_slice %arg8[%dma_start3A_61, %dma_start3A_62] : memref<50176x16xf32, #tpu.memory_space<vmem_shared>> -> memref<50176x16xf32, #tpu.memory_space<vmem_shared>>
        tpu.enqueue_indirect_dma source(%arg7 : memref<128x16xf32, #tpu.memory_space<vmem>>) target(%dma_start3A_63 : memref<50176x16xf32, #tpu.memory_space<vmem_shared>>) offsets(%dma_start3A_60 : memref<128xi32, #tpu.memory_space<vmem>>) semaphore(%run_scoped3A_58 : memref<!tpu.dma_semaphore, #tpu.memory_space<semaphore_mem>>) {add = true}
        %dma_wait3A = arith.constant 0 : i32
        %dma_wait3A_64 = tpu.memref_slice %arg6[%run_scoped3A_30, %dma_wait3A] : memref<40x128xi32, #tpu.memory_space<vmem>> -> memref<1x128xi32, #tpu.memory_space<vmem>>
        %dma_wait3A_65 = tpu.memref_squeeze %dma_wait3A_64 : memref<1x128xi32, #tpu.memory_space<vmem>> -> memref<128xi32, #tpu.memory_space<vmem>>
        %dma_wait3A_66 = arith.constant 0 : i32
        %dma_wait3A_67 = arith.constant 0 : i32
        %dma_wait3A_68 = tpu.memref_slice %arg8[%dma_wait3A_66, %dma_wait3A_67] : memref<50176x16xf32, #tpu.memory_space<vmem_shared>> -> memref<50176x16xf32, #tpu.memory_space<vmem_shared>>
        tpu.wait_indirect_dma semaphore(%run_scoped3A_58 : memref<!tpu.dma_semaphore, #tpu.memory_space<semaphore_mem>>) src(%arg7 : memref<128x16xf32, #tpu.memory_space<vmem>>) dst(%dma_wait3A_68 : memref<50176x16xf32, #tpu.memory_space<vmem_shared>>)
        tpu.yield
      }) : () -> ()
      %run_scoped3A_31 = arith.constant 13 : i32
      "tpu.region"() ({
        %run_scoped3A_58 = tpu.sem_alloc : memref<!tpu.dma_semaphore, #tpu.memory_space<semaphore_mem>>
        %dma_start3A = arith.constant 0 : i32
        %dma_start3A_59 = tpu.memref_slice %arg6[%run_scoped3A_31, %dma_start3A] : memref<40x128xi32, #tpu.memory_space<vmem>> -> memref<1x128xi32, #tpu.memory_space<vmem>>
        %dma_start3A_60 = tpu.memref_squeeze %dma_start3A_59 : memref<1x128xi32, #tpu.memory_space<vmem>> -> memref<128xi32, #tpu.memory_space<vmem>>
        %dma_start3A_61 = arith.constant 0 : i32
        %dma_start3A_62 = arith.constant 0 : i32
        %dma_start3A_63 = tpu.memref_slice %arg8[%dma_start3A_61, %dma_start3A_62] : memref<50176x16xf32, #tpu.memory_space<vmem_shared>> -> memref<50176x16xf32, #tpu.memory_space<vmem_shared>>
        tpu.enqueue_indirect_dma source(%arg7 : memref<128x16xf32, #tpu.memory_space<vmem>>) target(%dma_start3A_63 : memref<50176x16xf32, #tpu.memory_space<vmem_shared>>) offsets(%dma_start3A_60 : memref<128xi32, #tpu.memory_space<vmem>>) semaphore(%run_scoped3A_58 : memref<!tpu.dma_semaphore, #tpu.memory_space<semaphore_mem>>) {add = true}
        %dma_wait3A = arith.constant 0 : i32
        %dma_wait3A_64 = tpu.memref_slice %arg6[%run_scoped3A_31, %dma_wait3A] : memref<40x128xi32, #tpu.memory_space<vmem>> -> memref<1x128xi32, #tpu.memory_space<vmem>>
        %dma_wait3A_65 = tpu.memref_squeeze %dma_wait3A_64 : memref<1x128xi32, #tpu.memory_space<vmem>> -> memref<128xi32, #tpu.memory_space<vmem>>
        %dma_wait3A_66 = arith.constant 0 : i32
        %dma_wait3A_67 = arith.constant 0 : i32
        %dma_wait3A_68 = tpu.memref_slice %arg8[%dma_wait3A_66, %dma_wait3A_67] : memref<50176x16xf32, #tpu.memory_space<vmem_shared>> -> memref<50176x16xf32, #tpu.memory_space<vmem_shared>>
        tpu.wait_indirect_dma semaphore(%run_scoped3A_58 : memref<!tpu.dma_semaphore, #tpu.memory_space<semaphore_mem>>) src(%arg7 : memref<128x16xf32, #tpu.memory_space<vmem>>) dst(%dma_wait3A_68 : memref<50176x16xf32, #tpu.memory_space<vmem_shared>>)
        tpu.yield
      }) : () -> ()
      %run_scoped3A_32 = arith.constant 14 : i32
      "tpu.region"() ({
        %run_scoped3A_58 = tpu.sem_alloc : memref<!tpu.dma_semaphore, #tpu.memory_space<semaphore_mem>>
        %dma_start3A = arith.constant 0 : i32
        %dma_start3A_59 = tpu.memref_slice %arg6[%run_scoped3A_32, %dma_start3A] : memref<40x128xi32, #tpu.memory_space<vmem>> -> memref<1x128xi32, #tpu.memory_space<vmem>>
        %dma_start3A_60 = tpu.memref_squeeze %dma_start3A_59 : memref<1x128xi32, #tpu.memory_space<vmem>> -> memref<128xi32, #tpu.memory_space<vmem>>
        %dma_start3A_61 = arith.constant 0 : i32
        %dma_start3A_62 = arith.constant 0 : i32
        %dma_start3A_63 = tpu.memref_slice %arg8[%dma_start3A_61, %dma_start3A_62] : memref<50176x16xf32, #tpu.memory_space<vmem_shared>> -> memref<50176x16xf32, #tpu.memory_space<vmem_shared>>
        tpu.enqueue_indirect_dma source(%arg7 : memref<128x16xf32, #tpu.memory_space<vmem>>) target(%dma_start3A_63 : memref<50176x16xf32, #tpu.memory_space<vmem_shared>>) offsets(%dma_start3A_60 : memref<128xi32, #tpu.memory_space<vmem>>) semaphore(%run_scoped3A_58 : memref<!tpu.dma_semaphore, #tpu.memory_space<semaphore_mem>>) {add = true}
        %dma_wait3A = arith.constant 0 : i32
        %dma_wait3A_64 = tpu.memref_slice %arg6[%run_scoped3A_32, %dma_wait3A] : memref<40x128xi32, #tpu.memory_space<vmem>> -> memref<1x128xi32, #tpu.memory_space<vmem>>
        %dma_wait3A_65 = tpu.memref_squeeze %dma_wait3A_64 : memref<1x128xi32, #tpu.memory_space<vmem>> -> memref<128xi32, #tpu.memory_space<vmem>>
        %dma_wait3A_66 = arith.constant 0 : i32
        %dma_wait3A_67 = arith.constant 0 : i32
        %dma_wait3A_68 = tpu.memref_slice %arg8[%dma_wait3A_66, %dma_wait3A_67] : memref<50176x16xf32, #tpu.memory_space<vmem_shared>> -> memref<50176x16xf32, #tpu.memory_space<vmem_shared>>
        tpu.wait_indirect_dma semaphore(%run_scoped3A_58 : memref<!tpu.dma_semaphore, #tpu.memory_space<semaphore_mem>>) src(%arg7 : memref<128x16xf32, #tpu.memory_space<vmem>>) dst(%dma_wait3A_68 : memref<50176x16xf32, #tpu.memory_space<vmem_shared>>)
        tpu.yield
      }) : () -> ()
      %run_scoped3A_33 = arith.constant 15 : i32
      "tpu.region"() ({
        %run_scoped3A_58 = tpu.sem_alloc : memref<!tpu.dma_semaphore, #tpu.memory_space<semaphore_mem>>
        %dma_start3A = arith.constant 0 : i32
        %dma_start3A_59 = tpu.memref_slice %arg6[%run_scoped3A_33, %dma_start3A] : memref<40x128xi32, #tpu.memory_space<vmem>> -> memref<1x128xi32, #tpu.memory_space<vmem>>
        %dma_start3A_60 = tpu.memref_squeeze %dma_start3A_59 : memref<1x128xi32, #tpu.memory_space<vmem>> -> memref<128xi32, #tpu.memory_space<vmem>>
        %dma_start3A_61 = arith.constant 0 : i32
        %dma_start3A_62 = arith.constant 0 : i32
        %dma_start3A_63 = tpu.memref_slice %arg8[%dma_start3A_61, %dma_start3A_62] : memref<50176x16xf32, #tpu.memory_space<vmem_shared>> -> memref<50176x16xf32, #tpu.memory_space<vmem_shared>>
        tpu.enqueue_indirect_dma source(%arg7 : memref<128x16xf32, #tpu.memory_space<vmem>>) target(%dma_start3A_63 : memref<50176x16xf32, #tpu.memory_space<vmem_shared>>) offsets(%dma_start3A_60 : memref<128xi32, #tpu.memory_space<vmem>>) semaphore(%run_scoped3A_58 : memref<!tpu.dma_semaphore, #tpu.memory_space<semaphore_mem>>) {add = true}
        %dma_wait3A = arith.constant 0 : i32
        %dma_wait3A_64 = tpu.memref_slice %arg6[%run_scoped3A_33, %dma_wait3A] : memref<40x128xi32, #tpu.memory_space<vmem>> -> memref<1x128xi32, #tpu.memory_space<vmem>>
        %dma_wait3A_65 = tpu.memref_squeeze %dma_wait3A_64 : memref<1x128xi32, #tpu.memory_space<vmem>> -> memref<128xi32, #tpu.memory_space<vmem>>
        %dma_wait3A_66 = arith.constant 0 : i32
        %dma_wait3A_67 = arith.constant 0 : i32
        %dma_wait3A_68 = tpu.memref_slice %arg8[%dma_wait3A_66, %dma_wait3A_67] : memref<50176x16xf32, #tpu.memory_space<vmem_shared>> -> memref<50176x16xf32, #tpu.memory_space<vmem_shared>>
        tpu.wait_indirect_dma semaphore(%run_scoped3A_58 : memref<!tpu.dma_semaphore, #tpu.memory_space<semaphore_mem>>) src(%arg7 : memref<128x16xf32, #tpu.memory_space<vmem>>) dst(%dma_wait3A_68 : memref<50176x16xf32, #tpu.memory_space<vmem_shared>>)
        tpu.yield
      }) : () -> ()
      %run_scoped3A_34 = arith.constant 16 : i32
      "tpu.region"() ({
        %run_scoped3A_58 = tpu.sem_alloc : memref<!tpu.dma_semaphore, #tpu.memory_space<semaphore_mem>>
        %dma_start3A = arith.constant 0 : i32
        %dma_start3A_59 = tpu.memref_slice %arg6[%run_scoped3A_34, %dma_start3A] : memref<40x128xi32, #tpu.memory_space<vmem>> -> memref<1x128xi32, #tpu.memory_space<vmem>>
        %dma_start3A_60 = tpu.memref_squeeze %dma_start3A_59 : memref<1x128xi32, #tpu.memory_space<vmem>> -> memref<128xi32, #tpu.memory_space<vmem>>
        %dma_start3A_61 = arith.constant 0 : i32
        %dma_start3A_62 = arith.constant 0 : i32
        %dma_start3A_63 = tpu.memref_slice %arg8[%dma_start3A_61, %dma_start3A_62] : memref<50176x16xf32, #tpu.memory_space<vmem_shared>> -> memref<50176x16xf32, #tpu.memory_space<vmem_shared>>
        tpu.enqueue_indirect_dma source(%arg7 : memref<128x16xf32, #tpu.memory_space<vmem>>) target(%dma_start3A_63 : memref<50176x16xf32, #tpu.memory_space<vmem_shared>>) offsets(%dma_start3A_60 : memref<128xi32, #tpu.memory_space<vmem>>) semaphore(%run_scoped3A_58 : memref<!tpu.dma_semaphore, #tpu.memory_space<semaphore_mem>>) {add = true}
        %dma_wait3A = arith.constant 0 : i32
        %dma_wait3A_64 = tpu.memref_slice %arg6[%run_scoped3A_34, %dma_wait3A] : memref<40x128xi32, #tpu.memory_space<vmem>> -> memref<1x128xi32, #tpu.memory_space<vmem>>
        %dma_wait3A_65 = tpu.memref_squeeze %dma_wait3A_64 : memref<1x128xi32, #tpu.memory_space<vmem>> -> memref<128xi32, #tpu.memory_space<vmem>>
        %dma_wait3A_66 = arith.constant 0 : i32
        %dma_wait3A_67 = arith.constant 0 : i32
        %dma_wait3A_68 = tpu.memref_slice %arg8[%dma_wait3A_66, %dma_wait3A_67] : memref<50176x16xf32, #tpu.memory_space<vmem_shared>> -> memref<50176x16xf32, #tpu.memory_space<vmem_shared>>
        tpu.wait_indirect_dma semaphore(%run_scoped3A_58 : memref<!tpu.dma_semaphore, #tpu.memory_space<semaphore_mem>>) src(%arg7 : memref<128x16xf32, #tpu.memory_space<vmem>>) dst(%dma_wait3A_68 : memref<50176x16xf32, #tpu.memory_space<vmem_shared>>)
        tpu.yield
      }) : () -> ()
      %run_scoped3A_35 = arith.constant 17 : i32
      "tpu.region"() ({
        %run_scoped3A_58 = tpu.sem_alloc : memref<!tpu.dma_semaphore, #tpu.memory_space<semaphore_mem>>
        %dma_start3A = arith.constant 0 : i32
        %dma_start3A_59 = tpu.memref_slice %arg6[%run_scoped3A_35, %dma_start3A] : memref<40x128xi32, #tpu.memory_space<vmem>> -> memref<1x128xi32, #tpu.memory_space<vmem>>
        %dma_start3A_60 = tpu.memref_squeeze %dma_start3A_59 : memref<1x128xi32, #tpu.memory_space<vmem>> -> memref<128xi32, #tpu.memory_space<vmem>>
        %dma_start3A_61 = arith.constant 0 : i32
        %dma_start3A_62 = arith.constant 0 : i32
        %dma_start3A_63 = tpu.memref_slice %arg8[%dma_start3A_61, %dma_start3A_62] : memref<50176x16xf32, #tpu.memory_space<vmem_shared>> -> memref<50176x16xf32, #tpu.memory_space<vmem_shared>>
        tpu.enqueue_indirect_dma source(%arg7 : memref<128x16xf32, #tpu.memory_space<vmem>>) target(%dma_start3A_63 : memref<50176x16xf32, #tpu.memory_space<vmem_shared>>) offsets(%dma_start3A_60 : memref<128xi32, #tpu.memory_space<vmem>>) semaphore(%run_scoped3A_58 : memref<!tpu.dma_semaphore, #tpu.memory_space<semaphore_mem>>) {add = true}
        %dma_wait3A = arith.constant 0 : i32
        %dma_wait3A_64 = tpu.memref_slice %arg6[%run_scoped3A_35, %dma_wait3A] : memref<40x128xi32, #tpu.memory_space<vmem>> -> memref<1x128xi32, #tpu.memory_space<vmem>>
        %dma_wait3A_65 = tpu.memref_squeeze %dma_wait3A_64 : memref<1x128xi32, #tpu.memory_space<vmem>> -> memref<128xi32, #tpu.memory_space<vmem>>
        %dma_wait3A_66 = arith.constant 0 : i32
        %dma_wait3A_67 = arith.constant 0 : i32
        %dma_wait3A_68 = tpu.memref_slice %arg8[%dma_wait3A_66, %dma_wait3A_67] : memref<50176x16xf32, #tpu.memory_space<vmem_shared>> -> memref<50176x16xf32, #tpu.memory_space<vmem_shared>>
        tpu.wait_indirect_dma semaphore(%run_scoped3A_58 : memref<!tpu.dma_semaphore, #tpu.memory_space<semaphore_mem>>) src(%arg7 : memref<128x16xf32, #tpu.memory_space<vmem>>) dst(%dma_wait3A_68 : memref<50176x16xf32, #tpu.memory_space<vmem_shared>>)
        tpu.yield
      }) : () -> ()
      %run_scoped3A_36 = arith.constant 18 : i32
      "tpu.region"() ({
        %run_scoped3A_58 = tpu.sem_alloc : memref<!tpu.dma_semaphore, #tpu.memory_space<semaphore_mem>>
        %dma_start3A = arith.constant 0 : i32
        %dma_start3A_59 = tpu.memref_slice %arg6[%run_scoped3A_36, %dma_start3A] : memref<40x128xi32, #tpu.memory_space<vmem>> -> memref<1x128xi32, #tpu.memory_space<vmem>>
        %dma_start3A_60 = tpu.memref_squeeze %dma_start3A_59 : memref<1x128xi32, #tpu.memory_space<vmem>> -> memref<128xi32, #tpu.memory_space<vmem>>
        %dma_start3A_61 = arith.constant 0 : i32
        %dma_start3A_62 = arith.constant 0 : i32
        %dma_start3A_63 = tpu.memref_slice %arg8[%dma_start3A_61, %dma_start3A_62] : memref<50176x16xf32, #tpu.memory_space<vmem_shared>> -> memref<50176x16xf32, #tpu.memory_space<vmem_shared>>
        tpu.enqueue_indirect_dma source(%arg7 : memref<128x16xf32, #tpu.memory_space<vmem>>) target(%dma_start3A_63 : memref<50176x16xf32, #tpu.memory_space<vmem_shared>>) offsets(%dma_start3A_60 : memref<128xi32, #tpu.memory_space<vmem>>) semaphore(%run_scoped3A_58 : memref<!tpu.dma_semaphore, #tpu.memory_space<semaphore_mem>>) {add = true}
        %dma_wait3A = arith.constant 0 : i32
        %dma_wait3A_64 = tpu.memref_slice %arg6[%run_scoped3A_36, %dma_wait3A] : memref<40x128xi32, #tpu.memory_space<vmem>> -> memref<1x128xi32, #tpu.memory_space<vmem>>
        %dma_wait3A_65 = tpu.memref_squeeze %dma_wait3A_64 : memref<1x128xi32, #tpu.memory_space<vmem>> -> memref<128xi32, #tpu.memory_space<vmem>>
        %dma_wait3A_66 = arith.constant 0 : i32
        %dma_wait3A_67 = arith.constant 0 : i32
        %dma_wait3A_68 = tpu.memref_slice %arg8[%dma_wait3A_66, %dma_wait3A_67] : memref<50176x16xf32, #tpu.memory_space<vmem_shared>> -> memref<50176x16xf32, #tpu.memory_space<vmem_shared>>
        tpu.wait_indirect_dma semaphore(%run_scoped3A_58 : memref<!tpu.dma_semaphore, #tpu.memory_space<semaphore_mem>>) src(%arg7 : memref<128x16xf32, #tpu.memory_space<vmem>>) dst(%dma_wait3A_68 : memref<50176x16xf32, #tpu.memory_space<vmem_shared>>)
        tpu.yield
      }) : () -> ()
      %run_scoped3A_37 = arith.constant 19 : i32
      "tpu.region"() ({
        %run_scoped3A_58 = tpu.sem_alloc : memref<!tpu.dma_semaphore, #tpu.memory_space<semaphore_mem>>
        %dma_start3A = arith.constant 0 : i32
        %dma_start3A_59 = tpu.memref_slice %arg6[%run_scoped3A_37, %dma_start3A] : memref<40x128xi32, #tpu.memory_space<vmem>> -> memref<1x128xi32, #tpu.memory_space<vmem>>
        %dma_start3A_60 = tpu.memref_squeeze %dma_start3A_59 : memref<1x128xi32, #tpu.memory_space<vmem>> -> memref<128xi32, #tpu.memory_space<vmem>>
        %dma_start3A_61 = arith.constant 0 : i32
        %dma_start3A_62 = arith.constant 0 : i32
        %dma_start3A_63 = tpu.memref_slice %arg8[%dma_start3A_61, %dma_start3A_62] : memref<50176x16xf32, #tpu.memory_space<vmem_shared>> -> memref<50176x16xf32, #tpu.memory_space<vmem_shared>>
        tpu.enqueue_indirect_dma source(%arg7 : memref<128x16xf32, #tpu.memory_space<vmem>>) target(%dma_start3A_63 : memref<50176x16xf32, #tpu.memory_space<vmem_shared>>) offsets(%dma_start3A_60 : memref<128xi32, #tpu.memory_space<vmem>>) semaphore(%run_scoped3A_58 : memref<!tpu.dma_semaphore, #tpu.memory_space<semaphore_mem>>) {add = true}
        %dma_wait3A = arith.constant 0 : i32
        %dma_wait3A_64 = tpu.memref_slice %arg6[%run_scoped3A_37, %dma_wait3A] : memref<40x128xi32, #tpu.memory_space<vmem>> -> memref<1x128xi32, #tpu.memory_space<vmem>>
        %dma_wait3A_65 = tpu.memref_squeeze %dma_wait3A_64 : memref<1x128xi32, #tpu.memory_space<vmem>> -> memref<128xi32, #tpu.memory_space<vmem>>
        %dma_wait3A_66 = arith.constant 0 : i32
        %dma_wait3A_67 = arith.constant 0 : i32
        %dma_wait3A_68 = tpu.memref_slice %arg8[%dma_wait3A_66, %dma_wait3A_67] : memref<50176x16xf32, #tpu.memory_space<vmem_shared>> -> memref<50176x16xf32, #tpu.memory_space<vmem_shared>>
        tpu.wait_indirect_dma semaphore(%run_scoped3A_58 : memref<!tpu.dma_semaphore, #tpu.memory_space<semaphore_mem>>) src(%arg7 : memref<128x16xf32, #tpu.memory_space<vmem>>) dst(%dma_wait3A_68 : memref<50176x16xf32, #tpu.memory_space<vmem_shared>>)
        tpu.yield
      }) : () -> ()
      %run_scoped3A_38 = arith.constant 20 : i32
      "tpu.region"() ({
        %run_scoped3A_58 = tpu.sem_alloc : memref<!tpu.dma_semaphore, #tpu.memory_space<semaphore_mem>>
        %dma_start3A = arith.constant 0 : i32
        %dma_start3A_59 = tpu.memref_slice %arg6[%run_scoped3A_38, %dma_start3A] : memref<40x128xi32, #tpu.memory_space<vmem>> -> memref<1x128xi32, #tpu.memory_space<vmem>>
        %dma_start3A_60 = tpu.memref_squeeze %dma_start3A_59 : memref<1x128xi32, #tpu.memory_space<vmem>> -> memref<128xi32, #tpu.memory_space<vmem>>
        %dma_start3A_61 = arith.constant 0 : i32
        %dma_start3A_62 = arith.constant 0 : i32
        %dma_start3A_63 = tpu.memref_slice %arg8[%dma_start3A_61, %dma_start3A_62] : memref<50176x16xf32, #tpu.memory_space<vmem_shared>> -> memref<50176x16xf32, #tpu.memory_space<vmem_shared>>
        tpu.enqueue_indirect_dma source(%arg7 : memref<128x16xf32, #tpu.memory_space<vmem>>) target(%dma_start3A_63 : memref<50176x16xf32, #tpu.memory_space<vmem_shared>>) offsets(%dma_start3A_60 : memref<128xi32, #tpu.memory_space<vmem>>) semaphore(%run_scoped3A_58 : memref<!tpu.dma_semaphore, #tpu.memory_space<semaphore_mem>>) {add = true}
        %dma_wait3A = arith.constant 0 : i32
        %dma_wait3A_64 = tpu.memref_slice %arg6[%run_scoped3A_38, %dma_wait3A] : memref<40x128xi32, #tpu.memory_space<vmem>> -> memref<1x128xi32, #tpu.memory_space<vmem>>
        %dma_wait3A_65 = tpu.memref_squeeze %dma_wait3A_64 : memref<1x128xi32, #tpu.memory_space<vmem>> -> memref<128xi32, #tpu.memory_space<vmem>>
        %dma_wait3A_66 = arith.constant 0 : i32
        %dma_wait3A_67 = arith.constant 0 : i32
        %dma_wait3A_68 = tpu.memref_slice %arg8[%dma_wait3A_66, %dma_wait3A_67] : memref<50176x16xf32, #tpu.memory_space<vmem_shared>> -> memref<50176x16xf32, #tpu.memory_space<vmem_shared>>
        tpu.wait_indirect_dma semaphore(%run_scoped3A_58 : memref<!tpu.dma_semaphore, #tpu.memory_space<semaphore_mem>>) src(%arg7 : memref<128x16xf32, #tpu.memory_space<vmem>>) dst(%dma_wait3A_68 : memref<50176x16xf32, #tpu.memory_space<vmem_shared>>)
        tpu.yield
      }) : () -> ()
      %run_scoped3A_39 = arith.constant 21 : i32
      "tpu.region"() ({
        %run_scoped3A_58 = tpu.sem_alloc : memref<!tpu.dma_semaphore, #tpu.memory_space<semaphore_mem>>
        %dma_start3A = arith.constant 0 : i32
        %dma_start3A_59 = tpu.memref_slice %arg6[%run_scoped3A_39, %dma_start3A] : memref<40x128xi32, #tpu.memory_space<vmem>> -> memref<1x128xi32, #tpu.memory_space<vmem>>
        %dma_start3A_60 = tpu.memref_squeeze %dma_start3A_59 : memref<1x128xi32, #tpu.memory_space<vmem>> -> memref<128xi32, #tpu.memory_space<vmem>>
        %dma_start3A_61 = arith.constant 0 : i32
        %dma_start3A_62 = arith.constant 0 : i32
        %dma_start3A_63 = tpu.memref_slice %arg8[%dma_start3A_61, %dma_start3A_62] : memref<50176x16xf32, #tpu.memory_space<vmem_shared>> -> memref<50176x16xf32, #tpu.memory_space<vmem_shared>>
        tpu.enqueue_indirect_dma source(%arg7 : memref<128x16xf32, #tpu.memory_space<vmem>>) target(%dma_start3A_63 : memref<50176x16xf32, #tpu.memory_space<vmem_shared>>) offsets(%dma_start3A_60 : memref<128xi32, #tpu.memory_space<vmem>>) semaphore(%run_scoped3A_58 : memref<!tpu.dma_semaphore, #tpu.memory_space<semaphore_mem>>) {add = true}
        %dma_wait3A = arith.constant 0 : i32
        %dma_wait3A_64 = tpu.memref_slice %arg6[%run_scoped3A_39, %dma_wait3A] : memref<40x128xi32, #tpu.memory_space<vmem>> -> memref<1x128xi32, #tpu.memory_space<vmem>>
        %dma_wait3A_65 = tpu.memref_squeeze %dma_wait3A_64 : memref<1x128xi32, #tpu.memory_space<vmem>> -> memref<128xi32, #tpu.memory_space<vmem>>
        %dma_wait3A_66 = arith.constant 0 : i32
        %dma_wait3A_67 = arith.constant 0 : i32
        %dma_wait3A_68 = tpu.memref_slice %arg8[%dma_wait3A_66, %dma_wait3A_67] : memref<50176x16xf32, #tpu.memory_space<vmem_shared>> -> memref<50176x16xf32, #tpu.memory_space<vmem_shared>>
        tpu.wait_indirect_dma semaphore(%run_scoped3A_58 : memref<!tpu.dma_semaphore, #tpu.memory_space<semaphore_mem>>) src(%arg7 : memref<128x16xf32, #tpu.memory_space<vmem>>) dst(%dma_wait3A_68 : memref<50176x16xf32, #tpu.memory_space<vmem_shared>>)
        tpu.yield
      }) : () -> ()
      %run_scoped3A_40 = arith.constant 22 : i32
      "tpu.region"() ({
        %run_scoped3A_58 = tpu.sem_alloc : memref<!tpu.dma_semaphore, #tpu.memory_space<semaphore_mem>>
        %dma_start3A = arith.constant 0 : i32
        %dma_start3A_59 = tpu.memref_slice %arg6[%run_scoped3A_40, %dma_start3A] : memref<40x128xi32, #tpu.memory_space<vmem>> -> memref<1x128xi32, #tpu.memory_space<vmem>>
        %dma_start3A_60 = tpu.memref_squeeze %dma_start3A_59 : memref<1x128xi32, #tpu.memory_space<vmem>> -> memref<128xi32, #tpu.memory_space<vmem>>
        %dma_start3A_61 = arith.constant 0 : i32
        %dma_start3A_62 = arith.constant 0 : i32
        %dma_start3A_63 = tpu.memref_slice %arg8[%dma_start3A_61, %dma_start3A_62] : memref<50176x16xf32, #tpu.memory_space<vmem_shared>> -> memref<50176x16xf32, #tpu.memory_space<vmem_shared>>
        tpu.enqueue_indirect_dma source(%arg7 : memref<128x16xf32, #tpu.memory_space<vmem>>) target(%dma_start3A_63 : memref<50176x16xf32, #tpu.memory_space<vmem_shared>>) offsets(%dma_start3A_60 : memref<128xi32, #tpu.memory_space<vmem>>) semaphore(%run_scoped3A_58 : memref<!tpu.dma_semaphore, #tpu.memory_space<semaphore_mem>>) {add = true}
        %dma_wait3A = arith.constant 0 : i32
        %dma_wait3A_64 = tpu.memref_slice %arg6[%run_scoped3A_40, %dma_wait3A] : memref<40x128xi32, #tpu.memory_space<vmem>> -> memref<1x128xi32, #tpu.memory_space<vmem>>
        %dma_wait3A_65 = tpu.memref_squeeze %dma_wait3A_64 : memref<1x128xi32, #tpu.memory_space<vmem>> -> memref<128xi32, #tpu.memory_space<vmem>>
        %dma_wait3A_66 = arith.constant 0 : i32
        %dma_wait3A_67 = arith.constant 0 : i32
        %dma_wait3A_68 = tpu.memref_slice %arg8[%dma_wait3A_66, %dma_wait3A_67] : memref<50176x16xf32, #tpu.memory_space<vmem_shared>> -> memref<50176x16xf32, #tpu.memory_space<vmem_shared>>
        tpu.wait_indirect_dma semaphore(%run_scoped3A_58 : memref<!tpu.dma_semaphore, #tpu.memory_space<semaphore_mem>>) src(%arg7 : memref<128x16xf32, #tpu.memory_space<vmem>>) dst(%dma_wait3A_68 : memref<50176x16xf32, #tpu.memory_space<vmem_shared>>)
        tpu.yield
      }) : () -> ()
      %run_scoped3A_41 = arith.constant 23 : i32
      "tpu.region"() ({
        %run_scoped3A_58 = tpu.sem_alloc : memref<!tpu.dma_semaphore, #tpu.memory_space<semaphore_mem>>
        %dma_start3A = arith.constant 0 : i32
        %dma_start3A_59 = tpu.memref_slice %arg6[%run_scoped3A_41, %dma_start3A] : memref<40x128xi32, #tpu.memory_space<vmem>> -> memref<1x128xi32, #tpu.memory_space<vmem>>
        %dma_start3A_60 = tpu.memref_squeeze %dma_start3A_59 : memref<1x128xi32, #tpu.memory_space<vmem>> -> memref<128xi32, #tpu.memory_space<vmem>>
        %dma_start3A_61 = arith.constant 0 : i32
        %dma_start3A_62 = arith.constant 0 : i32
        %dma_start3A_63 = tpu.memref_slice %arg8[%dma_start3A_61, %dma_start3A_62] : memref<50176x16xf32, #tpu.memory_space<vmem_shared>> -> memref<50176x16xf32, #tpu.memory_space<vmem_shared>>
        tpu.enqueue_indirect_dma source(%arg7 : memref<128x16xf32, #tpu.memory_space<vmem>>) target(%dma_start3A_63 : memref<50176x16xf32, #tpu.memory_space<vmem_shared>>) offsets(%dma_start3A_60 : memref<128xi32, #tpu.memory_space<vmem>>) semaphore(%run_scoped3A_58 : memref<!tpu.dma_semaphore, #tpu.memory_space<semaphore_mem>>) {add = true}
        %dma_wait3A = arith.constant 0 : i32
        %dma_wait3A_64 = tpu.memref_slice %arg6[%run_scoped3A_41, %dma_wait3A] : memref<40x128xi32, #tpu.memory_space<vmem>> -> memref<1x128xi32, #tpu.memory_space<vmem>>
        %dma_wait3A_65 = tpu.memref_squeeze %dma_wait3A_64 : memref<1x128xi32, #tpu.memory_space<vmem>> -> memref<128xi32, #tpu.memory_space<vmem>>
        %dma_wait3A_66 = arith.constant 0 : i32
        %dma_wait3A_67 = arith.constant 0 : i32
        %dma_wait3A_68 = tpu.memref_slice %arg8[%dma_wait3A_66, %dma_wait3A_67] : memref<50176x16xf32, #tpu.memory_space<vmem_shared>> -> memref<50176x16xf32, #tpu.memory_space<vmem_shared>>
        tpu.wait_indirect_dma semaphore(%run_scoped3A_58 : memref<!tpu.dma_semaphore, #tpu.memory_space<semaphore_mem>>) src(%arg7 : memref<128x16xf32, #tpu.memory_space<vmem>>) dst(%dma_wait3A_68 : memref<50176x16xf32, #tpu.memory_space<vmem_shared>>)
        tpu.yield
      }) : () -> ()
      %run_scoped3A_42 = arith.constant 24 : i32
      "tpu.region"() ({
        %run_scoped3A_58 = tpu.sem_alloc : memref<!tpu.dma_semaphore, #tpu.memory_space<semaphore_mem>>
        %dma_start3A = arith.constant 0 : i32
        %dma_start3A_59 = tpu.memref_slice %arg6[%run_scoped3A_42, %dma_start3A] : memref<40x128xi32, #tpu.memory_space<vmem>> -> memref<1x128xi32, #tpu.memory_space<vmem>>
        %dma_start3A_60 = tpu.memref_squeeze %dma_start3A_59 : memref<1x128xi32, #tpu.memory_space<vmem>> -> memref<128xi32, #tpu.memory_space<vmem>>
        %dma_start3A_61 = arith.constant 0 : i32
        %dma_start3A_62 = arith.constant 0 : i32
        %dma_start3A_63 = tpu.memref_slice %arg8[%dma_start3A_61, %dma_start3A_62] : memref<50176x16xf32, #tpu.memory_space<vmem_shared>> -> memref<50176x16xf32, #tpu.memory_space<vmem_shared>>
        tpu.enqueue_indirect_dma source(%arg7 : memref<128x16xf32, #tpu.memory_space<vmem>>) target(%dma_start3A_63 : memref<50176x16xf32, #tpu.memory_space<vmem_shared>>) offsets(%dma_start3A_60 : memref<128xi32, #tpu.memory_space<vmem>>) semaphore(%run_scoped3A_58 : memref<!tpu.dma_semaphore, #tpu.memory_space<semaphore_mem>>) {add = true}
        %dma_wait3A = arith.constant 0 : i32
        %dma_wait3A_64 = tpu.memref_slice %arg6[%run_scoped3A_42, %dma_wait3A] : memref<40x128xi32, #tpu.memory_space<vmem>> -> memref<1x128xi32, #tpu.memory_space<vmem>>
        %dma_wait3A_65 = tpu.memref_squeeze %dma_wait3A_64 : memref<1x128xi32, #tpu.memory_space<vmem>> -> memref<128xi32, #tpu.memory_space<vmem>>
        %dma_wait3A_66 = arith.constant 0 : i32
        %dma_wait3A_67 = arith.constant 0 : i32
        %dma_wait3A_68 = tpu.memref_slice %arg8[%dma_wait3A_66, %dma_wait3A_67] : memref<50176x16xf32, #tpu.memory_space<vmem_shared>> -> memref<50176x16xf32, #tpu.memory_space<vmem_shared>>
        tpu.wait_indirect_dma semaphore(%run_scoped3A_58 : memref<!tpu.dma_semaphore, #tpu.memory_space<semaphore_mem>>) src(%arg7 : memref<128x16xf32, #tpu.memory_space<vmem>>) dst(%dma_wait3A_68 : memref<50176x16xf32, #tpu.memory_space<vmem_shared>>)
        tpu.yield
      }) : () -> ()
      %run_scoped3A_43 = arith.constant 25 : i32
      "tpu.region"() ({
        %run_scoped3A_58 = tpu.sem_alloc : memref<!tpu.dma_semaphore, #tpu.memory_space<semaphore_mem>>
        %dma_start3A = arith.constant 0 : i32
        %dma_start3A_59 = tpu.memref_slice %arg6[%run_scoped3A_43, %dma_start3A] : memref<40x128xi32, #tpu.memory_space<vmem>> -> memref<1x128xi32, #tpu.memory_space<vmem>>
        %dma_start3A_60 = tpu.memref_squeeze %dma_start3A_59 : memref<1x128xi32, #tpu.memory_space<vmem>> -> memref<128xi32, #tpu.memory_space<vmem>>
        %dma_start3A_61 = arith.constant 0 : i32
        %dma_start3A_62 = arith.constant 0 : i32
        %dma_start3A_63 = tpu.memref_slice %arg8[%dma_start3A_61, %dma_start3A_62] : memref<50176x16xf32, #tpu.memory_space<vmem_shared>> -> memref<50176x16xf32, #tpu.memory_space<vmem_shared>>
        tpu.enqueue_indirect_dma source(%arg7 : memref<128x16xf32, #tpu.memory_space<vmem>>) target(%dma_start3A_63 : memref<50176x16xf32, #tpu.memory_space<vmem_shared>>) offsets(%dma_start3A_60 : memref<128xi32, #tpu.memory_space<vmem>>) semaphore(%run_scoped3A_58 : memref<!tpu.dma_semaphore, #tpu.memory_space<semaphore_mem>>) {add = true}
        %dma_wait3A = arith.constant 0 : i32
        %dma_wait3A_64 = tpu.memref_slice %arg6[%run_scoped3A_43, %dma_wait3A] : memref<40x128xi32, #tpu.memory_space<vmem>> -> memref<1x128xi32, #tpu.memory_space<vmem>>
        %dma_wait3A_65 = tpu.memref_squeeze %dma_wait3A_64 : memref<1x128xi32, #tpu.memory_space<vmem>> -> memref<128xi32, #tpu.memory_space<vmem>>
        %dma_wait3A_66 = arith.constant 0 : i32
        %dma_wait3A_67 = arith.constant 0 : i32
        %dma_wait3A_68 = tpu.memref_slice %arg8[%dma_wait3A_66, %dma_wait3A_67] : memref<50176x16xf32, #tpu.memory_space<vmem_shared>> -> memref<50176x16xf32, #tpu.memory_space<vmem_shared>>
        tpu.wait_indirect_dma semaphore(%run_scoped3A_58 : memref<!tpu.dma_semaphore, #tpu.memory_space<semaphore_mem>>) src(%arg7 : memref<128x16xf32, #tpu.memory_space<vmem>>) dst(%dma_wait3A_68 : memref<50176x16xf32, #tpu.memory_space<vmem_shared>>)
        tpu.yield
      }) : () -> ()
      %run_scoped3A_44 = arith.constant 26 : i32
      "tpu.region"() ({
        %run_scoped3A_58 = tpu.sem_alloc : memref<!tpu.dma_semaphore, #tpu.memory_space<semaphore_mem>>
        %dma_start3A = arith.constant 0 : i32
        %dma_start3A_59 = tpu.memref_slice %arg6[%run_scoped3A_44, %dma_start3A] : memref<40x128xi32, #tpu.memory_space<vmem>> -> memref<1x128xi32, #tpu.memory_space<vmem>>
        %dma_start3A_60 = tpu.memref_squeeze %dma_start3A_59 : memref<1x128xi32, #tpu.memory_space<vmem>> -> memref<128xi32, #tpu.memory_space<vmem>>
        %dma_start3A_61 = arith.constant 0 : i32
        %dma_start3A_62 = arith.constant 0 : i32
        %dma_start3A_63 = tpu.memref_slice %arg8[%dma_start3A_61, %dma_start3A_62] : memref<50176x16xf32, #tpu.memory_space<vmem_shared>> -> memref<50176x16xf32, #tpu.memory_space<vmem_shared>>
        tpu.enqueue_indirect_dma source(%arg7 : memref<128x16xf32, #tpu.memory_space<vmem>>) target(%dma_start3A_63 : memref<50176x16xf32, #tpu.memory_space<vmem_shared>>) offsets(%dma_start3A_60 : memref<128xi32, #tpu.memory_space<vmem>>) semaphore(%run_scoped3A_58 : memref<!tpu.dma_semaphore, #tpu.memory_space<semaphore_mem>>) {add = true}
        %dma_wait3A = arith.constant 0 : i32
        %dma_wait3A_64 = tpu.memref_slice %arg6[%run_scoped3A_44, %dma_wait3A] : memref<40x128xi32, #tpu.memory_space<vmem>> -> memref<1x128xi32, #tpu.memory_space<vmem>>
        %dma_wait3A_65 = tpu.memref_squeeze %dma_wait3A_64 : memref<1x128xi32, #tpu.memory_space<vmem>> -> memref<128xi32, #tpu.memory_space<vmem>>
        %dma_wait3A_66 = arith.constant 0 : i32
        %dma_wait3A_67 = arith.constant 0 : i32
        %dma_wait3A_68 = tpu.memref_slice %arg8[%dma_wait3A_66, %dma_wait3A_67] : memref<50176x16xf32, #tpu.memory_space<vmem_shared>> -> memref<50176x16xf32, #tpu.memory_space<vmem_shared>>
        tpu.wait_indirect_dma semaphore(%run_scoped3A_58 : memref<!tpu.dma_semaphore, #tpu.memory_space<semaphore_mem>>) src(%arg7 : memref<128x16xf32, #tpu.memory_space<vmem>>) dst(%dma_wait3A_68 : memref<50176x16xf32, #tpu.memory_space<vmem_shared>>)
        tpu.yield
      }) : () -> ()
      %run_scoped3A_45 = arith.constant 27 : i32
      "tpu.region"() ({
        %run_scoped3A_58 = tpu.sem_alloc : memref<!tpu.dma_semaphore, #tpu.memory_space<semaphore_mem>>
        %dma_start3A = arith.constant 0 : i32
        %dma_start3A_59 = tpu.memref_slice %arg6[%run_scoped3A_45, %dma_start3A] : memref<40x128xi32, #tpu.memory_space<vmem>> -> memref<1x128xi32, #tpu.memory_space<vmem>>
        %dma_start3A_60 = tpu.memref_squeeze %dma_start3A_59 : memref<1x128xi32, #tpu.memory_space<vmem>> -> memref<128xi32, #tpu.memory_space<vmem>>
        %dma_start3A_61 = arith.constant 0 : i32
        %dma_start3A_62 = arith.constant 0 : i32
        %dma_start3A_63 = tpu.memref_slice %arg8[%dma_start3A_61, %dma_start3A_62] : memref<50176x16xf32, #tpu.memory_space<vmem_shared>> -> memref<50176x16xf32, #tpu.memory_space<vmem_shared>>
        tpu.enqueue_indirect_dma source(%arg7 : memref<128x16xf32, #tpu.memory_space<vmem>>) target(%dma_start3A_63 : memref<50176x16xf32, #tpu.memory_space<vmem_shared>>) offsets(%dma_start3A_60 : memref<128xi32, #tpu.memory_space<vmem>>) semaphore(%run_scoped3A_58 : memref<!tpu.dma_semaphore, #tpu.memory_space<semaphore_mem>>) {add = true}
        %dma_wait3A = arith.constant 0 : i32
        %dma_wait3A_64 = tpu.memref_slice %arg6[%run_scoped3A_45, %dma_wait3A] : memref<40x128xi32, #tpu.memory_space<vmem>> -> memref<1x128xi32, #tpu.memory_space<vmem>>
        %dma_wait3A_65 = tpu.memref_squeeze %dma_wait3A_64 : memref<1x128xi32, #tpu.memory_space<vmem>> -> memref<128xi32, #tpu.memory_space<vmem>>
        %dma_wait3A_66 = arith.constant 0 : i32
        %dma_wait3A_67 = arith.constant 0 : i32
        %dma_wait3A_68 = tpu.memref_slice %arg8[%dma_wait3A_66, %dma_wait3A_67] : memref<50176x16xf32, #tpu.memory_space<vmem_shared>> -> memref<50176x16xf32, #tpu.memory_space<vmem_shared>>
        tpu.wait_indirect_dma semaphore(%run_scoped3A_58 : memref<!tpu.dma_semaphore, #tpu.memory_space<semaphore_mem>>) src(%arg7 : memref<128x16xf32, #tpu.memory_space<vmem>>) dst(%dma_wait3A_68 : memref<50176x16xf32, #tpu.memory_space<vmem_shared>>)
        tpu.yield
      }) : () -> ()
      %run_scoped3A_46 = arith.constant 28 : i32
      "tpu.region"() ({
        %run_scoped3A_58 = tpu.sem_alloc : memref<!tpu.dma_semaphore, #tpu.memory_space<semaphore_mem>>
        %dma_start3A = arith.constant 0 : i32
        %dma_start3A_59 = tpu.memref_slice %arg6[%run_scoped3A_46, %dma_start3A] : memref<40x128xi32, #tpu.memory_space<vmem>> -> memref<1x128xi32, #tpu.memory_space<vmem>>
        %dma_start3A_60 = tpu.memref_squeeze %dma_start3A_59 : memref<1x128xi32, #tpu.memory_space<vmem>> -> memref<128xi32, #tpu.memory_space<vmem>>
        %dma_start3A_61 = arith.constant 0 : i32
        %dma_start3A_62 = arith.constant 0 : i32
        %dma_start3A_63 = tpu.memref_slice %arg8[%dma_start3A_61, %dma_start3A_62] : memref<50176x16xf32, #tpu.memory_space<vmem_shared>> -> memref<50176x16xf32, #tpu.memory_space<vmem_shared>>
        tpu.enqueue_indirect_dma source(%arg7 : memref<128x16xf32, #tpu.memory_space<vmem>>) target(%dma_start3A_63 : memref<50176x16xf32, #tpu.memory_space<vmem_shared>>) offsets(%dma_start3A_60 : memref<128xi32, #tpu.memory_space<vmem>>) semaphore(%run_scoped3A_58 : memref<!tpu.dma_semaphore, #tpu.memory_space<semaphore_mem>>) {add = true}
        %dma_wait3A = arith.constant 0 : i32
        %dma_wait3A_64 = tpu.memref_slice %arg6[%run_scoped3A_46, %dma_wait3A] : memref<40x128xi32, #tpu.memory_space<vmem>> -> memref<1x128xi32, #tpu.memory_space<vmem>>
        %dma_wait3A_65 = tpu.memref_squeeze %dma_wait3A_64 : memref<1x128xi32, #tpu.memory_space<vmem>> -> memref<128xi32, #tpu.memory_space<vmem>>
        %dma_wait3A_66 = arith.constant 0 : i32
        %dma_wait3A_67 = arith.constant 0 : i32
        %dma_wait3A_68 = tpu.memref_slice %arg8[%dma_wait3A_66, %dma_wait3A_67] : memref<50176x16xf32, #tpu.memory_space<vmem_shared>> -> memref<50176x16xf32, #tpu.memory_space<vmem_shared>>
        tpu.wait_indirect_dma semaphore(%run_scoped3A_58 : memref<!tpu.dma_semaphore, #tpu.memory_space<semaphore_mem>>) src(%arg7 : memref<128x16xf32, #tpu.memory_space<vmem>>) dst(%dma_wait3A_68 : memref<50176x16xf32, #tpu.memory_space<vmem_shared>>)
        tpu.yield
      }) : () -> ()
      %run_scoped3A_47 = arith.constant 29 : i32
      "tpu.region"() ({
        %run_scoped3A_58 = tpu.sem_alloc : memref<!tpu.dma_semaphore, #tpu.memory_space<semaphore_mem>>
        %dma_start3A = arith.constant 0 : i32
        %dma_start3A_59 = tpu.memref_slice %arg6[%run_scoped3A_47, %dma_start3A] : memref<40x128xi32, #tpu.memory_space<vmem>> -> memref<1x128xi32, #tpu.memory_space<vmem>>
        %dma_start3A_60 = tpu.memref_squeeze %dma_start3A_59 : memref<1x128xi32, #tpu.memory_space<vmem>> -> memref<128xi32, #tpu.memory_space<vmem>>
        %dma_start3A_61 = arith.constant 0 : i32
        %dma_start3A_62 = arith.constant 0 : i32
        %dma_start3A_63 = tpu.memref_slice %arg8[%dma_start3A_61, %dma_start3A_62] : memref<50176x16xf32, #tpu.memory_space<vmem_shared>> -> memref<50176x16xf32, #tpu.memory_space<vmem_shared>>
        tpu.enqueue_indirect_dma source(%arg7 : memref<128x16xf32, #tpu.memory_space<vmem>>) target(%dma_start3A_63 : memref<50176x16xf32, #tpu.memory_space<vmem_shared>>) offsets(%dma_start3A_60 : memref<128xi32, #tpu.memory_space<vmem>>) semaphore(%run_scoped3A_58 : memref<!tpu.dma_semaphore, #tpu.memory_space<semaphore_mem>>) {add = true}
        %dma_wait3A = arith.constant 0 : i32
        %dma_wait3A_64 = tpu.memref_slice %arg6[%run_scoped3A_47, %dma_wait3A] : memref<40x128xi32, #tpu.memory_space<vmem>> -> memref<1x128xi32, #tpu.memory_space<vmem>>
        %dma_wait3A_65 = tpu.memref_squeeze %dma_wait3A_64 : memref<1x128xi32, #tpu.memory_space<vmem>> -> memref<128xi32, #tpu.memory_space<vmem>>
        %dma_wait3A_66 = arith.constant 0 : i32
        %dma_wait3A_67 = arith.constant 0 : i32
        %dma_wait3A_68 = tpu.memref_slice %arg8[%dma_wait3A_66, %dma_wait3A_67] : memref<50176x16xf32, #tpu.memory_space<vmem_shared>> -> memref<50176x16xf32, #tpu.memory_space<vmem_shared>>
        tpu.wait_indirect_dma semaphore(%run_scoped3A_58 : memref<!tpu.dma_semaphore, #tpu.memory_space<semaphore_mem>>) src(%arg7 : memref<128x16xf32, #tpu.memory_space<vmem>>) dst(%dma_wait3A_68 : memref<50176x16xf32, #tpu.memory_space<vmem_shared>>)
        tpu.yield
      }) : () -> ()
      %run_scoped3A_48 = arith.constant 30 : i32
      "tpu.region"() ({
        %run_scoped3A_58 = tpu.sem_alloc : memref<!tpu.dma_semaphore, #tpu.memory_space<semaphore_mem>>
        %dma_start3A = arith.constant 0 : i32
        %dma_start3A_59 = tpu.memref_slice %arg6[%run_scoped3A_48, %dma_start3A] : memref<40x128xi32, #tpu.memory_space<vmem>> -> memref<1x128xi32, #tpu.memory_space<vmem>>
        %dma_start3A_60 = tpu.memref_squeeze %dma_start3A_59 : memref<1x128xi32, #tpu.memory_space<vmem>> -> memref<128xi32, #tpu.memory_space<vmem>>
        %dma_start3A_61 = arith.constant 0 : i32
        %dma_start3A_62 = arith.constant 0 : i32
        %dma_start3A_63 = tpu.memref_slice %arg8[%dma_start3A_61, %dma_start3A_62] : memref<50176x16xf32, #tpu.memory_space<vmem_shared>> -> memref<50176x16xf32, #tpu.memory_space<vmem_shared>>
        tpu.enqueue_indirect_dma source(%arg7 : memref<128x16xf32, #tpu.memory_space<vmem>>) target(%dma_start3A_63 : memref<50176x16xf32, #tpu.memory_space<vmem_shared>>) offsets(%dma_start3A_60 : memref<128xi32, #tpu.memory_space<vmem>>) semaphore(%run_scoped3A_58 : memref<!tpu.dma_semaphore, #tpu.memory_space<semaphore_mem>>) {add = true}
        %dma_wait3A = arith.constant 0 : i32
        %dma_wait3A_64 = tpu.memref_slice %arg6[%run_scoped3A_48, %dma_wait3A] : memref<40x128xi32, #tpu.memory_space<vmem>> -> memref<1x128xi32, #tpu.memory_space<vmem>>
        %dma_wait3A_65 = tpu.memref_squeeze %dma_wait3A_64 : memref<1x128xi32, #tpu.memory_space<vmem>> -> memref<128xi32, #tpu.memory_space<vmem>>
        %dma_wait3A_66 = arith.constant 0 : i32
        %dma_wait3A_67 = arith.constant 0 : i32
        %dma_wait3A_68 = tpu.memref_slice %arg8[%dma_wait3A_66, %dma_wait3A_67] : memref<50176x16xf32, #tpu.memory_space<vmem_shared>> -> memref<50176x16xf32, #tpu.memory_space<vmem_shared>>
        tpu.wait_indirect_dma semaphore(%run_scoped3A_58 : memref<!tpu.dma_semaphore, #tpu.memory_space<semaphore_mem>>) src(%arg7 : memref<128x16xf32, #tpu.memory_space<vmem>>) dst(%dma_wait3A_68 : memref<50176x16xf32, #tpu.memory_space<vmem_shared>>)
        tpu.yield
      }) : () -> ()
      %run_scoped3A_49 = arith.constant 31 : i32
      "tpu.region"() ({
        %run_scoped3A_58 = tpu.sem_alloc : memref<!tpu.dma_semaphore, #tpu.memory_space<semaphore_mem>>
        %dma_start3A = arith.constant 0 : i32
        %dma_start3A_59 = tpu.memref_slice %arg6[%run_scoped3A_49, %dma_start3A] : memref<40x128xi32, #tpu.memory_space<vmem>> -> memref<1x128xi32, #tpu.memory_space<vmem>>
        %dma_start3A_60 = tpu.memref_squeeze %dma_start3A_59 : memref<1x128xi32, #tpu.memory_space<vmem>> -> memref<128xi32, #tpu.memory_space<vmem>>
        %dma_start3A_61 = arith.constant 0 : i32
        %dma_start3A_62 = arith.constant 0 : i32
        %dma_start3A_63 = tpu.memref_slice %arg8[%dma_start3A_61, %dma_start3A_62] : memref<50176x16xf32, #tpu.memory_space<vmem_shared>> -> memref<50176x16xf32, #tpu.memory_space<vmem_shared>>
        tpu.enqueue_indirect_dma source(%arg7 : memref<128x16xf32, #tpu.memory_space<vmem>>) target(%dma_start3A_63 : memref<50176x16xf32, #tpu.memory_space<vmem_shared>>) offsets(%dma_start3A_60 : memref<128xi32, #tpu.memory_space<vmem>>) semaphore(%run_scoped3A_58 : memref<!tpu.dma_semaphore, #tpu.memory_space<semaphore_mem>>) {add = true}
        %dma_wait3A = arith.constant 0 : i32
        %dma_wait3A_64 = tpu.memref_slice %arg6[%run_scoped3A_49, %dma_wait3A] : memref<40x128xi32, #tpu.memory_space<vmem>> -> memref<1x128xi32, #tpu.memory_space<vmem>>
        %dma_wait3A_65 = tpu.memref_squeeze %dma_wait3A_64 : memref<1x128xi32, #tpu.memory_space<vmem>> -> memref<128xi32, #tpu.memory_space<vmem>>
        %dma_wait3A_66 = arith.constant 0 : i32
        %dma_wait3A_67 = arith.constant 0 : i32
        %dma_wait3A_68 = tpu.memref_slice %arg8[%dma_wait3A_66, %dma_wait3A_67] : memref<50176x16xf32, #tpu.memory_space<vmem_shared>> -> memref<50176x16xf32, #tpu.memory_space<vmem_shared>>
        tpu.wait_indirect_dma semaphore(%run_scoped3A_58 : memref<!tpu.dma_semaphore, #tpu.memory_space<semaphore_mem>>) src(%arg7 : memref<128x16xf32, #tpu.memory_space<vmem>>) dst(%dma_wait3A_68 : memref<50176x16xf32, #tpu.memory_space<vmem_shared>>)
        tpu.yield
      }) : () -> ()
      %run_scoped3A_50 = arith.constant 32 : i32
      "tpu.region"() ({
        %run_scoped3A_58 = tpu.sem_alloc : memref<!tpu.dma_semaphore, #tpu.memory_space<semaphore_mem>>
        %dma_start3A = arith.constant 0 : i32
        %dma_start3A_59 = tpu.memref_slice %arg6[%run_scoped3A_50, %dma_start3A] : memref<40x128xi32, #tpu.memory_space<vmem>> -> memref<1x128xi32, #tpu.memory_space<vmem>>
        %dma_start3A_60 = tpu.memref_squeeze %dma_start3A_59 : memref<1x128xi32, #tpu.memory_space<vmem>> -> memref<128xi32, #tpu.memory_space<vmem>>
        %dma_start3A_61 = arith.constant 0 : i32
        %dma_start3A_62 = arith.constant 0 : i32
        %dma_start3A_63 = tpu.memref_slice %arg8[%dma_start3A_61, %dma_start3A_62] : memref<50176x16xf32, #tpu.memory_space<vmem_shared>> -> memref<50176x16xf32, #tpu.memory_space<vmem_shared>>
        tpu.enqueue_indirect_dma source(%arg7 : memref<128x16xf32, #tpu.memory_space<vmem>>) target(%dma_start3A_63 : memref<50176x16xf32, #tpu.memory_space<vmem_shared>>) offsets(%dma_start3A_60 : memref<128xi32, #tpu.memory_space<vmem>>) semaphore(%run_scoped3A_58 : memref<!tpu.dma_semaphore, #tpu.memory_space<semaphore_mem>>) {add = true}
        %dma_wait3A = arith.constant 0 : i32
        %dma_wait3A_64 = tpu.memref_slice %arg6[%run_scoped3A_50, %dma_wait3A] : memref<40x128xi32, #tpu.memory_space<vmem>> -> memref<1x128xi32, #tpu.memory_space<vmem>>
        %dma_wait3A_65 = tpu.memref_squeeze %dma_wait3A_64 : memref<1x128xi32, #tpu.memory_space<vmem>> -> memref<128xi32, #tpu.memory_space<vmem>>
        %dma_wait3A_66 = arith.constant 0 : i32
        %dma_wait3A_67 = arith.constant 0 : i32
        %dma_wait3A_68 = tpu.memref_slice %arg8[%dma_wait3A_66, %dma_wait3A_67] : memref<50176x16xf32, #tpu.memory_space<vmem_shared>> -> memref<50176x16xf32, #tpu.memory_space<vmem_shared>>
        tpu.wait_indirect_dma semaphore(%run_scoped3A_58 : memref<!tpu.dma_semaphore, #tpu.memory_space<semaphore_mem>>) src(%arg7 : memref<128x16xf32, #tpu.memory_space<vmem>>) dst(%dma_wait3A_68 : memref<50176x16xf32, #tpu.memory_space<vmem_shared>>)
        tpu.yield
      }) : () -> ()
      %run_scoped3A_51 = arith.constant 33 : i32
      "tpu.region"() ({
        %run_scoped3A_58 = tpu.sem_alloc : memref<!tpu.dma_semaphore, #tpu.memory_space<semaphore_mem>>
        %dma_start3A = arith.constant 0 : i32
        %dma_start3A_59 = tpu.memref_slice %arg6[%run_scoped3A_51, %dma_start3A] : memref<40x128xi32, #tpu.memory_space<vmem>> -> memref<1x128xi32, #tpu.memory_space<vmem>>
        %dma_start3A_60 = tpu.memref_squeeze %dma_start3A_59 : memref<1x128xi32, #tpu.memory_space<vmem>> -> memref<128xi32, #tpu.memory_space<vmem>>
        %dma_start3A_61 = arith.constant 0 : i32
        %dma_start3A_62 = arith.constant 0 : i32
        %dma_start3A_63 = tpu.memref_slice %arg8[%dma_start3A_61, %dma_start3A_62] : memref<50176x16xf32, #tpu.memory_space<vmem_shared>> -> memref<50176x16xf32, #tpu.memory_space<vmem_shared>>
        tpu.enqueue_indirect_dma source(%arg7 : memref<128x16xf32, #tpu.memory_space<vmem>>) target(%dma_start3A_63 : memref<50176x16xf32, #tpu.memory_space<vmem_shared>>) offsets(%dma_start3A_60 : memref<128xi32, #tpu.memory_space<vmem>>) semaphore(%run_scoped3A_58 : memref<!tpu.dma_semaphore, #tpu.memory_space<semaphore_mem>>) {add = true}
        %dma_wait3A = arith.constant 0 : i32
        %dma_wait3A_64 = tpu.memref_slice %arg6[%run_scoped3A_51, %dma_wait3A] : memref<40x128xi32, #tpu.memory_space<vmem>> -> memref<1x128xi32, #tpu.memory_space<vmem>>
        %dma_wait3A_65 = tpu.memref_squeeze %dma_wait3A_64 : memref<1x128xi32, #tpu.memory_space<vmem>> -> memref<128xi32, #tpu.memory_space<vmem>>
        %dma_wait3A_66 = arith.constant 0 : i32
        %dma_wait3A_67 = arith.constant 0 : i32
        %dma_wait3A_68 = tpu.memref_slice %arg8[%dma_wait3A_66, %dma_wait3A_67] : memref<50176x16xf32, #tpu.memory_space<vmem_shared>> -> memref<50176x16xf32, #tpu.memory_space<vmem_shared>>
        tpu.wait_indirect_dma semaphore(%run_scoped3A_58 : memref<!tpu.dma_semaphore, #tpu.memory_space<semaphore_mem>>) src(%arg7 : memref<128x16xf32, #tpu.memory_space<vmem>>) dst(%dma_wait3A_68 : memref<50176x16xf32, #tpu.memory_space<vmem_shared>>)
        tpu.yield
      }) : () -> ()
      %run_scoped3A_52 = arith.constant 34 : i32
      "tpu.region"() ({
        %run_scoped3A_58 = tpu.sem_alloc : memref<!tpu.dma_semaphore, #tpu.memory_space<semaphore_mem>>
        %dma_start3A = arith.constant 0 : i32
        %dma_start3A_59 = tpu.memref_slice %arg6[%run_scoped3A_52, %dma_start3A] : memref<40x128xi32, #tpu.memory_space<vmem>> -> memref<1x128xi32, #tpu.memory_space<vmem>>
        %dma_start3A_60 = tpu.memref_squeeze %dma_start3A_59 : memref<1x128xi32, #tpu.memory_space<vmem>> -> memref<128xi32, #tpu.memory_space<vmem>>
        %dma_start3A_61 = arith.constant 0 : i32
        %dma_start3A_62 = arith.constant 0 : i32
        %dma_start3A_63 = tpu.memref_slice %arg8[%dma_start3A_61, %dma_start3A_62] : memref<50176x16xf32, #tpu.memory_space<vmem_shared>> -> memref<50176x16xf32, #tpu.memory_space<vmem_shared>>
        tpu.enqueue_indirect_dma source(%arg7 : memref<128x16xf32, #tpu.memory_space<vmem>>) target(%dma_start3A_63 : memref<50176x16xf32, #tpu.memory_space<vmem_shared>>) offsets(%dma_start3A_60 : memref<128xi32, #tpu.memory_space<vmem>>) semaphore(%run_scoped3A_58 : memref<!tpu.dma_semaphore, #tpu.memory_space<semaphore_mem>>) {add = true}
        %dma_wait3A = arith.constant 0 : i32
        %dma_wait3A_64 = tpu.memref_slice %arg6[%run_scoped3A_52, %dma_wait3A] : memref<40x128xi32, #tpu.memory_space<vmem>> -> memref<1x128xi32, #tpu.memory_space<vmem>>
        %dma_wait3A_65 = tpu.memref_squeeze %dma_wait3A_64 : memref<1x128xi32, #tpu.memory_space<vmem>> -> memref<128xi32, #tpu.memory_space<vmem>>
        %dma_wait3A_66 = arith.constant 0 : i32
        %dma_wait3A_67 = arith.constant 0 : i32
        %dma_wait3A_68 = tpu.memref_slice %arg8[%dma_wait3A_66, %dma_wait3A_67] : memref<50176x16xf32, #tpu.memory_space<vmem_shared>> -> memref<50176x16xf32, #tpu.memory_space<vmem_shared>>
        tpu.wait_indirect_dma semaphore(%run_scoped3A_58 : memref<!tpu.dma_semaphore, #tpu.memory_space<semaphore_mem>>) src(%arg7 : memref<128x16xf32, #tpu.memory_space<vmem>>) dst(%dma_wait3A_68 : memref<50176x16xf32, #tpu.memory_space<vmem_shared>>)
        tpu.yield
      }) : () -> ()
      %run_scoped3A_53 = arith.constant 35 : i32
      "tpu.region"() ({
        %run_scoped3A_58 = tpu.sem_alloc : memref<!tpu.dma_semaphore, #tpu.memory_space<semaphore_mem>>
        %dma_start3A = arith.constant 0 : i32
        %dma_start3A_59 = tpu.memref_slice %arg6[%run_scoped3A_53, %dma_start3A] : memref<40x128xi32, #tpu.memory_space<vmem>> -> memref<1x128xi32, #tpu.memory_space<vmem>>
        %dma_start3A_60 = tpu.memref_squeeze %dma_start3A_59 : memref<1x128xi32, #tpu.memory_space<vmem>> -> memref<128xi32, #tpu.memory_space<vmem>>
        %dma_start3A_61 = arith.constant 0 : i32
        %dma_start3A_62 = arith.constant 0 : i32
        %dma_start3A_63 = tpu.memref_slice %arg8[%dma_start3A_61, %dma_start3A_62] : memref<50176x16xf32, #tpu.memory_space<vmem_shared>> -> memref<50176x16xf32, #tpu.memory_space<vmem_shared>>
        tpu.enqueue_indirect_dma source(%arg7 : memref<128x16xf32, #tpu.memory_space<vmem>>) target(%dma_start3A_63 : memref<50176x16xf32, #tpu.memory_space<vmem_shared>>) offsets(%dma_start3A_60 : memref<128xi32, #tpu.memory_space<vmem>>) semaphore(%run_scoped3A_58 : memref<!tpu.dma_semaphore, #tpu.memory_space<semaphore_mem>>) {add = true}
        %dma_wait3A = arith.constant 0 : i32
        %dma_wait3A_64 = tpu.memref_slice %arg6[%run_scoped3A_53, %dma_wait3A] : memref<40x128xi32, #tpu.memory_space<vmem>> -> memref<1x128xi32, #tpu.memory_space<vmem>>
        %dma_wait3A_65 = tpu.memref_squeeze %dma_wait3A_64 : memref<1x128xi32, #tpu.memory_space<vmem>> -> memref<128xi32, #tpu.memory_space<vmem>>
        %dma_wait3A_66 = arith.constant 0 : i32
        %dma_wait3A_67 = arith.constant 0 : i32
        %dma_wait3A_68 = tpu.memref_slice %arg8[%dma_wait3A_66, %dma_wait3A_67] : memref<50176x16xf32, #tpu.memory_space<vmem_shared>> -> memref<50176x16xf32, #tpu.memory_space<vmem_shared>>
        tpu.wait_indirect_dma semaphore(%run_scoped3A_58 : memref<!tpu.dma_semaphore, #tpu.memory_space<semaphore_mem>>) src(%arg7 : memref<128x16xf32, #tpu.memory_space<vmem>>) dst(%dma_wait3A_68 : memref<50176x16xf32, #tpu.memory_space<vmem_shared>>)
        tpu.yield
      }) : () -> ()
      %run_scoped3A_54 = arith.constant 36 : i32
      "tpu.region"() ({
        %run_scoped3A_58 = tpu.sem_alloc : memref<!tpu.dma_semaphore, #tpu.memory_space<semaphore_mem>>
        %dma_start3A = arith.constant 0 : i32
        %dma_start3A_59 = tpu.memref_slice %arg6[%run_scoped3A_54, %dma_start3A] : memref<40x128xi32, #tpu.memory_space<vmem>> -> memref<1x128xi32, #tpu.memory_space<vmem>>
        %dma_start3A_60 = tpu.memref_squeeze %dma_start3A_59 : memref<1x128xi32, #tpu.memory_space<vmem>> -> memref<128xi32, #tpu.memory_space<vmem>>
        %dma_start3A_61 = arith.constant 0 : i32
        %dma_start3A_62 = arith.constant 0 : i32
        %dma_start3A_63 = tpu.memref_slice %arg8[%dma_start3A_61, %dma_start3A_62] : memref<50176x16xf32, #tpu.memory_space<vmem_shared>> -> memref<50176x16xf32, #tpu.memory_space<vmem_shared>>
        tpu.enqueue_indirect_dma source(%arg7 : memref<128x16xf32, #tpu.memory_space<vmem>>) target(%dma_start3A_63 : memref<50176x16xf32, #tpu.memory_space<vmem_shared>>) offsets(%dma_start3A_60 : memref<128xi32, #tpu.memory_space<vmem>>) semaphore(%run_scoped3A_58 : memref<!tpu.dma_semaphore, #tpu.memory_space<semaphore_mem>>) {add = true}
        %dma_wait3A = arith.constant 0 : i32
        %dma_wait3A_64 = tpu.memref_slice %arg6[%run_scoped3A_54, %dma_wait3A] : memref<40x128xi32, #tpu.memory_space<vmem>> -> memref<1x128xi32, #tpu.memory_space<vmem>>
        %dma_wait3A_65 = tpu.memref_squeeze %dma_wait3A_64 : memref<1x128xi32, #tpu.memory_space<vmem>> -> memref<128xi32, #tpu.memory_space<vmem>>
        %dma_wait3A_66 = arith.constant 0 : i32
        %dma_wait3A_67 = arith.constant 0 : i32
        %dma_wait3A_68 = tpu.memref_slice %arg8[%dma_wait3A_66, %dma_wait3A_67] : memref<50176x16xf32, #tpu.memory_space<vmem_shared>> -> memref<50176x16xf32, #tpu.memory_space<vmem_shared>>
        tpu.wait_indirect_dma semaphore(%run_scoped3A_58 : memref<!tpu.dma_semaphore, #tpu.memory_space<semaphore_mem>>) src(%arg7 : memref<128x16xf32, #tpu.memory_space<vmem>>) dst(%dma_wait3A_68 : memref<50176x16xf32, #tpu.memory_space<vmem_shared>>)
        tpu.yield
      }) : () -> ()
      %run_scoped3A_55 = arith.constant 37 : i32
      "tpu.region"() ({
        %run_scoped3A_58 = tpu.sem_alloc : memref<!tpu.dma_semaphore, #tpu.memory_space<semaphore_mem>>
        %dma_start3A = arith.constant 0 : i32
        %dma_start3A_59 = tpu.memref_slice %arg6[%run_scoped3A_55, %dma_start3A] : memref<40x128xi32, #tpu.memory_space<vmem>> -> memref<1x128xi32, #tpu.memory_space<vmem>>
        %dma_start3A_60 = tpu.memref_squeeze %dma_start3A_59 : memref<1x128xi32, #tpu.memory_space<vmem>> -> memref<128xi32, #tpu.memory_space<vmem>>
        %dma_start3A_61 = arith.constant 0 : i32
        %dma_start3A_62 = arith.constant 0 : i32
        %dma_start3A_63 = tpu.memref_slice %arg8[%dma_start3A_61, %dma_start3A_62] : memref<50176x16xf32, #tpu.memory_space<vmem_shared>> -> memref<50176x16xf32, #tpu.memory_space<vmem_shared>>
        tpu.enqueue_indirect_dma source(%arg7 : memref<128x16xf32, #tpu.memory_space<vmem>>) target(%dma_start3A_63 : memref<50176x16xf32, #tpu.memory_space<vmem_shared>>) offsets(%dma_start3A_60 : memref<128xi32, #tpu.memory_space<vmem>>) semaphore(%run_scoped3A_58 : memref<!tpu.dma_semaphore, #tpu.memory_space<semaphore_mem>>) {add = true}
        %dma_wait3A = arith.constant 0 : i32
        %dma_wait3A_64 = tpu.memref_slice %arg6[%run_scoped3A_55, %dma_wait3A] : memref<40x128xi32, #tpu.memory_space<vmem>> -> memref<1x128xi32, #tpu.memory_space<vmem>>
        %dma_wait3A_65 = tpu.memref_squeeze %dma_wait3A_64 : memref<1x128xi32, #tpu.memory_space<vmem>> -> memref<128xi32, #tpu.memory_space<vmem>>
        %dma_wait3A_66 = arith.constant 0 : i32
        %dma_wait3A_67 = arith.constant 0 : i32
        %dma_wait3A_68 = tpu.memref_slice %arg8[%dma_wait3A_66, %dma_wait3A_67] : memref<50176x16xf32, #tpu.memory_space<vmem_shared>> -> memref<50176x16xf32, #tpu.memory_space<vmem_shared>>
        tpu.wait_indirect_dma semaphore(%run_scoped3A_58 : memref<!tpu.dma_semaphore, #tpu.memory_space<semaphore_mem>>) src(%arg7 : memref<128x16xf32, #tpu.memory_space<vmem>>) dst(%dma_wait3A_68 : memref<50176x16xf32, #tpu.memory_space<vmem_shared>>)
        tpu.yield
      }) : () -> ()
      %run_scoped3A_56 = arith.constant 38 : i32
      "tpu.region"() ({
        %run_scoped3A_58 = tpu.sem_alloc : memref<!tpu.dma_semaphore, #tpu.memory_space<semaphore_mem>>
        %dma_start3A = arith.constant 0 : i32
        %dma_start3A_59 = tpu.memref_slice %arg6[%run_scoped3A_56, %dma_start3A] : memref<40x128xi32, #tpu.memory_space<vmem>> -> memref<1x128xi32, #tpu.memory_space<vmem>>
        %dma_start3A_60 = tpu.memref_squeeze %dma_start3A_59 : memref<1x128xi32, #tpu.memory_space<vmem>> -> memref<128xi32, #tpu.memory_space<vmem>>
        %dma_start3A_61 = arith.constant 0 : i32
        %dma_start3A_62 = arith.constant 0 : i32
        %dma_start3A_63 = tpu.memref_slice %arg8[%dma_start3A_61, %dma_start3A_62] : memref<50176x16xf32, #tpu.memory_space<vmem_shared>> -> memref<50176x16xf32, #tpu.memory_space<vmem_shared>>
        tpu.enqueue_indirect_dma source(%arg7 : memref<128x16xf32, #tpu.memory_space<vmem>>) target(%dma_start3A_63 : memref<50176x16xf32, #tpu.memory_space<vmem_shared>>) offsets(%dma_start3A_60 : memref<128xi32, #tpu.memory_space<vmem>>) semaphore(%run_scoped3A_58 : memref<!tpu.dma_semaphore, #tpu.memory_space<semaphore_mem>>) {add = true}
        %dma_wait3A = arith.constant 0 : i32
        %dma_wait3A_64 = tpu.memref_slice %arg6[%run_scoped3A_56, %dma_wait3A] : memref<40x128xi32, #tpu.memory_space<vmem>> -> memref<1x128xi32, #tpu.memory_space<vmem>>
        %dma_wait3A_65 = tpu.memref_squeeze %dma_wait3A_64 : memref<1x128xi32, #tpu.memory_space<vmem>> -> memref<128xi32, #tpu.memory_space<vmem>>
        %dma_wait3A_66 = arith.constant 0 : i32
        %dma_wait3A_67 = arith.constant 0 : i32
        %dma_wait3A_68 = tpu.memref_slice %arg8[%dma_wait3A_66, %dma_wait3A_67] : memref<50176x16xf32, #tpu.memory_space<vmem_shared>> -> memref<50176x16xf32, #tpu.memory_space<vmem_shared>>
        tpu.wait_indirect_dma semaphore(%run_scoped3A_58 : memref<!tpu.dma_semaphore, #tpu.memory_space<semaphore_mem>>) src(%arg7 : memref<128x16xf32, #tpu.memory_space<vmem>>) dst(%dma_wait3A_68 : memref<50176x16xf32, #tpu.memory_space<vmem_shared>>)
        tpu.yield
      }) : () -> ()
      %run_scoped3A_57 = arith.constant 39 : i32
      "tpu.region"() ({
        %run_scoped3A_58 = tpu.sem_alloc : memref<!tpu.dma_semaphore, #tpu.memory_space<semaphore_mem>>
        %dma_start3A = arith.constant 0 : i32
        %dma_start3A_59 = tpu.memref_slice %arg6[%run_scoped3A_57, %dma_start3A] : memref<40x128xi32, #tpu.memory_space<vmem>> -> memref<1x128xi32, #tpu.memory_space<vmem>>
        %dma_start3A_60 = tpu.memref_squeeze %dma_start3A_59 : memref<1x128xi32, #tpu.memory_space<vmem>> -> memref<128xi32, #tpu.memory_space<vmem>>
        %dma_start3A_61 = arith.constant 0 : i32
        %dma_start3A_62 = arith.constant 0 : i32
        %dma_start3A_63 = tpu.memref_slice %arg8[%dma_start3A_61, %dma_start3A_62] : memref<50176x16xf32, #tpu.memory_space<vmem_shared>> -> memref<50176x16xf32, #tpu.memory_space<vmem_shared>>
        tpu.enqueue_indirect_dma source(%arg7 : memref<128x16xf32, #tpu.memory_space<vmem>>) target(%dma_start3A_63 : memref<50176x16xf32, #tpu.memory_space<vmem_shared>>) offsets(%dma_start3A_60 : memref<128xi32, #tpu.memory_space<vmem>>) semaphore(%run_scoped3A_58 : memref<!tpu.dma_semaphore, #tpu.memory_space<semaphore_mem>>) {add = true}
        %dma_wait3A = arith.constant 0 : i32
        %dma_wait3A_64 = tpu.memref_slice %arg6[%run_scoped3A_57, %dma_wait3A] : memref<40x128xi32, #tpu.memory_space<vmem>> -> memref<1x128xi32, #tpu.memory_space<vmem>>
        %dma_wait3A_65 = tpu.memref_squeeze %dma_wait3A_64 : memref<1x128xi32, #tpu.memory_space<vmem>> -> memref<128xi32, #tpu.memory_space<vmem>>
        %dma_wait3A_66 = arith.constant 0 : i32
        %dma_wait3A_67 = arith.constant 0 : i32
        %dma_wait3A_68 = tpu.memref_slice %arg8[%dma_wait3A_66, %dma_wait3A_67] : memref<50176x16xf32, #tpu.memory_space<vmem_shared>> -> memref<50176x16xf32, #tpu.memory_space<vmem_shared>>
        tpu.wait_indirect_dma semaphore(%run_scoped3A_58 : memref<!tpu.dma_semaphore, #tpu.memory_space<semaphore_mem>>) src(%arg7 : memref<128x16xf32, #tpu.memory_space<vmem>>) dst(%dma_wait3A_68 : memref<50176x16xf32, #tpu.memory_space<vmem_shared>>)
        tpu.yield
      }) : () -> ()
    }
    %scan3A_9 = arith.constant 5 : i32
    %barrier3A_10 = arith.constant 0 : index
    tpu.barrier barrier_id(%barrier3A_10)
    %mul3A_11 = arith.constant 3136 : i32
    %mul3A_12 = arith.muli %arg1, %mul3A_11 : i32
    %mul3A_13 = arith.constant 3136 : i32
    %mul3A_14 = arith.muli %arg1, %mul3A_13 : i32
    "tpu.region"() ({
      %run_scoped3A = tpu.sem_alloc : memref<!tpu.dma_semaphore, #tpu.memory_space<semaphore_mem>>
      %dma_start3A = arith.constant 0 : i32
      %dma_start3A_15 = tpu.memref_slice %arg5[%arg0, %mul3A_14, %dma_start3A] : memref<2x50176x16xf32, #tpu.memory_space<hbm>> -> memref<1x3136x16xf32, #tpu.memory_space<hbm>>
      %dma_start3A_16 = tpu.memref_squeeze %dma_start3A_15 : memref<1x3136x16xf32, #tpu.memory_space<hbm>> -> memref<3136x16xf32, #tpu.memory_space<hbm>>
      %dma_start3A_17 = arith.constant 0 : i32
      %dma_start3A_18 = tpu.memref_slice %arg8[%mul3A_12, %dma_start3A_17] : memref<50176x16xf32, #tpu.memory_space<vmem_shared>> -> memref<3136x16xf32, #tpu.memory_space<vmem_shared>>
      tpu.enqueue_dma source(%dma_start3A_18 : memref<3136x16xf32, #tpu.memory_space<vmem_shared>>) target(%dma_start3A_16 : memref<3136x16xf32, #tpu.memory_space<hbm>>) target_semaphore(%run_scoped3A : memref<!tpu.dma_semaphore, #tpu.memory_space<semaphore_mem>>)
      %dma_wait3A = arith.constant 0 : i32
      %dma_wait3A_19 = tpu.memref_slice %arg5[%arg0, %mul3A_14, %dma_wait3A] : memref<2x50176x16xf32, #tpu.memory_space<hbm>> -> memref<1x3136x16xf32, #tpu.memory_space<hbm>>
      %dma_wait3A_20 = tpu.memref_squeeze %dma_wait3A_19 : memref<1x3136x16xf32, #tpu.memory_space<hbm>> -> memref<3136x16xf32, #tpu.memory_space<hbm>>
      %dma_wait3A_21 = arith.constant 0 : i32
      %dma_wait3A_22 = tpu.memref_slice %arg8[%mul3A_12, %dma_wait3A_21] : memref<50176x16xf32, #tpu.memory_space<vmem_shared>> -> memref<3136x16xf32, #tpu.memory_space<vmem_shared>>
      tpu.wait_dma2 semaphore(%run_scoped3A : memref<!tpu.dma_semaphore, #tpu.memory_space<semaphore_mem>>) src(%dma_wait3A_22 : memref<3136x16xf32, #tpu.memory_space<vmem_shared>>) dst(%dma_wait3A_20 : memref<3136x16xf32, #tpu.memory_space<hbm>>)
      tpu.yield
    }) : () -> ()
    return
  }
}

#map = affine_map<(d0, d1) -> (0, 0, 0)>
#map1 = affine_map<(d0, d1) -> (0, 0)>
module attributes {stable_mosaic.version = 14 : i64} {
  func.func @_agg_body(%arg0: i32, %arg1: i32, %arg2: memref<2x50000x32xbf16, #tpu.memory_space<hbm>>, %arg3: memref<3200x256xi32, #tpu.memory_space<hbm>>, %arg4: memref<3200x256xi32, #tpu.memory_space<hbm>>, %arg5: memref<3136x32xbf16, #tpu.memory_space<hbm>>, %arg6: memref<2x50176x32xbf16, #tpu.memory_space<hbm>>, %arg7: memref<8x256xi32, #tpu.memory_space<vmem>>, %arg8: memref<8x256xi32, #tpu.memory_space<vmem>>, %arg9: memref<6x256x32xbf16, #tpu.memory_space<vmem>>, %arg10: memref<50000x32xbf16, #tpu.memory_space<vmem_shared>>, %arg11: memref<50176x32xbf16, #tpu.memory_space<vmem_shared>>, %arg12: memref<6x!tpu.dma_semaphore, #tpu.memory_space<semaphore_mem>>, %arg13: memref<6x!tpu.dma_semaphore, #tpu.memory_space<semaphore_mem>>) attributes {dimension_semantics = [#tpu.dimension_semantics<core_parallel>, #tpu.dimension_semantics<subcore_parallel>], iteration_bounds = array<i64: 2, 16>, scalar_prefetch = 0 : i64, scratch_operands = 7 : i64, tpu.core_type = #tpu.core_type<sc_vector_subcore>, window_params = [{transform_indices = #map}, {transform_indices = #map1}, {transform_indices = #map1}, {transform_indices = #map1}, {transform_indices = #map}]} {
    %mul3A = arith.constant 3136 : i32
    %mul3A_0 = arith.muli %arg1, %mul3A : i32
    "tpu.region"() ({
      %run_scoped3A = tpu.sem_alloc : memref<!tpu.dma_semaphore, #tpu.memory_space<semaphore_mem>>
      %dma_start3A = arith.constant 0 : i32
      %dma_start3A_17 = tpu.memref_slice %arg11[%mul3A_0, %dma_start3A] : memref<50176x32xbf16, #tpu.memory_space<vmem_shared>> -> memref<3136x32xbf16, #tpu.memory_space<vmem_shared>>
      tpu.enqueue_dma source(%arg5 : memref<3136x32xbf16, #tpu.memory_space<hbm>>) target(%dma_start3A_17 : memref<3136x32xbf16, #tpu.memory_space<vmem_shared>>) target_semaphore(%run_scoped3A : memref<!tpu.dma_semaphore, #tpu.memory_space<semaphore_mem>>)
      %dma_wait3A = arith.constant 0 : i32
      %dma_wait3A_18 = tpu.memref_slice %arg11[%mul3A_0, %dma_wait3A] : memref<50176x32xbf16, #tpu.memory_space<vmem_shared>> -> memref<3136x32xbf16, #tpu.memory_space<vmem_shared>>
      tpu.wait_dma2 semaphore(%run_scoped3A : memref<!tpu.dma_semaphore, #tpu.memory_space<semaphore_mem>>) src(%arg5 : memref<3136x32xbf16, #tpu.memory_space<hbm>>) dst(%dma_wait3A_18 : memref<3136x32xbf16, #tpu.memory_space<vmem_shared>>)
      tpu.yield
    }) : () -> ()
    %mul3A_1 = arith.constant 3125 : i32
    %mul3A_2 = arith.muli %arg1, %mul3A_1 : i32
    %mul3A_3 = arith.constant 3125 : i32
    %mul3A_4 = arith.muli %arg1, %mul3A_3 : i32
    "tpu.region"() ({
      %run_scoped3A = tpu.sem_alloc : memref<!tpu.dma_semaphore, #tpu.memory_space<semaphore_mem>>
      %dma_start3A = arith.constant 0 : i32
      %dma_start3A_17 = tpu.memref_slice %arg10[%mul3A_4, %dma_start3A] : memref<50000x32xbf16, #tpu.memory_space<vmem_shared>> -> memref<3125x32xbf16, #tpu.memory_space<vmem_shared>>
      %dma_start3A_18 = arith.constant 0 : i32
      %dma_start3A_19 = tpu.memref_slice %arg2[%arg0, %mul3A_2, %dma_start3A_18] : memref<2x50000x32xbf16, #tpu.memory_space<hbm>> -> memref<1x3125x32xbf16, #tpu.memory_space<hbm>>
      %dma_start3A_20 = tpu.memref_squeeze %dma_start3A_19 : memref<1x3125x32xbf16, #tpu.memory_space<hbm>> -> memref<3125x32xbf16, #tpu.memory_space<hbm>>
      tpu.enqueue_dma source(%dma_start3A_20 : memref<3125x32xbf16, #tpu.memory_space<hbm>>) target(%dma_start3A_17 : memref<3125x32xbf16, #tpu.memory_space<vmem_shared>>) target_semaphore(%run_scoped3A : memref<!tpu.dma_semaphore, #tpu.memory_space<semaphore_mem>>)
      %dma_wait3A = arith.constant 0 : i32
      %dma_wait3A_21 = tpu.memref_slice %arg10[%mul3A_4, %dma_wait3A] : memref<50000x32xbf16, #tpu.memory_space<vmem_shared>> -> memref<3125x32xbf16, #tpu.memory_space<vmem_shared>>
      %dma_wait3A_22 = arith.constant 0 : i32
      %dma_wait3A_23 = tpu.memref_slice %arg2[%arg0, %mul3A_2, %dma_wait3A_22] : memref<2x50000x32xbf16, #tpu.memory_space<hbm>> -> memref<1x3125x32xbf16, #tpu.memory_space<hbm>>
      %dma_wait3A_24 = tpu.memref_squeeze %dma_wait3A_23 : memref<1x3125x32xbf16, #tpu.memory_space<hbm>> -> memref<3125x32xbf16, #tpu.memory_space<hbm>>
      tpu.wait_dma2 semaphore(%run_scoped3A : memref<!tpu.dma_semaphore, #tpu.memory_space<semaphore_mem>>) src(%dma_wait3A_24 : memref<3125x32xbf16, #tpu.memory_space<hbm>>) dst(%dma_wait3A_21 : memref<3125x32xbf16, #tpu.memory_space<vmem_shared>>)
      tpu.yield
    }) : () -> ()
    %barrier3A = arith.constant 0 : index
    tpu.barrier barrier_id(%barrier3A)
    %mul3A_5 = arith.constant 200 : i32
    %mul3A_6 = arith.muli %arg1, %mul3A_5 : i32
    %scan3A = arith.constant 0 : i32
    %scan3A_7 = arith.constant 0 : i32
    %scan3A_8 = arith.constant 25 : i32
    %scan3A_9 = arith.addi %scan3A_7, %scan3A_8 : i32
    %scan3A_10 = arith.constant 1 : i32
    scf.for %scan3A_17 = %scan3A_7 to %scan3A_9 step %scan3A_10  : i32 {
      %mul3A_18 = arith.constant 8 : i32
      %mul3A_19 = arith.muli %scan3A_17, %mul3A_18 : i32
      %add3A = arith.addi %mul3A_6, %mul3A_19 : i32
      "tpu.region"() ({
        %run_scoped3A = tpu.sem_alloc : memref<!tpu.dma_semaphore, #tpu.memory_space<semaphore_mem>>
        %dma_start3A_498 = arith.constant 0 : i32
        %dma_start3A_499 = tpu.memref_slice %arg3[%add3A, %dma_start3A_498] : memref<3200x256xi32, #tpu.memory_space<hbm>> -> memref<8x256xi32, #tpu.memory_space<hbm>>
        %dma_start3A_500 = arith.constant 0 : i32
        %dma_start3A_501 = tpu.memref_slice %arg3[%add3A, %dma_start3A_500] : memref<3200x256xi32, #tpu.memory_space<hbm>> -> memref<8x256xi32, #tpu.memory_space<hbm>>
        tpu.enqueue_dma source(%dma_start3A_501 : memref<8x256xi32, #tpu.memory_space<hbm>>) target(%arg7 : memref<8x256xi32, #tpu.memory_space<vmem>>) target_semaphore(%run_scoped3A : memref<!tpu.dma_semaphore, #tpu.memory_space<semaphore_mem>>)
        %dma_wait3A_502 = arith.constant 0 : i32
        %dma_wait3A_503 = tpu.memref_slice %arg3[%add3A, %dma_wait3A_502] : memref<3200x256xi32, #tpu.memory_space<hbm>> -> memref<8x256xi32, #tpu.memory_space<hbm>>
        %dma_wait3A_504 = arith.constant 0 : i32
        %dma_wait3A_505 = tpu.memref_slice %arg3[%add3A, %dma_wait3A_504] : memref<3200x256xi32, #tpu.memory_space<hbm>> -> memref<8x256xi32, #tpu.memory_space<hbm>>
        tpu.wait_dma2 semaphore(%run_scoped3A : memref<!tpu.dma_semaphore, #tpu.memory_space<semaphore_mem>>) src(%dma_wait3A_505 : memref<8x256xi32, #tpu.memory_space<hbm>>) dst(%arg7 : memref<8x256xi32, #tpu.memory_space<vmem>>)
        tpu.yield
      }) : () -> ()
      "tpu.region"() ({
        %run_scoped3A = tpu.sem_alloc : memref<!tpu.dma_semaphore, #tpu.memory_space<semaphore_mem>>
        %dma_start3A_498 = arith.constant 0 : i32
        %dma_start3A_499 = tpu.memref_slice %arg4[%add3A, %dma_start3A_498] : memref<3200x256xi32, #tpu.memory_space<hbm>> -> memref<8x256xi32, #tpu.memory_space<hbm>>
        %dma_start3A_500 = arith.constant 0 : i32
        %dma_start3A_501 = tpu.memref_slice %arg4[%add3A, %dma_start3A_500] : memref<3200x256xi32, #tpu.memory_space<hbm>> -> memref<8x256xi32, #tpu.memory_space<hbm>>
        tpu.enqueue_dma source(%dma_start3A_501 : memref<8x256xi32, #tpu.memory_space<hbm>>) target(%arg8 : memref<8x256xi32, #tpu.memory_space<vmem>>) target_semaphore(%run_scoped3A : memref<!tpu.dma_semaphore, #tpu.memory_space<semaphore_mem>>)
        %dma_wait3A_502 = arith.constant 0 : i32
        %dma_wait3A_503 = tpu.memref_slice %arg4[%add3A, %dma_wait3A_502] : memref<3200x256xi32, #tpu.memory_space<hbm>> -> memref<8x256xi32, #tpu.memory_space<hbm>>
        %dma_wait3A_504 = arith.constant 0 : i32
        %dma_wait3A_505 = tpu.memref_slice %arg4[%add3A, %dma_wait3A_504] : memref<3200x256xi32, #tpu.memory_space<hbm>> -> memref<8x256xi32, #tpu.memory_space<hbm>>
        tpu.wait_dma2 semaphore(%run_scoped3A : memref<!tpu.dma_semaphore, #tpu.memory_space<semaphore_mem>>) src(%dma_wait3A_505 : memref<8x256xi32, #tpu.memory_space<hbm>>) dst(%arg8 : memref<8x256xi32, #tpu.memory_space<vmem>>)
        tpu.yield
      }) : () -> ()
      %dma_start3A = arith.constant 0 : i32
      %dma_start3A_20 = arith.constant 0 : i32
      %dma_start3A_21 = arith.constant 0 : i32
      %dma_start3A_22 = arith.constant 0 : i32
      %dma_start3A_23 = arith.constant 0 : i32
      %dma_start3A_24 = tpu.memref_slice %arg9[%dma_start3A_20, %dma_start3A_22, %dma_start3A_23] : memref<6x256x32xbf16, #tpu.memory_space<vmem>> -> memref<1x256x32xbf16, #tpu.memory_space<vmem>>
      %dma_start3A_25 = tpu.memref_squeeze %dma_start3A_24 : memref<1x256x32xbf16, #tpu.memory_space<vmem>> -> memref<256x32xbf16, #tpu.memory_space<vmem>>
      %dma_start3A_26 = arith.constant 0 : i32
      %dma_start3A_27 = tpu.memref_slice %arg7[%dma_start3A, %dma_start3A_26] : memref<8x256xi32, #tpu.memory_space<vmem>> -> memref<1x256xi32, #tpu.memory_space<vmem>>
      %dma_start3A_28 = tpu.memref_squeeze %dma_start3A_27 : memref<1x256xi32, #tpu.memory_space<vmem>> -> memref<256xi32, #tpu.memory_space<vmem>>
      %dma_start3A_29 = arith.constant 0 : i32
      %dma_start3A_30 = arith.constant 0 : i32
      %dma_start3A_31 = tpu.memref_slice %arg10[%dma_start3A_29, %dma_start3A_30] : memref<50000x32xbf16, #tpu.memory_space<vmem_shared>> -> memref<50000x32xbf16, #tpu.memory_space<vmem_shared>>
      %dma_start3A_32 = tpu.memref_slice %arg12[%dma_start3A_21] : memref<6x!tpu.dma_semaphore, #tpu.memory_space<semaphore_mem>> -> memref<1x!tpu.dma_semaphore, #tpu.memory_space<semaphore_mem>>
      %dma_start3A_33 = tpu.memref_squeeze %dma_start3A_32 : memref<1x!tpu.dma_semaphore, #tpu.memory_space<semaphore_mem>> -> memref<!tpu.dma_semaphore, #tpu.memory_space<semaphore_mem>>
      tpu.enqueue_indirect_dma source(%dma_start3A_31 : memref<50000x32xbf16, #tpu.memory_space<vmem_shared>>) target(%dma_start3A_25 : memref<256x32xbf16, #tpu.memory_space<vmem>>) offsets(%dma_start3A_28 : memref<256xi32, #tpu.memory_space<vmem>>) semaphore(%dma_start3A_33 : memref<!tpu.dma_semaphore, #tpu.memory_space<semaphore_mem>>)
      %dma_start3A_34 = arith.constant 1 : i32
      %dma_start3A_35 = arith.constant 1 : i32
      %dma_start3A_36 = arith.constant 1 : i32
      %dma_start3A_37 = arith.constant 0 : i32
      %dma_start3A_38 = arith.constant 0 : i32
      %dma_start3A_39 = tpu.memref_slice %arg9[%dma_start3A_35, %dma_start3A_37, %dma_start3A_38] : memref<6x256x32xbf16, #tpu.memory_space<vmem>> -> memref<1x256x32xbf16, #tpu.memory_space<vmem>>
      %dma_start3A_40 = tpu.memref_squeeze %dma_start3A_39 : memref<1x256x32xbf16, #tpu.memory_space<vmem>> -> memref<256x32xbf16, #tpu.memory_space<vmem>>
      %dma_start3A_41 = arith.constant 0 : i32
      %dma_start3A_42 = tpu.memref_slice %arg7[%dma_start3A_34, %dma_start3A_41] : memref<8x256xi32, #tpu.memory_space<vmem>> -> memref<1x256xi32, #tpu.memory_space<vmem>>
      %dma_start3A_43 = tpu.memref_squeeze %dma_start3A_42 : memref<1x256xi32, #tpu.memory_space<vmem>> -> memref<256xi32, #tpu.memory_space<vmem>>
      %dma_start3A_44 = arith.constant 0 : i32
      %dma_start3A_45 = arith.constant 0 : i32
      %dma_start3A_46 = tpu.memref_slice %arg10[%dma_start3A_44, %dma_start3A_45] : memref<50000x32xbf16, #tpu.memory_space<vmem_shared>> -> memref<50000x32xbf16, #tpu.memory_space<vmem_shared>>
      %dma_start3A_47 = tpu.memref_slice %arg12[%dma_start3A_36] : memref<6x!tpu.dma_semaphore, #tpu.memory_space<semaphore_mem>> -> memref<1x!tpu.dma_semaphore, #tpu.memory_space<semaphore_mem>>
      %dma_start3A_48 = tpu.memref_squeeze %dma_start3A_47 : memref<1x!tpu.dma_semaphore, #tpu.memory_space<semaphore_mem>> -> memref<!tpu.dma_semaphore, #tpu.memory_space<semaphore_mem>>
      tpu.enqueue_indirect_dma source(%dma_start3A_46 : memref<50000x32xbf16, #tpu.memory_space<vmem_shared>>) target(%dma_start3A_40 : memref<256x32xbf16, #tpu.memory_space<vmem>>) offsets(%dma_start3A_43 : memref<256xi32, #tpu.memory_space<vmem>>) semaphore(%dma_start3A_48 : memref<!tpu.dma_semaphore, #tpu.memory_space<semaphore_mem>>)
      %dma_start3A_49 = arith.constant 2 : i32
      %dma_start3A_50 = arith.constant 2 : i32
      %dma_start3A_51 = arith.constant 2 : i32
      %dma_start3A_52 = arith.constant 0 : i32
      %dma_start3A_53 = arith.constant 0 : i32
      %dma_start3A_54 = tpu.memref_slice %arg9[%dma_start3A_50, %dma_start3A_52, %dma_start3A_53] : memref<6x256x32xbf16, #tpu.memory_space<vmem>> -> memref<1x256x32xbf16, #tpu.memory_space<vmem>>
      %dma_start3A_55 = tpu.memref_squeeze %dma_start3A_54 : memref<1x256x32xbf16, #tpu.memory_space<vmem>> -> memref<256x32xbf16, #tpu.memory_space<vmem>>
      %dma_start3A_56 = arith.constant 0 : i32
      %dma_start3A_57 = tpu.memref_slice %arg7[%dma_start3A_49, %dma_start3A_56] : memref<8x256xi32, #tpu.memory_space<vmem>> -> memref<1x256xi32, #tpu.memory_space<vmem>>
      %dma_start3A_58 = tpu.memref_squeeze %dma_start3A_57 : memref<1x256xi32, #tpu.memory_space<vmem>> -> memref<256xi32, #tpu.memory_space<vmem>>
      %dma_start3A_59 = arith.constant 0 : i32
      %dma_start3A_60 = arith.constant 0 : i32
      %dma_start3A_61 = tpu.memref_slice %arg10[%dma_start3A_59, %dma_start3A_60] : memref<50000x32xbf16, #tpu.memory_space<vmem_shared>> -> memref<50000x32xbf16, #tpu.memory_space<vmem_shared>>
      %dma_start3A_62 = tpu.memref_slice %arg12[%dma_start3A_51] : memref<6x!tpu.dma_semaphore, #tpu.memory_space<semaphore_mem>> -> memref<1x!tpu.dma_semaphore, #tpu.memory_space<semaphore_mem>>
      %dma_start3A_63 = tpu.memref_squeeze %dma_start3A_62 : memref<1x!tpu.dma_semaphore, #tpu.memory_space<semaphore_mem>> -> memref<!tpu.dma_semaphore, #tpu.memory_space<semaphore_mem>>
      tpu.enqueue_indirect_dma source(%dma_start3A_61 : memref<50000x32xbf16, #tpu.memory_space<vmem_shared>>) target(%dma_start3A_55 : memref<256x32xbf16, #tpu.memory_space<vmem>>) offsets(%dma_start3A_58 : memref<256xi32, #tpu.memory_space<vmem>>) semaphore(%dma_start3A_63 : memref<!tpu.dma_semaphore, #tpu.memory_space<semaphore_mem>>)
      %dma_start3A_64 = arith.constant 3 : i32
      %dma_start3A_65 = arith.constant 3 : i32
      %dma_start3A_66 = arith.constant 3 : i32
      %dma_start3A_67 = arith.constant 0 : i32
      %dma_start3A_68 = arith.constant 0 : i32
      %dma_start3A_69 = tpu.memref_slice %arg9[%dma_start3A_65, %dma_start3A_67, %dma_start3A_68] : memref<6x256x32xbf16, #tpu.memory_space<vmem>> -> memref<1x256x32xbf16, #tpu.memory_space<vmem>>
      %dma_start3A_70 = tpu.memref_squeeze %dma_start3A_69 : memref<1x256x32xbf16, #tpu.memory_space<vmem>> -> memref<256x32xbf16, #tpu.memory_space<vmem>>
      %dma_start3A_71 = arith.constant 0 : i32
      %dma_start3A_72 = tpu.memref_slice %arg7[%dma_start3A_64, %dma_start3A_71] : memref<8x256xi32, #tpu.memory_space<vmem>> -> memref<1x256xi32, #tpu.memory_space<vmem>>
      %dma_start3A_73 = tpu.memref_squeeze %dma_start3A_72 : memref<1x256xi32, #tpu.memory_space<vmem>> -> memref<256xi32, #tpu.memory_space<vmem>>
      %dma_start3A_74 = arith.constant 0 : i32
      %dma_start3A_75 = arith.constant 0 : i32
      %dma_start3A_76 = tpu.memref_slice %arg10[%dma_start3A_74, %dma_start3A_75] : memref<50000x32xbf16, #tpu.memory_space<vmem_shared>> -> memref<50000x32xbf16, #tpu.memory_space<vmem_shared>>
      %dma_start3A_77 = tpu.memref_slice %arg12[%dma_start3A_66] : memref<6x!tpu.dma_semaphore, #tpu.memory_space<semaphore_mem>> -> memref<1x!tpu.dma_semaphore, #tpu.memory_space<semaphore_mem>>
      %dma_start3A_78 = tpu.memref_squeeze %dma_start3A_77 : memref<1x!tpu.dma_semaphore, #tpu.memory_space<semaphore_mem>> -> memref<!tpu.dma_semaphore, #tpu.memory_space<semaphore_mem>>
      tpu.enqueue_indirect_dma source(%dma_start3A_76 : memref<50000x32xbf16, #tpu.memory_space<vmem_shared>>) target(%dma_start3A_70 : memref<256x32xbf16, #tpu.memory_space<vmem>>) offsets(%dma_start3A_73 : memref<256xi32, #tpu.memory_space<vmem>>) semaphore(%dma_start3A_78 : memref<!tpu.dma_semaphore, #tpu.memory_space<semaphore_mem>>)
      %dma_wait3A = arith.constant 0 : i32
      %dma_wait3A_79 = arith.constant 0 : i32
      %dma_wait3A_80 = arith.constant 0 : i32
      %dma_wait3A_81 = arith.constant 0 : i32
      %dma_wait3A_82 = arith.constant 0 : i32
      %dma_wait3A_83 = tpu.memref_slice %arg9[%dma_wait3A_79, %dma_wait3A_81, %dma_wait3A_82] : memref<6x256x32xbf16, #tpu.memory_space<vmem>> -> memref<1x256x32xbf16, #tpu.memory_space<vmem>>
      %dma_wait3A_84 = tpu.memref_squeeze %dma_wait3A_83 : memref<1x256x32xbf16, #tpu.memory_space<vmem>> -> memref<256x32xbf16, #tpu.memory_space<vmem>>
      %dma_wait3A_85 = arith.constant 0 : i32
      %dma_wait3A_86 = tpu.memref_slice %arg7[%dma_wait3A, %dma_wait3A_85] : memref<8x256xi32, #tpu.memory_space<vmem>> -> memref<1x256xi32, #tpu.memory_space<vmem>>
      %dma_wait3A_87 = tpu.memref_squeeze %dma_wait3A_86 : memref<1x256xi32, #tpu.memory_space<vmem>> -> memref<256xi32, #tpu.memory_space<vmem>>
      %dma_wait3A_88 = arith.constant 0 : i32
      %dma_wait3A_89 = arith.constant 0 : i32
      %dma_wait3A_90 = tpu.memref_slice %arg10[%dma_wait3A_88, %dma_wait3A_89] : memref<50000x32xbf16, #tpu.memory_space<vmem_shared>> -> memref<50000x32xbf16, #tpu.memory_space<vmem_shared>>
      %dma_wait3A_91 = tpu.memref_slice %arg12[%dma_wait3A_80] : memref<6x!tpu.dma_semaphore, #tpu.memory_space<semaphore_mem>> -> memref<1x!tpu.dma_semaphore, #tpu.memory_space<semaphore_mem>>
      %dma_wait3A_92 = tpu.memref_squeeze %dma_wait3A_91 : memref<1x!tpu.dma_semaphore, #tpu.memory_space<semaphore_mem>> -> memref<!tpu.dma_semaphore, #tpu.memory_space<semaphore_mem>>
      tpu.wait_indirect_dma semaphore(%dma_wait3A_92 : memref<!tpu.dma_semaphore, #tpu.memory_space<semaphore_mem>>) src(%dma_wait3A_90 : memref<50000x32xbf16, #tpu.memory_space<vmem_shared>>) dst(%dma_wait3A_84 : memref<256x32xbf16, #tpu.memory_space<vmem>>)
      %dma_start3A_93 = arith.constant 0 : i32
      %dma_start3A_94 = arith.constant 0 : i32
      %dma_start3A_95 = arith.constant 0 : i32
      %dma_start3A_96 = arith.constant 0 : i32
      %dma_start3A_97 = arith.constant 0 : i32
      %dma_start3A_98 = tpu.memref_slice %arg9[%dma_start3A_93, %dma_start3A_96, %dma_start3A_97] : memref<6x256x32xbf16, #tpu.memory_space<vmem>> -> memref<1x256x32xbf16, #tpu.memory_space<vmem>>
      %dma_start3A_99 = tpu.memref_squeeze %dma_start3A_98 : memref<1x256x32xbf16, #tpu.memory_space<vmem>> -> memref<256x32xbf16, #tpu.memory_space<vmem>>
      %dma_start3A_100 = arith.constant 0 : i32
      %dma_start3A_101 = tpu.memref_slice %arg8[%dma_start3A_94, %dma_start3A_100] : memref<8x256xi32, #tpu.memory_space<vmem>> -> memref<1x256xi32, #tpu.memory_space<vmem>>
      %dma_start3A_102 = tpu.memref_squeeze %dma_start3A_101 : memref<1x256xi32, #tpu.memory_space<vmem>> -> memref<256xi32, #tpu.memory_space<vmem>>
      %dma_start3A_103 = arith.constant 0 : i32
      %dma_start3A_104 = arith.constant 0 : i32
      %dma_start3A_105 = tpu.memref_slice %arg11[%dma_start3A_103, %dma_start3A_104] : memref<50176x32xbf16, #tpu.memory_space<vmem_shared>> -> memref<50176x32xbf16, #tpu.memory_space<vmem_shared>>
      %dma_start3A_106 = tpu.memref_slice %arg13[%dma_start3A_95] : memref<6x!tpu.dma_semaphore, #tpu.memory_space<semaphore_mem>> -> memref<1x!tpu.dma_semaphore, #tpu.memory_space<semaphore_mem>>
      %dma_start3A_107 = tpu.memref_squeeze %dma_start3A_106 : memref<1x!tpu.dma_semaphore, #tpu.memory_space<semaphore_mem>> -> memref<!tpu.dma_semaphore, #tpu.memory_space<semaphore_mem>>
      tpu.enqueue_indirect_dma source(%dma_start3A_99 : memref<256x32xbf16, #tpu.memory_space<vmem>>) target(%dma_start3A_105 : memref<50176x32xbf16, #tpu.memory_space<vmem_shared>>) offsets(%dma_start3A_102 : memref<256xi32, #tpu.memory_space<vmem>>) semaphore(%dma_start3A_107 : memref<!tpu.dma_semaphore, #tpu.memory_space<semaphore_mem>>) {add = true}
      %dma_start3A_108 = arith.constant 4 : i32
      %dma_start3A_109 = arith.constant 4 : i32
      %dma_start3A_110 = arith.constant 4 : i32
      %dma_start3A_111 = arith.constant 0 : i32
      %dma_start3A_112 = arith.constant 0 : i32
      %dma_start3A_113 = tpu.memref_slice %arg9[%dma_start3A_109, %dma_start3A_111, %dma_start3A_112] : memref<6x256x32xbf16, #tpu.memory_space<vmem>> -> memref<1x256x32xbf16, #tpu.memory_space<vmem>>
      %dma_start3A_114 = tpu.memref_squeeze %dma_start3A_113 : memref<1x256x32xbf16, #tpu.memory_space<vmem>> -> memref<256x32xbf16, #tpu.memory_space<vmem>>
      %dma_start3A_115 = arith.constant 0 : i32
      %dma_start3A_116 = tpu.memref_slice %arg7[%dma_start3A_108, %dma_start3A_115] : memref<8x256xi32, #tpu.memory_space<vmem>> -> memref<1x256xi32, #tpu.memory_space<vmem>>
      %dma_start3A_117 = tpu.memref_squeeze %dma_start3A_116 : memref<1x256xi32, #tpu.memory_space<vmem>> -> memref<256xi32, #tpu.memory_space<vmem>>
      %dma_start3A_118 = arith.constant 0 : i32
      %dma_start3A_119 = arith.constant 0 : i32
      %dma_start3A_120 = tpu.memref_slice %arg10[%dma_start3A_118, %dma_start3A_119] : memref<50000x32xbf16, #tpu.memory_space<vmem_shared>> -> memref<50000x32xbf16, #tpu.memory_space<vmem_shared>>
      %dma_start3A_121 = tpu.memref_slice %arg12[%dma_start3A_110] : memref<6x!tpu.dma_semaphore, #tpu.memory_space<semaphore_mem>> -> memref<1x!tpu.dma_semaphore, #tpu.memory_space<semaphore_mem>>
      %dma_start3A_122 = tpu.memref_squeeze %dma_start3A_121 : memref<1x!tpu.dma_semaphore, #tpu.memory_space<semaphore_mem>> -> memref<!tpu.dma_semaphore, #tpu.memory_space<semaphore_mem>>
      tpu.enqueue_indirect_dma source(%dma_start3A_120 : memref<50000x32xbf16, #tpu.memory_space<vmem_shared>>) target(%dma_start3A_114 : memref<256x32xbf16, #tpu.memory_space<vmem>>) offsets(%dma_start3A_117 : memref<256xi32, #tpu.memory_space<vmem>>) semaphore(%dma_start3A_122 : memref<!tpu.dma_semaphore, #tpu.memory_space<semaphore_mem>>)
      %dma_wait3A_123 = arith.constant 1 : i32
      %dma_wait3A_124 = arith.constant 1 : i32
      %dma_wait3A_125 = arith.constant 1 : i32
      %dma_wait3A_126 = arith.constant 0 : i32
      %dma_wait3A_127 = arith.constant 0 : i32
      %dma_wait3A_128 = tpu.memref_slice %arg9[%dma_wait3A_124, %dma_wait3A_126, %dma_wait3A_127] : memref<6x256x32xbf16, #tpu.memory_space<vmem>> -> memref<1x256x32xbf16, #tpu.memory_space<vmem>>
      %dma_wait3A_129 = tpu.memref_squeeze %dma_wait3A_128 : memref<1x256x32xbf16, #tpu.memory_space<vmem>> -> memref<256x32xbf16, #tpu.memory_space<vmem>>
      %dma_wait3A_130 = arith.constant 0 : i32
      %dma_wait3A_131 = tpu.memref_slice %arg7[%dma_wait3A_123, %dma_wait3A_130] : memref<8x256xi32, #tpu.memory_space<vmem>> -> memref<1x256xi32, #tpu.memory_space<vmem>>
      %dma_wait3A_132 = tpu.memref_squeeze %dma_wait3A_131 : memref<1x256xi32, #tpu.memory_space<vmem>> -> memref<256xi32, #tpu.memory_space<vmem>>
      %dma_wait3A_133 = arith.constant 0 : i32
      %dma_wait3A_134 = arith.constant 0 : i32
      %dma_wait3A_135 = tpu.memref_slice %arg10[%dma_wait3A_133, %dma_wait3A_134] : memref<50000x32xbf16, #tpu.memory_space<vmem_shared>> -> memref<50000x32xbf16, #tpu.memory_space<vmem_shared>>
      %dma_wait3A_136 = tpu.memref_slice %arg12[%dma_wait3A_125] : memref<6x!tpu.dma_semaphore, #tpu.memory_space<semaphore_mem>> -> memref<1x!tpu.dma_semaphore, #tpu.memory_space<semaphore_mem>>
      %dma_wait3A_137 = tpu.memref_squeeze %dma_wait3A_136 : memref<1x!tpu.dma_semaphore, #tpu.memory_space<semaphore_mem>> -> memref<!tpu.dma_semaphore, #tpu.memory_space<semaphore_mem>>
      tpu.wait_indirect_dma semaphore(%dma_wait3A_137 : memref<!tpu.dma_semaphore, #tpu.memory_space<semaphore_mem>>) src(%dma_wait3A_135 : memref<50000x32xbf16, #tpu.memory_space<vmem_shared>>) dst(%dma_wait3A_129 : memref<256x32xbf16, #tpu.memory_space<vmem>>)
      %dma_start3A_138 = arith.constant 1 : i32
      %dma_start3A_139 = arith.constant 1 : i32
      %dma_start3A_140 = arith.constant 1 : i32
      %dma_start3A_141 = arith.constant 0 : i32
      %dma_start3A_142 = arith.constant 0 : i32
      %dma_start3A_143 = tpu.memref_slice %arg9[%dma_start3A_138, %dma_start3A_141, %dma_start3A_142] : memref<6x256x32xbf16, #tpu.memory_space<vmem>> -> memref<1x256x32xbf16, #tpu.memory_space<vmem>>
      %dma_start3A_144 = tpu.memref_squeeze %dma_start3A_143 : memref<1x256x32xbf16, #tpu.memory_space<vmem>> -> memref<256x32xbf16, #tpu.memory_space<vmem>>
      %dma_start3A_145 = arith.constant 0 : i32
      %dma_start3A_146 = tpu.memref_slice %arg8[%dma_start3A_139, %dma_start3A_145] : memref<8x256xi32, #tpu.memory_space<vmem>> -> memref<1x256xi32, #tpu.memory_space<vmem>>
      %dma_start3A_147 = tpu.memref_squeeze %dma_start3A_146 : memref<1x256xi32, #tpu.memory_space<vmem>> -> memref<256xi32, #tpu.memory_space<vmem>>
      %dma_start3A_148 = arith.constant 0 : i32
      %dma_start3A_149 = arith.constant 0 : i32
      %dma_start3A_150 = tpu.memref_slice %arg11[%dma_start3A_148, %dma_start3A_149] : memref<50176x32xbf16, #tpu.memory_space<vmem_shared>> -> memref<50176x32xbf16, #tpu.memory_space<vmem_shared>>
      %dma_start3A_151 = tpu.memref_slice %arg13[%dma_start3A_140] : memref<6x!tpu.dma_semaphore, #tpu.memory_space<semaphore_mem>> -> memref<1x!tpu.dma_semaphore, #tpu.memory_space<semaphore_mem>>
      %dma_start3A_152 = tpu.memref_squeeze %dma_start3A_151 : memref<1x!tpu.dma_semaphore, #tpu.memory_space<semaphore_mem>> -> memref<!tpu.dma_semaphore, #tpu.memory_space<semaphore_mem>>
      tpu.enqueue_indirect_dma source(%dma_start3A_144 : memref<256x32xbf16, #tpu.memory_space<vmem>>) target(%dma_start3A_150 : memref<50176x32xbf16, #tpu.memory_space<vmem_shared>>) offsets(%dma_start3A_147 : memref<256xi32, #tpu.memory_space<vmem>>) semaphore(%dma_start3A_152 : memref<!tpu.dma_semaphore, #tpu.memory_space<semaphore_mem>>) {add = true}
      %dma_start3A_153 = arith.constant 5 : i32
      %dma_start3A_154 = arith.constant 5 : i32
      %dma_start3A_155 = arith.constant 5 : i32
      %dma_start3A_156 = arith.constant 0 : i32
      %dma_start3A_157 = arith.constant 0 : i32
      %dma_start3A_158 = tpu.memref_slice %arg9[%dma_start3A_154, %dma_start3A_156, %dma_start3A_157] : memref<6x256x32xbf16, #tpu.memory_space<vmem>> -> memref<1x256x32xbf16, #tpu.memory_space<vmem>>
      %dma_start3A_159 = tpu.memref_squeeze %dma_start3A_158 : memref<1x256x32xbf16, #tpu.memory_space<vmem>> -> memref<256x32xbf16, #tpu.memory_space<vmem>>
      %dma_start3A_160 = arith.constant 0 : i32
      %dma_start3A_161 = tpu.memref_slice %arg7[%dma_start3A_153, %dma_start3A_160] : memref<8x256xi32, #tpu.memory_space<vmem>> -> memref<1x256xi32, #tpu.memory_space<vmem>>
      %dma_start3A_162 = tpu.memref_squeeze %dma_start3A_161 : memref<1x256xi32, #tpu.memory_space<vmem>> -> memref<256xi32, #tpu.memory_space<vmem>>
      %dma_start3A_163 = arith.constant 0 : i32
      %dma_start3A_164 = arith.constant 0 : i32
      %dma_start3A_165 = tpu.memref_slice %arg10[%dma_start3A_163, %dma_start3A_164] : memref<50000x32xbf16, #tpu.memory_space<vmem_shared>> -> memref<50000x32xbf16, #tpu.memory_space<vmem_shared>>
      %dma_start3A_166 = tpu.memref_slice %arg12[%dma_start3A_155] : memref<6x!tpu.dma_semaphore, #tpu.memory_space<semaphore_mem>> -> memref<1x!tpu.dma_semaphore, #tpu.memory_space<semaphore_mem>>
      %dma_start3A_167 = tpu.memref_squeeze %dma_start3A_166 : memref<1x!tpu.dma_semaphore, #tpu.memory_space<semaphore_mem>> -> memref<!tpu.dma_semaphore, #tpu.memory_space<semaphore_mem>>
      tpu.enqueue_indirect_dma source(%dma_start3A_165 : memref<50000x32xbf16, #tpu.memory_space<vmem_shared>>) target(%dma_start3A_159 : memref<256x32xbf16, #tpu.memory_space<vmem>>) offsets(%dma_start3A_162 : memref<256xi32, #tpu.memory_space<vmem>>) semaphore(%dma_start3A_167 : memref<!tpu.dma_semaphore, #tpu.memory_space<semaphore_mem>>)
      %dma_wait3A_168 = arith.constant 2 : i32
      %dma_wait3A_169 = arith.constant 2 : i32
      %dma_wait3A_170 = arith.constant 2 : i32
      %dma_wait3A_171 = arith.constant 0 : i32
      %dma_wait3A_172 = arith.constant 0 : i32
      %dma_wait3A_173 = tpu.memref_slice %arg9[%dma_wait3A_169, %dma_wait3A_171, %dma_wait3A_172] : memref<6x256x32xbf16, #tpu.memory_space<vmem>> -> memref<1x256x32xbf16, #tpu.memory_space<vmem>>
      %dma_wait3A_174 = tpu.memref_squeeze %dma_wait3A_173 : memref<1x256x32xbf16, #tpu.memory_space<vmem>> -> memref<256x32xbf16, #tpu.memory_space<vmem>>
      %dma_wait3A_175 = arith.constant 0 : i32
      %dma_wait3A_176 = tpu.memref_slice %arg7[%dma_wait3A_168, %dma_wait3A_175] : memref<8x256xi32, #tpu.memory_space<vmem>> -> memref<1x256xi32, #tpu.memory_space<vmem>>
      %dma_wait3A_177 = tpu.memref_squeeze %dma_wait3A_176 : memref<1x256xi32, #tpu.memory_space<vmem>> -> memref<256xi32, #tpu.memory_space<vmem>>
      %dma_wait3A_178 = arith.constant 0 : i32
      %dma_wait3A_179 = arith.constant 0 : i32
      %dma_wait3A_180 = tpu.memref_slice %arg10[%dma_wait3A_178, %dma_wait3A_179] : memref<50000x32xbf16, #tpu.memory_space<vmem_shared>> -> memref<50000x32xbf16, #tpu.memory_space<vmem_shared>>
      %dma_wait3A_181 = tpu.memref_slice %arg12[%dma_wait3A_170] : memref<6x!tpu.dma_semaphore, #tpu.memory_space<semaphore_mem>> -> memref<1x!tpu.dma_semaphore, #tpu.memory_space<semaphore_mem>>
      %dma_wait3A_182 = tpu.memref_squeeze %dma_wait3A_181 : memref<1x!tpu.dma_semaphore, #tpu.memory_space<semaphore_mem>> -> memref<!tpu.dma_semaphore, #tpu.memory_space<semaphore_mem>>
      tpu.wait_indirect_dma semaphore(%dma_wait3A_182 : memref<!tpu.dma_semaphore, #tpu.memory_space<semaphore_mem>>) src(%dma_wait3A_180 : memref<50000x32xbf16, #tpu.memory_space<vmem_shared>>) dst(%dma_wait3A_174 : memref<256x32xbf16, #tpu.memory_space<vmem>>)
      %dma_start3A_183 = arith.constant 2 : i32
      %dma_start3A_184 = arith.constant 2 : i32
      %dma_start3A_185 = arith.constant 2 : i32
      %dma_start3A_186 = arith.constant 0 : i32
      %dma_start3A_187 = arith.constant 0 : i32
      %dma_start3A_188 = tpu.memref_slice %arg9[%dma_start3A_183, %dma_start3A_186, %dma_start3A_187] : memref<6x256x32xbf16, #tpu.memory_space<vmem>> -> memref<1x256x32xbf16, #tpu.memory_space<vmem>>
      %dma_start3A_189 = tpu.memref_squeeze %dma_start3A_188 : memref<1x256x32xbf16, #tpu.memory_space<vmem>> -> memref<256x32xbf16, #tpu.memory_space<vmem>>
      %dma_start3A_190 = arith.constant 0 : i32
      %dma_start3A_191 = tpu.memref_slice %arg8[%dma_start3A_184, %dma_start3A_190] : memref<8x256xi32, #tpu.memory_space<vmem>> -> memref<1x256xi32, #tpu.memory_space<vmem>>
      %dma_start3A_192 = tpu.memref_squeeze %dma_start3A_191 : memref<1x256xi32, #tpu.memory_space<vmem>> -> memref<256xi32, #tpu.memory_space<vmem>>
      %dma_start3A_193 = arith.constant 0 : i32
      %dma_start3A_194 = arith.constant 0 : i32
      %dma_start3A_195 = tpu.memref_slice %arg11[%dma_start3A_193, %dma_start3A_194] : memref<50176x32xbf16, #tpu.memory_space<vmem_shared>> -> memref<50176x32xbf16, #tpu.memory_space<vmem_shared>>
      %dma_start3A_196 = tpu.memref_slice %arg13[%dma_start3A_185] : memref<6x!tpu.dma_semaphore, #tpu.memory_space<semaphore_mem>> -> memref<1x!tpu.dma_semaphore, #tpu.memory_space<semaphore_mem>>
      %dma_start3A_197 = tpu.memref_squeeze %dma_start3A_196 : memref<1x!tpu.dma_semaphore, #tpu.memory_space<semaphore_mem>> -> memref<!tpu.dma_semaphore, #tpu.memory_space<semaphore_mem>>
      tpu.enqueue_indirect_dma source(%dma_start3A_189 : memref<256x32xbf16, #tpu.memory_space<vmem>>) target(%dma_start3A_195 : memref<50176x32xbf16, #tpu.memory_space<vmem_shared>>) offsets(%dma_start3A_192 : memref<256xi32, #tpu.memory_space<vmem>>) semaphore(%dma_start3A_197 : memref<!tpu.dma_semaphore, #tpu.memory_space<semaphore_mem>>) {add = true}
      %dma_wait3A_198 = arith.constant 0 : i32
      %dma_wait3A_199 = arith.constant 0 : i32
      %dma_wait3A_200 = arith.constant 0 : i32
      %dma_wait3A_201 = arith.constant 0 : i32
      %dma_wait3A_202 = arith.constant 0 : i32
      %dma_wait3A_203 = tpu.memref_slice %arg9[%dma_wait3A_198, %dma_wait3A_201, %dma_wait3A_202] : memref<6x256x32xbf16, #tpu.memory_space<vmem>> -> memref<1x256x32xbf16, #tpu.memory_space<vmem>>
      %dma_wait3A_204 = tpu.memref_squeeze %dma_wait3A_203 : memref<1x256x32xbf16, #tpu.memory_space<vmem>> -> memref<256x32xbf16, #tpu.memory_space<vmem>>
      %dma_wait3A_205 = arith.constant 0 : i32
      %dma_wait3A_206 = tpu.memref_slice %arg8[%dma_wait3A_199, %dma_wait3A_205] : memref<8x256xi32, #tpu.memory_space<vmem>> -> memref<1x256xi32, #tpu.memory_space<vmem>>
      %dma_wait3A_207 = tpu.memref_squeeze %dma_wait3A_206 : memref<1x256xi32, #tpu.memory_space<vmem>> -> memref<256xi32, #tpu.memory_space<vmem>>
      %dma_wait3A_208 = arith.constant 0 : i32
      %dma_wait3A_209 = arith.constant 0 : i32
      %dma_wait3A_210 = tpu.memref_slice %arg11[%dma_wait3A_208, %dma_wait3A_209] : memref<50176x32xbf16, #tpu.memory_space<vmem_shared>> -> memref<50176x32xbf16, #tpu.memory_space<vmem_shared>>
      %dma_wait3A_211 = tpu.memref_slice %arg13[%dma_wait3A_200] : memref<6x!tpu.dma_semaphore, #tpu.memory_space<semaphore_mem>> -> memref<1x!tpu.dma_semaphore, #tpu.memory_space<semaphore_mem>>
      %dma_wait3A_212 = tpu.memref_squeeze %dma_wait3A_211 : memref<1x!tpu.dma_semaphore, #tpu.memory_space<semaphore_mem>> -> memref<!tpu.dma_semaphore, #tpu.memory_space<semaphore_mem>>
      tpu.wait_indirect_dma semaphore(%dma_wait3A_212 : memref<!tpu.dma_semaphore, #tpu.memory_space<semaphore_mem>>) src(%dma_wait3A_204 : memref<256x32xbf16, #tpu.memory_space<vmem>>) dst(%dma_wait3A_210 : memref<50176x32xbf16, #tpu.memory_space<vmem_shared>>)
      %dma_start3A_213 = arith.constant 6 : i32
      %dma_start3A_214 = arith.constant 0 : i32
      %dma_start3A_215 = arith.constant 0 : i32
      %dma_start3A_216 = arith.constant 0 : i32
      %dma_start3A_217 = arith.constant 0 : i32
      %dma_start3A_218 = tpu.memref_slice %arg9[%dma_start3A_214, %dma_start3A_216, %dma_start3A_217] : memref<6x256x32xbf16, #tpu.memory_space<vmem>> -> memref<1x256x32xbf16, #tpu.memory_space<vmem>>
      %dma_start3A_219 = tpu.memref_squeeze %dma_start3A_218 : memref<1x256x32xbf16, #tpu.memory_space<vmem>> -> memref<256x32xbf16, #tpu.memory_space<vmem>>
      %dma_start3A_220 = arith.constant 0 : i32
      %dma_start3A_221 = tpu.memref_slice %arg7[%dma_start3A_213, %dma_start3A_220] : memref<8x256xi32, #tpu.memory_space<vmem>> -> memref<1x256xi32, #tpu.memory_space<vmem>>
      %dma_start3A_222 = tpu.memref_squeeze %dma_start3A_221 : memref<1x256xi32, #tpu.memory_space<vmem>> -> memref<256xi32, #tpu.memory_space<vmem>>
      %dma_start3A_223 = arith.constant 0 : i32
      %dma_start3A_224 = arith.constant 0 : i32
      %dma_start3A_225 = tpu.memref_slice %arg10[%dma_start3A_223, %dma_start3A_224] : memref<50000x32xbf16, #tpu.memory_space<vmem_shared>> -> memref<50000x32xbf16, #tpu.memory_space<vmem_shared>>
      %dma_start3A_226 = tpu.memref_slice %arg12[%dma_start3A_215] : memref<6x!tpu.dma_semaphore, #tpu.memory_space<semaphore_mem>> -> memref<1x!tpu.dma_semaphore, #tpu.memory_space<semaphore_mem>>
      %dma_start3A_227 = tpu.memref_squeeze %dma_start3A_226 : memref<1x!tpu.dma_semaphore, #tpu.memory_space<semaphore_mem>> -> memref<!tpu.dma_semaphore, #tpu.memory_space<semaphore_mem>>
      tpu.enqueue_indirect_dma source(%dma_start3A_225 : memref<50000x32xbf16, #tpu.memory_space<vmem_shared>>) target(%dma_start3A_219 : memref<256x32xbf16, #tpu.memory_space<vmem>>) offsets(%dma_start3A_222 : memref<256xi32, #tpu.memory_space<vmem>>) semaphore(%dma_start3A_227 : memref<!tpu.dma_semaphore, #tpu.memory_space<semaphore_mem>>)
      %dma_wait3A_228 = arith.constant 3 : i32
      %dma_wait3A_229 = arith.constant 3 : i32
      %dma_wait3A_230 = arith.constant 3 : i32
      %dma_wait3A_231 = arith.constant 0 : i32
      %dma_wait3A_232 = arith.constant 0 : i32
      %dma_wait3A_233 = tpu.memref_slice %arg9[%dma_wait3A_229, %dma_wait3A_231, %dma_wait3A_232] : memref<6x256x32xbf16, #tpu.memory_space<vmem>> -> memref<1x256x32xbf16, #tpu.memory_space<vmem>>
      %dma_wait3A_234 = tpu.memref_squeeze %dma_wait3A_233 : memref<1x256x32xbf16, #tpu.memory_space<vmem>> -> memref<256x32xbf16, #tpu.memory_space<vmem>>
      %dma_wait3A_235 = arith.constant 0 : i32
      %dma_wait3A_236 = tpu.memref_slice %arg7[%dma_wait3A_228, %dma_wait3A_235] : memref<8x256xi32, #tpu.memory_space<vmem>> -> memref<1x256xi32, #tpu.memory_space<vmem>>
      %dma_wait3A_237 = tpu.memref_squeeze %dma_wait3A_236 : memref<1x256xi32, #tpu.memory_space<vmem>> -> memref<256xi32, #tpu.memory_space<vmem>>
      %dma_wait3A_238 = arith.constant 0 : i32
      %dma_wait3A_239 = arith.constant 0 : i32
      %dma_wait3A_240 = tpu.memref_slice %arg10[%dma_wait3A_238, %dma_wait3A_239] : memref<50000x32xbf16, #tpu.memory_space<vmem_shared>> -> memref<50000x32xbf16, #tpu.memory_space<vmem_shared>>
      %dma_wait3A_241 = tpu.memref_slice %arg12[%dma_wait3A_230] : memref<6x!tpu.dma_semaphore, #tpu.memory_space<semaphore_mem>> -> memref<1x!tpu.dma_semaphore, #tpu.memory_space<semaphore_mem>>
      %dma_wait3A_242 = tpu.memref_squeeze %dma_wait3A_241 : memref<1x!tpu.dma_semaphore, #tpu.memory_space<semaphore_mem>> -> memref<!tpu.dma_semaphore, #tpu.memory_space<semaphore_mem>>
      tpu.wait_indirect_dma semaphore(%dma_wait3A_242 : memref<!tpu.dma_semaphore, #tpu.memory_space<semaphore_mem>>) src(%dma_wait3A_240 : memref<50000x32xbf16, #tpu.memory_space<vmem_shared>>) dst(%dma_wait3A_234 : memref<256x32xbf16, #tpu.memory_space<vmem>>)
      %dma_start3A_243 = arith.constant 3 : i32
      %dma_start3A_244 = arith.constant 3 : i32
      %dma_start3A_245 = arith.constant 3 : i32
      %dma_start3A_246 = arith.constant 0 : i32
      %dma_start3A_247 = arith.constant 0 : i32
      %dma_start3A_248 = tpu.memref_slice %arg9[%dma_start3A_243, %dma_start3A_246, %dma_start3A_247] : memref<6x256x32xbf16, #tpu.memory_space<vmem>> -> memref<1x256x32xbf16, #tpu.memory_space<vmem>>
      %dma_start3A_249 = tpu.memref_squeeze %dma_start3A_248 : memref<1x256x32xbf16, #tpu.memory_space<vmem>> -> memref<256x32xbf16, #tpu.memory_space<vmem>>
      %dma_start3A_250 = arith.constant 0 : i32
      %dma_start3A_251 = tpu.memref_slice %arg8[%dma_start3A_244, %dma_start3A_250] : memref<8x256xi32, #tpu.memory_space<vmem>> -> memref<1x256xi32, #tpu.memory_space<vmem>>
      %dma_start3A_252 = tpu.memref_squeeze %dma_start3A_251 : memref<1x256xi32, #tpu.memory_space<vmem>> -> memref<256xi32, #tpu.memory_space<vmem>>
      %dma_start3A_253 = arith.constant 0 : i32
      %dma_start3A_254 = arith.constant 0 : i32
      %dma_start3A_255 = tpu.memref_slice %arg11[%dma_start3A_253, %dma_start3A_254] : memref<50176x32xbf16, #tpu.memory_space<vmem_shared>> -> memref<50176x32xbf16, #tpu.memory_space<vmem_shared>>
      %dma_start3A_256 = tpu.memref_slice %arg13[%dma_start3A_245] : memref<6x!tpu.dma_semaphore, #tpu.memory_space<semaphore_mem>> -> memref<1x!tpu.dma_semaphore, #tpu.memory_space<semaphore_mem>>
      %dma_start3A_257 = tpu.memref_squeeze %dma_start3A_256 : memref<1x!tpu.dma_semaphore, #tpu.memory_space<semaphore_mem>> -> memref<!tpu.dma_semaphore, #tpu.memory_space<semaphore_mem>>
      tpu.enqueue_indirect_dma source(%dma_start3A_249 : memref<256x32xbf16, #tpu.memory_space<vmem>>) target(%dma_start3A_255 : memref<50176x32xbf16, #tpu.memory_space<vmem_shared>>) offsets(%dma_start3A_252 : memref<256xi32, #tpu.memory_space<vmem>>) semaphore(%dma_start3A_257 : memref<!tpu.dma_semaphore, #tpu.memory_space<semaphore_mem>>) {add = true}
      %dma_wait3A_258 = arith.constant 1 : i32
      %dma_wait3A_259 = arith.constant 1 : i32
      %dma_wait3A_260 = arith.constant 1 : i32
      %dma_wait3A_261 = arith.constant 0 : i32
      %dma_wait3A_262 = arith.constant 0 : i32
      %dma_wait3A_263 = tpu.memref_slice %arg9[%dma_wait3A_258, %dma_wait3A_261, %dma_wait3A_262] : memref<6x256x32xbf16, #tpu.memory_space<vmem>> -> memref<1x256x32xbf16, #tpu.memory_space<vmem>>
      %dma_wait3A_264 = tpu.memref_squeeze %dma_wait3A_263 : memref<1x256x32xbf16, #tpu.memory_space<vmem>> -> memref<256x32xbf16, #tpu.memory_space<vmem>>
      %dma_wait3A_265 = arith.constant 0 : i32
      %dma_wait3A_266 = tpu.memref_slice %arg8[%dma_wait3A_259, %dma_wait3A_265] : memref<8x256xi32, #tpu.memory_space<vmem>> -> memref<1x256xi32, #tpu.memory_space<vmem>>
      %dma_wait3A_267 = tpu.memref_squeeze %dma_wait3A_266 : memref<1x256xi32, #tpu.memory_space<vmem>> -> memref<256xi32, #tpu.memory_space<vmem>>
      %dma_wait3A_268 = arith.constant 0 : i32
      %dma_wait3A_269 = arith.constant 0 : i32
      %dma_wait3A_270 = tpu.memref_slice %arg11[%dma_wait3A_268, %dma_wait3A_269] : memref<50176x32xbf16, #tpu.memory_space<vmem_shared>> -> memref<50176x32xbf16, #tpu.memory_space<vmem_shared>>
      %dma_wait3A_271 = tpu.memref_slice %arg13[%dma_wait3A_260] : memref<6x!tpu.dma_semaphore, #tpu.memory_space<semaphore_mem>> -> memref<1x!tpu.dma_semaphore, #tpu.memory_space<semaphore_mem>>
      %dma_wait3A_272 = tpu.memref_squeeze %dma_wait3A_271 : memref<1x!tpu.dma_semaphore, #tpu.memory_space<semaphore_mem>> -> memref<!tpu.dma_semaphore, #tpu.memory_space<semaphore_mem>>
      tpu.wait_indirect_dma semaphore(%dma_wait3A_272 : memref<!tpu.dma_semaphore, #tpu.memory_space<semaphore_mem>>) src(%dma_wait3A_264 : memref<256x32xbf16, #tpu.memory_space<vmem>>) dst(%dma_wait3A_270 : memref<50176x32xbf16, #tpu.memory_space<vmem_shared>>)
      %dma_start3A_273 = arith.constant 7 : i32
      %dma_start3A_274 = arith.constant 1 : i32
      %dma_start3A_275 = arith.constant 1 : i32
      %dma_start3A_276 = arith.constant 0 : i32
      %dma_start3A_277 = arith.constant 0 : i32
      %dma_start3A_278 = tpu.memref_slice %arg9[%dma_start3A_274, %dma_start3A_276, %dma_start3A_277] : memref<6x256x32xbf16, #tpu.memory_space<vmem>> -> memref<1x256x32xbf16, #tpu.memory_space<vmem>>
      %dma_start3A_279 = tpu.memref_squeeze %dma_start3A_278 : memref<1x256x32xbf16, #tpu.memory_space<vmem>> -> memref<256x32xbf16, #tpu.memory_space<vmem>>
      %dma_start3A_280 = arith.constant 0 : i32
      %dma_start3A_281 = tpu.memref_slice %arg7[%dma_start3A_273, %dma_start3A_280] : memref<8x256xi32, #tpu.memory_space<vmem>> -> memref<1x256xi32, #tpu.memory_space<vmem>>
      %dma_start3A_282 = tpu.memref_squeeze %dma_start3A_281 : memref<1x256xi32, #tpu.memory_space<vmem>> -> memref<256xi32, #tpu.memory_space<vmem>>
      %dma_start3A_283 = arith.constant 0 : i32
      %dma_start3A_284 = arith.constant 0 : i32
      %dma_start3A_285 = tpu.memref_slice %arg10[%dma_start3A_283, %dma_start3A_284] : memref<50000x32xbf16, #tpu.memory_space<vmem_shared>> -> memref<50000x32xbf16, #tpu.memory_space<vmem_shared>>
      %dma_start3A_286 = tpu.memref_slice %arg12[%dma_start3A_275] : memref<6x!tpu.dma_semaphore, #tpu.memory_space<semaphore_mem>> -> memref<1x!tpu.dma_semaphore, #tpu.memory_space<semaphore_mem>>
      %dma_start3A_287 = tpu.memref_squeeze %dma_start3A_286 : memref<1x!tpu.dma_semaphore, #tpu.memory_space<semaphore_mem>> -> memref<!tpu.dma_semaphore, #tpu.memory_space<semaphore_mem>>
      tpu.enqueue_indirect_dma source(%dma_start3A_285 : memref<50000x32xbf16, #tpu.memory_space<vmem_shared>>) target(%dma_start3A_279 : memref<256x32xbf16, #tpu.memory_space<vmem>>) offsets(%dma_start3A_282 : memref<256xi32, #tpu.memory_space<vmem>>) semaphore(%dma_start3A_287 : memref<!tpu.dma_semaphore, #tpu.memory_space<semaphore_mem>>)
      %dma_wait3A_288 = arith.constant 4 : i32
      %dma_wait3A_289 = arith.constant 4 : i32
      %dma_wait3A_290 = arith.constant 4 : i32
      %dma_wait3A_291 = arith.constant 0 : i32
      %dma_wait3A_292 = arith.constant 0 : i32
      %dma_wait3A_293 = tpu.memref_slice %arg9[%dma_wait3A_289, %dma_wait3A_291, %dma_wait3A_292] : memref<6x256x32xbf16, #tpu.memory_space<vmem>> -> memref<1x256x32xbf16, #tpu.memory_space<vmem>>
      %dma_wait3A_294 = tpu.memref_squeeze %dma_wait3A_293 : memref<1x256x32xbf16, #tpu.memory_space<vmem>> -> memref<256x32xbf16, #tpu.memory_space<vmem>>
      %dma_wait3A_295 = arith.constant 0 : i32
      %dma_wait3A_296 = tpu.memref_slice %arg7[%dma_wait3A_288, %dma_wait3A_295] : memref<8x256xi32, #tpu.memory_space<vmem>> -> memref<1x256xi32, #tpu.memory_space<vmem>>
      %dma_wait3A_297 = tpu.memref_squeeze %dma_wait3A_296 : memref<1x256xi32, #tpu.memory_space<vmem>> -> memref<256xi32, #tpu.memory_space<vmem>>
      %dma_wait3A_298 = arith.constant 0 : i32
      %dma_wait3A_299 = arith.constant 0 : i32
      %dma_wait3A_300 = tpu.memref_slice %arg10[%dma_wait3A_298, %dma_wait3A_299] : memref<50000x32xbf16, #tpu.memory_space<vmem_shared>> -> memref<50000x32xbf16, #tpu.memory_space<vmem_shared>>
      %dma_wait3A_301 = tpu.memref_slice %arg12[%dma_wait3A_290] : memref<6x!tpu.dma_semaphore, #tpu.memory_space<semaphore_mem>> -> memref<1x!tpu.dma_semaphore, #tpu.memory_space<semaphore_mem>>
      %dma_wait3A_302 = tpu.memref_squeeze %dma_wait3A_301 : memref<1x!tpu.dma_semaphore, #tpu.memory_space<semaphore_mem>> -> memref<!tpu.dma_semaphore, #tpu.memory_space<semaphore_mem>>
      tpu.wait_indirect_dma semaphore(%dma_wait3A_302 : memref<!tpu.dma_semaphore, #tpu.memory_space<semaphore_mem>>) src(%dma_wait3A_300 : memref<50000x32xbf16, #tpu.memory_space<vmem_shared>>) dst(%dma_wait3A_294 : memref<256x32xbf16, #tpu.memory_space<vmem>>)
      %dma_start3A_303 = arith.constant 4 : i32
      %dma_start3A_304 = arith.constant 4 : i32
      %dma_start3A_305 = arith.constant 4 : i32
      %dma_start3A_306 = arith.constant 0 : i32
      %dma_start3A_307 = arith.constant 0 : i32
      %dma_start3A_308 = tpu.memref_slice %arg9[%dma_start3A_303, %dma_start3A_306, %dma_start3A_307] : memref<6x256x32xbf16, #tpu.memory_space<vmem>> -> memref<1x256x32xbf16, #tpu.memory_space<vmem>>
      %dma_start3A_309 = tpu.memref_squeeze %dma_start3A_308 : memref<1x256x32xbf16, #tpu.memory_space<vmem>> -> memref<256x32xbf16, #tpu.memory_space<vmem>>
      %dma_start3A_310 = arith.constant 0 : i32
      %dma_start3A_311 = tpu.memref_slice %arg8[%dma_start3A_304, %dma_start3A_310] : memref<8x256xi32, #tpu.memory_space<vmem>> -> memref<1x256xi32, #tpu.memory_space<vmem>>
      %dma_start3A_312 = tpu.memref_squeeze %dma_start3A_311 : memref<1x256xi32, #tpu.memory_space<vmem>> -> memref<256xi32, #tpu.memory_space<vmem>>
      %dma_start3A_313 = arith.constant 0 : i32
      %dma_start3A_314 = arith.constant 0 : i32
      %dma_start3A_315 = tpu.memref_slice %arg11[%dma_start3A_313, %dma_start3A_314] : memref<50176x32xbf16, #tpu.memory_space<vmem_shared>> -> memref<50176x32xbf16, #tpu.memory_space<vmem_shared>>
      %dma_start3A_316 = tpu.memref_slice %arg13[%dma_start3A_305] : memref<6x!tpu.dma_semaphore, #tpu.memory_space<semaphore_mem>> -> memref<1x!tpu.dma_semaphore, #tpu.memory_space<semaphore_mem>>
      %dma_start3A_317 = tpu.memref_squeeze %dma_start3A_316 : memref<1x!tpu.dma_semaphore, #tpu.memory_space<semaphore_mem>> -> memref<!tpu.dma_semaphore, #tpu.memory_space<semaphore_mem>>
      tpu.enqueue_indirect_dma source(%dma_start3A_309 : memref<256x32xbf16, #tpu.memory_space<vmem>>) target(%dma_start3A_315 : memref<50176x32xbf16, #tpu.memory_space<vmem_shared>>) offsets(%dma_start3A_312 : memref<256xi32, #tpu.memory_space<vmem>>) semaphore(%dma_start3A_317 : memref<!tpu.dma_semaphore, #tpu.memory_space<semaphore_mem>>) {add = true}
      %dma_wait3A_318 = arith.constant 5 : i32
      %dma_wait3A_319 = arith.constant 5 : i32
      %dma_wait3A_320 = arith.constant 5 : i32
      %dma_wait3A_321 = arith.constant 0 : i32
      %dma_wait3A_322 = arith.constant 0 : i32
      %dma_wait3A_323 = tpu.memref_slice %arg9[%dma_wait3A_319, %dma_wait3A_321, %dma_wait3A_322] : memref<6x256x32xbf16, #tpu.memory_space<vmem>> -> memref<1x256x32xbf16, #tpu.memory_space<vmem>>
      %dma_wait3A_324 = tpu.memref_squeeze %dma_wait3A_323 : memref<1x256x32xbf16, #tpu.memory_space<vmem>> -> memref<256x32xbf16, #tpu.memory_space<vmem>>
      %dma_wait3A_325 = arith.constant 0 : i32
      %dma_wait3A_326 = tpu.memref_slice %arg7[%dma_wait3A_318, %dma_wait3A_325] : memref<8x256xi32, #tpu.memory_space<vmem>> -> memref<1x256xi32, #tpu.memory_space<vmem>>
      %dma_wait3A_327 = tpu.memref_squeeze %dma_wait3A_326 : memref<1x256xi32, #tpu.memory_space<vmem>> -> memref<256xi32, #tpu.memory_space<vmem>>
      %dma_wait3A_328 = arith.constant 0 : i32
      %dma_wait3A_329 = arith.constant 0 : i32
      %dma_wait3A_330 = tpu.memref_slice %arg10[%dma_wait3A_328, %dma_wait3A_329] : memref<50000x32xbf16, #tpu.memory_space<vmem_shared>> -> memref<50000x32xbf16, #tpu.memory_space<vmem_shared>>
      %dma_wait3A_331 = tpu.memref_slice %arg12[%dma_wait3A_320] : memref<6x!tpu.dma_semaphore, #tpu.memory_space<semaphore_mem>> -> memref<1x!tpu.dma_semaphore, #tpu.memory_space<semaphore_mem>>
      %dma_wait3A_332 = tpu.memref_squeeze %dma_wait3A_331 : memref<1x!tpu.dma_semaphore, #tpu.memory_space<semaphore_mem>> -> memref<!tpu.dma_semaphore, #tpu.memory_space<semaphore_mem>>
      tpu.wait_indirect_dma semaphore(%dma_wait3A_332 : memref<!tpu.dma_semaphore, #tpu.memory_space<semaphore_mem>>) src(%dma_wait3A_330 : memref<50000x32xbf16, #tpu.memory_space<vmem_shared>>) dst(%dma_wait3A_324 : memref<256x32xbf16, #tpu.memory_space<vmem>>)
      %dma_start3A_333 = arith.constant 5 : i32
      %dma_start3A_334 = arith.constant 5 : i32
      %dma_start3A_335 = arith.constant 5 : i32
      %dma_start3A_336 = arith.constant 0 : i32
      %dma_start3A_337 = arith.constant 0 : i32
      %dma_start3A_338 = tpu.memref_slice %arg9[%dma_start3A_333, %dma_start3A_336, %dma_start3A_337] : memref<6x256x32xbf16, #tpu.memory_space<vmem>> -> memref<1x256x32xbf16, #tpu.memory_space<vmem>>
      %dma_start3A_339 = tpu.memref_squeeze %dma_start3A_338 : memref<1x256x32xbf16, #tpu.memory_space<vmem>> -> memref<256x32xbf16, #tpu.memory_space<vmem>>
      %dma_start3A_340 = arith.constant 0 : i32
      %dma_start3A_341 = tpu.memref_slice %arg8[%dma_start3A_334, %dma_start3A_340] : memref<8x256xi32, #tpu.memory_space<vmem>> -> memref<1x256xi32, #tpu.memory_space<vmem>>
      %dma_start3A_342 = tpu.memref_squeeze %dma_start3A_341 : memref<1x256xi32, #tpu.memory_space<vmem>> -> memref<256xi32, #tpu.memory_space<vmem>>
      %dma_start3A_343 = arith.constant 0 : i32
      %dma_start3A_344 = arith.constant 0 : i32
      %dma_start3A_345 = tpu.memref_slice %arg11[%dma_start3A_343, %dma_start3A_344] : memref<50176x32xbf16, #tpu.memory_space<vmem_shared>> -> memref<50176x32xbf16, #tpu.memory_space<vmem_shared>>
      %dma_start3A_346 = tpu.memref_slice %arg13[%dma_start3A_335] : memref<6x!tpu.dma_semaphore, #tpu.memory_space<semaphore_mem>> -> memref<1x!tpu.dma_semaphore, #tpu.memory_space<semaphore_mem>>
      %dma_start3A_347 = tpu.memref_squeeze %dma_start3A_346 : memref<1x!tpu.dma_semaphore, #tpu.memory_space<semaphore_mem>> -> memref<!tpu.dma_semaphore, #tpu.memory_space<semaphore_mem>>
      tpu.enqueue_indirect_dma source(%dma_start3A_339 : memref<256x32xbf16, #tpu.memory_space<vmem>>) target(%dma_start3A_345 : memref<50176x32xbf16, #tpu.memory_space<vmem_shared>>) offsets(%dma_start3A_342 : memref<256xi32, #tpu.memory_space<vmem>>) semaphore(%dma_start3A_347 : memref<!tpu.dma_semaphore, #tpu.memory_space<semaphore_mem>>) {add = true}
      %dma_wait3A_348 = arith.constant 6 : i32
      %dma_wait3A_349 = arith.constant 0 : i32
      %dma_wait3A_350 = arith.constant 0 : i32
      %dma_wait3A_351 = arith.constant 0 : i32
      %dma_wait3A_352 = arith.constant 0 : i32
      %dma_wait3A_353 = tpu.memref_slice %arg9[%dma_wait3A_349, %dma_wait3A_351, %dma_wait3A_352] : memref<6x256x32xbf16, #tpu.memory_space<vmem>> -> memref<1x256x32xbf16, #tpu.memory_space<vmem>>
      %dma_wait3A_354 = tpu.memref_squeeze %dma_wait3A_353 : memref<1x256x32xbf16, #tpu.memory_space<vmem>> -> memref<256x32xbf16, #tpu.memory_space<vmem>>
      %dma_wait3A_355 = arith.constant 0 : i32
      %dma_wait3A_356 = tpu.memref_slice %arg7[%dma_wait3A_348, %dma_wait3A_355] : memref<8x256xi32, #tpu.memory_space<vmem>> -> memref<1x256xi32, #tpu.memory_space<vmem>>
      %dma_wait3A_357 = tpu.memref_squeeze %dma_wait3A_356 : memref<1x256xi32, #tpu.memory_space<vmem>> -> memref<256xi32, #tpu.memory_space<vmem>>
      %dma_wait3A_358 = arith.constant 0 : i32
      %dma_wait3A_359 = arith.constant 0 : i32
      %dma_wait3A_360 = tpu.memref_slice %arg10[%dma_wait3A_358, %dma_wait3A_359] : memref<50000x32xbf16, #tpu.memory_space<vmem_shared>> -> memref<50000x32xbf16, #tpu.memory_space<vmem_shared>>
      %dma_wait3A_361 = tpu.memref_slice %arg12[%dma_wait3A_350] : memref<6x!tpu.dma_semaphore, #tpu.memory_space<semaphore_mem>> -> memref<1x!tpu.dma_semaphore, #tpu.memory_space<semaphore_mem>>
      %dma_wait3A_362 = tpu.memref_squeeze %dma_wait3A_361 : memref<1x!tpu.dma_semaphore, #tpu.memory_space<semaphore_mem>> -> memref<!tpu.dma_semaphore, #tpu.memory_space<semaphore_mem>>
      tpu.wait_indirect_dma semaphore(%dma_wait3A_362 : memref<!tpu.dma_semaphore, #tpu.memory_space<semaphore_mem>>) src(%dma_wait3A_360 : memref<50000x32xbf16, #tpu.memory_space<vmem_shared>>) dst(%dma_wait3A_354 : memref<256x32xbf16, #tpu.memory_space<vmem>>)
      %dma_start3A_363 = arith.constant 0 : i32
      %dma_start3A_364 = arith.constant 6 : i32
      %dma_start3A_365 = arith.constant 0 : i32
      %dma_start3A_366 = arith.constant 0 : i32
      %dma_start3A_367 = arith.constant 0 : i32
      %dma_start3A_368 = tpu.memref_slice %arg9[%dma_start3A_363, %dma_start3A_366, %dma_start3A_367] : memref<6x256x32xbf16, #tpu.memory_space<vmem>> -> memref<1x256x32xbf16, #tpu.memory_space<vmem>>
      %dma_start3A_369 = tpu.memref_squeeze %dma_start3A_368 : memref<1x256x32xbf16, #tpu.memory_space<vmem>> -> memref<256x32xbf16, #tpu.memory_space<vmem>>
      %dma_start3A_370 = arith.constant 0 : i32
      %dma_start3A_371 = tpu.memref_slice %arg8[%dma_start3A_364, %dma_start3A_370] : memref<8x256xi32, #tpu.memory_space<vmem>> -> memref<1x256xi32, #tpu.memory_space<vmem>>
      %dma_start3A_372 = tpu.memref_squeeze %dma_start3A_371 : memref<1x256xi32, #tpu.memory_space<vmem>> -> memref<256xi32, #tpu.memory_space<vmem>>
      %dma_start3A_373 = arith.constant 0 : i32
      %dma_start3A_374 = arith.constant 0 : i32
      %dma_start3A_375 = tpu.memref_slice %arg11[%dma_start3A_373, %dma_start3A_374] : memref<50176x32xbf16, #tpu.memory_space<vmem_shared>> -> memref<50176x32xbf16, #tpu.memory_space<vmem_shared>>
      %dma_start3A_376 = tpu.memref_slice %arg13[%dma_start3A_365] : memref<6x!tpu.dma_semaphore, #tpu.memory_space<semaphore_mem>> -> memref<1x!tpu.dma_semaphore, #tpu.memory_space<semaphore_mem>>
      %dma_start3A_377 = tpu.memref_squeeze %dma_start3A_376 : memref<1x!tpu.dma_semaphore, #tpu.memory_space<semaphore_mem>> -> memref<!tpu.dma_semaphore, #tpu.memory_space<semaphore_mem>>
      tpu.enqueue_indirect_dma source(%dma_start3A_369 : memref<256x32xbf16, #tpu.memory_space<vmem>>) target(%dma_start3A_375 : memref<50176x32xbf16, #tpu.memory_space<vmem_shared>>) offsets(%dma_start3A_372 : memref<256xi32, #tpu.memory_space<vmem>>) semaphore(%dma_start3A_377 : memref<!tpu.dma_semaphore, #tpu.memory_space<semaphore_mem>>) {add = true}
      %dma_wait3A_378 = arith.constant 7 : i32
      %dma_wait3A_379 = arith.constant 1 : i32
      %dma_wait3A_380 = arith.constant 1 : i32
      %dma_wait3A_381 = arith.constant 0 : i32
      %dma_wait3A_382 = arith.constant 0 : i32
      %dma_wait3A_383 = tpu.memref_slice %arg9[%dma_wait3A_379, %dma_wait3A_381, %dma_wait3A_382] : memref<6x256x32xbf16, #tpu.memory_space<vmem>> -> memref<1x256x32xbf16, #tpu.memory_space<vmem>>
      %dma_wait3A_384 = tpu.memref_squeeze %dma_wait3A_383 : memref<1x256x32xbf16, #tpu.memory_space<vmem>> -> memref<256x32xbf16, #tpu.memory_space<vmem>>
      %dma_wait3A_385 = arith.constant 0 : i32
      %dma_wait3A_386 = tpu.memref_slice %arg7[%dma_wait3A_378, %dma_wait3A_385] : memref<8x256xi32, #tpu.memory_space<vmem>> -> memref<1x256xi32, #tpu.memory_space<vmem>>
      %dma_wait3A_387 = tpu.memref_squeeze %dma_wait3A_386 : memref<1x256xi32, #tpu.memory_space<vmem>> -> memref<256xi32, #tpu.memory_space<vmem>>
      %dma_wait3A_388 = arith.constant 0 : i32
      %dma_wait3A_389 = arith.constant 0 : i32
      %dma_wait3A_390 = tpu.memref_slice %arg10[%dma_wait3A_388, %dma_wait3A_389] : memref<50000x32xbf16, #tpu.memory_space<vmem_shared>> -> memref<50000x32xbf16, #tpu.memory_space<vmem_shared>>
      %dma_wait3A_391 = tpu.memref_slice %arg12[%dma_wait3A_380] : memref<6x!tpu.dma_semaphore, #tpu.memory_space<semaphore_mem>> -> memref<1x!tpu.dma_semaphore, #tpu.memory_space<semaphore_mem>>
      %dma_wait3A_392 = tpu.memref_squeeze %dma_wait3A_391 : memref<1x!tpu.dma_semaphore, #tpu.memory_space<semaphore_mem>> -> memref<!tpu.dma_semaphore, #tpu.memory_space<semaphore_mem>>
      tpu.wait_indirect_dma semaphore(%dma_wait3A_392 : memref<!tpu.dma_semaphore, #tpu.memory_space<semaphore_mem>>) src(%dma_wait3A_390 : memref<50000x32xbf16, #tpu.memory_space<vmem_shared>>) dst(%dma_wait3A_384 : memref<256x32xbf16, #tpu.memory_space<vmem>>)
      %dma_start3A_393 = arith.constant 1 : i32
      %dma_start3A_394 = arith.constant 7 : i32
      %dma_start3A_395 = arith.constant 1 : i32
      %dma_start3A_396 = arith.constant 0 : i32
      %dma_start3A_397 = arith.constant 0 : i32
      %dma_start3A_398 = tpu.memref_slice %arg9[%dma_start3A_393, %dma_start3A_396, %dma_start3A_397] : memref<6x256x32xbf16, #tpu.memory_space<vmem>> -> memref<1x256x32xbf16, #tpu.memory_space<vmem>>
      %dma_start3A_399 = tpu.memref_squeeze %dma_start3A_398 : memref<1x256x32xbf16, #tpu.memory_space<vmem>> -> memref<256x32xbf16, #tpu.memory_space<vmem>>
      %dma_start3A_400 = arith.constant 0 : i32
      %dma_start3A_401 = tpu.memref_slice %arg8[%dma_start3A_394, %dma_start3A_400] : memref<8x256xi32, #tpu.memory_space<vmem>> -> memref<1x256xi32, #tpu.memory_space<vmem>>
      %dma_start3A_402 = tpu.memref_squeeze %dma_start3A_401 : memref<1x256xi32, #tpu.memory_space<vmem>> -> memref<256xi32, #tpu.memory_space<vmem>>
      %dma_start3A_403 = arith.constant 0 : i32
      %dma_start3A_404 = arith.constant 0 : i32
      %dma_start3A_405 = tpu.memref_slice %arg11[%dma_start3A_403, %dma_start3A_404] : memref<50176x32xbf16, #tpu.memory_space<vmem_shared>> -> memref<50176x32xbf16, #tpu.memory_space<vmem_shared>>
      %dma_start3A_406 = tpu.memref_slice %arg13[%dma_start3A_395] : memref<6x!tpu.dma_semaphore, #tpu.memory_space<semaphore_mem>> -> memref<1x!tpu.dma_semaphore, #tpu.memory_space<semaphore_mem>>
      %dma_start3A_407 = tpu.memref_squeeze %dma_start3A_406 : memref<1x!tpu.dma_semaphore, #tpu.memory_space<semaphore_mem>> -> memref<!tpu.dma_semaphore, #tpu.memory_space<semaphore_mem>>
      tpu.enqueue_indirect_dma source(%dma_start3A_399 : memref<256x32xbf16, #tpu.memory_space<vmem>>) target(%dma_start3A_405 : memref<50176x32xbf16, #tpu.memory_space<vmem_shared>>) offsets(%dma_start3A_402 : memref<256xi32, #tpu.memory_space<vmem>>) semaphore(%dma_start3A_407 : memref<!tpu.dma_semaphore, #tpu.memory_space<semaphore_mem>>) {add = true}
      %dma_wait3A_408 = arith.constant 2 : i32
      %dma_wait3A_409 = arith.constant 2 : i32
      %dma_wait3A_410 = arith.constant 2 : i32
      %dma_wait3A_411 = arith.constant 0 : i32
      %dma_wait3A_412 = arith.constant 0 : i32
      %dma_wait3A_413 = tpu.memref_slice %arg9[%dma_wait3A_408, %dma_wait3A_411, %dma_wait3A_412] : memref<6x256x32xbf16, #tpu.memory_space<vmem>> -> memref<1x256x32xbf16, #tpu.memory_space<vmem>>
      %dma_wait3A_414 = tpu.memref_squeeze %dma_wait3A_413 : memref<1x256x32xbf16, #tpu.memory_space<vmem>> -> memref<256x32xbf16, #tpu.memory_space<vmem>>
      %dma_wait3A_415 = arith.constant 0 : i32
      %dma_wait3A_416 = tpu.memref_slice %arg8[%dma_wait3A_409, %dma_wait3A_415] : memref<8x256xi32, #tpu.memory_space<vmem>> -> memref<1x256xi32, #tpu.memory_space<vmem>>
      %dma_wait3A_417 = tpu.memref_squeeze %dma_wait3A_416 : memref<1x256xi32, #tpu.memory_space<vmem>> -> memref<256xi32, #tpu.memory_space<vmem>>
      %dma_wait3A_418 = arith.constant 0 : i32
      %dma_wait3A_419 = arith.constant 0 : i32
      %dma_wait3A_420 = tpu.memref_slice %arg11[%dma_wait3A_418, %dma_wait3A_419] : memref<50176x32xbf16, #tpu.memory_space<vmem_shared>> -> memref<50176x32xbf16, #tpu.memory_space<vmem_shared>>
      %dma_wait3A_421 = tpu.memref_slice %arg13[%dma_wait3A_410] : memref<6x!tpu.dma_semaphore, #tpu.memory_space<semaphore_mem>> -> memref<1x!tpu.dma_semaphore, #tpu.memory_space<semaphore_mem>>
      %dma_wait3A_422 = tpu.memref_squeeze %dma_wait3A_421 : memref<1x!tpu.dma_semaphore, #tpu.memory_space<semaphore_mem>> -> memref<!tpu.dma_semaphore, #tpu.memory_space<semaphore_mem>>
      tpu.wait_indirect_dma semaphore(%dma_wait3A_422 : memref<!tpu.dma_semaphore, #tpu.memory_space<semaphore_mem>>) src(%dma_wait3A_414 : memref<256x32xbf16, #tpu.memory_space<vmem>>) dst(%dma_wait3A_420 : memref<50176x32xbf16, #tpu.memory_space<vmem_shared>>)
      %dma_wait3A_423 = arith.constant 3 : i32
      %dma_wait3A_424 = arith.constant 3 : i32
      %dma_wait3A_425 = arith.constant 3 : i32
      %dma_wait3A_426 = arith.constant 0 : i32
      %dma_wait3A_427 = arith.constant 0 : i32
      %dma_wait3A_428 = tpu.memref_slice %arg9[%dma_wait3A_423, %dma_wait3A_426, %dma_wait3A_427] : memref<6x256x32xbf16, #tpu.memory_space<vmem>> -> memref<1x256x32xbf16, #tpu.memory_space<vmem>>
      %dma_wait3A_429 = tpu.memref_squeeze %dma_wait3A_428 : memref<1x256x32xbf16, #tpu.memory_space<vmem>> -> memref<256x32xbf16, #tpu.memory_space<vmem>>
      %dma_wait3A_430 = arith.constant 0 : i32
      %dma_wait3A_431 = tpu.memref_slice %arg8[%dma_wait3A_424, %dma_wait3A_430] : memref<8x256xi32, #tpu.memory_space<vmem>> -> memref<1x256xi32, #tpu.memory_space<vmem>>
      %dma_wait3A_432 = tpu.memref_squeeze %dma_wait3A_431 : memref<1x256xi32, #tpu.memory_space<vmem>> -> memref<256xi32, #tpu.memory_space<vmem>>
      %dma_wait3A_433 = arith.constant 0 : i32
      %dma_wait3A_434 = arith.constant 0 : i32
      %dma_wait3A_435 = tpu.memref_slice %arg11[%dma_wait3A_433, %dma_wait3A_434] : memref<50176x32xbf16, #tpu.memory_space<vmem_shared>> -> memref<50176x32xbf16, #tpu.memory_space<vmem_shared>>
      %dma_wait3A_436 = tpu.memref_slice %arg13[%dma_wait3A_425] : memref<6x!tpu.dma_semaphore, #tpu.memory_space<semaphore_mem>> -> memref<1x!tpu.dma_semaphore, #tpu.memory_space<semaphore_mem>>
      %dma_wait3A_437 = tpu.memref_squeeze %dma_wait3A_436 : memref<1x!tpu.dma_semaphore, #tpu.memory_space<semaphore_mem>> -> memref<!tpu.dma_semaphore, #tpu.memory_space<semaphore_mem>>
      tpu.wait_indirect_dma semaphore(%dma_wait3A_437 : memref<!tpu.dma_semaphore, #tpu.memory_space<semaphore_mem>>) src(%dma_wait3A_429 : memref<256x32xbf16, #tpu.memory_space<vmem>>) dst(%dma_wait3A_435 : memref<50176x32xbf16, #tpu.memory_space<vmem_shared>>)
      %dma_wait3A_438 = arith.constant 4 : i32
      %dma_wait3A_439 = arith.constant 4 : i32
      %dma_wait3A_440 = arith.constant 4 : i32
      %dma_wait3A_441 = arith.constant 0 : i32
      %dma_wait3A_442 = arith.constant 0 : i32
      %dma_wait3A_443 = tpu.memref_slice %arg9[%dma_wait3A_438, %dma_wait3A_441, %dma_wait3A_442] : memref<6x256x32xbf16, #tpu.memory_space<vmem>> -> memref<1x256x32xbf16, #tpu.memory_space<vmem>>
      %dma_wait3A_444 = tpu.memref_squeeze %dma_wait3A_443 : memref<1x256x32xbf16, #tpu.memory_space<vmem>> -> memref<256x32xbf16, #tpu.memory_space<vmem>>
      %dma_wait3A_445 = arith.constant 0 : i32
      %dma_wait3A_446 = tpu.memref_slice %arg8[%dma_wait3A_439, %dma_wait3A_445] : memref<8x256xi32, #tpu.memory_space<vmem>> -> memref<1x256xi32, #tpu.memory_space<vmem>>
      %dma_wait3A_447 = tpu.memref_squeeze %dma_wait3A_446 : memref<1x256xi32, #tpu.memory_space<vmem>> -> memref<256xi32, #tpu.memory_space<vmem>>
      %dma_wait3A_448 = arith.constant 0 : i32
      %dma_wait3A_449 = arith.constant 0 : i32
      %dma_wait3A_450 = tpu.memref_slice %arg11[%dma_wait3A_448, %dma_wait3A_449] : memref<50176x32xbf16, #tpu.memory_space<vmem_shared>> -> memref<50176x32xbf16, #tpu.memory_space<vmem_shared>>
      %dma_wait3A_451 = tpu.memref_slice %arg13[%dma_wait3A_440] : memref<6x!tpu.dma_semaphore, #tpu.memory_space<semaphore_mem>> -> memref<1x!tpu.dma_semaphore, #tpu.memory_space<semaphore_mem>>
      %dma_wait3A_452 = tpu.memref_squeeze %dma_wait3A_451 : memref<1x!tpu.dma_semaphore, #tpu.memory_space<semaphore_mem>> -> memref<!tpu.dma_semaphore, #tpu.memory_space<semaphore_mem>>
      tpu.wait_indirect_dma semaphore(%dma_wait3A_452 : memref<!tpu.dma_semaphore, #tpu.memory_space<semaphore_mem>>) src(%dma_wait3A_444 : memref<256x32xbf16, #tpu.memory_space<vmem>>) dst(%dma_wait3A_450 : memref<50176x32xbf16, #tpu.memory_space<vmem_shared>>)
      %dma_wait3A_453 = arith.constant 5 : i32
      %dma_wait3A_454 = arith.constant 5 : i32
      %dma_wait3A_455 = arith.constant 5 : i32
      %dma_wait3A_456 = arith.constant 0 : i32
      %dma_wait3A_457 = arith.constant 0 : i32
      %dma_wait3A_458 = tpu.memref_slice %arg9[%dma_wait3A_453, %dma_wait3A_456, %dma_wait3A_457] : memref<6x256x32xbf16, #tpu.memory_space<vmem>> -> memref<1x256x32xbf16, #tpu.memory_space<vmem>>
      %dma_wait3A_459 = tpu.memref_squeeze %dma_wait3A_458 : memref<1x256x32xbf16, #tpu.memory_space<vmem>> -> memref<256x32xbf16, #tpu.memory_space<vmem>>
      %dma_wait3A_460 = arith.constant 0 : i32
      %dma_wait3A_461 = tpu.memref_slice %arg8[%dma_wait3A_454, %dma_wait3A_460] : memref<8x256xi32, #tpu.memory_space<vmem>> -> memref<1x256xi32, #tpu.memory_space<vmem>>
      %dma_wait3A_462 = tpu.memref_squeeze %dma_wait3A_461 : memref<1x256xi32, #tpu.memory_space<vmem>> -> memref<256xi32, #tpu.memory_space<vmem>>
      %dma_wait3A_463 = arith.constant 0 : i32
      %dma_wait3A_464 = arith.constant 0 : i32
      %dma_wait3A_465 = tpu.memref_slice %arg11[%dma_wait3A_463, %dma_wait3A_464] : memref<50176x32xbf16, #tpu.memory_space<vmem_shared>> -> memref<50176x32xbf16, #tpu.memory_space<vmem_shared>>
      %dma_wait3A_466 = tpu.memref_slice %arg13[%dma_wait3A_455] : memref<6x!tpu.dma_semaphore, #tpu.memory_space<semaphore_mem>> -> memref<1x!tpu.dma_semaphore, #tpu.memory_space<semaphore_mem>>
      %dma_wait3A_467 = tpu.memref_squeeze %dma_wait3A_466 : memref<1x!tpu.dma_semaphore, #tpu.memory_space<semaphore_mem>> -> memref<!tpu.dma_semaphore, #tpu.memory_space<semaphore_mem>>
      tpu.wait_indirect_dma semaphore(%dma_wait3A_467 : memref<!tpu.dma_semaphore, #tpu.memory_space<semaphore_mem>>) src(%dma_wait3A_459 : memref<256x32xbf16, #tpu.memory_space<vmem>>) dst(%dma_wait3A_465 : memref<50176x32xbf16, #tpu.memory_space<vmem_shared>>)
      %dma_wait3A_468 = arith.constant 0 : i32
      %dma_wait3A_469 = arith.constant 6 : i32
      %dma_wait3A_470 = arith.constant 0 : i32
      %dma_wait3A_471 = arith.constant 0 : i32
      %dma_wait3A_472 = arith.constant 0 : i32
      %dma_wait3A_473 = tpu.memref_slice %arg9[%dma_wait3A_468, %dma_wait3A_471, %dma_wait3A_472] : memref<6x256x32xbf16, #tpu.memory_space<vmem>> -> memref<1x256x32xbf16, #tpu.memory_space<vmem>>
      %dma_wait3A_474 = tpu.memref_squeeze %dma_wait3A_473 : memref<1x256x32xbf16, #tpu.memory_space<vmem>> -> memref<256x32xbf16, #tpu.memory_space<vmem>>
      %dma_wait3A_475 = arith.constant 0 : i32
      %dma_wait3A_476 = tpu.memref_slice %arg8[%dma_wait3A_469, %dma_wait3A_475] : memref<8x256xi32, #tpu.memory_space<vmem>> -> memref<1x256xi32, #tpu.memory_space<vmem>>
      %dma_wait3A_477 = tpu.memref_squeeze %dma_wait3A_476 : memref<1x256xi32, #tpu.memory_space<vmem>> -> memref<256xi32, #tpu.memory_space<vmem>>
      %dma_wait3A_478 = arith.constant 0 : i32
      %dma_wait3A_479 = arith.constant 0 : i32
      %dma_wait3A_480 = tpu.memref_slice %arg11[%dma_wait3A_478, %dma_wait3A_479] : memref<50176x32xbf16, #tpu.memory_space<vmem_shared>> -> memref<50176x32xbf16, #tpu.memory_space<vmem_shared>>
      %dma_wait3A_481 = tpu.memref_slice %arg13[%dma_wait3A_470] : memref<6x!tpu.dma_semaphore, #tpu.memory_space<semaphore_mem>> -> memref<1x!tpu.dma_semaphore, #tpu.memory_space<semaphore_mem>>
      %dma_wait3A_482 = tpu.memref_squeeze %dma_wait3A_481 : memref<1x!tpu.dma_semaphore, #tpu.memory_space<semaphore_mem>> -> memref<!tpu.dma_semaphore, #tpu.memory_space<semaphore_mem>>
      tpu.wait_indirect_dma semaphore(%dma_wait3A_482 : memref<!tpu.dma_semaphore, #tpu.memory_space<semaphore_mem>>) src(%dma_wait3A_474 : memref<256x32xbf16, #tpu.memory_space<vmem>>) dst(%dma_wait3A_480 : memref<50176x32xbf16, #tpu.memory_space<vmem_shared>>)
      %dma_wait3A_483 = arith.constant 1 : i32
      %dma_wait3A_484 = arith.constant 7 : i32
      %dma_wait3A_485 = arith.constant 1 : i32
      %dma_wait3A_486 = arith.constant 0 : i32
      %dma_wait3A_487 = arith.constant 0 : i32
      %dma_wait3A_488 = tpu.memref_slice %arg9[%dma_wait3A_483, %dma_wait3A_486, %dma_wait3A_487] : memref<6x256x32xbf16, #tpu.memory_space<vmem>> -> memref<1x256x32xbf16, #tpu.memory_space<vmem>>
      %dma_wait3A_489 = tpu.memref_squeeze %dma_wait3A_488 : memref<1x256x32xbf16, #tpu.memory_space<vmem>> -> memref<256x32xbf16, #tpu.memory_space<vmem>>
      %dma_wait3A_490 = arith.constant 0 : i32
      %dma_wait3A_491 = tpu.memref_slice %arg8[%dma_wait3A_484, %dma_wait3A_490] : memref<8x256xi32, #tpu.memory_space<vmem>> -> memref<1x256xi32, #tpu.memory_space<vmem>>
      %dma_wait3A_492 = tpu.memref_squeeze %dma_wait3A_491 : memref<1x256xi32, #tpu.memory_space<vmem>> -> memref<256xi32, #tpu.memory_space<vmem>>
      %dma_wait3A_493 = arith.constant 0 : i32
      %dma_wait3A_494 = arith.constant 0 : i32
      %dma_wait3A_495 = tpu.memref_slice %arg11[%dma_wait3A_493, %dma_wait3A_494] : memref<50176x32xbf16, #tpu.memory_space<vmem_shared>> -> memref<50176x32xbf16, #tpu.memory_space<vmem_shared>>
      %dma_wait3A_496 = tpu.memref_slice %arg13[%dma_wait3A_485] : memref<6x!tpu.dma_semaphore, #tpu.memory_space<semaphore_mem>> -> memref<1x!tpu.dma_semaphore, #tpu.memory_space<semaphore_mem>>
      %dma_wait3A_497 = tpu.memref_squeeze %dma_wait3A_496 : memref<1x!tpu.dma_semaphore, #tpu.memory_space<semaphore_mem>> -> memref<!tpu.dma_semaphore, #tpu.memory_space<semaphore_mem>>
      tpu.wait_indirect_dma semaphore(%dma_wait3A_497 : memref<!tpu.dma_semaphore, #tpu.memory_space<semaphore_mem>>) src(%dma_wait3A_489 : memref<256x32xbf16, #tpu.memory_space<vmem>>) dst(%dma_wait3A_495 : memref<50176x32xbf16, #tpu.memory_space<vmem_shared>>)
    }
    %scan3A_11 = arith.constant 25 : i32
    %barrier3A_12 = arith.constant 0 : index
    tpu.barrier barrier_id(%barrier3A_12)
    %mul3A_13 = arith.constant 3136 : i32
    %mul3A_14 = arith.muli %arg1, %mul3A_13 : i32
    %mul3A_15 = arith.constant 3136 : i32
    %mul3A_16 = arith.muli %arg1, %mul3A_15 : i32
    "tpu.region"() ({
      %run_scoped3A = tpu.sem_alloc : memref<!tpu.dma_semaphore, #tpu.memory_space<semaphore_mem>>
      %dma_start3A = arith.constant 0 : i32
      %dma_start3A_17 = tpu.memref_slice %arg6[%arg0, %mul3A_16, %dma_start3A] : memref<2x50176x32xbf16, #tpu.memory_space<hbm>> -> memref<1x3136x32xbf16, #tpu.memory_space<hbm>>
      %dma_start3A_18 = tpu.memref_squeeze %dma_start3A_17 : memref<1x3136x32xbf16, #tpu.memory_space<hbm>> -> memref<3136x32xbf16, #tpu.memory_space<hbm>>
      %dma_start3A_19 = arith.constant 0 : i32
      %dma_start3A_20 = tpu.memref_slice %arg11[%mul3A_14, %dma_start3A_19] : memref<50176x32xbf16, #tpu.memory_space<vmem_shared>> -> memref<3136x32xbf16, #tpu.memory_space<vmem_shared>>
      tpu.enqueue_dma source(%dma_start3A_20 : memref<3136x32xbf16, #tpu.memory_space<vmem_shared>>) target(%dma_start3A_18 : memref<3136x32xbf16, #tpu.memory_space<hbm>>) target_semaphore(%run_scoped3A : memref<!tpu.dma_semaphore, #tpu.memory_space<semaphore_mem>>)
      %dma_wait3A = arith.constant 0 : i32
      %dma_wait3A_21 = tpu.memref_slice %arg6[%arg0, %mul3A_16, %dma_wait3A] : memref<2x50176x32xbf16, #tpu.memory_space<hbm>> -> memref<1x3136x32xbf16, #tpu.memory_space<hbm>>
      %dma_wait3A_22 = tpu.memref_squeeze %dma_wait3A_21 : memref<1x3136x32xbf16, #tpu.memory_space<hbm>> -> memref<3136x32xbf16, #tpu.memory_space<hbm>>
      %dma_wait3A_23 = arith.constant 0 : i32
      %dma_wait3A_24 = tpu.memref_slice %arg11[%mul3A_14, %dma_wait3A_23] : memref<50176x32xbf16, #tpu.memory_space<vmem_shared>> -> memref<3136x32xbf16, #tpu.memory_space<vmem_shared>>
      tpu.wait_dma2 semaphore(%run_scoped3A : memref<!tpu.dma_semaphore, #tpu.memory_space<semaphore_mem>>) src(%dma_wait3A_24 : memref<3136x32xbf16, #tpu.memory_space<vmem_shared>>) dst(%dma_wait3A_22 : memref<3136x32xbf16, #tpu.memory_space<hbm>>)
      tpu.yield
    }) : () -> ()
    return
  }
}

#map = affine_map<(d0, d1) -> (0, 0, 0)>
#map1 = affine_map<(d0, d1) -> (0, 0)>
module attributes {stable_mosaic.version = 14 : i64} {
  func.func @_agg_body(%arg0: i32, %arg1: i32, %arg2: memref<2x50000x32xbf16, #tpu.memory_space<hbm>>, %arg3: memref<3200x256xi32, #tpu.memory_space<hbm>>, %arg4: memref<3200x256xi32, #tpu.memory_space<hbm>>, %arg5: memref<3136x32xbf16, #tpu.memory_space<hbm>>, %arg6: memref<2x50176x32xbf16, #tpu.memory_space<hbm>>, %arg7: memref<8x256xi32, #tpu.memory_space<vmem>>, %arg8: memref<8x256xi32, #tpu.memory_space<vmem>>, %arg9: memref<6x256x32xbf16, #tpu.memory_space<vmem>>, %arg10: memref<50000x32xbf16, #tpu.memory_space<vmem_shared>>, %arg11: memref<50176x32xbf16, #tpu.memory_space<vmem_shared>>, %arg12: memref<6x!tpu.dma_semaphore, #tpu.memory_space<semaphore_mem>>, %arg13: memref<6x!tpu.dma_semaphore, #tpu.memory_space<semaphore_mem>>) attributes {dimension_semantics = [#tpu.dimension_semantics<core_parallel>, #tpu.dimension_semantics<subcore_parallel>], iteration_bounds = array<i64: 2, 16>, scalar_prefetch = 0 : i64, scratch_operands = 7 : i64, tpu.core_type = #tpu.core_type<sc_vector_subcore>, window_params = [{transform_indices = #map}, {transform_indices = #map1}, {transform_indices = #map1}, {transform_indices = #map1}, {transform_indices = #map}]} {
    %mul3A = arith.constant 3136 : i32
    %mul3A_0 = arith.muli %arg1, %mul3A : i32
    "tpu.region"() ({
      %run_scoped3A = tpu.sem_alloc : memref<!tpu.dma_semaphore, #tpu.memory_space<semaphore_mem>>
      %dma_start3A = arith.constant 0 : i32
      %dma_start3A_17 = tpu.memref_slice %arg11[%mul3A_0, %dma_start3A] : memref<50176x32xbf16, #tpu.memory_space<vmem_shared>> -> memref<3136x32xbf16, #tpu.memory_space<vmem_shared>>
      tpu.enqueue_dma source(%arg5 : memref<3136x32xbf16, #tpu.memory_space<hbm>>) target(%dma_start3A_17 : memref<3136x32xbf16, #tpu.memory_space<vmem_shared>>) target_semaphore(%run_scoped3A : memref<!tpu.dma_semaphore, #tpu.memory_space<semaphore_mem>>)
      %dma_wait3A = arith.constant 0 : i32
      %dma_wait3A_18 = tpu.memref_slice %arg11[%mul3A_0, %dma_wait3A] : memref<50176x32xbf16, #tpu.memory_space<vmem_shared>> -> memref<3136x32xbf16, #tpu.memory_space<vmem_shared>>
      tpu.wait_dma2 semaphore(%run_scoped3A : memref<!tpu.dma_semaphore, #tpu.memory_space<semaphore_mem>>) src(%arg5 : memref<3136x32xbf16, #tpu.memory_space<hbm>>) dst(%dma_wait3A_18 : memref<3136x32xbf16, #tpu.memory_space<vmem_shared>>)
      tpu.yield
    }) : () -> ()
    %mul3A_1 = arith.constant 3125 : i32
    %mul3A_2 = arith.muli %arg1, %mul3A_1 : i32
    %mul3A_3 = arith.constant 3125 : i32
    %mul3A_4 = arith.muli %arg1, %mul3A_3 : i32
    "tpu.region"() ({
      %run_scoped3A = tpu.sem_alloc : memref<!tpu.dma_semaphore, #tpu.memory_space<semaphore_mem>>
      %dma_start3A = arith.constant 0 : i32
      %dma_start3A_17 = tpu.memref_slice %arg10[%mul3A_4, %dma_start3A] : memref<50000x32xbf16, #tpu.memory_space<vmem_shared>> -> memref<3125x32xbf16, #tpu.memory_space<vmem_shared>>
      %dma_start3A_18 = arith.constant 0 : i32
      %dma_start3A_19 = tpu.memref_slice %arg2[%arg0, %mul3A_2, %dma_start3A_18] : memref<2x50000x32xbf16, #tpu.memory_space<hbm>> -> memref<1x3125x32xbf16, #tpu.memory_space<hbm>>
      %dma_start3A_20 = tpu.memref_squeeze %dma_start3A_19 : memref<1x3125x32xbf16, #tpu.memory_space<hbm>> -> memref<3125x32xbf16, #tpu.memory_space<hbm>>
      tpu.enqueue_dma source(%dma_start3A_20 : memref<3125x32xbf16, #tpu.memory_space<hbm>>) target(%dma_start3A_17 : memref<3125x32xbf16, #tpu.memory_space<vmem_shared>>) target_semaphore(%run_scoped3A : memref<!tpu.dma_semaphore, #tpu.memory_space<semaphore_mem>>)
      %dma_wait3A = arith.constant 0 : i32
      %dma_wait3A_21 = tpu.memref_slice %arg10[%mul3A_4, %dma_wait3A] : memref<50000x32xbf16, #tpu.memory_space<vmem_shared>> -> memref<3125x32xbf16, #tpu.memory_space<vmem_shared>>
      %dma_wait3A_22 = arith.constant 0 : i32
      %dma_wait3A_23 = tpu.memref_slice %arg2[%arg0, %mul3A_2, %dma_wait3A_22] : memref<2x50000x32xbf16, #tpu.memory_space<hbm>> -> memref<1x3125x32xbf16, #tpu.memory_space<hbm>>
      %dma_wait3A_24 = tpu.memref_squeeze %dma_wait3A_23 : memref<1x3125x32xbf16, #tpu.memory_space<hbm>> -> memref<3125x32xbf16, #tpu.memory_space<hbm>>
      tpu.wait_dma2 semaphore(%run_scoped3A : memref<!tpu.dma_semaphore, #tpu.memory_space<semaphore_mem>>) src(%dma_wait3A_24 : memref<3125x32xbf16, #tpu.memory_space<hbm>>) dst(%dma_wait3A_21 : memref<3125x32xbf16, #tpu.memory_space<vmem_shared>>)
      tpu.yield
    }) : () -> ()
    %barrier3A = arith.constant 0 : index
    tpu.barrier barrier_id(%barrier3A)
    %mul3A_5 = arith.constant 200 : i32
    %mul3A_6 = arith.muli %arg1, %mul3A_5 : i32
    %scan3A = arith.constant 0 : i32
    %scan3A_7 = arith.constant 0 : i32
    %scan3A_8 = arith.constant 25 : i32
    %scan3A_9 = arith.addi %scan3A_7, %scan3A_8 : i32
    %scan3A_10 = arith.constant 1 : i32
    scf.for %scan3A_17 = %scan3A_7 to %scan3A_9 step %scan3A_10  : i32 {
      %mul3A_18 = arith.constant 8 : i32
      %mul3A_19 = arith.muli %scan3A_17, %mul3A_18 : i32
      %add3A = arith.addi %mul3A_6, %mul3A_19 : i32
      "tpu.region"() ({
        %run_scoped3A = tpu.sem_alloc : memref<!tpu.dma_semaphore, #tpu.memory_space<semaphore_mem>>
        %dma_start3A_498 = arith.constant 0 : i32
        %dma_start3A_499 = tpu.memref_slice %arg3[%add3A, %dma_start3A_498] : memref<3200x256xi32, #tpu.memory_space<hbm>> -> memref<8x256xi32, #tpu.memory_space<hbm>>
        %dma_start3A_500 = arith.constant 0 : i32
        %dma_start3A_501 = tpu.memref_slice %arg3[%add3A, %dma_start3A_500] : memref<3200x256xi32, #tpu.memory_space<hbm>> -> memref<8x256xi32, #tpu.memory_space<hbm>>
        tpu.enqueue_dma source(%dma_start3A_501 : memref<8x256xi32, #tpu.memory_space<hbm>>) target(%arg7 : memref<8x256xi32, #tpu.memory_space<vmem>>) target_semaphore(%run_scoped3A : memref<!tpu.dma_semaphore, #tpu.memory_space<semaphore_mem>>)
        %dma_wait3A_502 = arith.constant 0 : i32
        %dma_wait3A_503 = tpu.memref_slice %arg3[%add3A, %dma_wait3A_502] : memref<3200x256xi32, #tpu.memory_space<hbm>> -> memref<8x256xi32, #tpu.memory_space<hbm>>
        %dma_wait3A_504 = arith.constant 0 : i32
        %dma_wait3A_505 = tpu.memref_slice %arg3[%add3A, %dma_wait3A_504] : memref<3200x256xi32, #tpu.memory_space<hbm>> -> memref<8x256xi32, #tpu.memory_space<hbm>>
        tpu.wait_dma2 semaphore(%run_scoped3A : memref<!tpu.dma_semaphore, #tpu.memory_space<semaphore_mem>>) src(%dma_wait3A_505 : memref<8x256xi32, #tpu.memory_space<hbm>>) dst(%arg7 : memref<8x256xi32, #tpu.memory_space<vmem>>)
        tpu.yield
      }) : () -> ()
      "tpu.region"() ({
        %run_scoped3A = tpu.sem_alloc : memref<!tpu.dma_semaphore, #tpu.memory_space<semaphore_mem>>
        %dma_start3A_498 = arith.constant 0 : i32
        %dma_start3A_499 = tpu.memref_slice %arg4[%add3A, %dma_start3A_498] : memref<3200x256xi32, #tpu.memory_space<hbm>> -> memref<8x256xi32, #tpu.memory_space<hbm>>
        %dma_start3A_500 = arith.constant 0 : i32
        %dma_start3A_501 = tpu.memref_slice %arg4[%add3A, %dma_start3A_500] : memref<3200x256xi32, #tpu.memory_space<hbm>> -> memref<8x256xi32, #tpu.memory_space<hbm>>
        tpu.enqueue_dma source(%dma_start3A_501 : memref<8x256xi32, #tpu.memory_space<hbm>>) target(%arg8 : memref<8x256xi32, #tpu.memory_space<vmem>>) target_semaphore(%run_scoped3A : memref<!tpu.dma_semaphore, #tpu.memory_space<semaphore_mem>>)
        %dma_wait3A_502 = arith.constant 0 : i32
        %dma_wait3A_503 = tpu.memref_slice %arg4[%add3A, %dma_wait3A_502] : memref<3200x256xi32, #tpu.memory_space<hbm>> -> memref<8x256xi32, #tpu.memory_space<hbm>>
        %dma_wait3A_504 = arith.constant 0 : i32
        %dma_wait3A_505 = tpu.memref_slice %arg4[%add3A, %dma_wait3A_504] : memref<3200x256xi32, #tpu.memory_space<hbm>> -> memref<8x256xi32, #tpu.memory_space<hbm>>
        tpu.wait_dma2 semaphore(%run_scoped3A : memref<!tpu.dma_semaphore, #tpu.memory_space<semaphore_mem>>) src(%dma_wait3A_505 : memref<8x256xi32, #tpu.memory_space<hbm>>) dst(%arg8 : memref<8x256xi32, #tpu.memory_space<vmem>>)
        tpu.yield
      }) : () -> ()
      %dma_start3A = arith.constant 0 : i32
      %dma_start3A_20 = arith.constant 0 : i32
      %dma_start3A_21 = arith.constant 0 : i32
      %dma_start3A_22 = arith.constant 0 : i32
      %dma_start3A_23 = arith.constant 0 : i32
      %dma_start3A_24 = tpu.memref_slice %arg9[%dma_start3A_20, %dma_start3A_22, %dma_start3A_23] : memref<6x256x32xbf16, #tpu.memory_space<vmem>> -> memref<1x256x32xbf16, #tpu.memory_space<vmem>>
      %dma_start3A_25 = tpu.memref_squeeze %dma_start3A_24 : memref<1x256x32xbf16, #tpu.memory_space<vmem>> -> memref<256x32xbf16, #tpu.memory_space<vmem>>
      %dma_start3A_26 = arith.constant 0 : i32
      %dma_start3A_27 = tpu.memref_slice %arg7[%dma_start3A, %dma_start3A_26] : memref<8x256xi32, #tpu.memory_space<vmem>> -> memref<1x256xi32, #tpu.memory_space<vmem>>
      %dma_start3A_28 = tpu.memref_squeeze %dma_start3A_27 : memref<1x256xi32, #tpu.memory_space<vmem>> -> memref<256xi32, #tpu.memory_space<vmem>>
      %dma_start3A_29 = arith.constant 0 : i32
      %dma_start3A_30 = arith.constant 0 : i32
      %dma_start3A_31 = tpu.memref_slice %arg10[%dma_start3A_29, %dma_start3A_30] : memref<50000x32xbf16, #tpu.memory_space<vmem_shared>> -> memref<50000x32xbf16, #tpu.memory_space<vmem_shared>>
      %dma_start3A_32 = tpu.memref_slice %arg12[%dma_start3A_21] : memref<6x!tpu.dma_semaphore, #tpu.memory_space<semaphore_mem>> -> memref<1x!tpu.dma_semaphore, #tpu.memory_space<semaphore_mem>>
      %dma_start3A_33 = tpu.memref_squeeze %dma_start3A_32 : memref<1x!tpu.dma_semaphore, #tpu.memory_space<semaphore_mem>> -> memref<!tpu.dma_semaphore, #tpu.memory_space<semaphore_mem>>
      tpu.enqueue_indirect_dma source(%dma_start3A_31 : memref<50000x32xbf16, #tpu.memory_space<vmem_shared>>) target(%dma_start3A_25 : memref<256x32xbf16, #tpu.memory_space<vmem>>) offsets(%dma_start3A_28 : memref<256xi32, #tpu.memory_space<vmem>>) semaphore(%dma_start3A_33 : memref<!tpu.dma_semaphore, #tpu.memory_space<semaphore_mem>>)
      %dma_start3A_34 = arith.constant 1 : i32
      %dma_start3A_35 = arith.constant 1 : i32
      %dma_start3A_36 = arith.constant 1 : i32
      %dma_start3A_37 = arith.constant 0 : i32
      %dma_start3A_38 = arith.constant 0 : i32
      %dma_start3A_39 = tpu.memref_slice %arg9[%dma_start3A_35, %dma_start3A_37, %dma_start3A_38] : memref<6x256x32xbf16, #tpu.memory_space<vmem>> -> memref<1x256x32xbf16, #tpu.memory_space<vmem>>
      %dma_start3A_40 = tpu.memref_squeeze %dma_start3A_39 : memref<1x256x32xbf16, #tpu.memory_space<vmem>> -> memref<256x32xbf16, #tpu.memory_space<vmem>>
      %dma_start3A_41 = arith.constant 0 : i32
      %dma_start3A_42 = tpu.memref_slice %arg7[%dma_start3A_34, %dma_start3A_41] : memref<8x256xi32, #tpu.memory_space<vmem>> -> memref<1x256xi32, #tpu.memory_space<vmem>>
      %dma_start3A_43 = tpu.memref_squeeze %dma_start3A_42 : memref<1x256xi32, #tpu.memory_space<vmem>> -> memref<256xi32, #tpu.memory_space<vmem>>
      %dma_start3A_44 = arith.constant 0 : i32
      %dma_start3A_45 = arith.constant 0 : i32
      %dma_start3A_46 = tpu.memref_slice %arg10[%dma_start3A_44, %dma_start3A_45] : memref<50000x32xbf16, #tpu.memory_space<vmem_shared>> -> memref<50000x32xbf16, #tpu.memory_space<vmem_shared>>
      %dma_start3A_47 = tpu.memref_slice %arg12[%dma_start3A_36] : memref<6x!tpu.dma_semaphore, #tpu.memory_space<semaphore_mem>> -> memref<1x!tpu.dma_semaphore, #tpu.memory_space<semaphore_mem>>
      %dma_start3A_48 = tpu.memref_squeeze %dma_start3A_47 : memref<1x!tpu.dma_semaphore, #tpu.memory_space<semaphore_mem>> -> memref<!tpu.dma_semaphore, #tpu.memory_space<semaphore_mem>>
      tpu.enqueue_indirect_dma source(%dma_start3A_46 : memref<50000x32xbf16, #tpu.memory_space<vmem_shared>>) target(%dma_start3A_40 : memref<256x32xbf16, #tpu.memory_space<vmem>>) offsets(%dma_start3A_43 : memref<256xi32, #tpu.memory_space<vmem>>) semaphore(%dma_start3A_48 : memref<!tpu.dma_semaphore, #tpu.memory_space<semaphore_mem>>)
      %dma_start3A_49 = arith.constant 2 : i32
      %dma_start3A_50 = arith.constant 2 : i32
      %dma_start3A_51 = arith.constant 2 : i32
      %dma_start3A_52 = arith.constant 0 : i32
      %dma_start3A_53 = arith.constant 0 : i32
      %dma_start3A_54 = tpu.memref_slice %arg9[%dma_start3A_50, %dma_start3A_52, %dma_start3A_53] : memref<6x256x32xbf16, #tpu.memory_space<vmem>> -> memref<1x256x32xbf16, #tpu.memory_space<vmem>>
      %dma_start3A_55 = tpu.memref_squeeze %dma_start3A_54 : memref<1x256x32xbf16, #tpu.memory_space<vmem>> -> memref<256x32xbf16, #tpu.memory_space<vmem>>
      %dma_start3A_56 = arith.constant 0 : i32
      %dma_start3A_57 = tpu.memref_slice %arg7[%dma_start3A_49, %dma_start3A_56] : memref<8x256xi32, #tpu.memory_space<vmem>> -> memref<1x256xi32, #tpu.memory_space<vmem>>
      %dma_start3A_58 = tpu.memref_squeeze %dma_start3A_57 : memref<1x256xi32, #tpu.memory_space<vmem>> -> memref<256xi32, #tpu.memory_space<vmem>>
      %dma_start3A_59 = arith.constant 0 : i32
      %dma_start3A_60 = arith.constant 0 : i32
      %dma_start3A_61 = tpu.memref_slice %arg10[%dma_start3A_59, %dma_start3A_60] : memref<50000x32xbf16, #tpu.memory_space<vmem_shared>> -> memref<50000x32xbf16, #tpu.memory_space<vmem_shared>>
      %dma_start3A_62 = tpu.memref_slice %arg12[%dma_start3A_51] : memref<6x!tpu.dma_semaphore, #tpu.memory_space<semaphore_mem>> -> memref<1x!tpu.dma_semaphore, #tpu.memory_space<semaphore_mem>>
      %dma_start3A_63 = tpu.memref_squeeze %dma_start3A_62 : memref<1x!tpu.dma_semaphore, #tpu.memory_space<semaphore_mem>> -> memref<!tpu.dma_semaphore, #tpu.memory_space<semaphore_mem>>
      tpu.enqueue_indirect_dma source(%dma_start3A_61 : memref<50000x32xbf16, #tpu.memory_space<vmem_shared>>) target(%dma_start3A_55 : memref<256x32xbf16, #tpu.memory_space<vmem>>) offsets(%dma_start3A_58 : memref<256xi32, #tpu.memory_space<vmem>>) semaphore(%dma_start3A_63 : memref<!tpu.dma_semaphore, #tpu.memory_space<semaphore_mem>>)
      %dma_start3A_64 = arith.constant 3 : i32
      %dma_start3A_65 = arith.constant 3 : i32
      %dma_start3A_66 = arith.constant 3 : i32
      %dma_start3A_67 = arith.constant 0 : i32
      %dma_start3A_68 = arith.constant 0 : i32
      %dma_start3A_69 = tpu.memref_slice %arg9[%dma_start3A_65, %dma_start3A_67, %dma_start3A_68] : memref<6x256x32xbf16, #tpu.memory_space<vmem>> -> memref<1x256x32xbf16, #tpu.memory_space<vmem>>
      %dma_start3A_70 = tpu.memref_squeeze %dma_start3A_69 : memref<1x256x32xbf16, #tpu.memory_space<vmem>> -> memref<256x32xbf16, #tpu.memory_space<vmem>>
      %dma_start3A_71 = arith.constant 0 : i32
      %dma_start3A_72 = tpu.memref_slice %arg7[%dma_start3A_64, %dma_start3A_71] : memref<8x256xi32, #tpu.memory_space<vmem>> -> memref<1x256xi32, #tpu.memory_space<vmem>>
      %dma_start3A_73 = tpu.memref_squeeze %dma_start3A_72 : memref<1x256xi32, #tpu.memory_space<vmem>> -> memref<256xi32, #tpu.memory_space<vmem>>
      %dma_start3A_74 = arith.constant 0 : i32
      %dma_start3A_75 = arith.constant 0 : i32
      %dma_start3A_76 = tpu.memref_slice %arg10[%dma_start3A_74, %dma_start3A_75] : memref<50000x32xbf16, #tpu.memory_space<vmem_shared>> -> memref<50000x32xbf16, #tpu.memory_space<vmem_shared>>
      %dma_start3A_77 = tpu.memref_slice %arg12[%dma_start3A_66] : memref<6x!tpu.dma_semaphore, #tpu.memory_space<semaphore_mem>> -> memref<1x!tpu.dma_semaphore, #tpu.memory_space<semaphore_mem>>
      %dma_start3A_78 = tpu.memref_squeeze %dma_start3A_77 : memref<1x!tpu.dma_semaphore, #tpu.memory_space<semaphore_mem>> -> memref<!tpu.dma_semaphore, #tpu.memory_space<semaphore_mem>>
      tpu.enqueue_indirect_dma source(%dma_start3A_76 : memref<50000x32xbf16, #tpu.memory_space<vmem_shared>>) target(%dma_start3A_70 : memref<256x32xbf16, #tpu.memory_space<vmem>>) offsets(%dma_start3A_73 : memref<256xi32, #tpu.memory_space<vmem>>) semaphore(%dma_start3A_78 : memref<!tpu.dma_semaphore, #tpu.memory_space<semaphore_mem>>)
      %dma_wait3A = arith.constant 0 : i32
      %dma_wait3A_79 = arith.constant 0 : i32
      %dma_wait3A_80 = arith.constant 0 : i32
      %dma_wait3A_81 = arith.constant 0 : i32
      %dma_wait3A_82 = arith.constant 0 : i32
      %dma_wait3A_83 = tpu.memref_slice %arg9[%dma_wait3A_79, %dma_wait3A_81, %dma_wait3A_82] : memref<6x256x32xbf16, #tpu.memory_space<vmem>> -> memref<1x256x32xbf16, #tpu.memory_space<vmem>>
      %dma_wait3A_84 = tpu.memref_squeeze %dma_wait3A_83 : memref<1x256x32xbf16, #tpu.memory_space<vmem>> -> memref<256x32xbf16, #tpu.memory_space<vmem>>
      %dma_wait3A_85 = arith.constant 0 : i32
      %dma_wait3A_86 = tpu.memref_slice %arg7[%dma_wait3A, %dma_wait3A_85] : memref<8x256xi32, #tpu.memory_space<vmem>> -> memref<1x256xi32, #tpu.memory_space<vmem>>
      %dma_wait3A_87 = tpu.memref_squeeze %dma_wait3A_86 : memref<1x256xi32, #tpu.memory_space<vmem>> -> memref<256xi32, #tpu.memory_space<vmem>>
      %dma_wait3A_88 = arith.constant 0 : i32
      %dma_wait3A_89 = arith.constant 0 : i32
      %dma_wait3A_90 = tpu.memref_slice %arg10[%dma_wait3A_88, %dma_wait3A_89] : memref<50000x32xbf16, #tpu.memory_space<vmem_shared>> -> memref<50000x32xbf16, #tpu.memory_space<vmem_shared>>
      %dma_wait3A_91 = tpu.memref_slice %arg12[%dma_wait3A_80] : memref<6x!tpu.dma_semaphore, #tpu.memory_space<semaphore_mem>> -> memref<1x!tpu.dma_semaphore, #tpu.memory_space<semaphore_mem>>
      %dma_wait3A_92 = tpu.memref_squeeze %dma_wait3A_91 : memref<1x!tpu.dma_semaphore, #tpu.memory_space<semaphore_mem>> -> memref<!tpu.dma_semaphore, #tpu.memory_space<semaphore_mem>>
      tpu.wait_indirect_dma semaphore(%dma_wait3A_92 : memref<!tpu.dma_semaphore, #tpu.memory_space<semaphore_mem>>) src(%dma_wait3A_90 : memref<50000x32xbf16, #tpu.memory_space<vmem_shared>>) dst(%dma_wait3A_84 : memref<256x32xbf16, #tpu.memory_space<vmem>>)
      %dma_start3A_93 = arith.constant 0 : i32
      %dma_start3A_94 = arith.constant 0 : i32
      %dma_start3A_95 = arith.constant 0 : i32
      %dma_start3A_96 = arith.constant 0 : i32
      %dma_start3A_97 = arith.constant 0 : i32
      %dma_start3A_98 = tpu.memref_slice %arg9[%dma_start3A_93, %dma_start3A_96, %dma_start3A_97] : memref<6x256x32xbf16, #tpu.memory_space<vmem>> -> memref<1x256x32xbf16, #tpu.memory_space<vmem>>
      %dma_start3A_99 = tpu.memref_squeeze %dma_start3A_98 : memref<1x256x32xbf16, #tpu.memory_space<vmem>> -> memref<256x32xbf16, #tpu.memory_space<vmem>>
      %dma_start3A_100 = arith.constant 0 : i32
      %dma_start3A_101 = tpu.memref_slice %arg8[%dma_start3A_94, %dma_start3A_100] : memref<8x256xi32, #tpu.memory_space<vmem>> -> memref<1x256xi32, #tpu.memory_space<vmem>>
      %dma_start3A_102 = tpu.memref_squeeze %dma_start3A_101 : memref<1x256xi32, #tpu.memory_space<vmem>> -> memref<256xi32, #tpu.memory_space<vmem>>
      %dma_start3A_103 = arith.constant 0 : i32
      %dma_start3A_104 = arith.constant 0 : i32
      %dma_start3A_105 = tpu.memref_slice %arg11[%dma_start3A_103, %dma_start3A_104] : memref<50176x32xbf16, #tpu.memory_space<vmem_shared>> -> memref<50176x32xbf16, #tpu.memory_space<vmem_shared>>
      %dma_start3A_106 = tpu.memref_slice %arg13[%dma_start3A_95] : memref<6x!tpu.dma_semaphore, #tpu.memory_space<semaphore_mem>> -> memref<1x!tpu.dma_semaphore, #tpu.memory_space<semaphore_mem>>
      %dma_start3A_107 = tpu.memref_squeeze %dma_start3A_106 : memref<1x!tpu.dma_semaphore, #tpu.memory_space<semaphore_mem>> -> memref<!tpu.dma_semaphore, #tpu.memory_space<semaphore_mem>>
      tpu.enqueue_indirect_dma source(%dma_start3A_99 : memref<256x32xbf16, #tpu.memory_space<vmem>>) target(%dma_start3A_105 : memref<50176x32xbf16, #tpu.memory_space<vmem_shared>>) offsets(%dma_start3A_102 : memref<256xi32, #tpu.memory_space<vmem>>) semaphore(%dma_start3A_107 : memref<!tpu.dma_semaphore, #tpu.memory_space<semaphore_mem>>) {add = true}
      %dma_start3A_108 = arith.constant 4 : i32
      %dma_start3A_109 = arith.constant 4 : i32
      %dma_start3A_110 = arith.constant 4 : i32
      %dma_start3A_111 = arith.constant 0 : i32
      %dma_start3A_112 = arith.constant 0 : i32
      %dma_start3A_113 = tpu.memref_slice %arg9[%dma_start3A_109, %dma_start3A_111, %dma_start3A_112] : memref<6x256x32xbf16, #tpu.memory_space<vmem>> -> memref<1x256x32xbf16, #tpu.memory_space<vmem>>
      %dma_start3A_114 = tpu.memref_squeeze %dma_start3A_113 : memref<1x256x32xbf16, #tpu.memory_space<vmem>> -> memref<256x32xbf16, #tpu.memory_space<vmem>>
      %dma_start3A_115 = arith.constant 0 : i32
      %dma_start3A_116 = tpu.memref_slice %arg7[%dma_start3A_108, %dma_start3A_115] : memref<8x256xi32, #tpu.memory_space<vmem>> -> memref<1x256xi32, #tpu.memory_space<vmem>>
      %dma_start3A_117 = tpu.memref_squeeze %dma_start3A_116 : memref<1x256xi32, #tpu.memory_space<vmem>> -> memref<256xi32, #tpu.memory_space<vmem>>
      %dma_start3A_118 = arith.constant 0 : i32
      %dma_start3A_119 = arith.constant 0 : i32
      %dma_start3A_120 = tpu.memref_slice %arg10[%dma_start3A_118, %dma_start3A_119] : memref<50000x32xbf16, #tpu.memory_space<vmem_shared>> -> memref<50000x32xbf16, #tpu.memory_space<vmem_shared>>
      %dma_start3A_121 = tpu.memref_slice %arg12[%dma_start3A_110] : memref<6x!tpu.dma_semaphore, #tpu.memory_space<semaphore_mem>> -> memref<1x!tpu.dma_semaphore, #tpu.memory_space<semaphore_mem>>
      %dma_start3A_122 = tpu.memref_squeeze %dma_start3A_121 : memref<1x!tpu.dma_semaphore, #tpu.memory_space<semaphore_mem>> -> memref<!tpu.dma_semaphore, #tpu.memory_space<semaphore_mem>>
      tpu.enqueue_indirect_dma source(%dma_start3A_120 : memref<50000x32xbf16, #tpu.memory_space<vmem_shared>>) target(%dma_start3A_114 : memref<256x32xbf16, #tpu.memory_space<vmem>>) offsets(%dma_start3A_117 : memref<256xi32, #tpu.memory_space<vmem>>) semaphore(%dma_start3A_122 : memref<!tpu.dma_semaphore, #tpu.memory_space<semaphore_mem>>)
      %dma_wait3A_123 = arith.constant 1 : i32
      %dma_wait3A_124 = arith.constant 1 : i32
      %dma_wait3A_125 = arith.constant 1 : i32
      %dma_wait3A_126 = arith.constant 0 : i32
      %dma_wait3A_127 = arith.constant 0 : i32
      %dma_wait3A_128 = tpu.memref_slice %arg9[%dma_wait3A_124, %dma_wait3A_126, %dma_wait3A_127] : memref<6x256x32xbf16, #tpu.memory_space<vmem>> -> memref<1x256x32xbf16, #tpu.memory_space<vmem>>
      %dma_wait3A_129 = tpu.memref_squeeze %dma_wait3A_128 : memref<1x256x32xbf16, #tpu.memory_space<vmem>> -> memref<256x32xbf16, #tpu.memory_space<vmem>>
      %dma_wait3A_130 = arith.constant 0 : i32
      %dma_wait3A_131 = tpu.memref_slice %arg7[%dma_wait3A_123, %dma_wait3A_130] : memref<8x256xi32, #tpu.memory_space<vmem>> -> memref<1x256xi32, #tpu.memory_space<vmem>>
      %dma_wait3A_132 = tpu.memref_squeeze %dma_wait3A_131 : memref<1x256xi32, #tpu.memory_space<vmem>> -> memref<256xi32, #tpu.memory_space<vmem>>
      %dma_wait3A_133 = arith.constant 0 : i32
      %dma_wait3A_134 = arith.constant 0 : i32
      %dma_wait3A_135 = tpu.memref_slice %arg10[%dma_wait3A_133, %dma_wait3A_134] : memref<50000x32xbf16, #tpu.memory_space<vmem_shared>> -> memref<50000x32xbf16, #tpu.memory_space<vmem_shared>>
      %dma_wait3A_136 = tpu.memref_slice %arg12[%dma_wait3A_125] : memref<6x!tpu.dma_semaphore, #tpu.memory_space<semaphore_mem>> -> memref<1x!tpu.dma_semaphore, #tpu.memory_space<semaphore_mem>>
      %dma_wait3A_137 = tpu.memref_squeeze %dma_wait3A_136 : memref<1x!tpu.dma_semaphore, #tpu.memory_space<semaphore_mem>> -> memref<!tpu.dma_semaphore, #tpu.memory_space<semaphore_mem>>
      tpu.wait_indirect_dma semaphore(%dma_wait3A_137 : memref<!tpu.dma_semaphore, #tpu.memory_space<semaphore_mem>>) src(%dma_wait3A_135 : memref<50000x32xbf16, #tpu.memory_space<vmem_shared>>) dst(%dma_wait3A_129 : memref<256x32xbf16, #tpu.memory_space<vmem>>)
      %dma_start3A_138 = arith.constant 1 : i32
      %dma_start3A_139 = arith.constant 1 : i32
      %dma_start3A_140 = arith.constant 1 : i32
      %dma_start3A_141 = arith.constant 0 : i32
      %dma_start3A_142 = arith.constant 0 : i32
      %dma_start3A_143 = tpu.memref_slice %arg9[%dma_start3A_138, %dma_start3A_141, %dma_start3A_142] : memref<6x256x32xbf16, #tpu.memory_space<vmem>> -> memref<1x256x32xbf16, #tpu.memory_space<vmem>>
      %dma_start3A_144 = tpu.memref_squeeze %dma_start3A_143 : memref<1x256x32xbf16, #tpu.memory_space<vmem>> -> memref<256x32xbf16, #tpu.memory_space<vmem>>
      %dma_start3A_145 = arith.constant 0 : i32
      %dma_start3A_146 = tpu.memref_slice %arg8[%dma_start3A_139, %dma_start3A_145] : memref<8x256xi32, #tpu.memory_space<vmem>> -> memref<1x256xi32, #tpu.memory_space<vmem>>
      %dma_start3A_147 = tpu.memref_squeeze %dma_start3A_146 : memref<1x256xi32, #tpu.memory_space<vmem>> -> memref<256xi32, #tpu.memory_space<vmem>>
      %dma_start3A_148 = arith.constant 0 : i32
      %dma_start3A_149 = arith.constant 0 : i32
      %dma_start3A_150 = tpu.memref_slice %arg11[%dma_start3A_148, %dma_start3A_149] : memref<50176x32xbf16, #tpu.memory_space<vmem_shared>> -> memref<50176x32xbf16, #tpu.memory_space<vmem_shared>>
      %dma_start3A_151 = tpu.memref_slice %arg13[%dma_start3A_140] : memref<6x!tpu.dma_semaphore, #tpu.memory_space<semaphore_mem>> -> memref<1x!tpu.dma_semaphore, #tpu.memory_space<semaphore_mem>>
      %dma_start3A_152 = tpu.memref_squeeze %dma_start3A_151 : memref<1x!tpu.dma_semaphore, #tpu.memory_space<semaphore_mem>> -> memref<!tpu.dma_semaphore, #tpu.memory_space<semaphore_mem>>
      tpu.enqueue_indirect_dma source(%dma_start3A_144 : memref<256x32xbf16, #tpu.memory_space<vmem>>) target(%dma_start3A_150 : memref<50176x32xbf16, #tpu.memory_space<vmem_shared>>) offsets(%dma_start3A_147 : memref<256xi32, #tpu.memory_space<vmem>>) semaphore(%dma_start3A_152 : memref<!tpu.dma_semaphore, #tpu.memory_space<semaphore_mem>>) {add = true}
      %dma_start3A_153 = arith.constant 5 : i32
      %dma_start3A_154 = arith.constant 5 : i32
      %dma_start3A_155 = arith.constant 5 : i32
      %dma_start3A_156 = arith.constant 0 : i32
      %dma_start3A_157 = arith.constant 0 : i32
      %dma_start3A_158 = tpu.memref_slice %arg9[%dma_start3A_154, %dma_start3A_156, %dma_start3A_157] : memref<6x256x32xbf16, #tpu.memory_space<vmem>> -> memref<1x256x32xbf16, #tpu.memory_space<vmem>>
      %dma_start3A_159 = tpu.memref_squeeze %dma_start3A_158 : memref<1x256x32xbf16, #tpu.memory_space<vmem>> -> memref<256x32xbf16, #tpu.memory_space<vmem>>
      %dma_start3A_160 = arith.constant 0 : i32
      %dma_start3A_161 = tpu.memref_slice %arg7[%dma_start3A_153, %dma_start3A_160] : memref<8x256xi32, #tpu.memory_space<vmem>> -> memref<1x256xi32, #tpu.memory_space<vmem>>
      %dma_start3A_162 = tpu.memref_squeeze %dma_start3A_161 : memref<1x256xi32, #tpu.memory_space<vmem>> -> memref<256xi32, #tpu.memory_space<vmem>>
      %dma_start3A_163 = arith.constant 0 : i32
      %dma_start3A_164 = arith.constant 0 : i32
      %dma_start3A_165 = tpu.memref_slice %arg10[%dma_start3A_163, %dma_start3A_164] : memref<50000x32xbf16, #tpu.memory_space<vmem_shared>> -> memref<50000x32xbf16, #tpu.memory_space<vmem_shared>>
      %dma_start3A_166 = tpu.memref_slice %arg12[%dma_start3A_155] : memref<6x!tpu.dma_semaphore, #tpu.memory_space<semaphore_mem>> -> memref<1x!tpu.dma_semaphore, #tpu.memory_space<semaphore_mem>>
      %dma_start3A_167 = tpu.memref_squeeze %dma_start3A_166 : memref<1x!tpu.dma_semaphore, #tpu.memory_space<semaphore_mem>> -> memref<!tpu.dma_semaphore, #tpu.memory_space<semaphore_mem>>
      tpu.enqueue_indirect_dma source(%dma_start3A_165 : memref<50000x32xbf16, #tpu.memory_space<vmem_shared>>) target(%dma_start3A_159 : memref<256x32xbf16, #tpu.memory_space<vmem>>) offsets(%dma_start3A_162 : memref<256xi32, #tpu.memory_space<vmem>>) semaphore(%dma_start3A_167 : memref<!tpu.dma_semaphore, #tpu.memory_space<semaphore_mem>>)
      %dma_wait3A_168 = arith.constant 2 : i32
      %dma_wait3A_169 = arith.constant 2 : i32
      %dma_wait3A_170 = arith.constant 2 : i32
      %dma_wait3A_171 = arith.constant 0 : i32
      %dma_wait3A_172 = arith.constant 0 : i32
      %dma_wait3A_173 = tpu.memref_slice %arg9[%dma_wait3A_169, %dma_wait3A_171, %dma_wait3A_172] : memref<6x256x32xbf16, #tpu.memory_space<vmem>> -> memref<1x256x32xbf16, #tpu.memory_space<vmem>>
      %dma_wait3A_174 = tpu.memref_squeeze %dma_wait3A_173 : memref<1x256x32xbf16, #tpu.memory_space<vmem>> -> memref<256x32xbf16, #tpu.memory_space<vmem>>
      %dma_wait3A_175 = arith.constant 0 : i32
      %dma_wait3A_176 = tpu.memref_slice %arg7[%dma_wait3A_168, %dma_wait3A_175] : memref<8x256xi32, #tpu.memory_space<vmem>> -> memref<1x256xi32, #tpu.memory_space<vmem>>
      %dma_wait3A_177 = tpu.memref_squeeze %dma_wait3A_176 : memref<1x256xi32, #tpu.memory_space<vmem>> -> memref<256xi32, #tpu.memory_space<vmem>>
      %dma_wait3A_178 = arith.constant 0 : i32
      %dma_wait3A_179 = arith.constant 0 : i32
      %dma_wait3A_180 = tpu.memref_slice %arg10[%dma_wait3A_178, %dma_wait3A_179] : memref<50000x32xbf16, #tpu.memory_space<vmem_shared>> -> memref<50000x32xbf16, #tpu.memory_space<vmem_shared>>
      %dma_wait3A_181 = tpu.memref_slice %arg12[%dma_wait3A_170] : memref<6x!tpu.dma_semaphore, #tpu.memory_space<semaphore_mem>> -> memref<1x!tpu.dma_semaphore, #tpu.memory_space<semaphore_mem>>
      %dma_wait3A_182 = tpu.memref_squeeze %dma_wait3A_181 : memref<1x!tpu.dma_semaphore, #tpu.memory_space<semaphore_mem>> -> memref<!tpu.dma_semaphore, #tpu.memory_space<semaphore_mem>>
      tpu.wait_indirect_dma semaphore(%dma_wait3A_182 : memref<!tpu.dma_semaphore, #tpu.memory_space<semaphore_mem>>) src(%dma_wait3A_180 : memref<50000x32xbf16, #tpu.memory_space<vmem_shared>>) dst(%dma_wait3A_174 : memref<256x32xbf16, #tpu.memory_space<vmem>>)
      %dma_start3A_183 = arith.constant 2 : i32
      %dma_start3A_184 = arith.constant 2 : i32
      %dma_start3A_185 = arith.constant 2 : i32
      %dma_start3A_186 = arith.constant 0 : i32
      %dma_start3A_187 = arith.constant 0 : i32
      %dma_start3A_188 = tpu.memref_slice %arg9[%dma_start3A_183, %dma_start3A_186, %dma_start3A_187] : memref<6x256x32xbf16, #tpu.memory_space<vmem>> -> memref<1x256x32xbf16, #tpu.memory_space<vmem>>
      %dma_start3A_189 = tpu.memref_squeeze %dma_start3A_188 : memref<1x256x32xbf16, #tpu.memory_space<vmem>> -> memref<256x32xbf16, #tpu.memory_space<vmem>>
      %dma_start3A_190 = arith.constant 0 : i32
      %dma_start3A_191 = tpu.memref_slice %arg8[%dma_start3A_184, %dma_start3A_190] : memref<8x256xi32, #tpu.memory_space<vmem>> -> memref<1x256xi32, #tpu.memory_space<vmem>>
      %dma_start3A_192 = tpu.memref_squeeze %dma_start3A_191 : memref<1x256xi32, #tpu.memory_space<vmem>> -> memref<256xi32, #tpu.memory_space<vmem>>
      %dma_start3A_193 = arith.constant 0 : i32
      %dma_start3A_194 = arith.constant 0 : i32
      %dma_start3A_195 = tpu.memref_slice %arg11[%dma_start3A_193, %dma_start3A_194] : memref<50176x32xbf16, #tpu.memory_space<vmem_shared>> -> memref<50176x32xbf16, #tpu.memory_space<vmem_shared>>
      %dma_start3A_196 = tpu.memref_slice %arg13[%dma_start3A_185] : memref<6x!tpu.dma_semaphore, #tpu.memory_space<semaphore_mem>> -> memref<1x!tpu.dma_semaphore, #tpu.memory_space<semaphore_mem>>
      %dma_start3A_197 = tpu.memref_squeeze %dma_start3A_196 : memref<1x!tpu.dma_semaphore, #tpu.memory_space<semaphore_mem>> -> memref<!tpu.dma_semaphore, #tpu.memory_space<semaphore_mem>>
      tpu.enqueue_indirect_dma source(%dma_start3A_189 : memref<256x32xbf16, #tpu.memory_space<vmem>>) target(%dma_start3A_195 : memref<50176x32xbf16, #tpu.memory_space<vmem_shared>>) offsets(%dma_start3A_192 : memref<256xi32, #tpu.memory_space<vmem>>) semaphore(%dma_start3A_197 : memref<!tpu.dma_semaphore, #tpu.memory_space<semaphore_mem>>) {add = true}
      %dma_wait3A_198 = arith.constant 0 : i32
      %dma_wait3A_199 = arith.constant 0 : i32
      %dma_wait3A_200 = arith.constant 0 : i32
      %dma_wait3A_201 = arith.constant 0 : i32
      %dma_wait3A_202 = arith.constant 0 : i32
      %dma_wait3A_203 = tpu.memref_slice %arg9[%dma_wait3A_198, %dma_wait3A_201, %dma_wait3A_202] : memref<6x256x32xbf16, #tpu.memory_space<vmem>> -> memref<1x256x32xbf16, #tpu.memory_space<vmem>>
      %dma_wait3A_204 = tpu.memref_squeeze %dma_wait3A_203 : memref<1x256x32xbf16, #tpu.memory_space<vmem>> -> memref<256x32xbf16, #tpu.memory_space<vmem>>
      %dma_wait3A_205 = arith.constant 0 : i32
      %dma_wait3A_206 = tpu.memref_slice %arg8[%dma_wait3A_199, %dma_wait3A_205] : memref<8x256xi32, #tpu.memory_space<vmem>> -> memref<1x256xi32, #tpu.memory_space<vmem>>
      %dma_wait3A_207 = tpu.memref_squeeze %dma_wait3A_206 : memref<1x256xi32, #tpu.memory_space<vmem>> -> memref<256xi32, #tpu.memory_space<vmem>>
      %dma_wait3A_208 = arith.constant 0 : i32
      %dma_wait3A_209 = arith.constant 0 : i32
      %dma_wait3A_210 = tpu.memref_slice %arg11[%dma_wait3A_208, %dma_wait3A_209] : memref<50176x32xbf16, #tpu.memory_space<vmem_shared>> -> memref<50176x32xbf16, #tpu.memory_space<vmem_shared>>
      %dma_wait3A_211 = tpu.memref_slice %arg13[%dma_wait3A_200] : memref<6x!tpu.dma_semaphore, #tpu.memory_space<semaphore_mem>> -> memref<1x!tpu.dma_semaphore, #tpu.memory_space<semaphore_mem>>
      %dma_wait3A_212 = tpu.memref_squeeze %dma_wait3A_211 : memref<1x!tpu.dma_semaphore, #tpu.memory_space<semaphore_mem>> -> memref<!tpu.dma_semaphore, #tpu.memory_space<semaphore_mem>>
      tpu.wait_indirect_dma semaphore(%dma_wait3A_212 : memref<!tpu.dma_semaphore, #tpu.memory_space<semaphore_mem>>) src(%dma_wait3A_204 : memref<256x32xbf16, #tpu.memory_space<vmem>>) dst(%dma_wait3A_210 : memref<50176x32xbf16, #tpu.memory_space<vmem_shared>>)
      %dma_start3A_213 = arith.constant 6 : i32
      %dma_start3A_214 = arith.constant 0 : i32
      %dma_start3A_215 = arith.constant 0 : i32
      %dma_start3A_216 = arith.constant 0 : i32
      %dma_start3A_217 = arith.constant 0 : i32
      %dma_start3A_218 = tpu.memref_slice %arg9[%dma_start3A_214, %dma_start3A_216, %dma_start3A_217] : memref<6x256x32xbf16, #tpu.memory_space<vmem>> -> memref<1x256x32xbf16, #tpu.memory_space<vmem>>
      %dma_start3A_219 = tpu.memref_squeeze %dma_start3A_218 : memref<1x256x32xbf16, #tpu.memory_space<vmem>> -> memref<256x32xbf16, #tpu.memory_space<vmem>>
      %dma_start3A_220 = arith.constant 0 : i32
      %dma_start3A_221 = tpu.memref_slice %arg7[%dma_start3A_213, %dma_start3A_220] : memref<8x256xi32, #tpu.memory_space<vmem>> -> memref<1x256xi32, #tpu.memory_space<vmem>>
      %dma_start3A_222 = tpu.memref_squeeze %dma_start3A_221 : memref<1x256xi32, #tpu.memory_space<vmem>> -> memref<256xi32, #tpu.memory_space<vmem>>
      %dma_start3A_223 = arith.constant 0 : i32
      %dma_start3A_224 = arith.constant 0 : i32
      %dma_start3A_225 = tpu.memref_slice %arg10[%dma_start3A_223, %dma_start3A_224] : memref<50000x32xbf16, #tpu.memory_space<vmem_shared>> -> memref<50000x32xbf16, #tpu.memory_space<vmem_shared>>
      %dma_start3A_226 = tpu.memref_slice %arg12[%dma_start3A_215] : memref<6x!tpu.dma_semaphore, #tpu.memory_space<semaphore_mem>> -> memref<1x!tpu.dma_semaphore, #tpu.memory_space<semaphore_mem>>
      %dma_start3A_227 = tpu.memref_squeeze %dma_start3A_226 : memref<1x!tpu.dma_semaphore, #tpu.memory_space<semaphore_mem>> -> memref<!tpu.dma_semaphore, #tpu.memory_space<semaphore_mem>>
      tpu.enqueue_indirect_dma source(%dma_start3A_225 : memref<50000x32xbf16, #tpu.memory_space<vmem_shared>>) target(%dma_start3A_219 : memref<256x32xbf16, #tpu.memory_space<vmem>>) offsets(%dma_start3A_222 : memref<256xi32, #tpu.memory_space<vmem>>) semaphore(%dma_start3A_227 : memref<!tpu.dma_semaphore, #tpu.memory_space<semaphore_mem>>)
      %dma_wait3A_228 = arith.constant 3 : i32
      %dma_wait3A_229 = arith.constant 3 : i32
      %dma_wait3A_230 = arith.constant 3 : i32
      %dma_wait3A_231 = arith.constant 0 : i32
      %dma_wait3A_232 = arith.constant 0 : i32
      %dma_wait3A_233 = tpu.memref_slice %arg9[%dma_wait3A_229, %dma_wait3A_231, %dma_wait3A_232] : memref<6x256x32xbf16, #tpu.memory_space<vmem>> -> memref<1x256x32xbf16, #tpu.memory_space<vmem>>
      %dma_wait3A_234 = tpu.memref_squeeze %dma_wait3A_233 : memref<1x256x32xbf16, #tpu.memory_space<vmem>> -> memref<256x32xbf16, #tpu.memory_space<vmem>>
      %dma_wait3A_235 = arith.constant 0 : i32
      %dma_wait3A_236 = tpu.memref_slice %arg7[%dma_wait3A_228, %dma_wait3A_235] : memref<8x256xi32, #tpu.memory_space<vmem>> -> memref<1x256xi32, #tpu.memory_space<vmem>>
      %dma_wait3A_237 = tpu.memref_squeeze %dma_wait3A_236 : memref<1x256xi32, #tpu.memory_space<vmem>> -> memref<256xi32, #tpu.memory_space<vmem>>
      %dma_wait3A_238 = arith.constant 0 : i32
      %dma_wait3A_239 = arith.constant 0 : i32
      %dma_wait3A_240 = tpu.memref_slice %arg10[%dma_wait3A_238, %dma_wait3A_239] : memref<50000x32xbf16, #tpu.memory_space<vmem_shared>> -> memref<50000x32xbf16, #tpu.memory_space<vmem_shared>>
      %dma_wait3A_241 = tpu.memref_slice %arg12[%dma_wait3A_230] : memref<6x!tpu.dma_semaphore, #tpu.memory_space<semaphore_mem>> -> memref<1x!tpu.dma_semaphore, #tpu.memory_space<semaphore_mem>>
      %dma_wait3A_242 = tpu.memref_squeeze %dma_wait3A_241 : memref<1x!tpu.dma_semaphore, #tpu.memory_space<semaphore_mem>> -> memref<!tpu.dma_semaphore, #tpu.memory_space<semaphore_mem>>
      tpu.wait_indirect_dma semaphore(%dma_wait3A_242 : memref<!tpu.dma_semaphore, #tpu.memory_space<semaphore_mem>>) src(%dma_wait3A_240 : memref<50000x32xbf16, #tpu.memory_space<vmem_shared>>) dst(%dma_wait3A_234 : memref<256x32xbf16, #tpu.memory_space<vmem>>)
      %dma_start3A_243 = arith.constant 3 : i32
      %dma_start3A_244 = arith.constant 3 : i32
      %dma_start3A_245 = arith.constant 3 : i32
      %dma_start3A_246 = arith.constant 0 : i32
      %dma_start3A_247 = arith.constant 0 : i32
      %dma_start3A_248 = tpu.memref_slice %arg9[%dma_start3A_243, %dma_start3A_246, %dma_start3A_247] : memref<6x256x32xbf16, #tpu.memory_space<vmem>> -> memref<1x256x32xbf16, #tpu.memory_space<vmem>>
      %dma_start3A_249 = tpu.memref_squeeze %dma_start3A_248 : memref<1x256x32xbf16, #tpu.memory_space<vmem>> -> memref<256x32xbf16, #tpu.memory_space<vmem>>
      %dma_start3A_250 = arith.constant 0 : i32
      %dma_start3A_251 = tpu.memref_slice %arg8[%dma_start3A_244, %dma_start3A_250] : memref<8x256xi32, #tpu.memory_space<vmem>> -> memref<1x256xi32, #tpu.memory_space<vmem>>
      %dma_start3A_252 = tpu.memref_squeeze %dma_start3A_251 : memref<1x256xi32, #tpu.memory_space<vmem>> -> memref<256xi32, #tpu.memory_space<vmem>>
      %dma_start3A_253 = arith.constant 0 : i32
      %dma_start3A_254 = arith.constant 0 : i32
      %dma_start3A_255 = tpu.memref_slice %arg11[%dma_start3A_253, %dma_start3A_254] : memref<50176x32xbf16, #tpu.memory_space<vmem_shared>> -> memref<50176x32xbf16, #tpu.memory_space<vmem_shared>>
      %dma_start3A_256 = tpu.memref_slice %arg13[%dma_start3A_245] : memref<6x!tpu.dma_semaphore, #tpu.memory_space<semaphore_mem>> -> memref<1x!tpu.dma_semaphore, #tpu.memory_space<semaphore_mem>>
      %dma_start3A_257 = tpu.memref_squeeze %dma_start3A_256 : memref<1x!tpu.dma_semaphore, #tpu.memory_space<semaphore_mem>> -> memref<!tpu.dma_semaphore, #tpu.memory_space<semaphore_mem>>
      tpu.enqueue_indirect_dma source(%dma_start3A_249 : memref<256x32xbf16, #tpu.memory_space<vmem>>) target(%dma_start3A_255 : memref<50176x32xbf16, #tpu.memory_space<vmem_shared>>) offsets(%dma_start3A_252 : memref<256xi32, #tpu.memory_space<vmem>>) semaphore(%dma_start3A_257 : memref<!tpu.dma_semaphore, #tpu.memory_space<semaphore_mem>>) {add = true}
      %dma_wait3A_258 = arith.constant 1 : i32
      %dma_wait3A_259 = arith.constant 1 : i32
      %dma_wait3A_260 = arith.constant 1 : i32
      %dma_wait3A_261 = arith.constant 0 : i32
      %dma_wait3A_262 = arith.constant 0 : i32
      %dma_wait3A_263 = tpu.memref_slice %arg9[%dma_wait3A_258, %dma_wait3A_261, %dma_wait3A_262] : memref<6x256x32xbf16, #tpu.memory_space<vmem>> -> memref<1x256x32xbf16, #tpu.memory_space<vmem>>
      %dma_wait3A_264 = tpu.memref_squeeze %dma_wait3A_263 : memref<1x256x32xbf16, #tpu.memory_space<vmem>> -> memref<256x32xbf16, #tpu.memory_space<vmem>>
      %dma_wait3A_265 = arith.constant 0 : i32
      %dma_wait3A_266 = tpu.memref_slice %arg8[%dma_wait3A_259, %dma_wait3A_265] : memref<8x256xi32, #tpu.memory_space<vmem>> -> memref<1x256xi32, #tpu.memory_space<vmem>>
      %dma_wait3A_267 = tpu.memref_squeeze %dma_wait3A_266 : memref<1x256xi32, #tpu.memory_space<vmem>> -> memref<256xi32, #tpu.memory_space<vmem>>
      %dma_wait3A_268 = arith.constant 0 : i32
      %dma_wait3A_269 = arith.constant 0 : i32
      %dma_wait3A_270 = tpu.memref_slice %arg11[%dma_wait3A_268, %dma_wait3A_269] : memref<50176x32xbf16, #tpu.memory_space<vmem_shared>> -> memref<50176x32xbf16, #tpu.memory_space<vmem_shared>>
      %dma_wait3A_271 = tpu.memref_slice %arg13[%dma_wait3A_260] : memref<6x!tpu.dma_semaphore, #tpu.memory_space<semaphore_mem>> -> memref<1x!tpu.dma_semaphore, #tpu.memory_space<semaphore_mem>>
      %dma_wait3A_272 = tpu.memref_squeeze %dma_wait3A_271 : memref<1x!tpu.dma_semaphore, #tpu.memory_space<semaphore_mem>> -> memref<!tpu.dma_semaphore, #tpu.memory_space<semaphore_mem>>
      tpu.wait_indirect_dma semaphore(%dma_wait3A_272 : memref<!tpu.dma_semaphore, #tpu.memory_space<semaphore_mem>>) src(%dma_wait3A_264 : memref<256x32xbf16, #tpu.memory_space<vmem>>) dst(%dma_wait3A_270 : memref<50176x32xbf16, #tpu.memory_space<vmem_shared>>)
      %dma_start3A_273 = arith.constant 7 : i32
      %dma_start3A_274 = arith.constant 1 : i32
      %dma_start3A_275 = arith.constant 1 : i32
      %dma_start3A_276 = arith.constant 0 : i32
      %dma_start3A_277 = arith.constant 0 : i32
      %dma_start3A_278 = tpu.memref_slice %arg9[%dma_start3A_274, %dma_start3A_276, %dma_start3A_277] : memref<6x256x32xbf16, #tpu.memory_space<vmem>> -> memref<1x256x32xbf16, #tpu.memory_space<vmem>>
      %dma_start3A_279 = tpu.memref_squeeze %dma_start3A_278 : memref<1x256x32xbf16, #tpu.memory_space<vmem>> -> memref<256x32xbf16, #tpu.memory_space<vmem>>
      %dma_start3A_280 = arith.constant 0 : i32
      %dma_start3A_281 = tpu.memref_slice %arg7[%dma_start3A_273, %dma_start3A_280] : memref<8x256xi32, #tpu.memory_space<vmem>> -> memref<1x256xi32, #tpu.memory_space<vmem>>
      %dma_start3A_282 = tpu.memref_squeeze %dma_start3A_281 : memref<1x256xi32, #tpu.memory_space<vmem>> -> memref<256xi32, #tpu.memory_space<vmem>>
      %dma_start3A_283 = arith.constant 0 : i32
      %dma_start3A_284 = arith.constant 0 : i32
      %dma_start3A_285 = tpu.memref_slice %arg10[%dma_start3A_283, %dma_start3A_284] : memref<50000x32xbf16, #tpu.memory_space<vmem_shared>> -> memref<50000x32xbf16, #tpu.memory_space<vmem_shared>>
      %dma_start3A_286 = tpu.memref_slice %arg12[%dma_start3A_275] : memref<6x!tpu.dma_semaphore, #tpu.memory_space<semaphore_mem>> -> memref<1x!tpu.dma_semaphore, #tpu.memory_space<semaphore_mem>>
      %dma_start3A_287 = tpu.memref_squeeze %dma_start3A_286 : memref<1x!tpu.dma_semaphore, #tpu.memory_space<semaphore_mem>> -> memref<!tpu.dma_semaphore, #tpu.memory_space<semaphore_mem>>
      tpu.enqueue_indirect_dma source(%dma_start3A_285 : memref<50000x32xbf16, #tpu.memory_space<vmem_shared>>) target(%dma_start3A_279 : memref<256x32xbf16, #tpu.memory_space<vmem>>) offsets(%dma_start3A_282 : memref<256xi32, #tpu.memory_space<vmem>>) semaphore(%dma_start3A_287 : memref<!tpu.dma_semaphore, #tpu.memory_space<semaphore_mem>>)
      %dma_wait3A_288 = arith.constant 4 : i32
      %dma_wait3A_289 = arith.constant 4 : i32
      %dma_wait3A_290 = arith.constant 4 : i32
      %dma_wait3A_291 = arith.constant 0 : i32
      %dma_wait3A_292 = arith.constant 0 : i32
      %dma_wait3A_293 = tpu.memref_slice %arg9[%dma_wait3A_289, %dma_wait3A_291, %dma_wait3A_292] : memref<6x256x32xbf16, #tpu.memory_space<vmem>> -> memref<1x256x32xbf16, #tpu.memory_space<vmem>>
      %dma_wait3A_294 = tpu.memref_squeeze %dma_wait3A_293 : memref<1x256x32xbf16, #tpu.memory_space<vmem>> -> memref<256x32xbf16, #tpu.memory_space<vmem>>
      %dma_wait3A_295 = arith.constant 0 : i32
      %dma_wait3A_296 = tpu.memref_slice %arg7[%dma_wait3A_288, %dma_wait3A_295] : memref<8x256xi32, #tpu.memory_space<vmem>> -> memref<1x256xi32, #tpu.memory_space<vmem>>
      %dma_wait3A_297 = tpu.memref_squeeze %dma_wait3A_296 : memref<1x256xi32, #tpu.memory_space<vmem>> -> memref<256xi32, #tpu.memory_space<vmem>>
      %dma_wait3A_298 = arith.constant 0 : i32
      %dma_wait3A_299 = arith.constant 0 : i32
      %dma_wait3A_300 = tpu.memref_slice %arg10[%dma_wait3A_298, %dma_wait3A_299] : memref<50000x32xbf16, #tpu.memory_space<vmem_shared>> -> memref<50000x32xbf16, #tpu.memory_space<vmem_shared>>
      %dma_wait3A_301 = tpu.memref_slice %arg12[%dma_wait3A_290] : memref<6x!tpu.dma_semaphore, #tpu.memory_space<semaphore_mem>> -> memref<1x!tpu.dma_semaphore, #tpu.memory_space<semaphore_mem>>
      %dma_wait3A_302 = tpu.memref_squeeze %dma_wait3A_301 : memref<1x!tpu.dma_semaphore, #tpu.memory_space<semaphore_mem>> -> memref<!tpu.dma_semaphore, #tpu.memory_space<semaphore_mem>>
      tpu.wait_indirect_dma semaphore(%dma_wait3A_302 : memref<!tpu.dma_semaphore, #tpu.memory_space<semaphore_mem>>) src(%dma_wait3A_300 : memref<50000x32xbf16, #tpu.memory_space<vmem_shared>>) dst(%dma_wait3A_294 : memref<256x32xbf16, #tpu.memory_space<vmem>>)
      %dma_start3A_303 = arith.constant 4 : i32
      %dma_start3A_304 = arith.constant 4 : i32
      %dma_start3A_305 = arith.constant 4 : i32
      %dma_start3A_306 = arith.constant 0 : i32
      %dma_start3A_307 = arith.constant 0 : i32
      %dma_start3A_308 = tpu.memref_slice %arg9[%dma_start3A_303, %dma_start3A_306, %dma_start3A_307] : memref<6x256x32xbf16, #tpu.memory_space<vmem>> -> memref<1x256x32xbf16, #tpu.memory_space<vmem>>
      %dma_start3A_309 = tpu.memref_squeeze %dma_start3A_308 : memref<1x256x32xbf16, #tpu.memory_space<vmem>> -> memref<256x32xbf16, #tpu.memory_space<vmem>>
      %dma_start3A_310 = arith.constant 0 : i32
      %dma_start3A_311 = tpu.memref_slice %arg8[%dma_start3A_304, %dma_start3A_310] : memref<8x256xi32, #tpu.memory_space<vmem>> -> memref<1x256xi32, #tpu.memory_space<vmem>>
      %dma_start3A_312 = tpu.memref_squeeze %dma_start3A_311 : memref<1x256xi32, #tpu.memory_space<vmem>> -> memref<256xi32, #tpu.memory_space<vmem>>
      %dma_start3A_313 = arith.constant 0 : i32
      %dma_start3A_314 = arith.constant 0 : i32
      %dma_start3A_315 = tpu.memref_slice %arg11[%dma_start3A_313, %dma_start3A_314] : memref<50176x32xbf16, #tpu.memory_space<vmem_shared>> -> memref<50176x32xbf16, #tpu.memory_space<vmem_shared>>
      %dma_start3A_316 = tpu.memref_slice %arg13[%dma_start3A_305] : memref<6x!tpu.dma_semaphore, #tpu.memory_space<semaphore_mem>> -> memref<1x!tpu.dma_semaphore, #tpu.memory_space<semaphore_mem>>
      %dma_start3A_317 = tpu.memref_squeeze %dma_start3A_316 : memref<1x!tpu.dma_semaphore, #tpu.memory_space<semaphore_mem>> -> memref<!tpu.dma_semaphore, #tpu.memory_space<semaphore_mem>>
      tpu.enqueue_indirect_dma source(%dma_start3A_309 : memref<256x32xbf16, #tpu.memory_space<vmem>>) target(%dma_start3A_315 : memref<50176x32xbf16, #tpu.memory_space<vmem_shared>>) offsets(%dma_start3A_312 : memref<256xi32, #tpu.memory_space<vmem>>) semaphore(%dma_start3A_317 : memref<!tpu.dma_semaphore, #tpu.memory_space<semaphore_mem>>) {add = true}
      %dma_wait3A_318 = arith.constant 5 : i32
      %dma_wait3A_319 = arith.constant 5 : i32
      %dma_wait3A_320 = arith.constant 5 : i32
      %dma_wait3A_321 = arith.constant 0 : i32
      %dma_wait3A_322 = arith.constant 0 : i32
      %dma_wait3A_323 = tpu.memref_slice %arg9[%dma_wait3A_319, %dma_wait3A_321, %dma_wait3A_322] : memref<6x256x32xbf16, #tpu.memory_space<vmem>> -> memref<1x256x32xbf16, #tpu.memory_space<vmem>>
      %dma_wait3A_324 = tpu.memref_squeeze %dma_wait3A_323 : memref<1x256x32xbf16, #tpu.memory_space<vmem>> -> memref<256x32xbf16, #tpu.memory_space<vmem>>
      %dma_wait3A_325 = arith.constant 0 : i32
      %dma_wait3A_326 = tpu.memref_slice %arg7[%dma_wait3A_318, %dma_wait3A_325] : memref<8x256xi32, #tpu.memory_space<vmem>> -> memref<1x256xi32, #tpu.memory_space<vmem>>
      %dma_wait3A_327 = tpu.memref_squeeze %dma_wait3A_326 : memref<1x256xi32, #tpu.memory_space<vmem>> -> memref<256xi32, #tpu.memory_space<vmem>>
      %dma_wait3A_328 = arith.constant 0 : i32
      %dma_wait3A_329 = arith.constant 0 : i32
      %dma_wait3A_330 = tpu.memref_slice %arg10[%dma_wait3A_328, %dma_wait3A_329] : memref<50000x32xbf16, #tpu.memory_space<vmem_shared>> -> memref<50000x32xbf16, #tpu.memory_space<vmem_shared>>
      %dma_wait3A_331 = tpu.memref_slice %arg12[%dma_wait3A_320] : memref<6x!tpu.dma_semaphore, #tpu.memory_space<semaphore_mem>> -> memref<1x!tpu.dma_semaphore, #tpu.memory_space<semaphore_mem>>
      %dma_wait3A_332 = tpu.memref_squeeze %dma_wait3A_331 : memref<1x!tpu.dma_semaphore, #tpu.memory_space<semaphore_mem>> -> memref<!tpu.dma_semaphore, #tpu.memory_space<semaphore_mem>>
      tpu.wait_indirect_dma semaphore(%dma_wait3A_332 : memref<!tpu.dma_semaphore, #tpu.memory_space<semaphore_mem>>) src(%dma_wait3A_330 : memref<50000x32xbf16, #tpu.memory_space<vmem_shared>>) dst(%dma_wait3A_324 : memref<256x32xbf16, #tpu.memory_space<vmem>>)
      %dma_start3A_333 = arith.constant 5 : i32
      %dma_start3A_334 = arith.constant 5 : i32
      %dma_start3A_335 = arith.constant 5 : i32
      %dma_start3A_336 = arith.constant 0 : i32
      %dma_start3A_337 = arith.constant 0 : i32
      %dma_start3A_338 = tpu.memref_slice %arg9[%dma_start3A_333, %dma_start3A_336, %dma_start3A_337] : memref<6x256x32xbf16, #tpu.memory_space<vmem>> -> memref<1x256x32xbf16, #tpu.memory_space<vmem>>
      %dma_start3A_339 = tpu.memref_squeeze %dma_start3A_338 : memref<1x256x32xbf16, #tpu.memory_space<vmem>> -> memref<256x32xbf16, #tpu.memory_space<vmem>>
      %dma_start3A_340 = arith.constant 0 : i32
      %dma_start3A_341 = tpu.memref_slice %arg8[%dma_start3A_334, %dma_start3A_340] : memref<8x256xi32, #tpu.memory_space<vmem>> -> memref<1x256xi32, #tpu.memory_space<vmem>>
      %dma_start3A_342 = tpu.memref_squeeze %dma_start3A_341 : memref<1x256xi32, #tpu.memory_space<vmem>> -> memref<256xi32, #tpu.memory_space<vmem>>
      %dma_start3A_343 = arith.constant 0 : i32
      %dma_start3A_344 = arith.constant 0 : i32
      %dma_start3A_345 = tpu.memref_slice %arg11[%dma_start3A_343, %dma_start3A_344] : memref<50176x32xbf16, #tpu.memory_space<vmem_shared>> -> memref<50176x32xbf16, #tpu.memory_space<vmem_shared>>
      %dma_start3A_346 = tpu.memref_slice %arg13[%dma_start3A_335] : memref<6x!tpu.dma_semaphore, #tpu.memory_space<semaphore_mem>> -> memref<1x!tpu.dma_semaphore, #tpu.memory_space<semaphore_mem>>
      %dma_start3A_347 = tpu.memref_squeeze %dma_start3A_346 : memref<1x!tpu.dma_semaphore, #tpu.memory_space<semaphore_mem>> -> memref<!tpu.dma_semaphore, #tpu.memory_space<semaphore_mem>>
      tpu.enqueue_indirect_dma source(%dma_start3A_339 : memref<256x32xbf16, #tpu.memory_space<vmem>>) target(%dma_start3A_345 : memref<50176x32xbf16, #tpu.memory_space<vmem_shared>>) offsets(%dma_start3A_342 : memref<256xi32, #tpu.memory_space<vmem>>) semaphore(%dma_start3A_347 : memref<!tpu.dma_semaphore, #tpu.memory_space<semaphore_mem>>) {add = true}
      %dma_wait3A_348 = arith.constant 6 : i32
      %dma_wait3A_349 = arith.constant 0 : i32
      %dma_wait3A_350 = arith.constant 0 : i32
      %dma_wait3A_351 = arith.constant 0 : i32
      %dma_wait3A_352 = arith.constant 0 : i32
      %dma_wait3A_353 = tpu.memref_slice %arg9[%dma_wait3A_349, %dma_wait3A_351, %dma_wait3A_352] : memref<6x256x32xbf16, #tpu.memory_space<vmem>> -> memref<1x256x32xbf16, #tpu.memory_space<vmem>>
      %dma_wait3A_354 = tpu.memref_squeeze %dma_wait3A_353 : memref<1x256x32xbf16, #tpu.memory_space<vmem>> -> memref<256x32xbf16, #tpu.memory_space<vmem>>
      %dma_wait3A_355 = arith.constant 0 : i32
      %dma_wait3A_356 = tpu.memref_slice %arg7[%dma_wait3A_348, %dma_wait3A_355] : memref<8x256xi32, #tpu.memory_space<vmem>> -> memref<1x256xi32, #tpu.memory_space<vmem>>
      %dma_wait3A_357 = tpu.memref_squeeze %dma_wait3A_356 : memref<1x256xi32, #tpu.memory_space<vmem>> -> memref<256xi32, #tpu.memory_space<vmem>>
      %dma_wait3A_358 = arith.constant 0 : i32
      %dma_wait3A_359 = arith.constant 0 : i32
      %dma_wait3A_360 = tpu.memref_slice %arg10[%dma_wait3A_358, %dma_wait3A_359] : memref<50000x32xbf16, #tpu.memory_space<vmem_shared>> -> memref<50000x32xbf16, #tpu.memory_space<vmem_shared>>
      %dma_wait3A_361 = tpu.memref_slice %arg12[%dma_wait3A_350] : memref<6x!tpu.dma_semaphore, #tpu.memory_space<semaphore_mem>> -> memref<1x!tpu.dma_semaphore, #tpu.memory_space<semaphore_mem>>
      %dma_wait3A_362 = tpu.memref_squeeze %dma_wait3A_361 : memref<1x!tpu.dma_semaphore, #tpu.memory_space<semaphore_mem>> -> memref<!tpu.dma_semaphore, #tpu.memory_space<semaphore_mem>>
      tpu.wait_indirect_dma semaphore(%dma_wait3A_362 : memref<!tpu.dma_semaphore, #tpu.memory_space<semaphore_mem>>) src(%dma_wait3A_360 : memref<50000x32xbf16, #tpu.memory_space<vmem_shared>>) dst(%dma_wait3A_354 : memref<256x32xbf16, #tpu.memory_space<vmem>>)
      %dma_start3A_363 = arith.constant 0 : i32
      %dma_start3A_364 = arith.constant 6 : i32
      %dma_start3A_365 = arith.constant 0 : i32
      %dma_start3A_366 = arith.constant 0 : i32
      %dma_start3A_367 = arith.constant 0 : i32
      %dma_start3A_368 = tpu.memref_slice %arg9[%dma_start3A_363, %dma_start3A_366, %dma_start3A_367] : memref<6x256x32xbf16, #tpu.memory_space<vmem>> -> memref<1x256x32xbf16, #tpu.memory_space<vmem>>
      %dma_start3A_369 = tpu.memref_squeeze %dma_start3A_368 : memref<1x256x32xbf16, #tpu.memory_space<vmem>> -> memref<256x32xbf16, #tpu.memory_space<vmem>>
      %dma_start3A_370 = arith.constant 0 : i32
      %dma_start3A_371 = tpu.memref_slice %arg8[%dma_start3A_364, %dma_start3A_370] : memref<8x256xi32, #tpu.memory_space<vmem>> -> memref<1x256xi32, #tpu.memory_space<vmem>>
      %dma_start3A_372 = tpu.memref_squeeze %dma_start3A_371 : memref<1x256xi32, #tpu.memory_space<vmem>> -> memref<256xi32, #tpu.memory_space<vmem>>
      %dma_start3A_373 = arith.constant 0 : i32
      %dma_start3A_374 = arith.constant 0 : i32
      %dma_start3A_375 = tpu.memref_slice %arg11[%dma_start3A_373, %dma_start3A_374] : memref<50176x32xbf16, #tpu.memory_space<vmem_shared>> -> memref<50176x32xbf16, #tpu.memory_space<vmem_shared>>
      %dma_start3A_376 = tpu.memref_slice %arg13[%dma_start3A_365] : memref<6x!tpu.dma_semaphore, #tpu.memory_space<semaphore_mem>> -> memref<1x!tpu.dma_semaphore, #tpu.memory_space<semaphore_mem>>
      %dma_start3A_377 = tpu.memref_squeeze %dma_start3A_376 : memref<1x!tpu.dma_semaphore, #tpu.memory_space<semaphore_mem>> -> memref<!tpu.dma_semaphore, #tpu.memory_space<semaphore_mem>>
      tpu.enqueue_indirect_dma source(%dma_start3A_369 : memref<256x32xbf16, #tpu.memory_space<vmem>>) target(%dma_start3A_375 : memref<50176x32xbf16, #tpu.memory_space<vmem_shared>>) offsets(%dma_start3A_372 : memref<256xi32, #tpu.memory_space<vmem>>) semaphore(%dma_start3A_377 : memref<!tpu.dma_semaphore, #tpu.memory_space<semaphore_mem>>) {add = true}
      %dma_wait3A_378 = arith.constant 7 : i32
      %dma_wait3A_379 = arith.constant 1 : i32
      %dma_wait3A_380 = arith.constant 1 : i32
      %dma_wait3A_381 = arith.constant 0 : i32
      %dma_wait3A_382 = arith.constant 0 : i32
      %dma_wait3A_383 = tpu.memref_slice %arg9[%dma_wait3A_379, %dma_wait3A_381, %dma_wait3A_382] : memref<6x256x32xbf16, #tpu.memory_space<vmem>> -> memref<1x256x32xbf16, #tpu.memory_space<vmem>>
      %dma_wait3A_384 = tpu.memref_squeeze %dma_wait3A_383 : memref<1x256x32xbf16, #tpu.memory_space<vmem>> -> memref<256x32xbf16, #tpu.memory_space<vmem>>
      %dma_wait3A_385 = arith.constant 0 : i32
      %dma_wait3A_386 = tpu.memref_slice %arg7[%dma_wait3A_378, %dma_wait3A_385] : memref<8x256xi32, #tpu.memory_space<vmem>> -> memref<1x256xi32, #tpu.memory_space<vmem>>
      %dma_wait3A_387 = tpu.memref_squeeze %dma_wait3A_386 : memref<1x256xi32, #tpu.memory_space<vmem>> -> memref<256xi32, #tpu.memory_space<vmem>>
      %dma_wait3A_388 = arith.constant 0 : i32
      %dma_wait3A_389 = arith.constant 0 : i32
      %dma_wait3A_390 = tpu.memref_slice %arg10[%dma_wait3A_388, %dma_wait3A_389] : memref<50000x32xbf16, #tpu.memory_space<vmem_shared>> -> memref<50000x32xbf16, #tpu.memory_space<vmem_shared>>
      %dma_wait3A_391 = tpu.memref_slice %arg12[%dma_wait3A_380] : memref<6x!tpu.dma_semaphore, #tpu.memory_space<semaphore_mem>> -> memref<1x!tpu.dma_semaphore, #tpu.memory_space<semaphore_mem>>
      %dma_wait3A_392 = tpu.memref_squeeze %dma_wait3A_391 : memref<1x!tpu.dma_semaphore, #tpu.memory_space<semaphore_mem>> -> memref<!tpu.dma_semaphore, #tpu.memory_space<semaphore_mem>>
      tpu.wait_indirect_dma semaphore(%dma_wait3A_392 : memref<!tpu.dma_semaphore, #tpu.memory_space<semaphore_mem>>) src(%dma_wait3A_390 : memref<50000x32xbf16, #tpu.memory_space<vmem_shared>>) dst(%dma_wait3A_384 : memref<256x32xbf16, #tpu.memory_space<vmem>>)
      %dma_start3A_393 = arith.constant 1 : i32
      %dma_start3A_394 = arith.constant 7 : i32
      %dma_start3A_395 = arith.constant 1 : i32
      %dma_start3A_396 = arith.constant 0 : i32
      %dma_start3A_397 = arith.constant 0 : i32
      %dma_start3A_398 = tpu.memref_slice %arg9[%dma_start3A_393, %dma_start3A_396, %dma_start3A_397] : memref<6x256x32xbf16, #tpu.memory_space<vmem>> -> memref<1x256x32xbf16, #tpu.memory_space<vmem>>
      %dma_start3A_399 = tpu.memref_squeeze %dma_start3A_398 : memref<1x256x32xbf16, #tpu.memory_space<vmem>> -> memref<256x32xbf16, #tpu.memory_space<vmem>>
      %dma_start3A_400 = arith.constant 0 : i32
      %dma_start3A_401 = tpu.memref_slice %arg8[%dma_start3A_394, %dma_start3A_400] : memref<8x256xi32, #tpu.memory_space<vmem>> -> memref<1x256xi32, #tpu.memory_space<vmem>>
      %dma_start3A_402 = tpu.memref_squeeze %dma_start3A_401 : memref<1x256xi32, #tpu.memory_space<vmem>> -> memref<256xi32, #tpu.memory_space<vmem>>
      %dma_start3A_403 = arith.constant 0 : i32
      %dma_start3A_404 = arith.constant 0 : i32
      %dma_start3A_405 = tpu.memref_slice %arg11[%dma_start3A_403, %dma_start3A_404] : memref<50176x32xbf16, #tpu.memory_space<vmem_shared>> -> memref<50176x32xbf16, #tpu.memory_space<vmem_shared>>
      %dma_start3A_406 = tpu.memref_slice %arg13[%dma_start3A_395] : memref<6x!tpu.dma_semaphore, #tpu.memory_space<semaphore_mem>> -> memref<1x!tpu.dma_semaphore, #tpu.memory_space<semaphore_mem>>
      %dma_start3A_407 = tpu.memref_squeeze %dma_start3A_406 : memref<1x!tpu.dma_semaphore, #tpu.memory_space<semaphore_mem>> -> memref<!tpu.dma_semaphore, #tpu.memory_space<semaphore_mem>>
      tpu.enqueue_indirect_dma source(%dma_start3A_399 : memref<256x32xbf16, #tpu.memory_space<vmem>>) target(%dma_start3A_405 : memref<50176x32xbf16, #tpu.memory_space<vmem_shared>>) offsets(%dma_start3A_402 : memref<256xi32, #tpu.memory_space<vmem>>) semaphore(%dma_start3A_407 : memref<!tpu.dma_semaphore, #tpu.memory_space<semaphore_mem>>) {add = true}
      %dma_wait3A_408 = arith.constant 2 : i32
      %dma_wait3A_409 = arith.constant 2 : i32
      %dma_wait3A_410 = arith.constant 2 : i32
      %dma_wait3A_411 = arith.constant 0 : i32
      %dma_wait3A_412 = arith.constant 0 : i32
      %dma_wait3A_413 = tpu.memref_slice %arg9[%dma_wait3A_408, %dma_wait3A_411, %dma_wait3A_412] : memref<6x256x32xbf16, #tpu.memory_space<vmem>> -> memref<1x256x32xbf16, #tpu.memory_space<vmem>>
      %dma_wait3A_414 = tpu.memref_squeeze %dma_wait3A_413 : memref<1x256x32xbf16, #tpu.memory_space<vmem>> -> memref<256x32xbf16, #tpu.memory_space<vmem>>
      %dma_wait3A_415 = arith.constant 0 : i32
      %dma_wait3A_416 = tpu.memref_slice %arg8[%dma_wait3A_409, %dma_wait3A_415] : memref<8x256xi32, #tpu.memory_space<vmem>> -> memref<1x256xi32, #tpu.memory_space<vmem>>
      %dma_wait3A_417 = tpu.memref_squeeze %dma_wait3A_416 : memref<1x256xi32, #tpu.memory_space<vmem>> -> memref<256xi32, #tpu.memory_space<vmem>>
      %dma_wait3A_418 = arith.constant 0 : i32
      %dma_wait3A_419 = arith.constant 0 : i32
      %dma_wait3A_420 = tpu.memref_slice %arg11[%dma_wait3A_418, %dma_wait3A_419] : memref<50176x32xbf16, #tpu.memory_space<vmem_shared>> -> memref<50176x32xbf16, #tpu.memory_space<vmem_shared>>
      %dma_wait3A_421 = tpu.memref_slice %arg13[%dma_wait3A_410] : memref<6x!tpu.dma_semaphore, #tpu.memory_space<semaphore_mem>> -> memref<1x!tpu.dma_semaphore, #tpu.memory_space<semaphore_mem>>
      %dma_wait3A_422 = tpu.memref_squeeze %dma_wait3A_421 : memref<1x!tpu.dma_semaphore, #tpu.memory_space<semaphore_mem>> -> memref<!tpu.dma_semaphore, #tpu.memory_space<semaphore_mem>>
      tpu.wait_indirect_dma semaphore(%dma_wait3A_422 : memref<!tpu.dma_semaphore, #tpu.memory_space<semaphore_mem>>) src(%dma_wait3A_414 : memref<256x32xbf16, #tpu.memory_space<vmem>>) dst(%dma_wait3A_420 : memref<50176x32xbf16, #tpu.memory_space<vmem_shared>>)
      %dma_wait3A_423 = arith.constant 3 : i32
      %dma_wait3A_424 = arith.constant 3 : i32
      %dma_wait3A_425 = arith.constant 3 : i32
      %dma_wait3A_426 = arith.constant 0 : i32
      %dma_wait3A_427 = arith.constant 0 : i32
      %dma_wait3A_428 = tpu.memref_slice %arg9[%dma_wait3A_423, %dma_wait3A_426, %dma_wait3A_427] : memref<6x256x32xbf16, #tpu.memory_space<vmem>> -> memref<1x256x32xbf16, #tpu.memory_space<vmem>>
      %dma_wait3A_429 = tpu.memref_squeeze %dma_wait3A_428 : memref<1x256x32xbf16, #tpu.memory_space<vmem>> -> memref<256x32xbf16, #tpu.memory_space<vmem>>
      %dma_wait3A_430 = arith.constant 0 : i32
      %dma_wait3A_431 = tpu.memref_slice %arg8[%dma_wait3A_424, %dma_wait3A_430] : memref<8x256xi32, #tpu.memory_space<vmem>> -> memref<1x256xi32, #tpu.memory_space<vmem>>
      %dma_wait3A_432 = tpu.memref_squeeze %dma_wait3A_431 : memref<1x256xi32, #tpu.memory_space<vmem>> -> memref<256xi32, #tpu.memory_space<vmem>>
      %dma_wait3A_433 = arith.constant 0 : i32
      %dma_wait3A_434 = arith.constant 0 : i32
      %dma_wait3A_435 = tpu.memref_slice %arg11[%dma_wait3A_433, %dma_wait3A_434] : memref<50176x32xbf16, #tpu.memory_space<vmem_shared>> -> memref<50176x32xbf16, #tpu.memory_space<vmem_shared>>
      %dma_wait3A_436 = tpu.memref_slice %arg13[%dma_wait3A_425] : memref<6x!tpu.dma_semaphore, #tpu.memory_space<semaphore_mem>> -> memref<1x!tpu.dma_semaphore, #tpu.memory_space<semaphore_mem>>
      %dma_wait3A_437 = tpu.memref_squeeze %dma_wait3A_436 : memref<1x!tpu.dma_semaphore, #tpu.memory_space<semaphore_mem>> -> memref<!tpu.dma_semaphore, #tpu.memory_space<semaphore_mem>>
      tpu.wait_indirect_dma semaphore(%dma_wait3A_437 : memref<!tpu.dma_semaphore, #tpu.memory_space<semaphore_mem>>) src(%dma_wait3A_429 : memref<256x32xbf16, #tpu.memory_space<vmem>>) dst(%dma_wait3A_435 : memref<50176x32xbf16, #tpu.memory_space<vmem_shared>>)
      %dma_wait3A_438 = arith.constant 4 : i32
      %dma_wait3A_439 = arith.constant 4 : i32
      %dma_wait3A_440 = arith.constant 4 : i32
      %dma_wait3A_441 = arith.constant 0 : i32
      %dma_wait3A_442 = arith.constant 0 : i32
      %dma_wait3A_443 = tpu.memref_slice %arg9[%dma_wait3A_438, %dma_wait3A_441, %dma_wait3A_442] : memref<6x256x32xbf16, #tpu.memory_space<vmem>> -> memref<1x256x32xbf16, #tpu.memory_space<vmem>>
      %dma_wait3A_444 = tpu.memref_squeeze %dma_wait3A_443 : memref<1x256x32xbf16, #tpu.memory_space<vmem>> -> memref<256x32xbf16, #tpu.memory_space<vmem>>
      %dma_wait3A_445 = arith.constant 0 : i32
      %dma_wait3A_446 = tpu.memref_slice %arg8[%dma_wait3A_439, %dma_wait3A_445] : memref<8x256xi32, #tpu.memory_space<vmem>> -> memref<1x256xi32, #tpu.memory_space<vmem>>
      %dma_wait3A_447 = tpu.memref_squeeze %dma_wait3A_446 : memref<1x256xi32, #tpu.memory_space<vmem>> -> memref<256xi32, #tpu.memory_space<vmem>>
      %dma_wait3A_448 = arith.constant 0 : i32
      %dma_wait3A_449 = arith.constant 0 : i32
      %dma_wait3A_450 = tpu.memref_slice %arg11[%dma_wait3A_448, %dma_wait3A_449] : memref<50176x32xbf16, #tpu.memory_space<vmem_shared>> -> memref<50176x32xbf16, #tpu.memory_space<vmem_shared>>
      %dma_wait3A_451 = tpu.memref_slice %arg13[%dma_wait3A_440] : memref<6x!tpu.dma_semaphore, #tpu.memory_space<semaphore_mem>> -> memref<1x!tpu.dma_semaphore, #tpu.memory_space<semaphore_mem>>
      %dma_wait3A_452 = tpu.memref_squeeze %dma_wait3A_451 : memref<1x!tpu.dma_semaphore, #tpu.memory_space<semaphore_mem>> -> memref<!tpu.dma_semaphore, #tpu.memory_space<semaphore_mem>>
      tpu.wait_indirect_dma semaphore(%dma_wait3A_452 : memref<!tpu.dma_semaphore, #tpu.memory_space<semaphore_mem>>) src(%dma_wait3A_444 : memref<256x32xbf16, #tpu.memory_space<vmem>>) dst(%dma_wait3A_450 : memref<50176x32xbf16, #tpu.memory_space<vmem_shared>>)
      %dma_wait3A_453 = arith.constant 5 : i32
      %dma_wait3A_454 = arith.constant 5 : i32
      %dma_wait3A_455 = arith.constant 5 : i32
      %dma_wait3A_456 = arith.constant 0 : i32
      %dma_wait3A_457 = arith.constant 0 : i32
      %dma_wait3A_458 = tpu.memref_slice %arg9[%dma_wait3A_453, %dma_wait3A_456, %dma_wait3A_457] : memref<6x256x32xbf16, #tpu.memory_space<vmem>> -> memref<1x256x32xbf16, #tpu.memory_space<vmem>>
      %dma_wait3A_459 = tpu.memref_squeeze %dma_wait3A_458 : memref<1x256x32xbf16, #tpu.memory_space<vmem>> -> memref<256x32xbf16, #tpu.memory_space<vmem>>
      %dma_wait3A_460 = arith.constant 0 : i32
      %dma_wait3A_461 = tpu.memref_slice %arg8[%dma_wait3A_454, %dma_wait3A_460] : memref<8x256xi32, #tpu.memory_space<vmem>> -> memref<1x256xi32, #tpu.memory_space<vmem>>
      %dma_wait3A_462 = tpu.memref_squeeze %dma_wait3A_461 : memref<1x256xi32, #tpu.memory_space<vmem>> -> memref<256xi32, #tpu.memory_space<vmem>>
      %dma_wait3A_463 = arith.constant 0 : i32
      %dma_wait3A_464 = arith.constant 0 : i32
      %dma_wait3A_465 = tpu.memref_slice %arg11[%dma_wait3A_463, %dma_wait3A_464] : memref<50176x32xbf16, #tpu.memory_space<vmem_shared>> -> memref<50176x32xbf16, #tpu.memory_space<vmem_shared>>
      %dma_wait3A_466 = tpu.memref_slice %arg13[%dma_wait3A_455] : memref<6x!tpu.dma_semaphore, #tpu.memory_space<semaphore_mem>> -> memref<1x!tpu.dma_semaphore, #tpu.memory_space<semaphore_mem>>
      %dma_wait3A_467 = tpu.memref_squeeze %dma_wait3A_466 : memref<1x!tpu.dma_semaphore, #tpu.memory_space<semaphore_mem>> -> memref<!tpu.dma_semaphore, #tpu.memory_space<semaphore_mem>>
      tpu.wait_indirect_dma semaphore(%dma_wait3A_467 : memref<!tpu.dma_semaphore, #tpu.memory_space<semaphore_mem>>) src(%dma_wait3A_459 : memref<256x32xbf16, #tpu.memory_space<vmem>>) dst(%dma_wait3A_465 : memref<50176x32xbf16, #tpu.memory_space<vmem_shared>>)
      %dma_wait3A_468 = arith.constant 0 : i32
      %dma_wait3A_469 = arith.constant 6 : i32
      %dma_wait3A_470 = arith.constant 0 : i32
      %dma_wait3A_471 = arith.constant 0 : i32
      %dma_wait3A_472 = arith.constant 0 : i32
      %dma_wait3A_473 = tpu.memref_slice %arg9[%dma_wait3A_468, %dma_wait3A_471, %dma_wait3A_472] : memref<6x256x32xbf16, #tpu.memory_space<vmem>> -> memref<1x256x32xbf16, #tpu.memory_space<vmem>>
      %dma_wait3A_474 = tpu.memref_squeeze %dma_wait3A_473 : memref<1x256x32xbf16, #tpu.memory_space<vmem>> -> memref<256x32xbf16, #tpu.memory_space<vmem>>
      %dma_wait3A_475 = arith.constant 0 : i32
      %dma_wait3A_476 = tpu.memref_slice %arg8[%dma_wait3A_469, %dma_wait3A_475] : memref<8x256xi32, #tpu.memory_space<vmem>> -> memref<1x256xi32, #tpu.memory_space<vmem>>
      %dma_wait3A_477 = tpu.memref_squeeze %dma_wait3A_476 : memref<1x256xi32, #tpu.memory_space<vmem>> -> memref<256xi32, #tpu.memory_space<vmem>>
      %dma_wait3A_478 = arith.constant 0 : i32
      %dma_wait3A_479 = arith.constant 0 : i32
      %dma_wait3A_480 = tpu.memref_slice %arg11[%dma_wait3A_478, %dma_wait3A_479] : memref<50176x32xbf16, #tpu.memory_space<vmem_shared>> -> memref<50176x32xbf16, #tpu.memory_space<vmem_shared>>
      %dma_wait3A_481 = tpu.memref_slice %arg13[%dma_wait3A_470] : memref<6x!tpu.dma_semaphore, #tpu.memory_space<semaphore_mem>> -> memref<1x!tpu.dma_semaphore, #tpu.memory_space<semaphore_mem>>
      %dma_wait3A_482 = tpu.memref_squeeze %dma_wait3A_481 : memref<1x!tpu.dma_semaphore, #tpu.memory_space<semaphore_mem>> -> memref<!tpu.dma_semaphore, #tpu.memory_space<semaphore_mem>>
      tpu.wait_indirect_dma semaphore(%dma_wait3A_482 : memref<!tpu.dma_semaphore, #tpu.memory_space<semaphore_mem>>) src(%dma_wait3A_474 : memref<256x32xbf16, #tpu.memory_space<vmem>>) dst(%dma_wait3A_480 : memref<50176x32xbf16, #tpu.memory_space<vmem_shared>>)
      %dma_wait3A_483 = arith.constant 1 : i32
      %dma_wait3A_484 = arith.constant 7 : i32
      %dma_wait3A_485 = arith.constant 1 : i32
      %dma_wait3A_486 = arith.constant 0 : i32
      %dma_wait3A_487 = arith.constant 0 : i32
      %dma_wait3A_488 = tpu.memref_slice %arg9[%dma_wait3A_483, %dma_wait3A_486, %dma_wait3A_487] : memref<6x256x32xbf16, #tpu.memory_space<vmem>> -> memref<1x256x32xbf16, #tpu.memory_space<vmem>>
      %dma_wait3A_489 = tpu.memref_squeeze %dma_wait3A_488 : memref<1x256x32xbf16, #tpu.memory_space<vmem>> -> memref<256x32xbf16, #tpu.memory_space<vmem>>
      %dma_wait3A_490 = arith.constant 0 : i32
      %dma_wait3A_491 = tpu.memref_slice %arg8[%dma_wait3A_484, %dma_wait3A_490] : memref<8x256xi32, #tpu.memory_space<vmem>> -> memref<1x256xi32, #tpu.memory_space<vmem>>
      %dma_wait3A_492 = tpu.memref_squeeze %dma_wait3A_491 : memref<1x256xi32, #tpu.memory_space<vmem>> -> memref<256xi32, #tpu.memory_space<vmem>>
      %dma_wait3A_493 = arith.constant 0 : i32
      %dma_wait3A_494 = arith.constant 0 : i32
      %dma_wait3A_495 = tpu.memref_slice %arg11[%dma_wait3A_493, %dma_wait3A_494] : memref<50176x32xbf16, #tpu.memory_space<vmem_shared>> -> memref<50176x32xbf16, #tpu.memory_space<vmem_shared>>
      %dma_wait3A_496 = tpu.memref_slice %arg13[%dma_wait3A_485] : memref<6x!tpu.dma_semaphore, #tpu.memory_space<semaphore_mem>> -> memref<1x!tpu.dma_semaphore, #tpu.memory_space<semaphore_mem>>
      %dma_wait3A_497 = tpu.memref_squeeze %dma_wait3A_496 : memref<1x!tpu.dma_semaphore, #tpu.memory_space<semaphore_mem>> -> memref<!tpu.dma_semaphore, #tpu.memory_space<semaphore_mem>>
      tpu.wait_indirect_dma semaphore(%dma_wait3A_497 : memref<!tpu.dma_semaphore, #tpu.memory_space<semaphore_mem>>) src(%dma_wait3A_489 : memref<256x32xbf16, #tpu.memory_space<vmem>>) dst(%dma_wait3A_495 : memref<50176x32xbf16, #tpu.memory_space<vmem_shared>>)
    }
    %scan3A_11 = arith.constant 25 : i32
    %barrier3A_12 = arith.constant 0 : index
    tpu.barrier barrier_id(%barrier3A_12)
    %mul3A_13 = arith.constant 3136 : i32
    %mul3A_14 = arith.muli %arg1, %mul3A_13 : i32
    %mul3A_15 = arith.constant 3136 : i32
    %mul3A_16 = arith.muli %arg1, %mul3A_15 : i32
    "tpu.region"() ({
      %run_scoped3A = tpu.sem_alloc : memref<!tpu.dma_semaphore, #tpu.memory_space<semaphore_mem>>
      %dma_start3A = arith.constant 0 : i32
      %dma_start3A_17 = tpu.memref_slice %arg6[%arg0, %mul3A_16, %dma_start3A] : memref<2x50176x32xbf16, #tpu.memory_space<hbm>> -> memref<1x3136x32xbf16, #tpu.memory_space<hbm>>
      %dma_start3A_18 = tpu.memref_squeeze %dma_start3A_17 : memref<1x3136x32xbf16, #tpu.memory_space<hbm>> -> memref<3136x32xbf16, #tpu.memory_space<hbm>>
      %dma_start3A_19 = arith.constant 0 : i32
      %dma_start3A_20 = tpu.memref_slice %arg11[%mul3A_14, %dma_start3A_19] : memref<50176x32xbf16, #tpu.memory_space<vmem_shared>> -> memref<3136x32xbf16, #tpu.memory_space<vmem_shared>>
      tpu.enqueue_dma source(%dma_start3A_20 : memref<3136x32xbf16, #tpu.memory_space<vmem_shared>>) target(%dma_start3A_18 : memref<3136x32xbf16, #tpu.memory_space<hbm>>) target_semaphore(%run_scoped3A : memref<!tpu.dma_semaphore, #tpu.memory_space<semaphore_mem>>)
      %dma_wait3A = arith.constant 0 : i32
      %dma_wait3A_21 = tpu.memref_slice %arg6[%arg0, %mul3A_16, %dma_wait3A] : memref<2x50176x32xbf16, #tpu.memory_space<hbm>> -> memref<1x3136x32xbf16, #tpu.memory_space<hbm>>
      %dma_wait3A_22 = tpu.memref_squeeze %dma_wait3A_21 : memref<1x3136x32xbf16, #tpu.memory_space<hbm>> -> memref<3136x32xbf16, #tpu.memory_space<hbm>>
      %dma_wait3A_23 = arith.constant 0 : i32
      %dma_wait3A_24 = tpu.memref_slice %arg11[%mul3A_14, %dma_wait3A_23] : memref<50176x32xbf16, #tpu.memory_space<vmem_shared>> -> memref<3136x32xbf16, #tpu.memory_space<vmem_shared>>
      tpu.wait_dma2 semaphore(%run_scoped3A : memref<!tpu.dma_semaphore, #tpu.memory_space<semaphore_mem>>) src(%dma_wait3A_24 : memref<3136x32xbf16, #tpu.memory_space<vmem_shared>>) dst(%dma_wait3A_22 : memref<3136x32xbf16, #tpu.memory_space<hbm>>)
      tpu.yield
    }) : () -> ()
    return
  }
}

#map = affine_map<(d0, d1) -> (0, 0, 0)>
#map1 = affine_map<(d0, d1) -> (0, 0)>
module attributes {stable_mosaic.version = 14 : i64} {
  func.func @_agg_body(%arg0: i32, %arg1: i32, %arg2: memref<2x50000x32xbf16, #tpu.memory_space<hbm>>, %arg3: memref<3200x256xi32, #tpu.memory_space<hbm>>, %arg4: memref<3200x256xi32, #tpu.memory_space<hbm>>, %arg5: memref<3136x32xbf16, #tpu.memory_space<hbm>>, %arg6: memref<2x50176x32xbf16, #tpu.memory_space<hbm>>, %arg7: memref<8x256xi32, #tpu.memory_space<vmem>>, %arg8: memref<8x256xi32, #tpu.memory_space<vmem>>, %arg9: memref<6x256x32xbf16, #tpu.memory_space<vmem>>, %arg10: memref<50000x32xbf16, #tpu.memory_space<vmem_shared>>, %arg11: memref<50176x32xbf16, #tpu.memory_space<vmem_shared>>, %arg12: memref<6x!tpu.dma_semaphore, #tpu.memory_space<semaphore_mem>>, %arg13: memref<6x!tpu.dma_semaphore, #tpu.memory_space<semaphore_mem>>) attributes {dimension_semantics = [#tpu.dimension_semantics<core_parallel>, #tpu.dimension_semantics<subcore_parallel>], iteration_bounds = array<i64: 2, 16>, scalar_prefetch = 0 : i64, scratch_operands = 7 : i64, tpu.core_type = #tpu.core_type<sc_vector_subcore>, window_params = [{transform_indices = #map}, {transform_indices = #map1}, {transform_indices = #map1}, {transform_indices = #map1}, {transform_indices = #map}]} {
    %mul3A = arith.constant 3136 : i32
    %mul3A_0 = arith.muli %arg1, %mul3A : i32
    "tpu.region"() ({
      %run_scoped3A = tpu.sem_alloc : memref<!tpu.dma_semaphore, #tpu.memory_space<semaphore_mem>>
      %dma_start3A = arith.constant 0 : i32
      %dma_start3A_17 = tpu.memref_slice %arg11[%mul3A_0, %dma_start3A] : memref<50176x32xbf16, #tpu.memory_space<vmem_shared>> -> memref<3136x32xbf16, #tpu.memory_space<vmem_shared>>
      tpu.enqueue_dma source(%arg5 : memref<3136x32xbf16, #tpu.memory_space<hbm>>) target(%dma_start3A_17 : memref<3136x32xbf16, #tpu.memory_space<vmem_shared>>) target_semaphore(%run_scoped3A : memref<!tpu.dma_semaphore, #tpu.memory_space<semaphore_mem>>)
      %dma_wait3A = arith.constant 0 : i32
      %dma_wait3A_18 = tpu.memref_slice %arg11[%mul3A_0, %dma_wait3A] : memref<50176x32xbf16, #tpu.memory_space<vmem_shared>> -> memref<3136x32xbf16, #tpu.memory_space<vmem_shared>>
      tpu.wait_dma2 semaphore(%run_scoped3A : memref<!tpu.dma_semaphore, #tpu.memory_space<semaphore_mem>>) src(%arg5 : memref<3136x32xbf16, #tpu.memory_space<hbm>>) dst(%dma_wait3A_18 : memref<3136x32xbf16, #tpu.memory_space<vmem_shared>>)
      tpu.yield
    }) : () -> ()
    %mul3A_1 = arith.constant 3125 : i32
    %mul3A_2 = arith.muli %arg1, %mul3A_1 : i32
    %mul3A_3 = arith.constant 3125 : i32
    %mul3A_4 = arith.muli %arg1, %mul3A_3 : i32
    "tpu.region"() ({
      %run_scoped3A = tpu.sem_alloc : memref<!tpu.dma_semaphore, #tpu.memory_space<semaphore_mem>>
      %dma_start3A = arith.constant 0 : i32
      %dma_start3A_17 = tpu.memref_slice %arg10[%mul3A_4, %dma_start3A] : memref<50000x32xbf16, #tpu.memory_space<vmem_shared>> -> memref<3125x32xbf16, #tpu.memory_space<vmem_shared>>
      %dma_start3A_18 = arith.constant 0 : i32
      %dma_start3A_19 = tpu.memref_slice %arg2[%arg0, %mul3A_2, %dma_start3A_18] : memref<2x50000x32xbf16, #tpu.memory_space<hbm>> -> memref<1x3125x32xbf16, #tpu.memory_space<hbm>>
      %dma_start3A_20 = tpu.memref_squeeze %dma_start3A_19 : memref<1x3125x32xbf16, #tpu.memory_space<hbm>> -> memref<3125x32xbf16, #tpu.memory_space<hbm>>
      tpu.enqueue_dma source(%dma_start3A_20 : memref<3125x32xbf16, #tpu.memory_space<hbm>>) target(%dma_start3A_17 : memref<3125x32xbf16, #tpu.memory_space<vmem_shared>>) target_semaphore(%run_scoped3A : memref<!tpu.dma_semaphore, #tpu.memory_space<semaphore_mem>>)
      %dma_wait3A = arith.constant 0 : i32
      %dma_wait3A_21 = tpu.memref_slice %arg10[%mul3A_4, %dma_wait3A] : memref<50000x32xbf16, #tpu.memory_space<vmem_shared>> -> memref<3125x32xbf16, #tpu.memory_space<vmem_shared>>
      %dma_wait3A_22 = arith.constant 0 : i32
      %dma_wait3A_23 = tpu.memref_slice %arg2[%arg0, %mul3A_2, %dma_wait3A_22] : memref<2x50000x32xbf16, #tpu.memory_space<hbm>> -> memref<1x3125x32xbf16, #tpu.memory_space<hbm>>
      %dma_wait3A_24 = tpu.memref_squeeze %dma_wait3A_23 : memref<1x3125x32xbf16, #tpu.memory_space<hbm>> -> memref<3125x32xbf16, #tpu.memory_space<hbm>>
      tpu.wait_dma2 semaphore(%run_scoped3A : memref<!tpu.dma_semaphore, #tpu.memory_space<semaphore_mem>>) src(%dma_wait3A_24 : memref<3125x32xbf16, #tpu.memory_space<hbm>>) dst(%dma_wait3A_21 : memref<3125x32xbf16, #tpu.memory_space<vmem_shared>>)
      tpu.yield
    }) : () -> ()
    %barrier3A = arith.constant 0 : index
    tpu.barrier barrier_id(%barrier3A)
    %mul3A_5 = arith.constant 200 : i32
    %mul3A_6 = arith.muli %arg1, %mul3A_5 : i32
    %scan3A = arith.constant 0 : i32
    %scan3A_7 = arith.constant 0 : i32
    %scan3A_8 = arith.constant 25 : i32
    %scan3A_9 = arith.addi %scan3A_7, %scan3A_8 : i32
    %scan3A_10 = arith.constant 1 : i32
    scf.for %scan3A_17 = %scan3A_7 to %scan3A_9 step %scan3A_10  : i32 {
      %mul3A_18 = arith.constant 8 : i32
      %mul3A_19 = arith.muli %scan3A_17, %mul3A_18 : i32
      %add3A = arith.addi %mul3A_6, %mul3A_19 : i32
      "tpu.region"() ({
        %run_scoped3A = tpu.sem_alloc : memref<!tpu.dma_semaphore, #tpu.memory_space<semaphore_mem>>
        %dma_start3A_498 = arith.constant 0 : i32
        %dma_start3A_499 = tpu.memref_slice %arg3[%add3A, %dma_start3A_498] : memref<3200x256xi32, #tpu.memory_space<hbm>> -> memref<8x256xi32, #tpu.memory_space<hbm>>
        %dma_start3A_500 = arith.constant 0 : i32
        %dma_start3A_501 = tpu.memref_slice %arg3[%add3A, %dma_start3A_500] : memref<3200x256xi32, #tpu.memory_space<hbm>> -> memref<8x256xi32, #tpu.memory_space<hbm>>
        tpu.enqueue_dma source(%dma_start3A_501 : memref<8x256xi32, #tpu.memory_space<hbm>>) target(%arg7 : memref<8x256xi32, #tpu.memory_space<vmem>>) target_semaphore(%run_scoped3A : memref<!tpu.dma_semaphore, #tpu.memory_space<semaphore_mem>>)
        %dma_wait3A_502 = arith.constant 0 : i32
        %dma_wait3A_503 = tpu.memref_slice %arg3[%add3A, %dma_wait3A_502] : memref<3200x256xi32, #tpu.memory_space<hbm>> -> memref<8x256xi32, #tpu.memory_space<hbm>>
        %dma_wait3A_504 = arith.constant 0 : i32
        %dma_wait3A_505 = tpu.memref_slice %arg3[%add3A, %dma_wait3A_504] : memref<3200x256xi32, #tpu.memory_space<hbm>> -> memref<8x256xi32, #tpu.memory_space<hbm>>
        tpu.wait_dma2 semaphore(%run_scoped3A : memref<!tpu.dma_semaphore, #tpu.memory_space<semaphore_mem>>) src(%dma_wait3A_505 : memref<8x256xi32, #tpu.memory_space<hbm>>) dst(%arg7 : memref<8x256xi32, #tpu.memory_space<vmem>>)
        tpu.yield
      }) : () -> ()
      "tpu.region"() ({
        %run_scoped3A = tpu.sem_alloc : memref<!tpu.dma_semaphore, #tpu.memory_space<semaphore_mem>>
        %dma_start3A_498 = arith.constant 0 : i32
        %dma_start3A_499 = tpu.memref_slice %arg4[%add3A, %dma_start3A_498] : memref<3200x256xi32, #tpu.memory_space<hbm>> -> memref<8x256xi32, #tpu.memory_space<hbm>>
        %dma_start3A_500 = arith.constant 0 : i32
        %dma_start3A_501 = tpu.memref_slice %arg4[%add3A, %dma_start3A_500] : memref<3200x256xi32, #tpu.memory_space<hbm>> -> memref<8x256xi32, #tpu.memory_space<hbm>>
        tpu.enqueue_dma source(%dma_start3A_501 : memref<8x256xi32, #tpu.memory_space<hbm>>) target(%arg8 : memref<8x256xi32, #tpu.memory_space<vmem>>) target_semaphore(%run_scoped3A : memref<!tpu.dma_semaphore, #tpu.memory_space<semaphore_mem>>)
        %dma_wait3A_502 = arith.constant 0 : i32
        %dma_wait3A_503 = tpu.memref_slice %arg4[%add3A, %dma_wait3A_502] : memref<3200x256xi32, #tpu.memory_space<hbm>> -> memref<8x256xi32, #tpu.memory_space<hbm>>
        %dma_wait3A_504 = arith.constant 0 : i32
        %dma_wait3A_505 = tpu.memref_slice %arg4[%add3A, %dma_wait3A_504] : memref<3200x256xi32, #tpu.memory_space<hbm>> -> memref<8x256xi32, #tpu.memory_space<hbm>>
        tpu.wait_dma2 semaphore(%run_scoped3A : memref<!tpu.dma_semaphore, #tpu.memory_space<semaphore_mem>>) src(%dma_wait3A_505 : memref<8x256xi32, #tpu.memory_space<hbm>>) dst(%arg8 : memref<8x256xi32, #tpu.memory_space<vmem>>)
        tpu.yield
      }) : () -> ()
      %dma_start3A = arith.constant 0 : i32
      %dma_start3A_20 = arith.constant 0 : i32
      %dma_start3A_21 = arith.constant 0 : i32
      %dma_start3A_22 = arith.constant 0 : i32
      %dma_start3A_23 = arith.constant 0 : i32
      %dma_start3A_24 = tpu.memref_slice %arg9[%dma_start3A_20, %dma_start3A_22, %dma_start3A_23] : memref<6x256x32xbf16, #tpu.memory_space<vmem>> -> memref<1x256x32xbf16, #tpu.memory_space<vmem>>
      %dma_start3A_25 = tpu.memref_squeeze %dma_start3A_24 : memref<1x256x32xbf16, #tpu.memory_space<vmem>> -> memref<256x32xbf16, #tpu.memory_space<vmem>>
      %dma_start3A_26 = arith.constant 0 : i32
      %dma_start3A_27 = tpu.memref_slice %arg7[%dma_start3A, %dma_start3A_26] : memref<8x256xi32, #tpu.memory_space<vmem>> -> memref<1x256xi32, #tpu.memory_space<vmem>>
      %dma_start3A_28 = tpu.memref_squeeze %dma_start3A_27 : memref<1x256xi32, #tpu.memory_space<vmem>> -> memref<256xi32, #tpu.memory_space<vmem>>
      %dma_start3A_29 = arith.constant 0 : i32
      %dma_start3A_30 = arith.constant 0 : i32
      %dma_start3A_31 = tpu.memref_slice %arg10[%dma_start3A_29, %dma_start3A_30] : memref<50000x32xbf16, #tpu.memory_space<vmem_shared>> -> memref<50000x32xbf16, #tpu.memory_space<vmem_shared>>
      %dma_start3A_32 = tpu.memref_slice %arg12[%dma_start3A_21] : memref<6x!tpu.dma_semaphore, #tpu.memory_space<semaphore_mem>> -> memref<1x!tpu.dma_semaphore, #tpu.memory_space<semaphore_mem>>
      %dma_start3A_33 = tpu.memref_squeeze %dma_start3A_32 : memref<1x!tpu.dma_semaphore, #tpu.memory_space<semaphore_mem>> -> memref<!tpu.dma_semaphore, #tpu.memory_space<semaphore_mem>>
      tpu.enqueue_indirect_dma source(%dma_start3A_31 : memref<50000x32xbf16, #tpu.memory_space<vmem_shared>>) target(%dma_start3A_25 : memref<256x32xbf16, #tpu.memory_space<vmem>>) offsets(%dma_start3A_28 : memref<256xi32, #tpu.memory_space<vmem>>) semaphore(%dma_start3A_33 : memref<!tpu.dma_semaphore, #tpu.memory_space<semaphore_mem>>)
      %dma_start3A_34 = arith.constant 1 : i32
      %dma_start3A_35 = arith.constant 1 : i32
      %dma_start3A_36 = arith.constant 1 : i32
      %dma_start3A_37 = arith.constant 0 : i32
      %dma_start3A_38 = arith.constant 0 : i32
      %dma_start3A_39 = tpu.memref_slice %arg9[%dma_start3A_35, %dma_start3A_37, %dma_start3A_38] : memref<6x256x32xbf16, #tpu.memory_space<vmem>> -> memref<1x256x32xbf16, #tpu.memory_space<vmem>>
      %dma_start3A_40 = tpu.memref_squeeze %dma_start3A_39 : memref<1x256x32xbf16, #tpu.memory_space<vmem>> -> memref<256x32xbf16, #tpu.memory_space<vmem>>
      %dma_start3A_41 = arith.constant 0 : i32
      %dma_start3A_42 = tpu.memref_slice %arg7[%dma_start3A_34, %dma_start3A_41] : memref<8x256xi32, #tpu.memory_space<vmem>> -> memref<1x256xi32, #tpu.memory_space<vmem>>
      %dma_start3A_43 = tpu.memref_squeeze %dma_start3A_42 : memref<1x256xi32, #tpu.memory_space<vmem>> -> memref<256xi32, #tpu.memory_space<vmem>>
      %dma_start3A_44 = arith.constant 0 : i32
      %dma_start3A_45 = arith.constant 0 : i32
      %dma_start3A_46 = tpu.memref_slice %arg10[%dma_start3A_44, %dma_start3A_45] : memref<50000x32xbf16, #tpu.memory_space<vmem_shared>> -> memref<50000x32xbf16, #tpu.memory_space<vmem_shared>>
      %dma_start3A_47 = tpu.memref_slice %arg12[%dma_start3A_36] : memref<6x!tpu.dma_semaphore, #tpu.memory_space<semaphore_mem>> -> memref<1x!tpu.dma_semaphore, #tpu.memory_space<semaphore_mem>>
      %dma_start3A_48 = tpu.memref_squeeze %dma_start3A_47 : memref<1x!tpu.dma_semaphore, #tpu.memory_space<semaphore_mem>> -> memref<!tpu.dma_semaphore, #tpu.memory_space<semaphore_mem>>
      tpu.enqueue_indirect_dma source(%dma_start3A_46 : memref<50000x32xbf16, #tpu.memory_space<vmem_shared>>) target(%dma_start3A_40 : memref<256x32xbf16, #tpu.memory_space<vmem>>) offsets(%dma_start3A_43 : memref<256xi32, #tpu.memory_space<vmem>>) semaphore(%dma_start3A_48 : memref<!tpu.dma_semaphore, #tpu.memory_space<semaphore_mem>>)
      %dma_start3A_49 = arith.constant 2 : i32
      %dma_start3A_50 = arith.constant 2 : i32
      %dma_start3A_51 = arith.constant 2 : i32
      %dma_start3A_52 = arith.constant 0 : i32
      %dma_start3A_53 = arith.constant 0 : i32
      %dma_start3A_54 = tpu.memref_slice %arg9[%dma_start3A_50, %dma_start3A_52, %dma_start3A_53] : memref<6x256x32xbf16, #tpu.memory_space<vmem>> -> memref<1x256x32xbf16, #tpu.memory_space<vmem>>
      %dma_start3A_55 = tpu.memref_squeeze %dma_start3A_54 : memref<1x256x32xbf16, #tpu.memory_space<vmem>> -> memref<256x32xbf16, #tpu.memory_space<vmem>>
      %dma_start3A_56 = arith.constant 0 : i32
      %dma_start3A_57 = tpu.memref_slice %arg7[%dma_start3A_49, %dma_start3A_56] : memref<8x256xi32, #tpu.memory_space<vmem>> -> memref<1x256xi32, #tpu.memory_space<vmem>>
      %dma_start3A_58 = tpu.memref_squeeze %dma_start3A_57 : memref<1x256xi32, #tpu.memory_space<vmem>> -> memref<256xi32, #tpu.memory_space<vmem>>
      %dma_start3A_59 = arith.constant 0 : i32
      %dma_start3A_60 = arith.constant 0 : i32
      %dma_start3A_61 = tpu.memref_slice %arg10[%dma_start3A_59, %dma_start3A_60] : memref<50000x32xbf16, #tpu.memory_space<vmem_shared>> -> memref<50000x32xbf16, #tpu.memory_space<vmem_shared>>
      %dma_start3A_62 = tpu.memref_slice %arg12[%dma_start3A_51] : memref<6x!tpu.dma_semaphore, #tpu.memory_space<semaphore_mem>> -> memref<1x!tpu.dma_semaphore, #tpu.memory_space<semaphore_mem>>
      %dma_start3A_63 = tpu.memref_squeeze %dma_start3A_62 : memref<1x!tpu.dma_semaphore, #tpu.memory_space<semaphore_mem>> -> memref<!tpu.dma_semaphore, #tpu.memory_space<semaphore_mem>>
      tpu.enqueue_indirect_dma source(%dma_start3A_61 : memref<50000x32xbf16, #tpu.memory_space<vmem_shared>>) target(%dma_start3A_55 : memref<256x32xbf16, #tpu.memory_space<vmem>>) offsets(%dma_start3A_58 : memref<256xi32, #tpu.memory_space<vmem>>) semaphore(%dma_start3A_63 : memref<!tpu.dma_semaphore, #tpu.memory_space<semaphore_mem>>)
      %dma_start3A_64 = arith.constant 3 : i32
      %dma_start3A_65 = arith.constant 3 : i32
      %dma_start3A_66 = arith.constant 3 : i32
      %dma_start3A_67 = arith.constant 0 : i32
      %dma_start3A_68 = arith.constant 0 : i32
      %dma_start3A_69 = tpu.memref_slice %arg9[%dma_start3A_65, %dma_start3A_67, %dma_start3A_68] : memref<6x256x32xbf16, #tpu.memory_space<vmem>> -> memref<1x256x32xbf16, #tpu.memory_space<vmem>>
      %dma_start3A_70 = tpu.memref_squeeze %dma_start3A_69 : memref<1x256x32xbf16, #tpu.memory_space<vmem>> -> memref<256x32xbf16, #tpu.memory_space<vmem>>
      %dma_start3A_71 = arith.constant 0 : i32
      %dma_start3A_72 = tpu.memref_slice %arg7[%dma_start3A_64, %dma_start3A_71] : memref<8x256xi32, #tpu.memory_space<vmem>> -> memref<1x256xi32, #tpu.memory_space<vmem>>
      %dma_start3A_73 = tpu.memref_squeeze %dma_start3A_72 : memref<1x256xi32, #tpu.memory_space<vmem>> -> memref<256xi32, #tpu.memory_space<vmem>>
      %dma_start3A_74 = arith.constant 0 : i32
      %dma_start3A_75 = arith.constant 0 : i32
      %dma_start3A_76 = tpu.memref_slice %arg10[%dma_start3A_74, %dma_start3A_75] : memref<50000x32xbf16, #tpu.memory_space<vmem_shared>> -> memref<50000x32xbf16, #tpu.memory_space<vmem_shared>>
      %dma_start3A_77 = tpu.memref_slice %arg12[%dma_start3A_66] : memref<6x!tpu.dma_semaphore, #tpu.memory_space<semaphore_mem>> -> memref<1x!tpu.dma_semaphore, #tpu.memory_space<semaphore_mem>>
      %dma_start3A_78 = tpu.memref_squeeze %dma_start3A_77 : memref<1x!tpu.dma_semaphore, #tpu.memory_space<semaphore_mem>> -> memref<!tpu.dma_semaphore, #tpu.memory_space<semaphore_mem>>
      tpu.enqueue_indirect_dma source(%dma_start3A_76 : memref<50000x32xbf16, #tpu.memory_space<vmem_shared>>) target(%dma_start3A_70 : memref<256x32xbf16, #tpu.memory_space<vmem>>) offsets(%dma_start3A_73 : memref<256xi32, #tpu.memory_space<vmem>>) semaphore(%dma_start3A_78 : memref<!tpu.dma_semaphore, #tpu.memory_space<semaphore_mem>>)
      %dma_wait3A = arith.constant 0 : i32
      %dma_wait3A_79 = arith.constant 0 : i32
      %dma_wait3A_80 = arith.constant 0 : i32
      %dma_wait3A_81 = arith.constant 0 : i32
      %dma_wait3A_82 = arith.constant 0 : i32
      %dma_wait3A_83 = tpu.memref_slice %arg9[%dma_wait3A_79, %dma_wait3A_81, %dma_wait3A_82] : memref<6x256x32xbf16, #tpu.memory_space<vmem>> -> memref<1x256x32xbf16, #tpu.memory_space<vmem>>
      %dma_wait3A_84 = tpu.memref_squeeze %dma_wait3A_83 : memref<1x256x32xbf16, #tpu.memory_space<vmem>> -> memref<256x32xbf16, #tpu.memory_space<vmem>>
      %dma_wait3A_85 = arith.constant 0 : i32
      %dma_wait3A_86 = tpu.memref_slice %arg7[%dma_wait3A, %dma_wait3A_85] : memref<8x256xi32, #tpu.memory_space<vmem>> -> memref<1x256xi32, #tpu.memory_space<vmem>>
      %dma_wait3A_87 = tpu.memref_squeeze %dma_wait3A_86 : memref<1x256xi32, #tpu.memory_space<vmem>> -> memref<256xi32, #tpu.memory_space<vmem>>
      %dma_wait3A_88 = arith.constant 0 : i32
      %dma_wait3A_89 = arith.constant 0 : i32
      %dma_wait3A_90 = tpu.memref_slice %arg10[%dma_wait3A_88, %dma_wait3A_89] : memref<50000x32xbf16, #tpu.memory_space<vmem_shared>> -> memref<50000x32xbf16, #tpu.memory_space<vmem_shared>>
      %dma_wait3A_91 = tpu.memref_slice %arg12[%dma_wait3A_80] : memref<6x!tpu.dma_semaphore, #tpu.memory_space<semaphore_mem>> -> memref<1x!tpu.dma_semaphore, #tpu.memory_space<semaphore_mem>>
      %dma_wait3A_92 = tpu.memref_squeeze %dma_wait3A_91 : memref<1x!tpu.dma_semaphore, #tpu.memory_space<semaphore_mem>> -> memref<!tpu.dma_semaphore, #tpu.memory_space<semaphore_mem>>
      tpu.wait_indirect_dma semaphore(%dma_wait3A_92 : memref<!tpu.dma_semaphore, #tpu.memory_space<semaphore_mem>>) src(%dma_wait3A_90 : memref<50000x32xbf16, #tpu.memory_space<vmem_shared>>) dst(%dma_wait3A_84 : memref<256x32xbf16, #tpu.memory_space<vmem>>)
      %dma_start3A_93 = arith.constant 0 : i32
      %dma_start3A_94 = arith.constant 0 : i32
      %dma_start3A_95 = arith.constant 0 : i32
      %dma_start3A_96 = arith.constant 0 : i32
      %dma_start3A_97 = arith.constant 0 : i32
      %dma_start3A_98 = tpu.memref_slice %arg9[%dma_start3A_93, %dma_start3A_96, %dma_start3A_97] : memref<6x256x32xbf16, #tpu.memory_space<vmem>> -> memref<1x256x32xbf16, #tpu.memory_space<vmem>>
      %dma_start3A_99 = tpu.memref_squeeze %dma_start3A_98 : memref<1x256x32xbf16, #tpu.memory_space<vmem>> -> memref<256x32xbf16, #tpu.memory_space<vmem>>
      %dma_start3A_100 = arith.constant 0 : i32
      %dma_start3A_101 = tpu.memref_slice %arg8[%dma_start3A_94, %dma_start3A_100] : memref<8x256xi32, #tpu.memory_space<vmem>> -> memref<1x256xi32, #tpu.memory_space<vmem>>
      %dma_start3A_102 = tpu.memref_squeeze %dma_start3A_101 : memref<1x256xi32, #tpu.memory_space<vmem>> -> memref<256xi32, #tpu.memory_space<vmem>>
      %dma_start3A_103 = arith.constant 0 : i32
      %dma_start3A_104 = arith.constant 0 : i32
      %dma_start3A_105 = tpu.memref_slice %arg11[%dma_start3A_103, %dma_start3A_104] : memref<50176x32xbf16, #tpu.memory_space<vmem_shared>> -> memref<50176x32xbf16, #tpu.memory_space<vmem_shared>>
      %dma_start3A_106 = tpu.memref_slice %arg13[%dma_start3A_95] : memref<6x!tpu.dma_semaphore, #tpu.memory_space<semaphore_mem>> -> memref<1x!tpu.dma_semaphore, #tpu.memory_space<semaphore_mem>>
      %dma_start3A_107 = tpu.memref_squeeze %dma_start3A_106 : memref<1x!tpu.dma_semaphore, #tpu.memory_space<semaphore_mem>> -> memref<!tpu.dma_semaphore, #tpu.memory_space<semaphore_mem>>
      tpu.enqueue_indirect_dma source(%dma_start3A_99 : memref<256x32xbf16, #tpu.memory_space<vmem>>) target(%dma_start3A_105 : memref<50176x32xbf16, #tpu.memory_space<vmem_shared>>) offsets(%dma_start3A_102 : memref<256xi32, #tpu.memory_space<vmem>>) semaphore(%dma_start3A_107 : memref<!tpu.dma_semaphore, #tpu.memory_space<semaphore_mem>>) {add = true}
      %dma_start3A_108 = arith.constant 4 : i32
      %dma_start3A_109 = arith.constant 4 : i32
      %dma_start3A_110 = arith.constant 4 : i32
      %dma_start3A_111 = arith.constant 0 : i32
      %dma_start3A_112 = arith.constant 0 : i32
      %dma_start3A_113 = tpu.memref_slice %arg9[%dma_start3A_109, %dma_start3A_111, %dma_start3A_112] : memref<6x256x32xbf16, #tpu.memory_space<vmem>> -> memref<1x256x32xbf16, #tpu.memory_space<vmem>>
      %dma_start3A_114 = tpu.memref_squeeze %dma_start3A_113 : memref<1x256x32xbf16, #tpu.memory_space<vmem>> -> memref<256x32xbf16, #tpu.memory_space<vmem>>
      %dma_start3A_115 = arith.constant 0 : i32
      %dma_start3A_116 = tpu.memref_slice %arg7[%dma_start3A_108, %dma_start3A_115] : memref<8x256xi32, #tpu.memory_space<vmem>> -> memref<1x256xi32, #tpu.memory_space<vmem>>
      %dma_start3A_117 = tpu.memref_squeeze %dma_start3A_116 : memref<1x256xi32, #tpu.memory_space<vmem>> -> memref<256xi32, #tpu.memory_space<vmem>>
      %dma_start3A_118 = arith.constant 0 : i32
      %dma_start3A_119 = arith.constant 0 : i32
      %dma_start3A_120 = tpu.memref_slice %arg10[%dma_start3A_118, %dma_start3A_119] : memref<50000x32xbf16, #tpu.memory_space<vmem_shared>> -> memref<50000x32xbf16, #tpu.memory_space<vmem_shared>>
      %dma_start3A_121 = tpu.memref_slice %arg12[%dma_start3A_110] : memref<6x!tpu.dma_semaphore, #tpu.memory_space<semaphore_mem>> -> memref<1x!tpu.dma_semaphore, #tpu.memory_space<semaphore_mem>>
      %dma_start3A_122 = tpu.memref_squeeze %dma_start3A_121 : memref<1x!tpu.dma_semaphore, #tpu.memory_space<semaphore_mem>> -> memref<!tpu.dma_semaphore, #tpu.memory_space<semaphore_mem>>
      tpu.enqueue_indirect_dma source(%dma_start3A_120 : memref<50000x32xbf16, #tpu.memory_space<vmem_shared>>) target(%dma_start3A_114 : memref<256x32xbf16, #tpu.memory_space<vmem>>) offsets(%dma_start3A_117 : memref<256xi32, #tpu.memory_space<vmem>>) semaphore(%dma_start3A_122 : memref<!tpu.dma_semaphore, #tpu.memory_space<semaphore_mem>>)
      %dma_wait3A_123 = arith.constant 1 : i32
      %dma_wait3A_124 = arith.constant 1 : i32
      %dma_wait3A_125 = arith.constant 1 : i32
      %dma_wait3A_126 = arith.constant 0 : i32
      %dma_wait3A_127 = arith.constant 0 : i32
      %dma_wait3A_128 = tpu.memref_slice %arg9[%dma_wait3A_124, %dma_wait3A_126, %dma_wait3A_127] : memref<6x256x32xbf16, #tpu.memory_space<vmem>> -> memref<1x256x32xbf16, #tpu.memory_space<vmem>>
      %dma_wait3A_129 = tpu.memref_squeeze %dma_wait3A_128 : memref<1x256x32xbf16, #tpu.memory_space<vmem>> -> memref<256x32xbf16, #tpu.memory_space<vmem>>
      %dma_wait3A_130 = arith.constant 0 : i32
      %dma_wait3A_131 = tpu.memref_slice %arg7[%dma_wait3A_123, %dma_wait3A_130] : memref<8x256xi32, #tpu.memory_space<vmem>> -> memref<1x256xi32, #tpu.memory_space<vmem>>
      %dma_wait3A_132 = tpu.memref_squeeze %dma_wait3A_131 : memref<1x256xi32, #tpu.memory_space<vmem>> -> memref<256xi32, #tpu.memory_space<vmem>>
      %dma_wait3A_133 = arith.constant 0 : i32
      %dma_wait3A_134 = arith.constant 0 : i32
      %dma_wait3A_135 = tpu.memref_slice %arg10[%dma_wait3A_133, %dma_wait3A_134] : memref<50000x32xbf16, #tpu.memory_space<vmem_shared>> -> memref<50000x32xbf16, #tpu.memory_space<vmem_shared>>
      %dma_wait3A_136 = tpu.memref_slice %arg12[%dma_wait3A_125] : memref<6x!tpu.dma_semaphore, #tpu.memory_space<semaphore_mem>> -> memref<1x!tpu.dma_semaphore, #tpu.memory_space<semaphore_mem>>
      %dma_wait3A_137 = tpu.memref_squeeze %dma_wait3A_136 : memref<1x!tpu.dma_semaphore, #tpu.memory_space<semaphore_mem>> -> memref<!tpu.dma_semaphore, #tpu.memory_space<semaphore_mem>>
      tpu.wait_indirect_dma semaphore(%dma_wait3A_137 : memref<!tpu.dma_semaphore, #tpu.memory_space<semaphore_mem>>) src(%dma_wait3A_135 : memref<50000x32xbf16, #tpu.memory_space<vmem_shared>>) dst(%dma_wait3A_129 : memref<256x32xbf16, #tpu.memory_space<vmem>>)
      %dma_start3A_138 = arith.constant 1 : i32
      %dma_start3A_139 = arith.constant 1 : i32
      %dma_start3A_140 = arith.constant 1 : i32
      %dma_start3A_141 = arith.constant 0 : i32
      %dma_start3A_142 = arith.constant 0 : i32
      %dma_start3A_143 = tpu.memref_slice %arg9[%dma_start3A_138, %dma_start3A_141, %dma_start3A_142] : memref<6x256x32xbf16, #tpu.memory_space<vmem>> -> memref<1x256x32xbf16, #tpu.memory_space<vmem>>
      %dma_start3A_144 = tpu.memref_squeeze %dma_start3A_143 : memref<1x256x32xbf16, #tpu.memory_space<vmem>> -> memref<256x32xbf16, #tpu.memory_space<vmem>>
      %dma_start3A_145 = arith.constant 0 : i32
      %dma_start3A_146 = tpu.memref_slice %arg8[%dma_start3A_139, %dma_start3A_145] : memref<8x256xi32, #tpu.memory_space<vmem>> -> memref<1x256xi32, #tpu.memory_space<vmem>>
      %dma_start3A_147 = tpu.memref_squeeze %dma_start3A_146 : memref<1x256xi32, #tpu.memory_space<vmem>> -> memref<256xi32, #tpu.memory_space<vmem>>
      %dma_start3A_148 = arith.constant 0 : i32
      %dma_start3A_149 = arith.constant 0 : i32
      %dma_start3A_150 = tpu.memref_slice %arg11[%dma_start3A_148, %dma_start3A_149] : memref<50176x32xbf16, #tpu.memory_space<vmem_shared>> -> memref<50176x32xbf16, #tpu.memory_space<vmem_shared>>
      %dma_start3A_151 = tpu.memref_slice %arg13[%dma_start3A_140] : memref<6x!tpu.dma_semaphore, #tpu.memory_space<semaphore_mem>> -> memref<1x!tpu.dma_semaphore, #tpu.memory_space<semaphore_mem>>
      %dma_start3A_152 = tpu.memref_squeeze %dma_start3A_151 : memref<1x!tpu.dma_semaphore, #tpu.memory_space<semaphore_mem>> -> memref<!tpu.dma_semaphore, #tpu.memory_space<semaphore_mem>>
      tpu.enqueue_indirect_dma source(%dma_start3A_144 : memref<256x32xbf16, #tpu.memory_space<vmem>>) target(%dma_start3A_150 : memref<50176x32xbf16, #tpu.memory_space<vmem_shared>>) offsets(%dma_start3A_147 : memref<256xi32, #tpu.memory_space<vmem>>) semaphore(%dma_start3A_152 : memref<!tpu.dma_semaphore, #tpu.memory_space<semaphore_mem>>) {add = true}
      %dma_start3A_153 = arith.constant 5 : i32
      %dma_start3A_154 = arith.constant 5 : i32
      %dma_start3A_155 = arith.constant 5 : i32
      %dma_start3A_156 = arith.constant 0 : i32
      %dma_start3A_157 = arith.constant 0 : i32
      %dma_start3A_158 = tpu.memref_slice %arg9[%dma_start3A_154, %dma_start3A_156, %dma_start3A_157] : memref<6x256x32xbf16, #tpu.memory_space<vmem>> -> memref<1x256x32xbf16, #tpu.memory_space<vmem>>
      %dma_start3A_159 = tpu.memref_squeeze %dma_start3A_158 : memref<1x256x32xbf16, #tpu.memory_space<vmem>> -> memref<256x32xbf16, #tpu.memory_space<vmem>>
      %dma_start3A_160 = arith.constant 0 : i32
      %dma_start3A_161 = tpu.memref_slice %arg7[%dma_start3A_153, %dma_start3A_160] : memref<8x256xi32, #tpu.memory_space<vmem>> -> memref<1x256xi32, #tpu.memory_space<vmem>>
      %dma_start3A_162 = tpu.memref_squeeze %dma_start3A_161 : memref<1x256xi32, #tpu.memory_space<vmem>> -> memref<256xi32, #tpu.memory_space<vmem>>
      %dma_start3A_163 = arith.constant 0 : i32
      %dma_start3A_164 = arith.constant 0 : i32
      %dma_start3A_165 = tpu.memref_slice %arg10[%dma_start3A_163, %dma_start3A_164] : memref<50000x32xbf16, #tpu.memory_space<vmem_shared>> -> memref<50000x32xbf16, #tpu.memory_space<vmem_shared>>
      %dma_start3A_166 = tpu.memref_slice %arg12[%dma_start3A_155] : memref<6x!tpu.dma_semaphore, #tpu.memory_space<semaphore_mem>> -> memref<1x!tpu.dma_semaphore, #tpu.memory_space<semaphore_mem>>
      %dma_start3A_167 = tpu.memref_squeeze %dma_start3A_166 : memref<1x!tpu.dma_semaphore, #tpu.memory_space<semaphore_mem>> -> memref<!tpu.dma_semaphore, #tpu.memory_space<semaphore_mem>>
      tpu.enqueue_indirect_dma source(%dma_start3A_165 : memref<50000x32xbf16, #tpu.memory_space<vmem_shared>>) target(%dma_start3A_159 : memref<256x32xbf16, #tpu.memory_space<vmem>>) offsets(%dma_start3A_162 : memref<256xi32, #tpu.memory_space<vmem>>) semaphore(%dma_start3A_167 : memref<!tpu.dma_semaphore, #tpu.memory_space<semaphore_mem>>)
      %dma_wait3A_168 = arith.constant 2 : i32
      %dma_wait3A_169 = arith.constant 2 : i32
      %dma_wait3A_170 = arith.constant 2 : i32
      %dma_wait3A_171 = arith.constant 0 : i32
      %dma_wait3A_172 = arith.constant 0 : i32
      %dma_wait3A_173 = tpu.memref_slice %arg9[%dma_wait3A_169, %dma_wait3A_171, %dma_wait3A_172] : memref<6x256x32xbf16, #tpu.memory_space<vmem>> -> memref<1x256x32xbf16, #tpu.memory_space<vmem>>
      %dma_wait3A_174 = tpu.memref_squeeze %dma_wait3A_173 : memref<1x256x32xbf16, #tpu.memory_space<vmem>> -> memref<256x32xbf16, #tpu.memory_space<vmem>>
      %dma_wait3A_175 = arith.constant 0 : i32
      %dma_wait3A_176 = tpu.memref_slice %arg7[%dma_wait3A_168, %dma_wait3A_175] : memref<8x256xi32, #tpu.memory_space<vmem>> -> memref<1x256xi32, #tpu.memory_space<vmem>>
      %dma_wait3A_177 = tpu.memref_squeeze %dma_wait3A_176 : memref<1x256xi32, #tpu.memory_space<vmem>> -> memref<256xi32, #tpu.memory_space<vmem>>
      %dma_wait3A_178 = arith.constant 0 : i32
      %dma_wait3A_179 = arith.constant 0 : i32
      %dma_wait3A_180 = tpu.memref_slice %arg10[%dma_wait3A_178, %dma_wait3A_179] : memref<50000x32xbf16, #tpu.memory_space<vmem_shared>> -> memref<50000x32xbf16, #tpu.memory_space<vmem_shared>>
      %dma_wait3A_181 = tpu.memref_slice %arg12[%dma_wait3A_170] : memref<6x!tpu.dma_semaphore, #tpu.memory_space<semaphore_mem>> -> memref<1x!tpu.dma_semaphore, #tpu.memory_space<semaphore_mem>>
      %dma_wait3A_182 = tpu.memref_squeeze %dma_wait3A_181 : memref<1x!tpu.dma_semaphore, #tpu.memory_space<semaphore_mem>> -> memref<!tpu.dma_semaphore, #tpu.memory_space<semaphore_mem>>
      tpu.wait_indirect_dma semaphore(%dma_wait3A_182 : memref<!tpu.dma_semaphore, #tpu.memory_space<semaphore_mem>>) src(%dma_wait3A_180 : memref<50000x32xbf16, #tpu.memory_space<vmem_shared>>) dst(%dma_wait3A_174 : memref<256x32xbf16, #tpu.memory_space<vmem>>)
      %dma_start3A_183 = arith.constant 2 : i32
      %dma_start3A_184 = arith.constant 2 : i32
      %dma_start3A_185 = arith.constant 2 : i32
      %dma_start3A_186 = arith.constant 0 : i32
      %dma_start3A_187 = arith.constant 0 : i32
      %dma_start3A_188 = tpu.memref_slice %arg9[%dma_start3A_183, %dma_start3A_186, %dma_start3A_187] : memref<6x256x32xbf16, #tpu.memory_space<vmem>> -> memref<1x256x32xbf16, #tpu.memory_space<vmem>>
      %dma_start3A_189 = tpu.memref_squeeze %dma_start3A_188 : memref<1x256x32xbf16, #tpu.memory_space<vmem>> -> memref<256x32xbf16, #tpu.memory_space<vmem>>
      %dma_start3A_190 = arith.constant 0 : i32
      %dma_start3A_191 = tpu.memref_slice %arg8[%dma_start3A_184, %dma_start3A_190] : memref<8x256xi32, #tpu.memory_space<vmem>> -> memref<1x256xi32, #tpu.memory_space<vmem>>
      %dma_start3A_192 = tpu.memref_squeeze %dma_start3A_191 : memref<1x256xi32, #tpu.memory_space<vmem>> -> memref<256xi32, #tpu.memory_space<vmem>>
      %dma_start3A_193 = arith.constant 0 : i32
      %dma_start3A_194 = arith.constant 0 : i32
      %dma_start3A_195 = tpu.memref_slice %arg11[%dma_start3A_193, %dma_start3A_194] : memref<50176x32xbf16, #tpu.memory_space<vmem_shared>> -> memref<50176x32xbf16, #tpu.memory_space<vmem_shared>>
      %dma_start3A_196 = tpu.memref_slice %arg13[%dma_start3A_185] : memref<6x!tpu.dma_semaphore, #tpu.memory_space<semaphore_mem>> -> memref<1x!tpu.dma_semaphore, #tpu.memory_space<semaphore_mem>>
      %dma_start3A_197 = tpu.memref_squeeze %dma_start3A_196 : memref<1x!tpu.dma_semaphore, #tpu.memory_space<semaphore_mem>> -> memref<!tpu.dma_semaphore, #tpu.memory_space<semaphore_mem>>
      tpu.enqueue_indirect_dma source(%dma_start3A_189 : memref<256x32xbf16, #tpu.memory_space<vmem>>) target(%dma_start3A_195 : memref<50176x32xbf16, #tpu.memory_space<vmem_shared>>) offsets(%dma_start3A_192 : memref<256xi32, #tpu.memory_space<vmem>>) semaphore(%dma_start3A_197 : memref<!tpu.dma_semaphore, #tpu.memory_space<semaphore_mem>>) {add = true}
      %dma_wait3A_198 = arith.constant 0 : i32
      %dma_wait3A_199 = arith.constant 0 : i32
      %dma_wait3A_200 = arith.constant 0 : i32
      %dma_wait3A_201 = arith.constant 0 : i32
      %dma_wait3A_202 = arith.constant 0 : i32
      %dma_wait3A_203 = tpu.memref_slice %arg9[%dma_wait3A_198, %dma_wait3A_201, %dma_wait3A_202] : memref<6x256x32xbf16, #tpu.memory_space<vmem>> -> memref<1x256x32xbf16, #tpu.memory_space<vmem>>
      %dma_wait3A_204 = tpu.memref_squeeze %dma_wait3A_203 : memref<1x256x32xbf16, #tpu.memory_space<vmem>> -> memref<256x32xbf16, #tpu.memory_space<vmem>>
      %dma_wait3A_205 = arith.constant 0 : i32
      %dma_wait3A_206 = tpu.memref_slice %arg8[%dma_wait3A_199, %dma_wait3A_205] : memref<8x256xi32, #tpu.memory_space<vmem>> -> memref<1x256xi32, #tpu.memory_space<vmem>>
      %dma_wait3A_207 = tpu.memref_squeeze %dma_wait3A_206 : memref<1x256xi32, #tpu.memory_space<vmem>> -> memref<256xi32, #tpu.memory_space<vmem>>
      %dma_wait3A_208 = arith.constant 0 : i32
      %dma_wait3A_209 = arith.constant 0 : i32
      %dma_wait3A_210 = tpu.memref_slice %arg11[%dma_wait3A_208, %dma_wait3A_209] : memref<50176x32xbf16, #tpu.memory_space<vmem_shared>> -> memref<50176x32xbf16, #tpu.memory_space<vmem_shared>>
      %dma_wait3A_211 = tpu.memref_slice %arg13[%dma_wait3A_200] : memref<6x!tpu.dma_semaphore, #tpu.memory_space<semaphore_mem>> -> memref<1x!tpu.dma_semaphore, #tpu.memory_space<semaphore_mem>>
      %dma_wait3A_212 = tpu.memref_squeeze %dma_wait3A_211 : memref<1x!tpu.dma_semaphore, #tpu.memory_space<semaphore_mem>> -> memref<!tpu.dma_semaphore, #tpu.memory_space<semaphore_mem>>
      tpu.wait_indirect_dma semaphore(%dma_wait3A_212 : memref<!tpu.dma_semaphore, #tpu.memory_space<semaphore_mem>>) src(%dma_wait3A_204 : memref<256x32xbf16, #tpu.memory_space<vmem>>) dst(%dma_wait3A_210 : memref<50176x32xbf16, #tpu.memory_space<vmem_shared>>)
      %dma_start3A_213 = arith.constant 6 : i32
      %dma_start3A_214 = arith.constant 0 : i32
      %dma_start3A_215 = arith.constant 0 : i32
      %dma_start3A_216 = arith.constant 0 : i32
      %dma_start3A_217 = arith.constant 0 : i32
      %dma_start3A_218 = tpu.memref_slice %arg9[%dma_start3A_214, %dma_start3A_216, %dma_start3A_217] : memref<6x256x32xbf16, #tpu.memory_space<vmem>> -> memref<1x256x32xbf16, #tpu.memory_space<vmem>>
      %dma_start3A_219 = tpu.memref_squeeze %dma_start3A_218 : memref<1x256x32xbf16, #tpu.memory_space<vmem>> -> memref<256x32xbf16, #tpu.memory_space<vmem>>
      %dma_start3A_220 = arith.constant 0 : i32
      %dma_start3A_221 = tpu.memref_slice %arg7[%dma_start3A_213, %dma_start3A_220] : memref<8x256xi32, #tpu.memory_space<vmem>> -> memref<1x256xi32, #tpu.memory_space<vmem>>
      %dma_start3A_222 = tpu.memref_squeeze %dma_start3A_221 : memref<1x256xi32, #tpu.memory_space<vmem>> -> memref<256xi32, #tpu.memory_space<vmem>>
      %dma_start3A_223 = arith.constant 0 : i32
      %dma_start3A_224 = arith.constant 0 : i32
      %dma_start3A_225 = tpu.memref_slice %arg10[%dma_start3A_223, %dma_start3A_224] : memref<50000x32xbf16, #tpu.memory_space<vmem_shared>> -> memref<50000x32xbf16, #tpu.memory_space<vmem_shared>>
      %dma_start3A_226 = tpu.memref_slice %arg12[%dma_start3A_215] : memref<6x!tpu.dma_semaphore, #tpu.memory_space<semaphore_mem>> -> memref<1x!tpu.dma_semaphore, #tpu.memory_space<semaphore_mem>>
      %dma_start3A_227 = tpu.memref_squeeze %dma_start3A_226 : memref<1x!tpu.dma_semaphore, #tpu.memory_space<semaphore_mem>> -> memref<!tpu.dma_semaphore, #tpu.memory_space<semaphore_mem>>
      tpu.enqueue_indirect_dma source(%dma_start3A_225 : memref<50000x32xbf16, #tpu.memory_space<vmem_shared>>) target(%dma_start3A_219 : memref<256x32xbf16, #tpu.memory_space<vmem>>) offsets(%dma_start3A_222 : memref<256xi32, #tpu.memory_space<vmem>>) semaphore(%dma_start3A_227 : memref<!tpu.dma_semaphore, #tpu.memory_space<semaphore_mem>>)
      %dma_wait3A_228 = arith.constant 3 : i32
      %dma_wait3A_229 = arith.constant 3 : i32
      %dma_wait3A_230 = arith.constant 3 : i32
      %dma_wait3A_231 = arith.constant 0 : i32
      %dma_wait3A_232 = arith.constant 0 : i32
      %dma_wait3A_233 = tpu.memref_slice %arg9[%dma_wait3A_229, %dma_wait3A_231, %dma_wait3A_232] : memref<6x256x32xbf16, #tpu.memory_space<vmem>> -> memref<1x256x32xbf16, #tpu.memory_space<vmem>>
      %dma_wait3A_234 = tpu.memref_squeeze %dma_wait3A_233 : memref<1x256x32xbf16, #tpu.memory_space<vmem>> -> memref<256x32xbf16, #tpu.memory_space<vmem>>
      %dma_wait3A_235 = arith.constant 0 : i32
      %dma_wait3A_236 = tpu.memref_slice %arg7[%dma_wait3A_228, %dma_wait3A_235] : memref<8x256xi32, #tpu.memory_space<vmem>> -> memref<1x256xi32, #tpu.memory_space<vmem>>
      %dma_wait3A_237 = tpu.memref_squeeze %dma_wait3A_236 : memref<1x256xi32, #tpu.memory_space<vmem>> -> memref<256xi32, #tpu.memory_space<vmem>>
      %dma_wait3A_238 = arith.constant 0 : i32
      %dma_wait3A_239 = arith.constant 0 : i32
      %dma_wait3A_240 = tpu.memref_slice %arg10[%dma_wait3A_238, %dma_wait3A_239] : memref<50000x32xbf16, #tpu.memory_space<vmem_shared>> -> memref<50000x32xbf16, #tpu.memory_space<vmem_shared>>
      %dma_wait3A_241 = tpu.memref_slice %arg12[%dma_wait3A_230] : memref<6x!tpu.dma_semaphore, #tpu.memory_space<semaphore_mem>> -> memref<1x!tpu.dma_semaphore, #tpu.memory_space<semaphore_mem>>
      %dma_wait3A_242 = tpu.memref_squeeze %dma_wait3A_241 : memref<1x!tpu.dma_semaphore, #tpu.memory_space<semaphore_mem>> -> memref<!tpu.dma_semaphore, #tpu.memory_space<semaphore_mem>>
      tpu.wait_indirect_dma semaphore(%dma_wait3A_242 : memref<!tpu.dma_semaphore, #tpu.memory_space<semaphore_mem>>) src(%dma_wait3A_240 : memref<50000x32xbf16, #tpu.memory_space<vmem_shared>>) dst(%dma_wait3A_234 : memref<256x32xbf16, #tpu.memory_space<vmem>>)
      %dma_start3A_243 = arith.constant 3 : i32
      %dma_start3A_244 = arith.constant 3 : i32
      %dma_start3A_245 = arith.constant 3 : i32
      %dma_start3A_246 = arith.constant 0 : i32
      %dma_start3A_247 = arith.constant 0 : i32
      %dma_start3A_248 = tpu.memref_slice %arg9[%dma_start3A_243, %dma_start3A_246, %dma_start3A_247] : memref<6x256x32xbf16, #tpu.memory_space<vmem>> -> memref<1x256x32xbf16, #tpu.memory_space<vmem>>
      %dma_start3A_249 = tpu.memref_squeeze %dma_start3A_248 : memref<1x256x32xbf16, #tpu.memory_space<vmem>> -> memref<256x32xbf16, #tpu.memory_space<vmem>>
      %dma_start3A_250 = arith.constant 0 : i32
      %dma_start3A_251 = tpu.memref_slice %arg8[%dma_start3A_244, %dma_start3A_250] : memref<8x256xi32, #tpu.memory_space<vmem>> -> memref<1x256xi32, #tpu.memory_space<vmem>>
      %dma_start3A_252 = tpu.memref_squeeze %dma_start3A_251 : memref<1x256xi32, #tpu.memory_space<vmem>> -> memref<256xi32, #tpu.memory_space<vmem>>
      %dma_start3A_253 = arith.constant 0 : i32
      %dma_start3A_254 = arith.constant 0 : i32
      %dma_start3A_255 = tpu.memref_slice %arg11[%dma_start3A_253, %dma_start3A_254] : memref<50176x32xbf16, #tpu.memory_space<vmem_shared>> -> memref<50176x32xbf16, #tpu.memory_space<vmem_shared>>
      %dma_start3A_256 = tpu.memref_slice %arg13[%dma_start3A_245] : memref<6x!tpu.dma_semaphore, #tpu.memory_space<semaphore_mem>> -> memref<1x!tpu.dma_semaphore, #tpu.memory_space<semaphore_mem>>
      %dma_start3A_257 = tpu.memref_squeeze %dma_start3A_256 : memref<1x!tpu.dma_semaphore, #tpu.memory_space<semaphore_mem>> -> memref<!tpu.dma_semaphore, #tpu.memory_space<semaphore_mem>>
      tpu.enqueue_indirect_dma source(%dma_start3A_249 : memref<256x32xbf16, #tpu.memory_space<vmem>>) target(%dma_start3A_255 : memref<50176x32xbf16, #tpu.memory_space<vmem_shared>>) offsets(%dma_start3A_252 : memref<256xi32, #tpu.memory_space<vmem>>) semaphore(%dma_start3A_257 : memref<!tpu.dma_semaphore, #tpu.memory_space<semaphore_mem>>) {add = true}
      %dma_wait3A_258 = arith.constant 1 : i32
      %dma_wait3A_259 = arith.constant 1 : i32
      %dma_wait3A_260 = arith.constant 1 : i32
      %dma_wait3A_261 = arith.constant 0 : i32
      %dma_wait3A_262 = arith.constant 0 : i32
      %dma_wait3A_263 = tpu.memref_slice %arg9[%dma_wait3A_258, %dma_wait3A_261, %dma_wait3A_262] : memref<6x256x32xbf16, #tpu.memory_space<vmem>> -> memref<1x256x32xbf16, #tpu.memory_space<vmem>>
      %dma_wait3A_264 = tpu.memref_squeeze %dma_wait3A_263 : memref<1x256x32xbf16, #tpu.memory_space<vmem>> -> memref<256x32xbf16, #tpu.memory_space<vmem>>
      %dma_wait3A_265 = arith.constant 0 : i32
      %dma_wait3A_266 = tpu.memref_slice %arg8[%dma_wait3A_259, %dma_wait3A_265] : memref<8x256xi32, #tpu.memory_space<vmem>> -> memref<1x256xi32, #tpu.memory_space<vmem>>
      %dma_wait3A_267 = tpu.memref_squeeze %dma_wait3A_266 : memref<1x256xi32, #tpu.memory_space<vmem>> -> memref<256xi32, #tpu.memory_space<vmem>>
      %dma_wait3A_268 = arith.constant 0 : i32
      %dma_wait3A_269 = arith.constant 0 : i32
      %dma_wait3A_270 = tpu.memref_slice %arg11[%dma_wait3A_268, %dma_wait3A_269] : memref<50176x32xbf16, #tpu.memory_space<vmem_shared>> -> memref<50176x32xbf16, #tpu.memory_space<vmem_shared>>
      %dma_wait3A_271 = tpu.memref_slice %arg13[%dma_wait3A_260] : memref<6x!tpu.dma_semaphore, #tpu.memory_space<semaphore_mem>> -> memref<1x!tpu.dma_semaphore, #tpu.memory_space<semaphore_mem>>
      %dma_wait3A_272 = tpu.memref_squeeze %dma_wait3A_271 : memref<1x!tpu.dma_semaphore, #tpu.memory_space<semaphore_mem>> -> memref<!tpu.dma_semaphore, #tpu.memory_space<semaphore_mem>>
      tpu.wait_indirect_dma semaphore(%dma_wait3A_272 : memref<!tpu.dma_semaphore, #tpu.memory_space<semaphore_mem>>) src(%dma_wait3A_264 : memref<256x32xbf16, #tpu.memory_space<vmem>>) dst(%dma_wait3A_270 : memref<50176x32xbf16, #tpu.memory_space<vmem_shared>>)
      %dma_start3A_273 = arith.constant 7 : i32
      %dma_start3A_274 = arith.constant 1 : i32
      %dma_start3A_275 = arith.constant 1 : i32
      %dma_start3A_276 = arith.constant 0 : i32
      %dma_start3A_277 = arith.constant 0 : i32
      %dma_start3A_278 = tpu.memref_slice %arg9[%dma_start3A_274, %dma_start3A_276, %dma_start3A_277] : memref<6x256x32xbf16, #tpu.memory_space<vmem>> -> memref<1x256x32xbf16, #tpu.memory_space<vmem>>
      %dma_start3A_279 = tpu.memref_squeeze %dma_start3A_278 : memref<1x256x32xbf16, #tpu.memory_space<vmem>> -> memref<256x32xbf16, #tpu.memory_space<vmem>>
      %dma_start3A_280 = arith.constant 0 : i32
      %dma_start3A_281 = tpu.memref_slice %arg7[%dma_start3A_273, %dma_start3A_280] : memref<8x256xi32, #tpu.memory_space<vmem>> -> memref<1x256xi32, #tpu.memory_space<vmem>>
      %dma_start3A_282 = tpu.memref_squeeze %dma_start3A_281 : memref<1x256xi32, #tpu.memory_space<vmem>> -> memref<256xi32, #tpu.memory_space<vmem>>
      %dma_start3A_283 = arith.constant 0 : i32
      %dma_start3A_284 = arith.constant 0 : i32
      %dma_start3A_285 = tpu.memref_slice %arg10[%dma_start3A_283, %dma_start3A_284] : memref<50000x32xbf16, #tpu.memory_space<vmem_shared>> -> memref<50000x32xbf16, #tpu.memory_space<vmem_shared>>
      %dma_start3A_286 = tpu.memref_slice %arg12[%dma_start3A_275] : memref<6x!tpu.dma_semaphore, #tpu.memory_space<semaphore_mem>> -> memref<1x!tpu.dma_semaphore, #tpu.memory_space<semaphore_mem>>
      %dma_start3A_287 = tpu.memref_squeeze %dma_start3A_286 : memref<1x!tpu.dma_semaphore, #tpu.memory_space<semaphore_mem>> -> memref<!tpu.dma_semaphore, #tpu.memory_space<semaphore_mem>>
      tpu.enqueue_indirect_dma source(%dma_start3A_285 : memref<50000x32xbf16, #tpu.memory_space<vmem_shared>>) target(%dma_start3A_279 : memref<256x32xbf16, #tpu.memory_space<vmem>>) offsets(%dma_start3A_282 : memref<256xi32, #tpu.memory_space<vmem>>) semaphore(%dma_start3A_287 : memref<!tpu.dma_semaphore, #tpu.memory_space<semaphore_mem>>)
      %dma_wait3A_288 = arith.constant 4 : i32
      %dma_wait3A_289 = arith.constant 4 : i32
      %dma_wait3A_290 = arith.constant 4 : i32
      %dma_wait3A_291 = arith.constant 0 : i32
      %dma_wait3A_292 = arith.constant 0 : i32
      %dma_wait3A_293 = tpu.memref_slice %arg9[%dma_wait3A_289, %dma_wait3A_291, %dma_wait3A_292] : memref<6x256x32xbf16, #tpu.memory_space<vmem>> -> memref<1x256x32xbf16, #tpu.memory_space<vmem>>
      %dma_wait3A_294 = tpu.memref_squeeze %dma_wait3A_293 : memref<1x256x32xbf16, #tpu.memory_space<vmem>> -> memref<256x32xbf16, #tpu.memory_space<vmem>>
      %dma_wait3A_295 = arith.constant 0 : i32
      %dma_wait3A_296 = tpu.memref_slice %arg7[%dma_wait3A_288, %dma_wait3A_295] : memref<8x256xi32, #tpu.memory_space<vmem>> -> memref<1x256xi32, #tpu.memory_space<vmem>>
      %dma_wait3A_297 = tpu.memref_squeeze %dma_wait3A_296 : memref<1x256xi32, #tpu.memory_space<vmem>> -> memref<256xi32, #tpu.memory_space<vmem>>
      %dma_wait3A_298 = arith.constant 0 : i32
      %dma_wait3A_299 = arith.constant 0 : i32
      %dma_wait3A_300 = tpu.memref_slice %arg10[%dma_wait3A_298, %dma_wait3A_299] : memref<50000x32xbf16, #tpu.memory_space<vmem_shared>> -> memref<50000x32xbf16, #tpu.memory_space<vmem_shared>>
      %dma_wait3A_301 = tpu.memref_slice %arg12[%dma_wait3A_290] : memref<6x!tpu.dma_semaphore, #tpu.memory_space<semaphore_mem>> -> memref<1x!tpu.dma_semaphore, #tpu.memory_space<semaphore_mem>>
      %dma_wait3A_302 = tpu.memref_squeeze %dma_wait3A_301 : memref<1x!tpu.dma_semaphore, #tpu.memory_space<semaphore_mem>> -> memref<!tpu.dma_semaphore, #tpu.memory_space<semaphore_mem>>
      tpu.wait_indirect_dma semaphore(%dma_wait3A_302 : memref<!tpu.dma_semaphore, #tpu.memory_space<semaphore_mem>>) src(%dma_wait3A_300 : memref<50000x32xbf16, #tpu.memory_space<vmem_shared>>) dst(%dma_wait3A_294 : memref<256x32xbf16, #tpu.memory_space<vmem>>)
      %dma_start3A_303 = arith.constant 4 : i32
      %dma_start3A_304 = arith.constant 4 : i32
      %dma_start3A_305 = arith.constant 4 : i32
      %dma_start3A_306 = arith.constant 0 : i32
      %dma_start3A_307 = arith.constant 0 : i32
      %dma_start3A_308 = tpu.memref_slice %arg9[%dma_start3A_303, %dma_start3A_306, %dma_start3A_307] : memref<6x256x32xbf16, #tpu.memory_space<vmem>> -> memref<1x256x32xbf16, #tpu.memory_space<vmem>>
      %dma_start3A_309 = tpu.memref_squeeze %dma_start3A_308 : memref<1x256x32xbf16, #tpu.memory_space<vmem>> -> memref<256x32xbf16, #tpu.memory_space<vmem>>
      %dma_start3A_310 = arith.constant 0 : i32
      %dma_start3A_311 = tpu.memref_slice %arg8[%dma_start3A_304, %dma_start3A_310] : memref<8x256xi32, #tpu.memory_space<vmem>> -> memref<1x256xi32, #tpu.memory_space<vmem>>
      %dma_start3A_312 = tpu.memref_squeeze %dma_start3A_311 : memref<1x256xi32, #tpu.memory_space<vmem>> -> memref<256xi32, #tpu.memory_space<vmem>>
      %dma_start3A_313 = arith.constant 0 : i32
      %dma_start3A_314 = arith.constant 0 : i32
      %dma_start3A_315 = tpu.memref_slice %arg11[%dma_start3A_313, %dma_start3A_314] : memref<50176x32xbf16, #tpu.memory_space<vmem_shared>> -> memref<50176x32xbf16, #tpu.memory_space<vmem_shared>>
      %dma_start3A_316 = tpu.memref_slice %arg13[%dma_start3A_305] : memref<6x!tpu.dma_semaphore, #tpu.memory_space<semaphore_mem>> -> memref<1x!tpu.dma_semaphore, #tpu.memory_space<semaphore_mem>>
      %dma_start3A_317 = tpu.memref_squeeze %dma_start3A_316 : memref<1x!tpu.dma_semaphore, #tpu.memory_space<semaphore_mem>> -> memref<!tpu.dma_semaphore, #tpu.memory_space<semaphore_mem>>
      tpu.enqueue_indirect_dma source(%dma_start3A_309 : memref<256x32xbf16, #tpu.memory_space<vmem>>) target(%dma_start3A_315 : memref<50176x32xbf16, #tpu.memory_space<vmem_shared>>) offsets(%dma_start3A_312 : memref<256xi32, #tpu.memory_space<vmem>>) semaphore(%dma_start3A_317 : memref<!tpu.dma_semaphore, #tpu.memory_space<semaphore_mem>>) {add = true}
      %dma_wait3A_318 = arith.constant 5 : i32
      %dma_wait3A_319 = arith.constant 5 : i32
      %dma_wait3A_320 = arith.constant 5 : i32
      %dma_wait3A_321 = arith.constant 0 : i32
      %dma_wait3A_322 = arith.constant 0 : i32
      %dma_wait3A_323 = tpu.memref_slice %arg9[%dma_wait3A_319, %dma_wait3A_321, %dma_wait3A_322] : memref<6x256x32xbf16, #tpu.memory_space<vmem>> -> memref<1x256x32xbf16, #tpu.memory_space<vmem>>
      %dma_wait3A_324 = tpu.memref_squeeze %dma_wait3A_323 : memref<1x256x32xbf16, #tpu.memory_space<vmem>> -> memref<256x32xbf16, #tpu.memory_space<vmem>>
      %dma_wait3A_325 = arith.constant 0 : i32
      %dma_wait3A_326 = tpu.memref_slice %arg7[%dma_wait3A_318, %dma_wait3A_325] : memref<8x256xi32, #tpu.memory_space<vmem>> -> memref<1x256xi32, #tpu.memory_space<vmem>>
      %dma_wait3A_327 = tpu.memref_squeeze %dma_wait3A_326 : memref<1x256xi32, #tpu.memory_space<vmem>> -> memref<256xi32, #tpu.memory_space<vmem>>
      %dma_wait3A_328 = arith.constant 0 : i32
      %dma_wait3A_329 = arith.constant 0 : i32
      %dma_wait3A_330 = tpu.memref_slice %arg10[%dma_wait3A_328, %dma_wait3A_329] : memref<50000x32xbf16, #tpu.memory_space<vmem_shared>> -> memref<50000x32xbf16, #tpu.memory_space<vmem_shared>>
      %dma_wait3A_331 = tpu.memref_slice %arg12[%dma_wait3A_320] : memref<6x!tpu.dma_semaphore, #tpu.memory_space<semaphore_mem>> -> memref<1x!tpu.dma_semaphore, #tpu.memory_space<semaphore_mem>>
      %dma_wait3A_332 = tpu.memref_squeeze %dma_wait3A_331 : memref<1x!tpu.dma_semaphore, #tpu.memory_space<semaphore_mem>> -> memref<!tpu.dma_semaphore, #tpu.memory_space<semaphore_mem>>
      tpu.wait_indirect_dma semaphore(%dma_wait3A_332 : memref<!tpu.dma_semaphore, #tpu.memory_space<semaphore_mem>>) src(%dma_wait3A_330 : memref<50000x32xbf16, #tpu.memory_space<vmem_shared>>) dst(%dma_wait3A_324 : memref<256x32xbf16, #tpu.memory_space<vmem>>)
      %dma_start3A_333 = arith.constant 5 : i32
      %dma_start3A_334 = arith.constant 5 : i32
      %dma_start3A_335 = arith.constant 5 : i32
      %dma_start3A_336 = arith.constant 0 : i32
      %dma_start3A_337 = arith.constant 0 : i32
      %dma_start3A_338 = tpu.memref_slice %arg9[%dma_start3A_333, %dma_start3A_336, %dma_start3A_337] : memref<6x256x32xbf16, #tpu.memory_space<vmem>> -> memref<1x256x32xbf16, #tpu.memory_space<vmem>>
      %dma_start3A_339 = tpu.memref_squeeze %dma_start3A_338 : memref<1x256x32xbf16, #tpu.memory_space<vmem>> -> memref<256x32xbf16, #tpu.memory_space<vmem>>
      %dma_start3A_340 = arith.constant 0 : i32
      %dma_start3A_341 = tpu.memref_slice %arg8[%dma_start3A_334, %dma_start3A_340] : memref<8x256xi32, #tpu.memory_space<vmem>> -> memref<1x256xi32, #tpu.memory_space<vmem>>
      %dma_start3A_342 = tpu.memref_squeeze %dma_start3A_341 : memref<1x256xi32, #tpu.memory_space<vmem>> -> memref<256xi32, #tpu.memory_space<vmem>>
      %dma_start3A_343 = arith.constant 0 : i32
      %dma_start3A_344 = arith.constant 0 : i32
      %dma_start3A_345 = tpu.memref_slice %arg11[%dma_start3A_343, %dma_start3A_344] : memref<50176x32xbf16, #tpu.memory_space<vmem_shared>> -> memref<50176x32xbf16, #tpu.memory_space<vmem_shared>>
      %dma_start3A_346 = tpu.memref_slice %arg13[%dma_start3A_335] : memref<6x!tpu.dma_semaphore, #tpu.memory_space<semaphore_mem>> -> memref<1x!tpu.dma_semaphore, #tpu.memory_space<semaphore_mem>>
      %dma_start3A_347 = tpu.memref_squeeze %dma_start3A_346 : memref<1x!tpu.dma_semaphore, #tpu.memory_space<semaphore_mem>> -> memref<!tpu.dma_semaphore, #tpu.memory_space<semaphore_mem>>
      tpu.enqueue_indirect_dma source(%dma_start3A_339 : memref<256x32xbf16, #tpu.memory_space<vmem>>) target(%dma_start3A_345 : memref<50176x32xbf16, #tpu.memory_space<vmem_shared>>) offsets(%dma_start3A_342 : memref<256xi32, #tpu.memory_space<vmem>>) semaphore(%dma_start3A_347 : memref<!tpu.dma_semaphore, #tpu.memory_space<semaphore_mem>>) {add = true}
      %dma_wait3A_348 = arith.constant 6 : i32
      %dma_wait3A_349 = arith.constant 0 : i32
      %dma_wait3A_350 = arith.constant 0 : i32
      %dma_wait3A_351 = arith.constant 0 : i32
      %dma_wait3A_352 = arith.constant 0 : i32
      %dma_wait3A_353 = tpu.memref_slice %arg9[%dma_wait3A_349, %dma_wait3A_351, %dma_wait3A_352] : memref<6x256x32xbf16, #tpu.memory_space<vmem>> -> memref<1x256x32xbf16, #tpu.memory_space<vmem>>
      %dma_wait3A_354 = tpu.memref_squeeze %dma_wait3A_353 : memref<1x256x32xbf16, #tpu.memory_space<vmem>> -> memref<256x32xbf16, #tpu.memory_space<vmem>>
      %dma_wait3A_355 = arith.constant 0 : i32
      %dma_wait3A_356 = tpu.memref_slice %arg7[%dma_wait3A_348, %dma_wait3A_355] : memref<8x256xi32, #tpu.memory_space<vmem>> -> memref<1x256xi32, #tpu.memory_space<vmem>>
      %dma_wait3A_357 = tpu.memref_squeeze %dma_wait3A_356 : memref<1x256xi32, #tpu.memory_space<vmem>> -> memref<256xi32, #tpu.memory_space<vmem>>
      %dma_wait3A_358 = arith.constant 0 : i32
      %dma_wait3A_359 = arith.constant 0 : i32
      %dma_wait3A_360 = tpu.memref_slice %arg10[%dma_wait3A_358, %dma_wait3A_359] : memref<50000x32xbf16, #tpu.memory_space<vmem_shared>> -> memref<50000x32xbf16, #tpu.memory_space<vmem_shared>>
      %dma_wait3A_361 = tpu.memref_slice %arg12[%dma_wait3A_350] : memref<6x!tpu.dma_semaphore, #tpu.memory_space<semaphore_mem>> -> memref<1x!tpu.dma_semaphore, #tpu.memory_space<semaphore_mem>>
      %dma_wait3A_362 = tpu.memref_squeeze %dma_wait3A_361 : memref<1x!tpu.dma_semaphore, #tpu.memory_space<semaphore_mem>> -> memref<!tpu.dma_semaphore, #tpu.memory_space<semaphore_mem>>
      tpu.wait_indirect_dma semaphore(%dma_wait3A_362 : memref<!tpu.dma_semaphore, #tpu.memory_space<semaphore_mem>>) src(%dma_wait3A_360 : memref<50000x32xbf16, #tpu.memory_space<vmem_shared>>) dst(%dma_wait3A_354 : memref<256x32xbf16, #tpu.memory_space<vmem>>)
      %dma_start3A_363 = arith.constant 0 : i32
      %dma_start3A_364 = arith.constant 6 : i32
      %dma_start3A_365 = arith.constant 0 : i32
      %dma_start3A_366 = arith.constant 0 : i32
      %dma_start3A_367 = arith.constant 0 : i32
      %dma_start3A_368 = tpu.memref_slice %arg9[%dma_start3A_363, %dma_start3A_366, %dma_start3A_367] : memref<6x256x32xbf16, #tpu.memory_space<vmem>> -> memref<1x256x32xbf16, #tpu.memory_space<vmem>>
      %dma_start3A_369 = tpu.memref_squeeze %dma_start3A_368 : memref<1x256x32xbf16, #tpu.memory_space<vmem>> -> memref<256x32xbf16, #tpu.memory_space<vmem>>
      %dma_start3A_370 = arith.constant 0 : i32
      %dma_start3A_371 = tpu.memref_slice %arg8[%dma_start3A_364, %dma_start3A_370] : memref<8x256xi32, #tpu.memory_space<vmem>> -> memref<1x256xi32, #tpu.memory_space<vmem>>
      %dma_start3A_372 = tpu.memref_squeeze %dma_start3A_371 : memref<1x256xi32, #tpu.memory_space<vmem>> -> memref<256xi32, #tpu.memory_space<vmem>>
      %dma_start3A_373 = arith.constant 0 : i32
      %dma_start3A_374 = arith.constant 0 : i32
      %dma_start3A_375 = tpu.memref_slice %arg11[%dma_start3A_373, %dma_start3A_374] : memref<50176x32xbf16, #tpu.memory_space<vmem_shared>> -> memref<50176x32xbf16, #tpu.memory_space<vmem_shared>>
      %dma_start3A_376 = tpu.memref_slice %arg13[%dma_start3A_365] : memref<6x!tpu.dma_semaphore, #tpu.memory_space<semaphore_mem>> -> memref<1x!tpu.dma_semaphore, #tpu.memory_space<semaphore_mem>>
      %dma_start3A_377 = tpu.memref_squeeze %dma_start3A_376 : memref<1x!tpu.dma_semaphore, #tpu.memory_space<semaphore_mem>> -> memref<!tpu.dma_semaphore, #tpu.memory_space<semaphore_mem>>
      tpu.enqueue_indirect_dma source(%dma_start3A_369 : memref<256x32xbf16, #tpu.memory_space<vmem>>) target(%dma_start3A_375 : memref<50176x32xbf16, #tpu.memory_space<vmem_shared>>) offsets(%dma_start3A_372 : memref<256xi32, #tpu.memory_space<vmem>>) semaphore(%dma_start3A_377 : memref<!tpu.dma_semaphore, #tpu.memory_space<semaphore_mem>>) {add = true}
      %dma_wait3A_378 = arith.constant 7 : i32
      %dma_wait3A_379 = arith.constant 1 : i32
      %dma_wait3A_380 = arith.constant 1 : i32
      %dma_wait3A_381 = arith.constant 0 : i32
      %dma_wait3A_382 = arith.constant 0 : i32
      %dma_wait3A_383 = tpu.memref_slice %arg9[%dma_wait3A_379, %dma_wait3A_381, %dma_wait3A_382] : memref<6x256x32xbf16, #tpu.memory_space<vmem>> -> memref<1x256x32xbf16, #tpu.memory_space<vmem>>
      %dma_wait3A_384 = tpu.memref_squeeze %dma_wait3A_383 : memref<1x256x32xbf16, #tpu.memory_space<vmem>> -> memref<256x32xbf16, #tpu.memory_space<vmem>>
      %dma_wait3A_385 = arith.constant 0 : i32
      %dma_wait3A_386 = tpu.memref_slice %arg7[%dma_wait3A_378, %dma_wait3A_385] : memref<8x256xi32, #tpu.memory_space<vmem>> -> memref<1x256xi32, #tpu.memory_space<vmem>>
      %dma_wait3A_387 = tpu.memref_squeeze %dma_wait3A_386 : memref<1x256xi32, #tpu.memory_space<vmem>> -> memref<256xi32, #tpu.memory_space<vmem>>
      %dma_wait3A_388 = arith.constant 0 : i32
      %dma_wait3A_389 = arith.constant 0 : i32
      %dma_wait3A_390 = tpu.memref_slice %arg10[%dma_wait3A_388, %dma_wait3A_389] : memref<50000x32xbf16, #tpu.memory_space<vmem_shared>> -> memref<50000x32xbf16, #tpu.memory_space<vmem_shared>>
      %dma_wait3A_391 = tpu.memref_slice %arg12[%dma_wait3A_380] : memref<6x!tpu.dma_semaphore, #tpu.memory_space<semaphore_mem>> -> memref<1x!tpu.dma_semaphore, #tpu.memory_space<semaphore_mem>>
      %dma_wait3A_392 = tpu.memref_squeeze %dma_wait3A_391 : memref<1x!tpu.dma_semaphore, #tpu.memory_space<semaphore_mem>> -> memref<!tpu.dma_semaphore, #tpu.memory_space<semaphore_mem>>
      tpu.wait_indirect_dma semaphore(%dma_wait3A_392 : memref<!tpu.dma_semaphore, #tpu.memory_space<semaphore_mem>>) src(%dma_wait3A_390 : memref<50000x32xbf16, #tpu.memory_space<vmem_shared>>) dst(%dma_wait3A_384 : memref<256x32xbf16, #tpu.memory_space<vmem>>)
      %dma_start3A_393 = arith.constant 1 : i32
      %dma_start3A_394 = arith.constant 7 : i32
      %dma_start3A_395 = arith.constant 1 : i32
      %dma_start3A_396 = arith.constant 0 : i32
      %dma_start3A_397 = arith.constant 0 : i32
      %dma_start3A_398 = tpu.memref_slice %arg9[%dma_start3A_393, %dma_start3A_396, %dma_start3A_397] : memref<6x256x32xbf16, #tpu.memory_space<vmem>> -> memref<1x256x32xbf16, #tpu.memory_space<vmem>>
      %dma_start3A_399 = tpu.memref_squeeze %dma_start3A_398 : memref<1x256x32xbf16, #tpu.memory_space<vmem>> -> memref<256x32xbf16, #tpu.memory_space<vmem>>
      %dma_start3A_400 = arith.constant 0 : i32
      %dma_start3A_401 = tpu.memref_slice %arg8[%dma_start3A_394, %dma_start3A_400] : memref<8x256xi32, #tpu.memory_space<vmem>> -> memref<1x256xi32, #tpu.memory_space<vmem>>
      %dma_start3A_402 = tpu.memref_squeeze %dma_start3A_401 : memref<1x256xi32, #tpu.memory_space<vmem>> -> memref<256xi32, #tpu.memory_space<vmem>>
      %dma_start3A_403 = arith.constant 0 : i32
      %dma_start3A_404 = arith.constant 0 : i32
      %dma_start3A_405 = tpu.memref_slice %arg11[%dma_start3A_403, %dma_start3A_404] : memref<50176x32xbf16, #tpu.memory_space<vmem_shared>> -> memref<50176x32xbf16, #tpu.memory_space<vmem_shared>>
      %dma_start3A_406 = tpu.memref_slice %arg13[%dma_start3A_395] : memref<6x!tpu.dma_semaphore, #tpu.memory_space<semaphore_mem>> -> memref<1x!tpu.dma_semaphore, #tpu.memory_space<semaphore_mem>>
      %dma_start3A_407 = tpu.memref_squeeze %dma_start3A_406 : memref<1x!tpu.dma_semaphore, #tpu.memory_space<semaphore_mem>> -> memref<!tpu.dma_semaphore, #tpu.memory_space<semaphore_mem>>
      tpu.enqueue_indirect_dma source(%dma_start3A_399 : memref<256x32xbf16, #tpu.memory_space<vmem>>) target(%dma_start3A_405 : memref<50176x32xbf16, #tpu.memory_space<vmem_shared>>) offsets(%dma_start3A_402 : memref<256xi32, #tpu.memory_space<vmem>>) semaphore(%dma_start3A_407 : memref<!tpu.dma_semaphore, #tpu.memory_space<semaphore_mem>>) {add = true}
      %dma_wait3A_408 = arith.constant 2 : i32
      %dma_wait3A_409 = arith.constant 2 : i32
      %dma_wait3A_410 = arith.constant 2 : i32
      %dma_wait3A_411 = arith.constant 0 : i32
      %dma_wait3A_412 = arith.constant 0 : i32
      %dma_wait3A_413 = tpu.memref_slice %arg9[%dma_wait3A_408, %dma_wait3A_411, %dma_wait3A_412] : memref<6x256x32xbf16, #tpu.memory_space<vmem>> -> memref<1x256x32xbf16, #tpu.memory_space<vmem>>
      %dma_wait3A_414 = tpu.memref_squeeze %dma_wait3A_413 : memref<1x256x32xbf16, #tpu.memory_space<vmem>> -> memref<256x32xbf16, #tpu.memory_space<vmem>>
      %dma_wait3A_415 = arith.constant 0 : i32
      %dma_wait3A_416 = tpu.memref_slice %arg8[%dma_wait3A_409, %dma_wait3A_415] : memref<8x256xi32, #tpu.memory_space<vmem>> -> memref<1x256xi32, #tpu.memory_space<vmem>>
      %dma_wait3A_417 = tpu.memref_squeeze %dma_wait3A_416 : memref<1x256xi32, #tpu.memory_space<vmem>> -> memref<256xi32, #tpu.memory_space<vmem>>
      %dma_wait3A_418 = arith.constant 0 : i32
      %dma_wait3A_419 = arith.constant 0 : i32
      %dma_wait3A_420 = tpu.memref_slice %arg11[%dma_wait3A_418, %dma_wait3A_419] : memref<50176x32xbf16, #tpu.memory_space<vmem_shared>> -> memref<50176x32xbf16, #tpu.memory_space<vmem_shared>>
      %dma_wait3A_421 = tpu.memref_slice %arg13[%dma_wait3A_410] : memref<6x!tpu.dma_semaphore, #tpu.memory_space<semaphore_mem>> -> memref<1x!tpu.dma_semaphore, #tpu.memory_space<semaphore_mem>>
      %dma_wait3A_422 = tpu.memref_squeeze %dma_wait3A_421 : memref<1x!tpu.dma_semaphore, #tpu.memory_space<semaphore_mem>> -> memref<!tpu.dma_semaphore, #tpu.memory_space<semaphore_mem>>
      tpu.wait_indirect_dma semaphore(%dma_wait3A_422 : memref<!tpu.dma_semaphore, #tpu.memory_space<semaphore_mem>>) src(%dma_wait3A_414 : memref<256x32xbf16, #tpu.memory_space<vmem>>) dst(%dma_wait3A_420 : memref<50176x32xbf16, #tpu.memory_space<vmem_shared>>)
      %dma_wait3A_423 = arith.constant 3 : i32
      %dma_wait3A_424 = arith.constant 3 : i32
      %dma_wait3A_425 = arith.constant 3 : i32
      %dma_wait3A_426 = arith.constant 0 : i32
      %dma_wait3A_427 = arith.constant 0 : i32
      %dma_wait3A_428 = tpu.memref_slice %arg9[%dma_wait3A_423, %dma_wait3A_426, %dma_wait3A_427] : memref<6x256x32xbf16, #tpu.memory_space<vmem>> -> memref<1x256x32xbf16, #tpu.memory_space<vmem>>
      %dma_wait3A_429 = tpu.memref_squeeze %dma_wait3A_428 : memref<1x256x32xbf16, #tpu.memory_space<vmem>> -> memref<256x32xbf16, #tpu.memory_space<vmem>>
      %dma_wait3A_430 = arith.constant 0 : i32
      %dma_wait3A_431 = tpu.memref_slice %arg8[%dma_wait3A_424, %dma_wait3A_430] : memref<8x256xi32, #tpu.memory_space<vmem>> -> memref<1x256xi32, #tpu.memory_space<vmem>>
      %dma_wait3A_432 = tpu.memref_squeeze %dma_wait3A_431 : memref<1x256xi32, #tpu.memory_space<vmem>> -> memref<256xi32, #tpu.memory_space<vmem>>
      %dma_wait3A_433 = arith.constant 0 : i32
      %dma_wait3A_434 = arith.constant 0 : i32
      %dma_wait3A_435 = tpu.memref_slice %arg11[%dma_wait3A_433, %dma_wait3A_434] : memref<50176x32xbf16, #tpu.memory_space<vmem_shared>> -> memref<50176x32xbf16, #tpu.memory_space<vmem_shared>>
      %dma_wait3A_436 = tpu.memref_slice %arg13[%dma_wait3A_425] : memref<6x!tpu.dma_semaphore, #tpu.memory_space<semaphore_mem>> -> memref<1x!tpu.dma_semaphore, #tpu.memory_space<semaphore_mem>>
      %dma_wait3A_437 = tpu.memref_squeeze %dma_wait3A_436 : memref<1x!tpu.dma_semaphore, #tpu.memory_space<semaphore_mem>> -> memref<!tpu.dma_semaphore, #tpu.memory_space<semaphore_mem>>
      tpu.wait_indirect_dma semaphore(%dma_wait3A_437 : memref<!tpu.dma_semaphore, #tpu.memory_space<semaphore_mem>>) src(%dma_wait3A_429 : memref<256x32xbf16, #tpu.memory_space<vmem>>) dst(%dma_wait3A_435 : memref<50176x32xbf16, #tpu.memory_space<vmem_shared>>)
      %dma_wait3A_438 = arith.constant 4 : i32
      %dma_wait3A_439 = arith.constant 4 : i32
      %dma_wait3A_440 = arith.constant 4 : i32
      %dma_wait3A_441 = arith.constant 0 : i32
      %dma_wait3A_442 = arith.constant 0 : i32
      %dma_wait3A_443 = tpu.memref_slice %arg9[%dma_wait3A_438, %dma_wait3A_441, %dma_wait3A_442] : memref<6x256x32xbf16, #tpu.memory_space<vmem>> -> memref<1x256x32xbf16, #tpu.memory_space<vmem>>
      %dma_wait3A_444 = tpu.memref_squeeze %dma_wait3A_443 : memref<1x256x32xbf16, #tpu.memory_space<vmem>> -> memref<256x32xbf16, #tpu.memory_space<vmem>>
      %dma_wait3A_445 = arith.constant 0 : i32
      %dma_wait3A_446 = tpu.memref_slice %arg8[%dma_wait3A_439, %dma_wait3A_445] : memref<8x256xi32, #tpu.memory_space<vmem>> -> memref<1x256xi32, #tpu.memory_space<vmem>>
      %dma_wait3A_447 = tpu.memref_squeeze %dma_wait3A_446 : memref<1x256xi32, #tpu.memory_space<vmem>> -> memref<256xi32, #tpu.memory_space<vmem>>
      %dma_wait3A_448 = arith.constant 0 : i32
      %dma_wait3A_449 = arith.constant 0 : i32
      %dma_wait3A_450 = tpu.memref_slice %arg11[%dma_wait3A_448, %dma_wait3A_449] : memref<50176x32xbf16, #tpu.memory_space<vmem_shared>> -> memref<50176x32xbf16, #tpu.memory_space<vmem_shared>>
      %dma_wait3A_451 = tpu.memref_slice %arg13[%dma_wait3A_440] : memref<6x!tpu.dma_semaphore, #tpu.memory_space<semaphore_mem>> -> memref<1x!tpu.dma_semaphore, #tpu.memory_space<semaphore_mem>>
      %dma_wait3A_452 = tpu.memref_squeeze %dma_wait3A_451 : memref<1x!tpu.dma_semaphore, #tpu.memory_space<semaphore_mem>> -> memref<!tpu.dma_semaphore, #tpu.memory_space<semaphore_mem>>
      tpu.wait_indirect_dma semaphore(%dma_wait3A_452 : memref<!tpu.dma_semaphore, #tpu.memory_space<semaphore_mem>>) src(%dma_wait3A_444 : memref<256x32xbf16, #tpu.memory_space<vmem>>) dst(%dma_wait3A_450 : memref<50176x32xbf16, #tpu.memory_space<vmem_shared>>)
      %dma_wait3A_453 = arith.constant 5 : i32
      %dma_wait3A_454 = arith.constant 5 : i32
      %dma_wait3A_455 = arith.constant 5 : i32
      %dma_wait3A_456 = arith.constant 0 : i32
      %dma_wait3A_457 = arith.constant 0 : i32
      %dma_wait3A_458 = tpu.memref_slice %arg9[%dma_wait3A_453, %dma_wait3A_456, %dma_wait3A_457] : memref<6x256x32xbf16, #tpu.memory_space<vmem>> -> memref<1x256x32xbf16, #tpu.memory_space<vmem>>
      %dma_wait3A_459 = tpu.memref_squeeze %dma_wait3A_458 : memref<1x256x32xbf16, #tpu.memory_space<vmem>> -> memref<256x32xbf16, #tpu.memory_space<vmem>>
      %dma_wait3A_460 = arith.constant 0 : i32
      %dma_wait3A_461 = tpu.memref_slice %arg8[%dma_wait3A_454, %dma_wait3A_460] : memref<8x256xi32, #tpu.memory_space<vmem>> -> memref<1x256xi32, #tpu.memory_space<vmem>>
      %dma_wait3A_462 = tpu.memref_squeeze %dma_wait3A_461 : memref<1x256xi32, #tpu.memory_space<vmem>> -> memref<256xi32, #tpu.memory_space<vmem>>
      %dma_wait3A_463 = arith.constant 0 : i32
      %dma_wait3A_464 = arith.constant 0 : i32
      %dma_wait3A_465 = tpu.memref_slice %arg11[%dma_wait3A_463, %dma_wait3A_464] : memref<50176x32xbf16, #tpu.memory_space<vmem_shared>> -> memref<50176x32xbf16, #tpu.memory_space<vmem_shared>>
      %dma_wait3A_466 = tpu.memref_slice %arg13[%dma_wait3A_455] : memref<6x!tpu.dma_semaphore, #tpu.memory_space<semaphore_mem>> -> memref<1x!tpu.dma_semaphore, #tpu.memory_space<semaphore_mem>>
      %dma_wait3A_467 = tpu.memref_squeeze %dma_wait3A_466 : memref<1x!tpu.dma_semaphore, #tpu.memory_space<semaphore_mem>> -> memref<!tpu.dma_semaphore, #tpu.memory_space<semaphore_mem>>
      tpu.wait_indirect_dma semaphore(%dma_wait3A_467 : memref<!tpu.dma_semaphore, #tpu.memory_space<semaphore_mem>>) src(%dma_wait3A_459 : memref<256x32xbf16, #tpu.memory_space<vmem>>) dst(%dma_wait3A_465 : memref<50176x32xbf16, #tpu.memory_space<vmem_shared>>)
      %dma_wait3A_468 = arith.constant 0 : i32
      %dma_wait3A_469 = arith.constant 6 : i32
      %dma_wait3A_470 = arith.constant 0 : i32
      %dma_wait3A_471 = arith.constant 0 : i32
      %dma_wait3A_472 = arith.constant 0 : i32
      %dma_wait3A_473 = tpu.memref_slice %arg9[%dma_wait3A_468, %dma_wait3A_471, %dma_wait3A_472] : memref<6x256x32xbf16, #tpu.memory_space<vmem>> -> memref<1x256x32xbf16, #tpu.memory_space<vmem>>
      %dma_wait3A_474 = tpu.memref_squeeze %dma_wait3A_473 : memref<1x256x32xbf16, #tpu.memory_space<vmem>> -> memref<256x32xbf16, #tpu.memory_space<vmem>>
      %dma_wait3A_475 = arith.constant 0 : i32
      %dma_wait3A_476 = tpu.memref_slice %arg8[%dma_wait3A_469, %dma_wait3A_475] : memref<8x256xi32, #tpu.memory_space<vmem>> -> memref<1x256xi32, #tpu.memory_space<vmem>>
      %dma_wait3A_477 = tpu.memref_squeeze %dma_wait3A_476 : memref<1x256xi32, #tpu.memory_space<vmem>> -> memref<256xi32, #tpu.memory_space<vmem>>
      %dma_wait3A_478 = arith.constant 0 : i32
      %dma_wait3A_479 = arith.constant 0 : i32
      %dma_wait3A_480 = tpu.memref_slice %arg11[%dma_wait3A_478, %dma_wait3A_479] : memref<50176x32xbf16, #tpu.memory_space<vmem_shared>> -> memref<50176x32xbf16, #tpu.memory_space<vmem_shared>>
      %dma_wait3A_481 = tpu.memref_slice %arg13[%dma_wait3A_470] : memref<6x!tpu.dma_semaphore, #tpu.memory_space<semaphore_mem>> -> memref<1x!tpu.dma_semaphore, #tpu.memory_space<semaphore_mem>>
      %dma_wait3A_482 = tpu.memref_squeeze %dma_wait3A_481 : memref<1x!tpu.dma_semaphore, #tpu.memory_space<semaphore_mem>> -> memref<!tpu.dma_semaphore, #tpu.memory_space<semaphore_mem>>
      tpu.wait_indirect_dma semaphore(%dma_wait3A_482 : memref<!tpu.dma_semaphore, #tpu.memory_space<semaphore_mem>>) src(%dma_wait3A_474 : memref<256x32xbf16, #tpu.memory_space<vmem>>) dst(%dma_wait3A_480 : memref<50176x32xbf16, #tpu.memory_space<vmem_shared>>)
      %dma_wait3A_483 = arith.constant 1 : i32
      %dma_wait3A_484 = arith.constant 7 : i32
      %dma_wait3A_485 = arith.constant 1 : i32
      %dma_wait3A_486 = arith.constant 0 : i32
      %dma_wait3A_487 = arith.constant 0 : i32
      %dma_wait3A_488 = tpu.memref_slice %arg9[%dma_wait3A_483, %dma_wait3A_486, %dma_wait3A_487] : memref<6x256x32xbf16, #tpu.memory_space<vmem>> -> memref<1x256x32xbf16, #tpu.memory_space<vmem>>
      %dma_wait3A_489 = tpu.memref_squeeze %dma_wait3A_488 : memref<1x256x32xbf16, #tpu.memory_space<vmem>> -> memref<256x32xbf16, #tpu.memory_space<vmem>>
      %dma_wait3A_490 = arith.constant 0 : i32
      %dma_wait3A_491 = tpu.memref_slice %arg8[%dma_wait3A_484, %dma_wait3A_490] : memref<8x256xi32, #tpu.memory_space<vmem>> -> memref<1x256xi32, #tpu.memory_space<vmem>>
      %dma_wait3A_492 = tpu.memref_squeeze %dma_wait3A_491 : memref<1x256xi32, #tpu.memory_space<vmem>> -> memref<256xi32, #tpu.memory_space<vmem>>
      %dma_wait3A_493 = arith.constant 0 : i32
      %dma_wait3A_494 = arith.constant 0 : i32
      %dma_wait3A_495 = tpu.memref_slice %arg11[%dma_wait3A_493, %dma_wait3A_494] : memref<50176x32xbf16, #tpu.memory_space<vmem_shared>> -> memref<50176x32xbf16, #tpu.memory_space<vmem_shared>>
      %dma_wait3A_496 = tpu.memref_slice %arg13[%dma_wait3A_485] : memref<6x!tpu.dma_semaphore, #tpu.memory_space<semaphore_mem>> -> memref<1x!tpu.dma_semaphore, #tpu.memory_space<semaphore_mem>>
      %dma_wait3A_497 = tpu.memref_squeeze %dma_wait3A_496 : memref<1x!tpu.dma_semaphore, #tpu.memory_space<semaphore_mem>> -> memref<!tpu.dma_semaphore, #tpu.memory_space<semaphore_mem>>
      tpu.wait_indirect_dma semaphore(%dma_wait3A_497 : memref<!tpu.dma_semaphore, #tpu.memory_space<semaphore_mem>>) src(%dma_wait3A_489 : memref<256x32xbf16, #tpu.memory_space<vmem>>) dst(%dma_wait3A_495 : memref<50176x32xbf16, #tpu.memory_space<vmem_shared>>)
    }
    %scan3A_11 = arith.constant 25 : i32
    %barrier3A_12 = arith.constant 0 : index
    tpu.barrier barrier_id(%barrier3A_12)
    %mul3A_13 = arith.constant 3136 : i32
    %mul3A_14 = arith.muli %arg1, %mul3A_13 : i32
    %mul3A_15 = arith.constant 3136 : i32
    %mul3A_16 = arith.muli %arg1, %mul3A_15 : i32
    "tpu.region"() ({
      %run_scoped3A = tpu.sem_alloc : memref<!tpu.dma_semaphore, #tpu.memory_space<semaphore_mem>>
      %dma_start3A = arith.constant 0 : i32
      %dma_start3A_17 = tpu.memref_slice %arg6[%arg0, %mul3A_16, %dma_start3A] : memref<2x50176x32xbf16, #tpu.memory_space<hbm>> -> memref<1x3136x32xbf16, #tpu.memory_space<hbm>>
      %dma_start3A_18 = tpu.memref_squeeze %dma_start3A_17 : memref<1x3136x32xbf16, #tpu.memory_space<hbm>> -> memref<3136x32xbf16, #tpu.memory_space<hbm>>
      %dma_start3A_19 = arith.constant 0 : i32
      %dma_start3A_20 = tpu.memref_slice %arg11[%mul3A_14, %dma_start3A_19] : memref<50176x32xbf16, #tpu.memory_space<vmem_shared>> -> memref<3136x32xbf16, #tpu.memory_space<vmem_shared>>
      tpu.enqueue_dma source(%dma_start3A_20 : memref<3136x32xbf16, #tpu.memory_space<vmem_shared>>) target(%dma_start3A_18 : memref<3136x32xbf16, #tpu.memory_space<hbm>>) target_semaphore(%run_scoped3A : memref<!tpu.dma_semaphore, #tpu.memory_space<semaphore_mem>>)
      %dma_wait3A = arith.constant 0 : i32
      %dma_wait3A_21 = tpu.memref_slice %arg6[%arg0, %mul3A_16, %dma_wait3A] : memref<2x50176x32xbf16, #tpu.memory_space<hbm>> -> memref<1x3136x32xbf16, #tpu.memory_space<hbm>>
      %dma_wait3A_22 = tpu.memref_squeeze %dma_wait3A_21 : memref<1x3136x32xbf16, #tpu.memory_space<hbm>> -> memref<3136x32xbf16, #tpu.memory_space<hbm>>
      %dma_wait3A_23 = arith.constant 0 : i32
      %dma_wait3A_24 = tpu.memref_slice %arg11[%mul3A_14, %dma_wait3A_23] : memref<50176x32xbf16, #tpu.memory_space<vmem_shared>> -> memref<3136x32xbf16, #tpu.memory_space<vmem_shared>>
      tpu.wait_dma2 semaphore(%run_scoped3A : memref<!tpu.dma_semaphore, #tpu.memory_space<semaphore_mem>>) src(%dma_wait3A_24 : memref<3136x32xbf16, #tpu.memory_space<vmem_shared>>) dst(%dma_wait3A_22 : memref<3136x32xbf16, #tpu.memory_space<hbm>>)
      tpu.yield
    }) : () -> ()
    return
  }
}

module attributes {stable_mosaic.version = 14 : i64} {
  func.func @_enc_body(%arg0: i32, %arg1: memref<2x2000x16xf32, #tpu.memory_space<vmem>>, %arg2: memref<2000x128xf32, #tpu.memory_space<vmem>>, %arg3: memref<128x64xf32, #tpu.memory_space<vmem>>, %arg4: memref<2000x1xf32, #tpu.memory_space<vmem>>, %arg5: memref<2x2000x32xbf16, #tpu.memory_space<vmem>>) attributes {dimension_semantics = [#tpu.dimension_semantics<arbitrary>], iteration_bounds = array<i64: 25>, scalar_prefetch = 0 : i64, scratch_operands = 0 : i64, tpu.core_type = #tpu.core_type<tc>, window_params = [{transform_indices = @transform_0, window_bounds = array<i64: 2, 2000, 16>}, {transform_indices = @transform_1, window_bounds = array<i64: 2000, 128>}, {pipeline_mode = #tpu.pipeline_mode<synchronous>, transform_indices = @transform_2, window_bounds = array<i64: 128, 64>}, {transform_indices = @transform_3, window_bounds = array<i64: 2000, 1>}, {transform_indices = @transform_4, window_bounds = array<i64: 2, 2000, 32>}]} {
    %get3A = arith.constant 0 : index
    %get3A_0 = arith.constant 0 : index
    %get3A_1 = arith.constant 0 : index
    %get3A_2 = vector.load %arg1[%get3A, %get3A_0, %get3A_1] : memref<2x2000x16xf32, #tpu.memory_space<vmem>>, vector<1x2000x1xf32>
    %get3A_3 = vector.shape_cast %get3A_2 : vector<1x2000x1xf32> to vector<2000xf32>
    %get3A_4 = arith.constant 1 : index
    %get3A_5 = arith.constant 0 : index
    %get3A_6 = arith.constant 0 : index
    %get3A_7 = vector.load %arg1[%get3A_4, %get3A_5, %get3A_6] : memref<2x2000x16xf32, #tpu.memory_space<vmem>>, vector<1x2000x1xf32>
    %get3A_8 = vector.shape_cast %get3A_7 : vector<1x2000x1xf32> to vector<2000xf32>
    %add3A = arith.addf %get3A_3, %get3A_8 : vector<2000xf32>
    %add3A_9 = arith.constant 1.000000e+00 : f32
    %add3A_10 = vector.broadcast %add3A_9 : f32 to vector<2000xf32>
    %add3A_11 = arith.addf %add3A, %add3A_10 : vector<2000xf32>
    %rsqrt3A = math.rsqrt %add3A_11 : vector<2000xf32>
    %broadcast_in_dim3A = vector.shape_cast %rsqrt3A : vector<2000xf32> to vector<2000x1xf32>
    %swap3A = arith.constant 0 : index
    %swap3A_12 = arith.constant 0 : index
    %swap3A_13 = vector.load %arg4[%swap3A, %swap3A_12] : memref<2000x1xf32, #tpu.memory_space<vmem>>, vector<2000x1xf32>
    tpu.vector_store %arg4[%swap3A, %swap3A_12], %broadcast_in_dim3A {strides = array<i32>} : memref<2000x1xf32, #tpu.memory_space<vmem>>, vector<2000x1xf32>,
    %get3A_14 = arith.constant 0 : index
    %get3A_15 = arith.constant 0 : index
    %get3A_16 = vector.load %arg2[%get3A_14, %get3A_15] : memref<2000x128xf32, #tpu.memory_space<vmem>>, vector<2000x128xf32>
    %get3A_17 = arith.constant 0 : index
    %get3A_18 = arith.constant 0 : index
    %get3A_19 = vector.load %arg3[%get3A_17, %get3A_18] : memref<128x64xf32, #tpu.memory_space<vmem>>, vector<128x64xf32>
    %dot_general3A = arith.constant dense<0.000000e+00> : vector<2000x64xf32>
    %dot_general3A_20 = tpu.matmul %get3A_16, %get3A_19, %dot_general3A {dimension_numbers = #tpu.dot_dimension_numbers<[1], [0], [0], [1], [0, 0, 1, 1], [], []>, transpose_lhs_hint = false} : vector<2000x128xf32>, vector<128x64xf32>, vector<2000x64xf32> -> vector<2000x64xf32>
    %mul3A = vector.broadcast %broadcast_in_dim3A : vector<2000x1xf32> to vector<2000x64xf32>
    %mul3A_21 = arith.mulf %dot_general3A_20, %mul3A : vector<2000x64xf32>
    %slice3A = vector.extract_strided_slice %mul3A_21 {offsets = [0, 0], sizes = [2000, 32], strides = [1, 1]} : vector<2000x64xf32> to vector<2000x32xf32>
    %convert_element_type3A = arith.truncf %slice3A : vector<2000x32xf32> to vector<2000x32xbf16>
    %swap3A_22 = arith.constant 0 : index
    %swap3A_23 = arith.constant 0 : index
    %swap3A_24 = arith.constant 0 : index
    %swap3A_25 = vector.load %arg5[%swap3A_22, %swap3A_23, %swap3A_24] : memref<2x2000x32xbf16, #tpu.memory_space<vmem>>, vector<1x2000x32xbf16>
    %swap3A_26 = vector.shape_cast %swap3A_25 : vector<1x2000x32xbf16> to vector<2000x32xbf16>
    %swap3A_27 = vector.shape_cast %convert_element_type3A : vector<2000x32xbf16> to vector<1x2000x32xbf16>
    tpu.vector_store %arg5[%swap3A_22, %swap3A_23, %swap3A_24], %swap3A_27 {strides = array<i32>} : memref<2x2000x32xbf16, #tpu.memory_space<vmem>>, vector<1x2000x32xbf16>,
    %slice3A_28 = vector.extract_strided_slice %mul3A_21 {offsets = [0, 32], sizes = [2000, 32], strides = [1, 1]} : vector<2000x64xf32> to vector<2000x32xf32>
    %convert_element_type3A_29 = arith.truncf %slice3A_28 : vector<2000x32xf32> to vector<2000x32xbf16>
    %swap3A_30 = arith.constant 1 : index
    %swap3A_31 = arith.constant 0 : index
    %swap3A_32 = arith.constant 0 : index
    %swap3A_33 = vector.load %arg5[%swap3A_30, %swap3A_31, %swap3A_32] : memref<2x2000x32xbf16, #tpu.memory_space<vmem>>, vector<1x2000x32xbf16>
    %swap3A_34 = vector.shape_cast %swap3A_33 : vector<1x2000x32xbf16> to vector<2000x32xbf16>
    %swap3A_35 = vector.shape_cast %convert_element_type3A_29 : vector<2000x32xbf16> to vector<1x2000x32xbf16>
    tpu.vector_store %arg5[%swap3A_30, %swap3A_31, %swap3A_32], %swap3A_35 {strides = array<i32>} : memref<2x2000x32xbf16, #tpu.memory_space<vmem>>, vector<1x2000x32xbf16>,
    return
  }
  func.func @transform_0(%arg0: i32) -> (i32, i32, i32) {
    %c0_i32 = arith.constant 0 : i32
    %c0_i32_0 = arith.constant 0 : i32
    %c0_i32_1 = arith.constant 0 : i32
    return %c0_i32, %arg0, %c0_i32_0 : i32, i32, i32
  }
  func.func @transform_1(%arg0: i32) -> (i32, i32) {
    %c0_i32 = arith.constant 0 : i32
    %c0_i32_0 = arith.constant 0 : i32
    return %arg0, %c0_i32 : i32, i32
  }
  func.func @transform_2(%arg0: i32) -> (i32, i32) {
    %c0_i32 = arith.constant 0 : i32
    %c0_i32_0 = arith.constant 0 : i32
    %c0_i32_1 = arith.constant 0 : i32
    return %c0_i32, %c0_i32_0 : i32, i32
  }
  func.func @transform_3(%arg0: i32) -> (i32, i32) {
    %c0_i32 = arith.constant 0 : i32
    %c0_i32_0 = arith.constant 0 : i32
    return %arg0, %c0_i32 : i32, i32
  }
  func.func @transform_4(%arg0: i32) -> (i32, i32, i32) {
    %c0_i32 = arith.constant 0 : i32
    %c0_i32_0 = arith.constant 0 : i32
    %c0_i32_1 = arith.constant 0 : i32
    return %c0_i32, %arg0, %c0_i32_0 : i32, i32, i32
  }
}

module attributes {stable_mosaic.version = 14 : i64} {
  func.func @_layer_body(%arg0: i32, %arg1: memref<2x2000x32xbf16, #tpu.memory_space<vmem>>, %arg2: memref<2x2000x32xbf16, #tpu.memory_space<vmem>>, %arg3: memref<2000x1xf32, #tpu.memory_space<vmem>>, %arg4: memref<64x64xf32, #tpu.memory_space<vmem>>, %arg5: memref<2x1x32xf32, #tpu.memory_space<vmem>>, %arg6: memref<2x2000x32xbf16, #tpu.memory_space<vmem>>) attributes {dimension_semantics = [#tpu.dimension_semantics<arbitrary>], iteration_bounds = array<i64: 25>, scalar_prefetch = 0 : i64, scratch_operands = 0 : i64, tpu.core_type = #tpu.core_type<tc>, window_params = [{transform_indices = @transform_0, window_bounds = array<i64: 2, 2000, 32>}, {transform_indices = @transform_1, window_bounds = array<i64: 2, 2000, 32>}, {transform_indices = @transform_2, window_bounds = array<i64: 2000, 1>}, {pipeline_mode = #tpu.pipeline_mode<synchronous>, transform_indices = @transform_3, window_bounds = array<i64: 64, 64>}, {pipeline_mode = #tpu.pipeline_mode<synchronous>, transform_indices = @transform_4, window_bounds = array<i64: 2, 1, 32>}, {transform_indices = @transform_5, window_bounds = array<i64: 2, 2000, 32>}]} {
    %get3A = arith.constant 0 : index
    %get3A_0 = arith.constant 0 : index
    %get3A_1 = vector.load %arg3[%get3A, %get3A_0] : memref<2000x1xf32, #tpu.memory_space<vmem>>, vector<2000x1xf32>
    %get3A_2 = arith.constant 0 : index
    %get3A_3 = arith.constant 0 : index
    %get3A_4 = arith.constant 0 : index
    %get3A_5 = vector.load %arg1[%get3A_2, %get3A_3, %get3A_4] : memref<2x2000x32xbf16, #tpu.memory_space<vmem>>, vector<1x2000x32xbf16>
    %get3A_6 = vector.shape_cast %get3A_5 : vector<1x2000x32xbf16> to vector<2000x32xbf16>
    %convert_element_type3A = arith.extf %get3A_6 : vector<2000x32xbf16> to vector<2000x32xf32>
    %get3A_7 = arith.constant 0 : index
    %get3A_8 = arith.constant 0 : index
    %get3A_9 = arith.constant 0 : index
    %get3A_10 = vector.load %arg2[%get3A_7, %get3A_8, %get3A_9] : memref<2x2000x32xbf16, #tpu.memory_space<vmem>>, vector<1x2000x32xbf16>
    %get3A_11 = vector.shape_cast %get3A_10 : vector<1x2000x32xbf16> to vector<2000x32xbf16>
    %convert_element_type3A_12 = arith.extf %get3A_11 : vector<2000x32xbf16> to vector<2000x32xf32>
    %add3A = arith.addf %convert_element_type3A, %convert_element_type3A_12 : vector<2000x32xf32>
    %mul3A = vector.broadcast %get3A_1 : vector<2000x1xf32> to vector<2000x32xf32>
    %mul3A_13 = arith.mulf %mul3A, %add3A : vector<2000x32xf32>
    %get3A_14 = arith.constant 0 : index
    %get3A_15 = arith.constant 0 : index
    %get3A_16 = arith.constant 0 : index
    %get3A_17 = vector.load %arg5[%get3A_14, %get3A_15, %get3A_16] : memref<2x1x32xf32, #tpu.memory_space<vmem>>, vector<1x1x32xf32>
    %get3A_18 = vector.shape_cast %get3A_17 : vector<1x1x32xf32> to vector<1x32xf32>
    %add3A_19 = vector.broadcast %get3A_18 : vector<1x32xf32> to vector<2000x32xf32>
    %add3A_20 = arith.addf %mul3A_13, %add3A_19 : vector<2000x32xf32>
    %max3A = arith.constant 0.000000e+00 : f32
    %max3A_21 = vector.broadcast %max3A : f32 to vector<2000x32xf32>
    %max3A_22 = arith.maximumf %add3A_20, %max3A_21 : vector<2000x32xf32>
    %get3A_23 = arith.constant 1 : index
    %get3A_24 = arith.constant 0 : index
    %get3A_25 = arith.constant 0 : index
    %get3A_26 = vector.load %arg1[%get3A_23, %get3A_24, %get3A_25] : memref<2x2000x32xbf16, #tpu.memory_space<vmem>>, vector<1x2000x32xbf16>
    %get3A_27 = vector.shape_cast %get3A_26 : vector<1x2000x32xbf16> to vector<2000x32xbf16>
    %convert_element_type3A_28 = arith.extf %get3A_27 : vector<2000x32xbf16> to vector<2000x32xf32>
    %get3A_29 = arith.constant 1 : index
    %get3A_30 = arith.constant 0 : index
    %get3A_31 = arith.constant 0 : index
    %get3A_32 = vector.load %arg2[%get3A_29, %get3A_30, %get3A_31] : memref<2x2000x32xbf16, #tpu.memory_space<vmem>>, vector<1x2000x32xbf16>
    %get3A_33 = vector.shape_cast %get3A_32 : vector<1x2000x32xbf16> to vector<2000x32xbf16>
    %convert_element_type3A_34 = arith.extf %get3A_33 : vector<2000x32xbf16> to vector<2000x32xf32>
    %add3A_35 = arith.addf %convert_element_type3A_28, %convert_element_type3A_34 : vector<2000x32xf32>
    %mul3A_36 = vector.broadcast %get3A_1 : vector<2000x1xf32> to vector<2000x32xf32>
    %mul3A_37 = arith.mulf %mul3A_36, %add3A_35 : vector<2000x32xf32>
    %get3A_38 = arith.constant 1 : index
    %get3A_39 = arith.constant 0 : index
    %get3A_40 = arith.constant 0 : index
    %get3A_41 = vector.load %arg5[%get3A_38, %get3A_39, %get3A_40] : memref<2x1x32xf32, #tpu.memory_space<vmem>>, vector<1x1x32xf32>
    %get3A_42 = vector.shape_cast %get3A_41 : vector<1x1x32xf32> to vector<1x32xf32>
    %add3A_43 = vector.broadcast %get3A_42 : vector<1x32xf32> to vector<2000x32xf32>
    %add3A_44 = arith.addf %mul3A_37, %add3A_43 : vector<2000x32xf32>
    %max3A_45 = arith.constant 0.000000e+00 : f32
    %max3A_46 = vector.broadcast %max3A_45 : f32 to vector<2000x32xf32>
    %max3A_47 = arith.maximumf %add3A_44, %max3A_46 : vector<2000x32xf32>
    %get3A_48 = arith.constant 0 : index
    %get3A_49 = arith.constant 0 : index
    %get3A_50 = vector.load %arg4[%get3A_48, %get3A_49] : memref<64x64xf32, #tpu.memory_space<vmem>>, vector<32x64xf32>
    %dot_general3A = arith.constant dense<0.000000e+00> : vector<2000x64xf32>
    %dot_general3A_51 = tpu.matmul %max3A_22, %get3A_50, %dot_general3A {dimension_numbers = #tpu.dot_dimension_numbers<[1], [0], [0], [1], [0, 0, 1, 1], [], []>, transpose_lhs_hint = false} : vector<2000x32xf32>, vector<32x64xf32>, vector<2000x64xf32> -> vector<2000x64xf32>
    %get3A_52 = arith.constant 32 : index
    %get3A_53 = arith.constant 0 : index
    %get3A_54 = vector.load %arg4[%get3A_52, %get3A_53] : memref<64x64xf32, #tpu.memory_space<vmem>>, vector<32x64xf32>
    %dot_general3A_55 = arith.constant dense<0.000000e+00> : vector<2000x64xf32>
    %dot_general3A_56 = tpu.matmul %max3A_47, %get3A_54, %dot_general3A_55 {dimension_numbers = #tpu.dot_dimension_numbers<[1], [0], [0], [1], [0, 0, 1, 1], [], []>, transpose_lhs_hint = false} : vector<2000x32xf32>, vector<32x64xf32>, vector<2000x64xf32> -> vector<2000x64xf32>
    %add3A_57 = arith.addf %dot_general3A_51, %dot_general3A_56 : vector<2000x64xf32>
    %mul3A_58 = vector.broadcast %get3A_1 : vector<2000x1xf32> to vector<2000x64xf32>
    %mul3A_59 = arith.mulf %add3A_57, %mul3A_58 : vector<2000x64xf32>
    %slice3A = vector.extract_strided_slice %mul3A_59 {offsets = [0, 0], sizes = [2000, 32], strides = [1, 1]} : vector<2000x64xf32> to vector<2000x32xf32>
    %convert_element_type3A_60 = arith.truncf %slice3A : vector<2000x32xf32> to vector<2000x32xbf16>
    %swap3A = arith.constant 0 : index
    %swap3A_61 = arith.constant 0 : index
    %swap3A_62 = arith.constant 0 : index
    %swap3A_63 = vector.load %arg6[%swap3A, %swap3A_61, %swap3A_62] : memref<2x2000x32xbf16, #tpu.memory_space<vmem>>, vector<1x2000x32xbf16>
    %swap3A_64 = vector.shape_cast %swap3A_63 : vector<1x2000x32xbf16> to vector<2000x32xbf16>
    %swap3A_65 = vector.shape_cast %convert_element_type3A_60 : vector<2000x32xbf16> to vector<1x2000x32xbf16>
    tpu.vector_store %arg6[%swap3A, %swap3A_61, %swap3A_62], %swap3A_65 {strides = array<i32>} : memref<2x2000x32xbf16, #tpu.memory_space<vmem>>, vector<1x2000x32xbf16>,
    %slice3A_66 = vector.extract_strided_slice %mul3A_59 {offsets = [0, 32], sizes = [2000, 32], strides = [1, 1]} : vector<2000x64xf32> to vector<2000x32xf32>
    %convert_element_type3A_67 = arith.truncf %slice3A_66 : vector<2000x32xf32> to vector<2000x32xbf16>
    %swap3A_68 = arith.constant 1 : index
    %swap3A_69 = arith.constant 0 : index
    %swap3A_70 = arith.constant 0 : index
    %swap3A_71 = vector.load %arg6[%swap3A_68, %swap3A_69, %swap3A_70] : memref<2x2000x32xbf16, #tpu.memory_space<vmem>>, vector<1x2000x32xbf16>
    %swap3A_72 = vector.shape_cast %swap3A_71 : vector<1x2000x32xbf16> to vector<2000x32xbf16>
    %swap3A_73 = vector.shape_cast %convert_element_type3A_67 : vector<2000x32xbf16> to vector<1x2000x32xbf16>
    tpu.vector_store %arg6[%swap3A_68, %swap3A_69, %swap3A_70], %swap3A_73 {strides = array<i32>} : memref<2x2000x32xbf16, #tpu.memory_space<vmem>>, vector<1x2000x32xbf16>,
    return
  }
  func.func @transform_0(%arg0: i32) -> (i32, i32, i32) {
    %c0_i32 = arith.constant 0 : i32
    %c0_i32_0 = arith.constant 0 : i32
    %c0_i32_1 = arith.constant 0 : i32
    return %c0_i32, %arg0, %c0_i32_0 : i32, i32, i32
  }
  func.func @transform_1(%arg0: i32) -> (i32, i32, i32) {
    %c0_i32 = arith.constant 0 : i32
    %c0_i32_0 = arith.constant 0 : i32
    %c0_i32_1 = arith.constant 0 : i32
    return %c0_i32, %arg0, %c0_i32_0 : i32, i32, i32
  }
  func.func @transform_2(%arg0: i32) -> (i32, i32) {
    %c0_i32 = arith.constant 0 : i32
    %c0_i32_0 = arith.constant 0 : i32
    return %arg0, %c0_i32 : i32, i32
  }
  func.func @transform_3(%arg0: i32) -> (i32, i32) {
    %c0_i32 = arith.constant 0 : i32
    %c0_i32_0 = arith.constant 0 : i32
    %c0_i32_1 = arith.constant 0 : i32
    return %c0_i32, %c0_i32_0 : i32, i32
  }
  func.func @transform_4(%arg0: i32) -> (i32, i32, i32) {
    %c0_i32 = arith.constant 0 : i32
    %c0_i32_0 = arith.constant 0 : i32
    %c0_i32_1 = arith.constant 0 : i32
    %c0_i32_2 = arith.constant 0 : i32
    return %c0_i32, %c0_i32_0, %c0_i32_1 : i32, i32, i32
  }
  func.func @transform_5(%arg0: i32) -> (i32, i32, i32) {
    %c0_i32 = arith.constant 0 : i32
    %c0_i32_0 = arith.constant 0 : i32
    %c0_i32_1 = arith.constant 0 : i32
    return %c0_i32, %arg0, %c0_i32_0 : i32, i32, i32
  }
}

module attributes {stable_mosaic.version = 14 : i64} {
  func.func @_pool_body(%arg0: i32, %arg1: memref<2x2000x32xbf16, #tpu.memory_space<vmem>>, %arg2: memref<2x2000x32xbf16, #tpu.memory_space<vmem>>, %arg3: memref<2000x1xf32, #tpu.memory_space<vmem>>, %arg4: memref<2x1x32xf32, #tpu.memory_space<vmem>>, %arg5: memref<2000x1xi32, #tpu.memory_space<vmem>>, %arg6: memref<2x64x32xf32, #tpu.memory_space<vmem>>, %arg7: memref<64x1xf32, #tpu.memory_space<vmem>>) attributes {dimension_semantics = [#tpu.dimension_semantics<arbitrary>], iteration_bounds = array<i64: 25>, scalar_prefetch = 0 : i64, scratch_operands = 0 : i64, tpu.core_type = #tpu.core_type<tc>, window_params = [{transform_indices = @transform_0, window_bounds = array<i64: 2, 2000, 32>}, {transform_indices = @transform_1, window_bounds = array<i64: 2, 2000, 32>}, {transform_indices = @transform_2, window_bounds = array<i64: 2000, 1>}, {pipeline_mode = #tpu.pipeline_mode<synchronous>, transform_indices = @transform_3, window_bounds = array<i64: 2, 1, 32>}, {transform_indices = @transform_4, window_bounds = array<i64: 2000, 1>}, {pipeline_mode = #tpu.pipeline_mode<synchronous>, transform_indices = @transform_5, window_bounds = array<i64: 2, 64, 32>}, {pipeline_mode = #tpu.pipeline_mode<synchronous>, transform_indices = @transform_6, window_bounds = array<i64: 64, 1>}]} {
    %get3A = arith.constant 0 : index
    %get3A_0 = arith.constant 0 : index
    %get3A_1 = vector.load %arg3[%get3A, %get3A_0] : memref<2000x1xf32, #tpu.memory_space<vmem>>, vector<2000x1xf32>
    %get3A_2 = arith.constant 0 : index
    %get3A_3 = arith.constant 0 : index
    %get3A_4 = arith.constant 0 : index
    %get3A_5 = vector.load %arg1[%get3A_2, %get3A_3, %get3A_4] : memref<2x2000x32xbf16, #tpu.memory_space<vmem>>, vector<1x2000x32xbf16>
    %get3A_6 = vector.shape_cast %get3A_5 : vector<1x2000x32xbf16> to vector<2000x32xbf16>
    %convert_element_type3A = arith.extf %get3A_6 : vector<2000x32xbf16> to vector<2000x32xf32>
    %get3A_7 = arith.constant 0 : index
    %get3A_8 = arith.constant 0 : index
    %get3A_9 = arith.constant 0 : index
    %get3A_10 = vector.load %arg2[%get3A_7, %get3A_8, %get3A_9] : memref<2x2000x32xbf16, #tpu.memory_space<vmem>>, vector<1x2000x32xbf16>
    %get3A_11 = vector.shape_cast %get3A_10 : vector<1x2000x32xbf16> to vector<2000x32xbf16>
    %convert_element_type3A_12 = arith.extf %get3A_11 : vector<2000x32xbf16> to vector<2000x32xf32>
    %add3A = arith.addf %convert_element_type3A, %convert_element_type3A_12 : vector<2000x32xf32>
    %mul3A = vector.broadcast %get3A_1 : vector<2000x1xf32> to vector<2000x32xf32>
    %mul3A_13 = arith.mulf %mul3A, %add3A : vector<2000x32xf32>
    %get3A_14 = arith.constant 0 : index
    %get3A_15 = arith.constant 0 : index
    %get3A_16 = arith.constant 0 : index
    %get3A_17 = vector.load %arg4[%get3A_14, %get3A_15, %get3A_16] : memref<2x1x32xf32, #tpu.memory_space<vmem>>, vector<1x1x32xf32>
    %get3A_18 = vector.shape_cast %get3A_17 : vector<1x1x32xf32> to vector<1x32xf32>
    %add3A_19 = vector.broadcast %get3A_18 : vector<1x32xf32> to vector<2000x32xf32>
    %add3A_20 = arith.addf %mul3A_13, %add3A_19 : vector<2000x32xf32>
    %max3A = arith.constant 0.000000e+00 : f32
    %max3A_21 = vector.broadcast %max3A : f32 to vector<2000x32xf32>
    %max3A_22 = arith.maximumf %add3A_20, %max3A_21 : vector<2000x32xf32>
    %get3A_23 = arith.constant 1 : index
    %get3A_24 = arith.constant 0 : index
    %get3A_25 = arith.constant 0 : index
    %get3A_26 = vector.load %arg1[%get3A_23, %get3A_24, %get3A_25] : memref<2x2000x32xbf16, #tpu.memory_space<vmem>>, vector<1x2000x32xbf16>
    %get3A_27 = vector.shape_cast %get3A_26 : vector<1x2000x32xbf16> to vector<2000x32xbf16>
    %convert_element_type3A_28 = arith.extf %get3A_27 : vector<2000x32xbf16> to vector<2000x32xf32>
    %get3A_29 = arith.constant 1 : index
    %get3A_30 = arith.constant 0 : index
    %get3A_31 = arith.constant 0 : index
    %get3A_32 = vector.load %arg2[%get3A_29, %get3A_30, %get3A_31] : memref<2x2000x32xbf16, #tpu.memory_space<vmem>>, vector<1x2000x32xbf16>
    %get3A_33 = vector.shape_cast %get3A_32 : vector<1x2000x32xbf16> to vector<2000x32xbf16>
    %convert_element_type3A_34 = arith.extf %get3A_33 : vector<2000x32xbf16> to vector<2000x32xf32>
    %add3A_35 = arith.addf %convert_element_type3A_28, %convert_element_type3A_34 : vector<2000x32xf32>
    %mul3A_36 = vector.broadcast %get3A_1 : vector<2000x1xf32> to vector<2000x32xf32>
    %mul3A_37 = arith.mulf %mul3A_36, %add3A_35 : vector<2000x32xf32>
    %get3A_38 = arith.constant 1 : index
    %get3A_39 = arith.constant 0 : index
    %get3A_40 = arith.constant 0 : index
    %get3A_41 = vector.load %arg4[%get3A_38, %get3A_39, %get3A_40] : memref<2x1x32xf32, #tpu.memory_space<vmem>>, vector<1x1x32xf32>
    %get3A_42 = vector.shape_cast %get3A_41 : vector<1x1x32xf32> to vector<1x32xf32>
    %add3A_43 = vector.broadcast %get3A_42 : vector<1x32xf32> to vector<2000x32xf32>
    %add3A_44 = arith.addf %mul3A_37, %add3A_43 : vector<2000x32xf32>
    %max3A_45 = arith.constant 0.000000e+00 : f32
    %max3A_46 = vector.broadcast %max3A_45 : f32 to vector<2000x32xf32>
    %max3A_47 = arith.maximumf %add3A_44, %max3A_46 : vector<2000x32xf32>
    %get3A_48 = arith.constant 0 : index
    %get3A_49 = arith.constant 0 : index
    %get3A_50 = vector.load %arg5[%get3A_48, %get3A_49] : memref<2000x1xi32, #tpu.memory_space<vmem>>, vector<2000x1xi32>
    %squeeze3A = vector.shape_cast %get3A_50 : vector<2000x1xi32> to vector<2000xi32>
    %iota3A = tpu.iota {dimensions = array<i32: 0>} : vector<64x2000xi32>
    %broadcast_in_dim3A = vector.shape_cast %squeeze3A : vector<2000xi32> to vector<1x2000xi32>
    %eq3A = vector.broadcast %broadcast_in_dim3A : vector<1x2000xi32> to vector<64x2000xi32>
    %eq3A_51 = arith.cmpi eq, %iota3A, %eq3A : vector<64x2000xi32>
    %convert_element_type3A_52 = arith.extui %eq3A_51 : vector<64x2000xi1> to vector<64x2000xi32>
    %convert_element_type3A_53 = arith.sitofp %convert_element_type3A_52 : vector<64x2000xi32> to vector<64x2000xf32>
    %dot_general3A = arith.constant dense<0.000000e+00> : vector<64x32xf32>
    %dot_general3A_54 = tpu.matmul %convert_element_type3A_53, %max3A_22, %dot_general3A {dimension_numbers = #tpu.dot_dimension_numbers<[1], [0], [0], [1], [0, 0, 1, 1], [], []>, transpose_lhs_hint = false} : vector<64x2000xf32>, vector<2000x32xf32>, vector<64x32xf32> -> vector<64x32xf32>
    %dot_general3A_55 = arith.constant dense<0.000000e+00> : vector<64x32xf32>
    %dot_general3A_56 = tpu.matmul %convert_element_type3A_53, %max3A_47, %dot_general3A_55 {dimension_numbers = #tpu.dot_dimension_numbers<[1], [0], [0], [1], [0, 0, 1, 1], [], []>, transpose_lhs_hint = false} : vector<64x2000xf32>, vector<2000x32xf32>, vector<64x32xf32> -> vector<64x32xf32>
    %reduce_sum3A = arith.constant dense<0.000000e+00> : vector<64xf32>
    %reduce_sum3A_57 = vector.multi_reduction <add>, %convert_element_type3A_53, %reduce_sum3A [1] : vector<64x2000xf32> to vector<64xf32>
    %broadcast_in_dim3A_58 = vector.shape_cast %reduce_sum3A_57 : vector<64xf32> to vector<64x1xf32>
    %eq3A_59 = arith.constant 0 : i32
    %eq3A_60 = arith.cmpi eq, %arg0, %eq3A_59 : i32
    %convert_element_type3A_61 = arith.extui %eq3A_60 : i1 to i32
    %cond3A = arith.constant 0 : i32
    %cond3A_62 = arith.cmpi ne, %convert_element_type3A_61, %cond3A : i32
    scf.if %cond3A_62 {
      %swap3A = arith.constant 0 : index
      %swap3A_67 = arith.constant 0 : index
      %swap3A_68 = arith.constant 0 : index
      %swap3A_69 = vector.load %arg6[%swap3A, %swap3A_67, %swap3A_68] : memref<2x64x32xf32, #tpu.memory_space<vmem>>, vector<1x64x32xf32>
      %swap3A_70 = vector.shape_cast %swap3A_69 : vector<1x64x32xf32> to vector<64x32xf32>
      %swap3A_71 = vector.shape_cast %dot_general3A_54 : vector<64x32xf32> to vector<1x64x32xf32>
      tpu.vector_store %arg6[%swap3A, %swap3A_67, %swap3A_68], %swap3A_71 {strides = array<i32>} : memref<2x64x32xf32, #tpu.memory_space<vmem>>, vector<1x64x32xf32>,
      %swap3A_72 = arith.constant 1 : index
      %swap3A_73 = arith.constant 0 : index
      %swap3A_74 = arith.constant 0 : index
      %swap3A_75 = vector.load %arg6[%swap3A_72, %swap3A_73, %swap3A_74] : memref<2x64x32xf32, #tpu.memory_space<vmem>>, vector<1x64x32xf32>
      %swap3A_76 = vector.shape_cast %swap3A_75 : vector<1x64x32xf32> to vector<64x32xf32>
      %swap3A_77 = vector.shape_cast %dot_general3A_56 : vector<64x32xf32> to vector<1x64x32xf32>
      tpu.vector_store %arg6[%swap3A_72, %swap3A_73, %swap3A_74], %swap3A_77 {strides = array<i32>} : memref<2x64x32xf32, #tpu.memory_space<vmem>>, vector<1x64x32xf32>,
      %swap3A_78 = arith.constant 0 : index
      %swap3A_79 = arith.constant 0 : index
      %swap3A_80 = vector.load %arg7[%swap3A_78, %swap3A_79] : memref<64x1xf32, #tpu.memory_space<vmem>>, vector<64x1xf32>
      tpu.vector_store %arg7[%swap3A_78, %swap3A_79], %broadcast_in_dim3A_58 {strides = array<i32>} : memref<64x1xf32, #tpu.memory_space<vmem>>, vector<64x1xf32>,
    } else {
    }
    %gt3A = arith.constant 0 : i32
    %gt3A_63 = arith.cmpi sgt, %arg0, %gt3A : i32
    %convert_element_type3A_64 = arith.extui %gt3A_63 : i1 to i32
    %cond3A_65 = arith.constant 0 : i32
    %cond3A_66 = arith.cmpi ne, %convert_element_type3A_64, %cond3A_65 : i32
    scf.if %cond3A_66 {
      %get3A_67 = arith.constant 0 : index
      %get3A_68 = arith.constant 0 : index
      %get3A_69 = arith.constant 0 : index
      %get3A_70 = vector.load %arg6[%get3A_67, %get3A_68, %get3A_69] : memref<2x64x32xf32, #tpu.memory_space<vmem>>, vector<1x64x32xf32>
      %get3A_71 = vector.shape_cast %get3A_70 : vector<1x64x32xf32> to vector<64x32xf32>
      %add3A_72 = arith.addf %get3A_71, %dot_general3A_54 : vector<64x32xf32>
      %swap3A = arith.constant 0 : index
      %swap3A_73 = arith.constant 0 : index
      %swap3A_74 = arith.constant 0 : index
      %swap3A_75 = vector.load %arg6[%swap3A, %swap3A_73, %swap3A_74] : memref<2x64x32xf32, #tpu.memory_space<vmem>>, vector<1x64x32xf32>
      %swap3A_76 = vector.shape_cast %swap3A_75 : vector<1x64x32xf32> to vector<64x32xf32>
      %swap3A_77 = vector.shape_cast %add3A_72 : vector<64x32xf32> to vector<1x64x32xf32>
      tpu.vector_store %arg6[%swap3A, %swap3A_73, %swap3A_74], %swap3A_77 {strides = array<i32>} : memref<2x64x32xf32, #tpu.memory_space<vmem>>, vector<1x64x32xf32>,
      %get3A_78 = arith.constant 1 : index
      %get3A_79 = arith.constant 0 : index
      %get3A_80 = arith.constant 0 : index
      %get3A_81 = vector.load %arg6[%get3A_78, %get3A_79, %get3A_80] : memref<2x64x32xf32, #tpu.memory_space<vmem>>, vector<1x64x32xf32>
      %get3A_82 = vector.shape_cast %get3A_81 : vector<1x64x32xf32> to vector<64x32xf32>
      %add3A_83 = arith.addf %get3A_82, %dot_general3A_56 : vector<64x32xf32>
      %swap3A_84 = arith.constant 1 : index
      %swap3A_85 = arith.constant 0 : index
      %swap3A_86 = arith.constant 0 : index
      %swap3A_87 = vector.load %arg6[%swap3A_84, %swap3A_85, %swap3A_86] : memref<2x64x32xf32, #tpu.memory_space<vmem>>, vector<1x64x32xf32>
      %swap3A_88 = vector.shape_cast %swap3A_87 : vector<1x64x32xf32> to vector<64x32xf32>
      %swap3A_89 = vector.shape_cast %add3A_83 : vector<64x32xf32> to vector<1x64x32xf32>
      tpu.vector_store %arg6[%swap3A_84, %swap3A_85, %swap3A_86], %swap3A_89 {strides = array<i32>} : memref<2x64x32xf32, #tpu.memory_space<vmem>>, vector<1x64x32xf32>,
      %get3A_90 = arith.constant 0 : index
      %get3A_91 = arith.constant 0 : index
      %get3A_92 = vector.load %arg7[%get3A_90, %get3A_91] : memref<64x1xf32, #tpu.memory_space<vmem>>, vector<64x1xf32>
      %add3A_93 = arith.addf %get3A_92, %broadcast_in_dim3A_58 : vector<64x1xf32>
      %swap3A_94 = arith.constant 0 : index
      %swap3A_95 = arith.constant 0 : index
      %swap3A_96 = vector.load %arg7[%swap3A_94, %swap3A_95] : memref<64x1xf32, #tpu.memory_space<vmem>>, vector<64x1xf32>
      tpu.vector_store %arg7[%swap3A_94, %swap3A_95], %add3A_93 {strides = array<i32>} : memref<64x1xf32, #tpu.memory_space<vmem>>, vector<64x1xf32>,
    } else {
    }
    return
  }
  func.func @transform_0(%arg0: i32) -> (i32, i32, i32) {
    %c0_i32 = arith.constant 0 : i32
    %c0_i32_0 = arith.constant 0 : i32
    %c0_i32_1 = arith.constant 0 : i32
    return %c0_i32, %arg0, %c0_i32_0 : i32, i32, i32
  }
  func.func @transform_1(%arg0: i32) -> (i32, i32, i32) {
    %c0_i32 = arith.constant 0 : i32
    %c0_i32_0 = arith.constant 0 : i32
    %c0_i32_1 = arith.constant 0 : i32
    return %c0_i32, %arg0, %c0_i32_0 : i32, i32, i32
  }
  func.func @transform_2(%arg0: i32) -> (i32, i32) {
    %c0_i32 = arith.constant 0 : i32
    %c0_i32_0 = arith.constant 0 : i32
    return %arg0, %c0_i32 : i32, i32
  }
  func.func @transform_3(%arg0: i32) -> (i32, i32, i32) {
    %c0_i32 = arith.constant 0 : i32
    %c0_i32_0 = arith.constant 0 : i32
    %c0_i32_1 = arith.constant 0 : i32
    %c0_i32_2 = arith.constant 0 : i32
    return %c0_i32, %c0_i32_0, %c0_i32_1 : i32, i32, i32
  }
  func.func @transform_4(%arg0: i32) -> (i32, i32) {
    %c0_i32 = arith.constant 0 : i32
    %c0_i32_0 = arith.constant 0 : i32
    return %arg0, %c0_i32 : i32, i32
  }
  func.func @transform_5(%arg0: i32) -> (i32, i32, i32) {
    %c0_i32 = arith.constant 0 : i32
    %c0_i32_0 = arith.constant 0 : i32
    %c0_i32_1 = arith.constant 0 : i32
    %c0_i32_2 = arith.constant 0 : i32
    return %c0_i32, %c0_i32_0, %c0_i32_1 : i32, i32, i32
  }
  func.func @transform_6(%arg0: i32) -> (i32, i32) {
    %c0_i32 = arith.constant 0 : i32
    %c0_i32_0 = arith.constant 0 : i32
    %c0_i32_1 = arith.constant 0 : i32
    return %c0_i32, %c0_i32_0 : i32, i32
  }
}

module attributes {stable_mosaic.version = 14 : i64} {
  func.func @_head_body(%arg0: memref<2x64x32xf32, #tpu.memory_space<vmem>>, %arg1: memref<64x1xf32, #tpu.memory_space<vmem>>, %arg2: memref<64x4xf32, #tpu.memory_space<vmem>>, %arg3: memref<64x64xf32, #tpu.memory_space<vmem>>, %arg4: memref<4x64xf32, #tpu.memory_space<vmem>>, %arg5: memref<1x64xf32, #tpu.memory_space<vmem>>, %arg6: memref<64x1xf32, #tpu.memory_space<vmem>>, %arg7: memref<1x1xf32, #tpu.memory_space<vmem>>, %arg8: memref<64x1xf32, #tpu.memory_space<vmem>>) attributes {dimension_semantics = [], scalar_prefetch = 0 : i64, scratch_operands = 0 : i64, tpu.core_type = #tpu.core_type<tc>} {
    %get3A = arith.constant 0 : index
    %get3A_0 = arith.constant 0 : index
    %get3A_1 = vector.load %arg1[%get3A, %get3A_0] : memref<64x1xf32, #tpu.memory_space<vmem>>, vector<64x1xf32>
    %max3A = arith.constant 1.000000e+00 : f32
    %max3A_2 = vector.broadcast %max3A : f32 to vector<64x1xf32>
    %max3A_3 = arith.maximumf %get3A_1, %max3A_2 : vector<64x1xf32>
    %div3A = arith.constant 1.000000e+00 : f32
    %div3A_4 = vector.broadcast %div3A : f32 to vector<64x1xf32>
    %div3A_5 = arith.divf %div3A_4, %max3A_3 : vector<64x1xf32>
    %get3A_6 = arith.constant 0 : index
    %get3A_7 = arith.constant 0 : index
    %get3A_8 = arith.constant 0 : index
    %get3A_9 = vector.load %arg0[%get3A_6, %get3A_7, %get3A_8] : memref<2x64x32xf32, #tpu.memory_space<vmem>>, vector<1x64x32xf32>
    %get3A_10 = vector.shape_cast %get3A_9 : vector<1x64x32xf32> to vector<64x32xf32>
    %mul3A = vector.broadcast %div3A_5 : vector<64x1xf32> to vector<64x32xf32>
    %mul3A_11 = arith.mulf %get3A_10, %mul3A : vector<64x32xf32>
    %get3A_12 = arith.constant 1 : index
    %get3A_13 = arith.constant 0 : index
    %get3A_14 = arith.constant 0 : index
    %get3A_15 = vector.load %arg0[%get3A_12, %get3A_13, %get3A_14] : memref<2x64x32xf32, #tpu.memory_space<vmem>>, vector<1x64x32xf32>
    %get3A_16 = vector.shape_cast %get3A_15 : vector<1x64x32xf32> to vector<64x32xf32>
    %mul3A_17 = vector.broadcast %div3A_5 : vector<64x1xf32> to vector<64x32xf32>
    %mul3A_18 = arith.mulf %get3A_16, %mul3A_17 : vector<64x32xf32>
    %get3A_19 = arith.constant 0 : index
    %get3A_20 = arith.constant 0 : index
    %get3A_21 = vector.load %arg3[%get3A_19, %get3A_20] : memref<64x64xf32, #tpu.memory_space<vmem>>, vector<32x64xf32>
    %dot_general3A = arith.constant dense<0.000000e+00> : vector<64x64xf32>
    %dot_general3A_22 = tpu.matmul %mul3A_11, %get3A_21, %dot_general3A {dimension_numbers = #tpu.dot_dimension_numbers<[1], [0], [0], [1], [0, 0, 1, 1], [], []>, transpose_lhs_hint = false} : vector<64x32xf32>, vector<32x64xf32>, vector<64x64xf32> -> vector<64x64xf32>
    %get3A_23 = arith.constant 32 : index
    %get3A_24 = arith.constant 0 : index
    %get3A_25 = vector.load %arg3[%get3A_23, %get3A_24] : memref<64x64xf32, #tpu.memory_space<vmem>>, vector<32x64xf32>
    %dot_general3A_26 = arith.constant dense<0.000000e+00> : vector<64x64xf32>
    %dot_general3A_27 = tpu.matmul %mul3A_18, %get3A_25, %dot_general3A_26 {dimension_numbers = #tpu.dot_dimension_numbers<[1], [0], [0], [1], [0, 0, 1, 1], [], []>, transpose_lhs_hint = false} : vector<64x32xf32>, vector<32x64xf32>, vector<64x64xf32> -> vector<64x64xf32>
    %add3A = arith.addf %dot_general3A_22, %dot_general3A_27 : vector<64x64xf32>
    %get3A_28 = arith.constant 0 : index
    %get3A_29 = arith.constant 0 : index
    %get3A_30 = vector.load %arg2[%get3A_28, %get3A_29] : memref<64x4xf32, #tpu.memory_space<vmem>>, vector<64x4xf32>
    %get3A_31 = arith.constant 0 : index
    %get3A_32 = arith.constant 0 : index
    %get3A_33 = vector.load %arg4[%get3A_31, %get3A_32] : memref<4x64xf32, #tpu.memory_space<vmem>>, vector<4x64xf32>
    %dot_general3A_34 = arith.constant dense<0.000000e+00> : vector<64x64xf32>
    %dot_general3A_35 = tpu.matmul %get3A_30, %get3A_33, %dot_general3A_34 {dimension_numbers = #tpu.dot_dimension_numbers<[1], [0], [0], [1], [0, 0, 1, 1], [], []>, transpose_lhs_hint = false} : vector<64x4xf32>, vector<4x64xf32>, vector<64x64xf32> -> vector<64x64xf32>
    %add3A_36 = arith.addf %add3A, %dot_general3A_35 : vector<64x64xf32>
    %get3A_37 = arith.constant 0 : index
    %get3A_38 = arith.constant 0 : index
    %get3A_39 = vector.load %arg5[%get3A_37, %get3A_38] : memref<1x64xf32, #tpu.memory_space<vmem>>, vector<1x64xf32>
    %add3A_40 = vector.broadcast %get3A_39 : vector<1x64xf32> to vector<64x64xf32>
    %add3A_41 = arith.addf %add3A_36, %add3A_40 : vector<64x64xf32>
    %max3A_42 = arith.constant 0.000000e+00 : f32
    %max3A_43 = vector.broadcast %max3A_42 : f32 to vector<64x64xf32>
    %max3A_44 = arith.maximumf %add3A_41, %max3A_43 : vector<64x64xf32>
    %get3A_45 = arith.constant 0 : index
    %get3A_46 = arith.constant 0 : index
    %get3A_47 = vector.load %arg6[%get3A_45, %get3A_46] : memref<64x1xf32, #tpu.memory_space<vmem>>, vector<64x1xf32>
    %dot_general3A_48 = arith.constant dense<0.000000e+00> : vector<64x1xf32>
    %dot_general3A_49 = tpu.matmul %max3A_44, %get3A_47, %dot_general3A_48 {dimension_numbers = #tpu.dot_dimension_numbers<[1], [0], [0], [1], [0, 0, 1, 1], [], []>, transpose_lhs_hint = false} : vector<64x64xf32>, vector<64x1xf32>, vector<64x1xf32> -> vector<64x1xf32>
    %get3A_50 = arith.constant 0 : index
    %get3A_51 = arith.constant 0 : index
    %get3A_52 = vector.load %arg7[%get3A_50, %get3A_51] : memref<1x1xf32, #tpu.memory_space<vmem>>, vector<1x1xf32>
    %add3A_53 = vector.broadcast %get3A_52 : vector<1x1xf32> to vector<64x1xf32>
    %add3A_54 = arith.addf %dot_general3A_49, %add3A_53 : vector<64x1xf32>
    %swap3A = arith.constant 0 : index
    %swap3A_55 = arith.constant 0 : index
    %swap3A_56 = vector.load %arg8[%swap3A, %swap3A_55] : memref<64x1xf32, #tpu.memory_space<vmem>>, vector<64x1xf32>
    tpu.vector_store %arg8[%swap3A, %swap3A_55], %add3A_54 {strides = array<i32>} : memref<64x1xf32, #tpu.memory_space<vmem>>, vector<64x1xf32>,
    return
  }
}

</mosaic_0001>

<sc_bundles>
// kernel: kernel.11.cloned.1.call-start
scs
__scs_entry_jumppad:
0x0: {  	(pc) =	sbr.rel $0x88, $3  }
0x1: {  	(tag) =	ssettag $0x0;
	lr =	simm.s32 $0x1  }
0x2: {  	[smem:$0x3F93] =	sst lr;
	_ =	strace $0xD0000000  }
0x3: {  	_ = 	snop  }
0x4: {  	_ = 	snop  }
0x5: {  	_ = 	snop  }
0x6: {  	_ = 	snop  }
0x7: {  	_ = 	snop  }
__scs_overlays_trampoline_lowered:
0x8: {  	[smem:$0x3FA2] =	sst s0  }
0x9: {  	[smem:$0x3FA3] =	sst s1  }
0xa: {  	[smem:$0x3FA4] =	sst s2  }
0xb: {  	[smem:$0x3FA5] =	sst s3  }
0xc: {  	[smem:$0x3FA6] =	sst s4  }
0xd: {  	[smem:$0x3FA7] =	sst s5  }
0xe: {  	[smem:$0x3FA8] =	sst s6  }
0xf: {  	[smem:$0x3FA9] =	sst s7  }
0x10: {  	[smem:$0x3FAA] =	sst s8  }
0x11: {  	[smem:$0x3FAB] =	sst s9;
	s0 =	simm.s32 @!p0 $0x0  }
0x12: {  	s1 =	sld [smem:$0x3F91];
	s0 =	simm.s32 @p0 $0x1  }
0x13: {  	[smem:$0x3FAC] =	sst s0;
	s0 =	simm.s32 @!p1 $0x0  }
0x14: {  	s2 =	sld [smem:$0x3F90];
	s0 =	simm.s32 @p1 $0x1  }
0x15: {  	[smem:$0x3FAD] =	sst s0;
	s0 =	simm.s32 @!p2 $0x0  }
0x16: {  	s3 =	sld [smem:$0x3FDB];
	s0 =	simm.s32 @p2 $0x1  }
0x17: {  	s4 =	simm.s32 $0x1BF5;
	[smem:$0x3FAF] =	sst s0  }
0x18: {  	s0 =	sld [smem:$0x3F92];
	_ =	swait.ge [sflag:s4], $0x0  }
0x19: {  	s7 =	sld [smem:$0x3F93]  }
0x1a: {  	s8 =	sadd.s32 $0xFFFFE003, lr  }
0x1b: {  	s9 =	sadd.s32 $0xFFFFFEF7, lr;
	s5 =	simm.s32 $0xFFFFFFFF;
	p2 =	slt.u32 s8, $0xFFFFF086  }
0x1c: {  	p1 =	slt.u32 s9, $0xF7A;
	s5 =	simm.s32 @!p2 $0x0  }
0x1d: {  	s5 =	simm.s32 @p1 $0x1;
	p0 =	seq.s32 s7, s2  }
0x1e: {  	s7 =	smul.u32 @!p0 $0xF7A, s2;
	p2 =	seq.s32 @!p0 s5, $0x0  }
0x1f: {  	s9 =	smul.u32 $0xF7A, s1;
	s8 =	simm.s32 @!p0 $0x1BF5;
	p2 =	por !p2, p0  }
0x20: {  	[sflag:s8] =	ssyncset.s32 @!p0 $0xFFFFF086;
	s6 =	sadd.s32 @!p0 s3, s7;
	s7 =	simm.s32 @!p0 $0x108  }
0x21: {  	s3 =	sadd.s32 s3, s9;
	s6 =	sadd.s32 @!p0 $0x88, s6;
	s7 =	simm.s32 @p2 $0x1082  }
0x22: {  	[simem:s7], [sflag:s8] =	dma.local @!p0 [hbm:s6], $0xF7A  }
0x23: {  	s9 =	sor.u32 $0xD0000000, s2;
	s6 =	simm.s32 $0x108;
	_ =	swait.ge @!p0 [sflag:s8], $0x0  }
0x24: {  	s3 =	sadd.s32 $0x88, s3;
	s6 =	simm.s32 @!p1 $0x1082;
	[sflag:s4] =	ssyncset.s32 $0xFFFFF086  }
0x25: {  	[simem:s6], [sflag:s4] =	dma.local [hbm:s3], $0xF7A  }
0x26: {  	[smem:$0x3F93] =	sst s1;
	(tag) =	ssettag s2;
	_ =	strace s9  }
0x27: {  	s1 =	sld [smem:$0x3FA3]  }
0x28: {  	s2 =	sld [smem:$0x3FA4]  }
0x29: {  	s4 =	sld [smem:$0x3FA6]  }
0x2a: {  	p0 =	seq.s32 s5, $0x0;
	s5 =	sld [smem:$0x3FA7]  }
0x2b: {  	s6 =	sld [smem:$0x3FA8]  }
0x2c: {  	s7 =	sld [smem:$0x3FA9]  }
0x2d: {  	s3 =	simm.s32 $0x108;
	s8 =	sld [smem:$0x3FAA]  }
0x2e: {  	s3 =	simm.s32 @!p0 $0x1082;
	s9 =	sld [smem:$0x3FAB]  }
0x2f: {  	lr =	sadd.s32 s0, s3;
	s0 =	sld [smem:$0x3FA2]  }
0x30: {  	s3 =	sld [smem:$0x3FA5]  }
0x31: {  	[smem:$0x3FAE] =	sst s10  }
0x32: {  	s10 =	sld [smem:$0x3FAC];
	_ =	sdelay $0x3  }
0x33: {  	p0 =	seq.s32 s10, $0x1;
	s10 =	sld [smem:$0x3FAE];
	_ =	sdelay $0x3  }
0x34: {  	[smem:$0x3FAE] =	sst s10  }
0x35: {  	s10 =	sld [smem:$0x3FAD];
	_ =	sdelay $0x3  }
0x36: {  	p1 =	seq.s32 s10, $0x1;
	s10 =	sld [smem:$0x3FAE];
	_ =	sdelay $0x3  }
0x37: {  	[smem:$0x3FAE] =	sst s10  }
0x38: {  	s10 =	sld [smem:$0x3FAF]  }
0x39: {  	_ = 	snop;
	(pc) =	sbr.ind lr, $3  }
0x3a: {  	_ = 	snop  }
0x3b: {  	_ = 	snop  }
0x3c: {  	p2 =	seq.s32 s10, $0x1;
	s10 =	sld [smem:$0x3FAE]  }
0x3d: {  	_ =	shalt  }
0x3e: {  	_ =	shalt  }
0x3f: {  	_ =	shalt  }
0x40: {  	_ =	shalt  }
0x41: {  	_ =	shalt  }
0x42: {  	_ =	shalt  }
0x43: {  	_ =	shalt  }
0x44: {  	_ =	shalt  }
0x45: {  	_ =	shalt  }
0x46: {  	_ =	shalt  }
0x47: {  	_ =	shalt  }
0x48: {  	_ =	shalt  }
0x49: {  	_ =	shalt  }
0x4a: {  	_ =	shalt  }
0x4b: {  	_ =	shalt  }
0x4c: {  	_ =	shalt  }
0x4d: {  	_ =	shalt  }
0x4e: {  	_ =	shalt  }
0x4f: {  	_ =	shalt  }
0x50: {  	_ =	shalt  }
0x51: {  	_ =	shalt  }
0x52: {  	_ =	shalt  }
0x53: {  	_ =	shalt  }
0x54: {  	_ =	shalt  }
0x55: {  	_ =	shalt  }
0x56: {  	_ =	shalt  }
0x57: {  	_ =	shalt  }
0x58: {  	_ =	shalt  }
0x59: {  	_ =	shalt  }
0x5a: {  	_ =	shalt  }
0x5b: {  	_ =	shalt  }
0x5c: {  	_ =	shalt  }
0x5d: {  	_ =	shalt  }
0x5e: {  	_ =	shalt  }
0x5f: {  	_ =	shalt  }
0x60: {  	_ =	shalt  }
0x61: {  	_ =	shalt  }
0x62: {  	_ =	shalt  }
0x63: {  	_ =	shalt  }
0x64: {  	_ =	shalt  }
0x65: {  	_ =	shalt  }
0x66: {  	_ =	shalt  }
0x67: {  	_ =	shalt  }
0x68: {  	_ =	shalt  }
0x69: {  	_ =	shalt  }
0x6a: {  	_ =	shalt  }
0x6b: {  	_ =	shalt  }
0x6c: {  	_ =	shalt  }
0x6d: {  	_ =	shalt  }
0x6e: {  	_ =	shalt  }
0x6f: {  	_ =	shalt  }
0x70: {  	_ =	shalt  }
0x71: {  	_ =	shalt  }
0x72: {  	_ =	shalt  }
0x73: {  	_ =	shalt  }
0x74: {  	_ =	shalt  }
0x75: {  	_ =	shalt  }
0x76: {  	_ =	shalt  }
0x77: {  	_ =	shalt  }
0x78: {  	_ =	shalt  }
0x79: {  	_ =	shalt  }
0x7a: {  	_ =	shalt  }
0x7b: {  	_ =	shalt  }
0x7c: {  	_ =	shalt  }
0x7d: {  	_ =	shalt  }
0x7e: {  	_ =	shalt  }
0x7f: {  	_ =	shalt  }
0x80: {  	_ =	shalt  }
0x81: {  	_ =	shalt  }
0x82: {  	_ =	shalt  }
0x83: {  	_ =	shalt  }
0x84: {  	_ =	shalt  }
0x85: {  	_ =	shalt  }
0x86: {  	_ =	shalt  }
0x87: {  	_ =	shalt  }
.Lfunc_end0:
.L_simem_size_0:
called_computation_lowered:
.L_overlay_start_0:
0x88: {  	s2 =	sld [smem:$0x3FD9]  }
0x89: {  	s3 =	sld [smem:$0x3FFE];
	_ =	sdelay $0x1  }
0x8a: {  	s1 =	srdreg.scid  }
0x8b: {  	s0 =	sand.u32 $0x1, s1  }
0x8c: {  	s16 =	sshll.u32 s0, $0xA;
	s2 =	sadd.s32 s3, s2  }
0x8d: {  	s2 =	sadd.s32 s2, s16  }
0x8e: {  	[smem:$0x3FBA] =	sst s2  }
0x8f: {  	_ = 	snop  }
0x90: {  	(tm) =	ssettm $0x1  }
0x91: {  	s17 =	sld [smem:$0x3FFB];
	_ =	sdelay $0x3  }
0x92: {  	_ =	strace s17  }
0x93: {  	s2 =	sld [smem:$0x3FFC];
	_ =	sdelay $0x3  }
0x94: {  	_ =	strace s2  }
0x95: {  	s2 =	sld [smem:$0x3FFD];
	_ =	sdelay $0x3  }
0x96: {  	_ =	strace s2  }
0x97: {  	_ =	strace $0x8FFFFFFF  }
0x98: {  	s18 =	sld [smem:$0x3FDB];
	_ =	sdelay $0x1  }
0x99: {  	s19 =	simm.s32 $_scs_section_size  }
0x9a: {  	s4 =	simm.s32 $_size__tile_overlayer_lowered;
	s5 =	simm.s32 $_tile_overlayer_lowered  }
0x9b: {  	s22 =	simm.s32 $0x1BFF;
	s21 =	sshll.u32 s5, $0x1;
	s2 =	sadd.s32 s19, s18  }
0x9c: {  	s6 =	simm.s32 $0x0;
	s20 =	sshll.u32 s4, $0x1;
	s4 =	sadd.s32 s21, s2  }
0x9d: {  	[timem:s6], [sflag:s22] =	dma.local [hbm:s4], s20  }
0x9e: {  	_ =	swait.ge [sflag:s22], s20  }
0x9f: {  	s3 =	ssub.s32 $0x0, s20;
	[sflag:s22] =	ssyncset.done $0x0  }
0xa0: {  	[sflag:s22] =	ssyncadd.s32 s3;
	_ =	sdelay $0x1  }
0xa1: {  	s23 =	simm.s32 $0x1B8B  }
0xa2: {  	_ =	swait.ge [sflag:s23], $0x1  }
0xa3: {  	[sflag:s23] =	ssyncset.done $0x0  }
0xa4: {  	s25 =	simm.s32 $0x1B8E;
	s24 =	sld [smem:$0x3FFE];
	[sflag:s23] =	ssyncadd.s32 $0xFFFFFFFF  }
0xa5: {  	s26 =	simm.s32 $execute0_lowered;
	[smem:$0x3FD2] =	sst s25  }
0xa6: {  	s4 =	sshll.u32 s26, $0x1;
	_ =	strace $0x80000046;
	[dreg:$0x1] =	wrdreg $0xFFFFFFFF  }
0xa7: {  	s28 =	simm.s32 $_size_execute0_lowered;
	s2 =	sadd.s32 s2, s4;
	[dreg:$0x0] =	wrdreg $0x0  }
0xa8: {  	s4 =	sshll.u32 s28, $0x1;
	[dreg:$0x2] =	wrdreg s2  }
0xa9: {  	[dreg:$0x3] =	wrdreg s4  }
0xaa: {  	[dreg:$0x4] =	wrdreg $0xC0  }
0xab: {  	_ =	task [dreg:s6], $0x5FFFF  }
0xac: {  	[dreg:$0x1] =	wrdreg $0xFFFFFFFF  }
0xad: {  	[dreg:$0x0] =	wrdreg $0x60  }
0xae: {  	[dreg:$0x2] =	wrdreg s24  }
0xaf: {  	[dreg:$0x3] =	wrdreg $0x1C000  }
0xb0: {  	[dreg:$0x4] =	wrdreg $0x9  }
0xb1: {  	_ =	task.clear_ibuf [dreg:s6], $0x5FFFF;
	_ =	strace $0x90000046  }
0xb2: {  	s29 =	simm.s32 $0x9;
	_ =	strace $0x80000048  }
0xb3: {  	_ =	swait.ge [sflag:s29], $0x1  }
0xb4: {  	[sflag:s29] =	ssyncadd.s32 $0xFFFFFFFF  }
0xb5: {  	_ =	strace $0x90000048  }
0xb6: {  	_ =	sfence  }
0xb7: {  	s30 =	sld [smem:$0x0];
	_ =	sdelay $0x2  }
0xb8: {  	s31 =	sshll.u32 s1, $0xD;
	s1 =	sshrl.u32 s1, $0x2  }
0xb9: {  	s3 =	sand.u32 $0x4000, s31;
	s1 =	sadd.s32 s1, s30  }
0xba: {  	s0 =	sor.u32 s3, s0;
	s1 =	sshll.u32 s1, $0x11  }
0xbb: {  	s0 =	sor.u32 s1, s0  }
0xbc: {  	s0 =	sadd.s32 $0x8F2B, s0  }
0xbd: {  	[sflag:s0] =	ssyncadd.remote.s32 $0x1  }
0xbe: {  	_ =	sfence.sel $0xFFFF  }
0xbf: {  	[dreg:$0x0] =	wrdreg $0xFFFFFFFF;
	(pc) =	sbr.abs _section_cstart, $3  }
0xc0: {  	[dreg:$0x1] =	wrdreg $0xFFFFFFFF  }
0xc1: {  	_ =	task.clear_ibuf [dreg:s6], $0x2FFFF;
	_ =	strace $0x9FFFFFFF  }
0xc2: {  	(tm) =	ssettm $0x7FFFFFFF  }
0xc3: {  	_ =	shalt  }
tec
execute0_lowered:
.L_overlay_start_1:
0x0: {  	(tag) =	ssettag $0x1  }
0x1: {  	s0 =	rddreg [dreg:$0x0]  }
0x2: {  	s1 =	srdreg.scid;
	s2 =	rddreg [dreg:$0x1];
	s3 =	simm.s32 $0x0  }
0x3: {  	s7 =	stileid.u32;
	[smem:$0x7FF] =	sst s3;
	s8 =	sadd.s32 $0x1B200, s0  }
0x4: {  	s10 =	simm.s32 $0x100;
	_ =	strace $0x80000047;
	[dreg:$0x13] =	wrdreg s8  }
0x5: {  	s11 =	simm.s32 $0x180;
	s12 =	simm.s32 $0x200;
	[dreg:$0x4] =	wrdreg s10  }
0x6: {  	s13 =	simm.s32 $0x280;
	s14 =	simm.s32 $0x300;
	[dreg:$0x5] =	wrdreg s11  }
0x7: {  	s15 =	simm.s32 $0x380;
	s17 =	simm.s32 $0x400;
	[dreg:$0x6] =	wrdreg s12  }
0x8: {  	s18 =	simm.s32 $0x480;
	s19 =	simm.s32 $0x500;
	[dreg:$0x7] =	wrdreg s13  }
0x9: {  	s21 =	simm.s32 $0x580;
	s22 =	simm.s32 $0x600;
	[dreg:$0x8] =	wrdreg s14  }
0xa: {  	s23 =	simm.s32 $0x680;
	s24 =	simm.s32 $0x700;
	[dreg:$0x9] =	wrdreg s15  }
0xb: {  	s25 =	simm.s32 $0x780;
	s26 =	simm.s32 $0x800;
	[dreg:$0xa] =	wrdreg s17  }
0xc: {  	s28 =	simm.s32 $0xF80;
	s29 =	simm.s32 $0x1000;
	[dreg:$0xb] =	wrdreg s18  }
0xd: {  	s30 =	simm.s32 $0x1080;
	s31 =	simm.s32 $0x1100;
	[dreg:$0xc] =	wrdreg s19  }
0xe: {  	s1 =	sand.u32 $0x1, s1;
	s5 =	smul.u32 $0xC80, s7;
	[dreg:$0xd] =	wrdreg s21  }
0xf: {  	s9 =	smul.u32 $0xC400, s7;
	s20 =	sshll.u32 s7, $0x6;
	[dreg:$0xe] =	wrdreg s22  }
0x10: {  	s7 =	simm.s32 $0x1380;
	s4 =	smul.u32 $0xC800, s1;
	[dreg:$0xf] =	wrdreg s23  }
0x11: {  	s6 =	smul.u32 $0xC4000, s1;
	s8 =	sadd.s32 $0x1CC00, s0;
	[dreg:$0x10] =	wrdreg s24  }
0x12: {  	s1 =	ssub.s32 $0x2, s1;
	s10 =	simm.s32 $0x1;
	[dreg:$0x11] =	wrdreg s25  }
0x13: {  	s11 =	simm.s32 $0x1400;
	s12 =	simm.s32 $0x80;
	[dreg:$0x12] =	wrdreg s26  }
0x14: {  	s13 =	simm.s32 $0x880;
	s14 =	simm.s32 $0x900;
	s15 =	simm.s32 $0x980  }
0x15: {  	s17 =	simm.s32 $0xA80;
	s18 =	simm.s32 $0xB00;
	s19 =	simm.s32 $0xB80  }
0x16: {  	s21 =	simm.s32 $0xC80;
	s22 =	simm.s32 $0xD00;
	s23 =	simm.s32 $0xD80  }
0x17: {  	s24 =	simm.s32 $0xE00;
	s25 =	simm.s32 $0xE80;
	s26 =	simm.s32 $0xF00  }
0x18: {  	[dreg:$0x14] =	wrdreg s8;
	s16 =	sshrl.u32 s1, $0x1;
	s8 =	sor.u32 $0x1C01, s20  }
0x19: {  	s20 =	simm.s32 $0xC00;
	s4 =	sadd.s32 s4, s0;
	s6 =	sadd.s32 s9, s6  }
0x1a: {  	s1 =	ssub.s32 s1, s16;
	s16 =	simm.s32 $0xA00;
	[dreg:$0x15] =	wrdreg s8  }
0x1b: {  	s4 =	sadd.s32 s5, s4;
	s6 =	sshrl.u32 s6, $0x3;
	s1 =	smax.u32 s1, $0x1  }
0x1c: {  	s5 =	sadd.s32 s9, s2;
	s4 =	sadd.s32 $0x2200, s4;
	[dreg:$0x17] =	wrdreg s1  }
0x1d: {  	s0 =	sadd.s32 s6, s0;
	s6 =	simm.s32 $0x0;
	[dreg:$0x3] =	wrdreg s4  }
0x1e: {  	s9 =	sshrl.u32 s5, $0x3;
	s1 =	simm.s32 $0x1200;
	[dreg:$0x19] =	wrdreg s6  }
0x1f: {  	s5 =	simm.s32 $0x1300;
	s0 =	sadd.s32 $0x1CE00, s0;
	[dreg:$0x18] =	wrdreg s9  }
0x20: {  	s4 =	simm.s32 $0x1280;
	[dreg:$0x16] =	wrdreg s0;
	s0 =	simm.s32 $0x1180  }
.LBB2_1:
0x21: {  	s6 =	rddreg [dreg:$0x13]  }
0x22: {  	[spmem:s9], [sflag:s8] =	dma.local [hbm:s6], $0x1880  }
0x23: {  	_ =	swait.ge [sflag:s10], $0x1880  }
0x24: {  	[sflag:s10] =	ssyncset.done $0x0  }
0x25: {  	s9 =	rddreg [dreg:$0x14];
	[sflag:s10] =	ssyncadd.s32 $0xFFFFE780  }
0x26: {  	[tilespmem:s11], [sflag:$0x1] =	stream.linear.gather [hbm4b:s9+s3], $0x800, $0x38;
	[tilespmem:$0xE000] =	vst v63  }
0x27: {  	_ =	swait.ge [sflag:s10], $0x800  }
0x28: {  	[sflag:s10] =	ssyncset.done $0x0  }
0x29: {  	[sflag:s10] =	ssyncadd.s32 $0xFFFFF800  }
0x2a: {  	[bflag:$0x0] =	sbarrier.arrive $0xFFFF  }
0x2b: {  	s8 =	rddreg [dreg:$0x3]  }
0x2c: {  	s6 =	sadd.s32 $0x0, s8  }
0x2d: {  	[tilespmem:s3], [sflag:$0x1] =	stream.linear.gather [hbm4b:s6+s3], $0x1400, $0x38;
	[tilespmem:$0xE000] =	vst v63  }
0x2e: {  	_ =	swait.ge [sflag:s10], $0x1400  }
0x2f: {  	[sflag:s10] =	ssyncset.done $0x0  }
0x30: {  	[sflag:s10] =	ssyncadd.s32 $0xFFFFEC00  }
0x31: {  	[spmem:s2] =	stream.indirect.scatter.add.f32 [tilespmem:s11], [sflag:$0x1], $0x10, s3, s12, $0xb8;
	[tilespmem:$0xE000] =	vst v63  }
0x32: {  	_ =	swait.ge [sflag:s10], $0x800  }
0x33: {  	[sflag:s10] =	ssyncset.done $0x0  }
0x34: {  	[sflag:s10] =	ssyncadd.s32 $0xFFFFF800  }
0x35: {  	[spmem:s2] =	stream.indirect.scatter.add.f32 [tilespmem:s11], [sflag:$0x1], $0x10, s12, s12, $0xb8;
	[tilespmem:$0xE000] =	vst v63  }
0x36: {  	_ =	swait.ge [sflag:s10], $0x800  }
0x37: {  	[sflag:s10] =	ssyncset.done $0x0  }
0x38: {  	s9 =	rddreg [dreg:$0x4];
	[sflag:s10] =	ssyncadd.s32 $0xFFFFF800  }
0x39: {  	[spmem:s2] =	stream.indirect.scatter.add.f32 [tilespmem:s11], [sflag:$0x1], $0x10, s9, s12, $0xb8;
	[tilespmem:$0xE000] =	vst v63  }
0x3a: {  	_ =	swait.ge [sflag:s10], $0x800  }
0x3b: {  	[sflag:s10] =	ssyncset.done $0x0  }
0x3c: {  	s8 =	rddreg [dreg:$0x5];
	[sflag:s10] =	ssyncadd.s32 $0xFFFFF800  }
0x3d: {  	[spmem:s2] =	stream.indirect.scatter.add.f32 [tilespmem:s11], [sflag:$0x1], $0x10, s8, s12, $0xb8;
	[tilespmem:$0xE000] =	vst v63  }
0x3e: {  	_ =	swait.ge [sflag:s10], $0x800  }
0x3f: {  	[sflag:s10] =	ssyncset.done $0x0  }
0x40: {  	s9 =	rddreg [dreg:$0x6];
	[sflag:s10] =	ssyncadd.s32 $0xFFFFF800  }
0x41: {  	[spmem:s2] =	stream.indirect.scatter.add.f32 [tilespmem:s11], [sflag:$0x1], $0x10, s9, s12, $0xb8;
	[tilespmem:$0xE000] =	vst v63  }
0x42: {  	_ =	swait.ge [sflag:s10], $0x800  }
0x43: {  	[sflag:s10] =	ssyncset.done $0x0  }
0x44: {  	s8 =	rddreg [dreg:$0x7];
	[sflag:s10] =	ssyncadd.s32 $0xFFFFF800  }
0x45: {  	[spmem:s2] =	stream.indirect.scatter.add.f32 [tilespmem:s11], [sflag:$0x1], $0x10, s8, s12, $0xb8;
	[tilespmem:$0xE000] =	vst v63  }
0x46: {  	_ =	swait.ge [sflag:s10], $0x800  }
0x47: {  	[sflag:s10] =	ssyncset.done $0x0  }
0x48: {  	s9 =	rddreg [dreg:$0x8];
	[sflag:s10] =	ssyncadd.s32 $0xFFFFF800  }
0x49: {  	[spmem:s2] =	stream.indirect.scatter.add.f32 [tilespmem:s11], [sflag:$0x1], $0x10, s9, s12, $0xb8;
	[tilespmem:$0xE000] =	vst v63  }
0x4a: {  	_ =	swait.ge [sflag:s10], $0x800  }
0x4b: {  	[sflag:s10] =	ssyncset.done $0x0  }
0x4c: {  	s8 =	rddreg [dreg:$0x9];
	[sflag:s10] =	ssyncadd.s32 $0xFFFFF800  }
0x4d: {  	[spmem:s2] =	stream.indirect.scatter.add.f32 [tilespmem:s11], [sflag:$0x1], $0x10, s8, s12, $0xb8;
	[tilespmem:$0xE000] =	vst v63  }
0x4e: {  	_ =	swait.ge [sflag:s10], $0x800  }
0x4f: {  	[sflag:s10] =	ssyncset.done $0x0  }
0x50: {  	s9 =	rddreg [dreg:$0xa];
	[sflag:s10] =	ssyncadd.s32 $0xFFFFF800  }
0x51: {  	[spmem:s2] =	stream.indirect.scatter.add.f32 [tilespmem:s11], [sflag:$0x1], $0x10, s9, s12, $0xb8;
	[tilespmem:$0xE000] =	vst v63  }
0x52: {  	_ =	swait.ge [sflag:s10], $0x800  }
0x53: {  	[sflag:s10] =	ssyncset.done $0x0  }
0x54: {  	s8 =	rddreg [dreg:$0xb];
	[sflag:s10] =	ssyncadd.s32 $0xFFFFF800  }
0x55: {  	[spmem:s2] =	stream.indirect.scatter.add.f32 [tilespmem:s11], [sflag:$0x1], $0x10, s8, s12, $0xb8;
	[tilespmem:$0xE000] =	vst v63  }
0x56: {  	_ =	swait.ge [sflag:s10], $0x800  }
0x57: {  	[sflag:s10] =	ssyncset.done $0x0  }
0x58: {  	s9 =	rddreg [dreg:$0xc];
	[sflag:s10] =	ssyncadd.s32 $0xFFFFF800  }
0x59: {  	[spmem:s2] =	stream.indirect.scatter.add.f32 [tilespmem:s11], [sflag:$0x1], $0x10, s9, s12, $0xb8;
	[tilespmem:$0xE000] =	vst v63  }
0x5a: {  	_ =	swait.ge [sflag:s10], $0x800  }
0x5b: {  	[sflag:s10] =	ssyncset.done $0x0  }
0x5c: {  	s8 =	rddreg [dreg:$0xd];
	[sflag:s10] =	ssyncadd.s32 $0xFFFFF800  }
0x5d: {  	[spmem:s2] =	stream.indirect.scatter.add.f32 [tilespmem:s11], [sflag:$0x1], $0x10, s8, s12, $0xb8;
	[tilespmem:$0xE000] =	vst v63  }
0x5e: {  	_ =	swait.ge [sflag:s10], $0x800  }
0x5f: {  	[sflag:s10] =	ssyncset.done $0x0  }
0x60: {  	s9 =	rddreg [dreg:$0xe];
	[sflag:s10] =	ssyncadd.s32 $0xFFFFF800  }
0x61: {  	[spmem:s2] =	stream.indirect.scatter.add.f32 [tilespmem:s11], [sflag:$0x1], $0x10, s9, s12, $0xb8;
	[tilespmem:$0xE000] =	vst v63  }
0x62: {  	_ =	swait.ge [sflag:s10], $0x800  }
0x63: {  	[sflag:s10] =	ssyncset.done $0x0  }
0x64: {  	s8 =	rddreg [dreg:$0xf];
	[sflag:s10] =	ssyncadd.s32 $0xFFFFF800  }
0x65: {  	[spmem:s2] =	stream.indirect.scatter.add.f32 [tilespmem:s11], [sflag:$0x1], $0x10, s8, s12, $0xb8;
	[tilespmem:$0xE000] =	vst v63  }
0x66: {  	_ =	swait.ge [sflag:s10], $0x800  }
0x67: {  	[sflag:s10] =	ssyncset.done $0x0  }
0x68: {  	s9 =	rddreg [dreg:$0x10];
	[sflag:s10] =	ssyncadd.s32 $0xFFFFF800  }
0x69: {  	[spmem:s2] =	stream.indirect.scatter.add.f32 [tilespmem:s11], [sflag:$0x1], $0x10, s9, s12, $0xb8;
	[tilespmem:$0xE000] =	vst v63  }
0x6a: {  	_ =	swait.ge [sflag:s10], $0x800  }
0x6b: {  	[sflag:s10] =	ssyncset.done $0x0  }
0x6c: {  	s8 =	rddreg [dreg:$0x11];
	[sflag:s10] =	ssyncadd.s32 $0xFFFFF800  }
0x6d: {  	[spmem:s2] =	stream.indirect.scatter.add.f32 [tilespmem:s11], [sflag:$0x1], $0x10, s8, s12, $0xb8;
	[tilespmem:$0xE000] =	vst v63  }
0x6e: {  	_ =	swait.ge [sflag:s10], $0x800  }
0x6f: {  	[sflag:s10] =	ssyncset.done $0x0  }
0x70: {  	s9 =	rddreg [dreg:$0x12];
	[sflag:s10] =	ssyncadd.s32 $0xFFFFF800  }
0x71: {  	[spmem:s2] =	stream.indirect.scatter.add.f32 [tilespmem:s11], [sflag:$0x1], $0x10, s9, s12, $0xb8;
	[tilespmem:$0xE000] =	vst v63  }
0x72: {  	_ =	swait.ge [sflag:s10], $0x800  }
0x73: {  	[sflag:s10] =	ssyncset.done $0x0  }
0x74: {  	[sflag:s10] =	ssyncadd.s32 $0xFFFFF800  }
0x75: {  	[spmem:s2] =	stream.indirect.scatter.add.f32 [tilespmem:s11], [sflag:$0x1], $0x10, s13, s12, $0xb8;
	[tilespmem:$0xE000] =	vst v63  }
0x76: {  	_ =	swait.ge [sflag:s10], $0x800  }
0x77: {  	[sflag:s10] =	ssyncset.done $0x0  }
0x78: {  	[sflag:s10] =	ssyncadd.s32 $0xFFFFF800  }
0x79: {  	[spmem:s2] =	stream.indirect.scatter.add.f32 [tilespmem:s11], [sflag:$0x1], $0x10, s14, s12, $0xb8;
	[tilespmem:$0xE000] =	vst v63  }
0x7a: {  	_ =	swait.ge [sflag:s10], $0x800  }
0x7b: {  	[sflag:s10] =	ssyncset.done $0x0  }
0x7c: {  	[sflag:s10] =	ssyncadd.s32 $0xFFFFF800  }
0x7d: {  	[spmem:s2] =	stream.indirect.scatter.add.f32 [tilespmem:s11], [sflag:$0x1], $0x10, s15, s12, $0xb8;
	[tilespmem:$0xE000] =	vst v63  }
0x7e: {  	_ =	swait.ge [sflag:s10], $0x800  }
0x7f: {  	[sflag:s10] =	ssyncset.done $0x0  }
0x80: {  	[sflag:s10] =	ssyncadd.s32 $0xFFFFF800  }
0x81: {  	[spmem:s2] =	stream.indirect.scatter.add.f32 [tilespmem:s11], [sflag:$0x1], $0x10, s16, s12, $0xb8;
	[tilespmem:$0xE000] =	vst v63  }
0x82: {  	_ =	swait.ge [sflag:s10], $0x800  }
0x83: {  	[sflag:s10] =	ssyncset.done $0x0  }
0x84: {  	[sflag:s10] =	ssyncadd.s32 $0xFFFFF800  }
0x85: {  	[spmem:s2] =	stream.indirect.scatter.add.f32 [tilespmem:s11], [sflag:$0x1], $0x10, s17, s12, $0xb8;
	[tilespmem:$0xE000] =	vst v63  }
0x86: {  	_ =	swait.ge [sflag:s10], $0x800  }
0x87: {  	[sflag:s10] =	ssyncset.done $0x0  }
0x88: {  	[sflag:s10] =	ssyncadd.s32 $0xFFFFF800  }
0x89: {  	[spmem:s2] =	stream.indirect.scatter.add.f32 [tilespmem:s11], [sflag:$0x1], $0x10, s18, s12, $0xb8;
	[tilespmem:$0xE000] =	vst v63  }
0x8a: {  	_ =	swait.ge [sflag:s10], $0x800  }
0x8b: {  	[sflag:s10] =	ssyncset.done $0x0  }
0x8c: {  	[sflag:s10] =	ssyncadd.s32 $0xFFFFF800  }
0x8d: {  	[spmem:s2] =	stream.indirect.scatter.add.f32 [tilespmem:s11], [sflag:$0x1], $0x10, s19, s12, $0xb8;
	[tilespmem:$0xE000] =	vst v63  }
0x8e: {  	_ =	swait.ge [sflag:s10], $0x800  }
0x8f: {  	[sflag:s10] =	ssyncset.done $0x0  }
0x90: {  	[sflag:s10] =	ssyncadd.s32 $0xFFFFF800  }
0x91: {  	[spmem:s2] =	stream.indirect.scatter.add.f32 [tilespmem:s11], [sflag:$0x1], $0x10, s20, s12, $0xb8;
	[tilespmem:$0xE000] =	vst v63  }
0x92: {  	_ =	swait.ge [sflag:s10], $0x800  }
0x93: {  	[sflag:s10] =	ssyncset.done $0x0  }
0x94: {  	[sflag:s10] =	ssyncadd.s32 $0xFFFFF800  }
0x95: {  	[spmem:s2] =	stream.indirect.scatter.add.f32 [tilespmem:s11], [sflag:$0x1], $0x10, s21, s12, $0xb8;
	[tilespmem:$0xE000] =	vst v63  }
0x96: {  	_ =	swait.ge [sflag:s10], $0x800  }
0x97: {  	[sflag:s10] =	ssyncset.done $0x0  }
0x98: {  	[sflag:s10] =	ssyncadd.s32 $0xFFFFF800  }
0x99: {  	[spmem:s2] =	stream.indirect.scatter.add.f32 [tilespmem:s11], [sflag:$0x1], $0x10, s22, s12, $0xb8;
	[tilespmem:$0xE000] =	vst v63  }
0x9a: {  	_ =	swait.ge [sflag:s10], $0x800  }
0x9b: {  	[sflag:s10] =	ssyncset.done $0x0  }
0x9c: {  	[sflag:s10] =	ssyncadd.s32 $0xFFFFF800  }
0x9d: {  	[spmem:s2] =	stream.indirect.scatter.add.f32 [tilespmem:s11], [sflag:$0x1], $0x10, s23, s12, $0xb8;
	[tilespmem:$0xE000] =	vst v63  }
0x9e: {  	_ =	swait.ge [sflag:s10], $0x800  }
0x9f: {  	[sflag:s10] =	ssyncset.done $0x0  }
0xa0: {  	[sflag:s10] =	ssyncadd.s32 $0xFFFFF800  }
0xa1: {  	[spmem:s2] =	stream.indirect.scatter.add.f32 [tilespmem:s11], [sflag:$0x1], $0x10, s24, s12, $0xb8;
	[tilespmem:$0xE000] =	vst v63  }
0xa2: {  	_ =	swait.ge [sflag:s10], $0x800  }
0xa3: {  	[sflag:s10] =	ssyncset.done $0x0  }
0xa4: {  	[sflag:s10] =	ssyncadd.s32 $0xFFFFF800  }
0xa5: {  	[spmem:s2] =	stream.indirect.scatter.add.f32 [tilespmem:s11], [sflag:$0x1], $0x10, s25, s12, $0xb8;
	[tilespmem:$0xE000] =	vst v63  }
0xa6: {  	_ =	swait.ge [sflag:s10], $0x800  }
0xa7: {  	[sflag:s10] =	ssyncset.done $0x0  }
0xa8: {  	[sflag:s10] =	ssyncadd.s32 $0xFFFFF800  }
0xa9: {  	[spmem:s2] =	stream.indirect.scatter.add.f32 [tilespmem:s11], [sflag:$0x1], $0x10, s26, s12, $0xb8;
	[tilespmem:$0xE000] =	vst v63  }
0xaa: {  	_ =	swait.ge [sflag:s10], $0x800  }
0xab: {  	[sflag:s10] =	ssyncset.done $0x0  }
0xac: {  	[sflag:s10] =	ssyncadd.s32 $0xFFFFF800  }
0xad: {  	[spmem:s2] =	stream.indirect.scatter.add.f32 [tilespmem:s11], [sflag:$0x1], $0x10, s28, s12, $0xb8;
	[tilespmem:$0xE000] =	vst v63  }
0xae: {  	_ =	swait.ge [sflag:s10], $0x800  }
0xaf: {  	[sflag:s10] =	ssyncset.done $0x0  }
0xb0: {  	[sflag:s10] =	ssyncadd.s32 $0xFFFFF800  }
0xb1: {  	[spmem:s2] =	stream.indirect.scatter.add.f32 [tilespmem:s11], [sflag:$0x1], $0x10, s29, s12, $0xb8;
	[tilespmem:$0xE000] =	vst v63  }
0xb2: {  	_ =	swait.ge [sflag:s10], $0x800  }
0xb3: {  	[sflag:s10] =	ssyncset.done $0x0  }
0xb4: {  	[sflag:s10] =	ssyncadd.s32 $0xFFFFF800  }
0xb5: {  	[spmem:s2] =	stream.indirect.scatter.add.f32 [tilespmem:s11], [sflag:$0x1], $0x10, s30, s12, $0xb8;
	[tilespmem:$0xE000] =	vst v63  }
0xb6: {  	_ =	swait.ge [sflag:s10], $0x800  }
0xb7: {  	[sflag:s10] =	ssyncset.done $0x0  }
0xb8: {  	[sflag:s10] =	ssyncadd.s32 $0xFFFFF800  }
0xb9: {  	[spmem:s2] =	stream.indirect.scatter.add.f32 [tilespmem:s11], [sflag:$0x1], $0x10, s31, s12, $0xb8;
	[tilespmem:$0xE000] =	vst v63  }
0xba: {  	_ =	swait.ge [sflag:s10], $0x800  }
0xbb: {  	[sflag:s10] =	ssyncset.done $0x0  }
0xbc: {  	[sflag:s10] =	ssyncadd.s32 $0xFFFFF800  }
0xbd: {  	[spmem:s2] =	stream.indirect.scatter.add.f32 [tilespmem:s11], [sflag:$0x1], $0x10, s0, s12, $0xb8;
	[tilespmem:$0xE000] =	vst v63  }
0xbe: {  	_ =	swait.ge [sflag:s10], $0x800  }
0xbf: {  	[sflag:s10] =	ssyncset.done $0x0  }
0xc0: {  	[sflag:s10] =	ssyncadd.s32 $0xFFFFF800  }
0xc1: {  	[spmem:s2] =	stream.indirect.scatter.add.f32 [tilespmem:s11], [sflag:$0x1], $0x10, s1, s12, $0xb8;
	[tilespmem:$0xE000] =	vst v63  }
0xc2: {  	_ =	swait.ge [sflag:s10], $0x800  }
0xc3: {  	[sflag:s10] =	ssyncset.done $0x0  }
0xc4: {  	[sflag:s10] =	ssyncadd.s32 $0xFFFFF800  }
0xc5: {  	[spmem:s2] =	stream.indirect.scatter.add.f32 [tilespmem:s11], [sflag:$0x1], $0x10, s4, s12, $0xb8;
	[tilespmem:$0xE000] =	vst v63  }
0xc6: {  	_ =	swait.ge [sflag:s10], $0x800  }
0xc7: {  	[sflag:s10] =	ssyncset.done $0x0  }
0xc8: {  	[sflag:s10] =	ssyncadd.s32 $0xFFFFF800  }
0xc9: {  	[spmem:s2] =	stream.indirect.scatter.add.f32 [tilespmem:s11], [sflag:$0x1], $0x10, s5, s12, $0xb8;
	[tilespmem:$0xE000] =	vst v63  }
0xca: {  	_ =	swait.ge [sflag:s10], $0x800  }
0xcb: {  	[sflag:s10] =	ssyncset.done $0x0  }
0xcc: {  	[sflag:s10] =	ssyncadd.s32 $0xFFFFF800  }
0xcd: {  	[spmem:s2] =	stream.indirect.scatter.add.f32 [tilespmem:s11], [sflag:$0x1], $0x10, s7, s12, $0xb8;
	[tilespmem:$0xE000] =	vst v63  }
0xce: {  	s6 =	simm.s32 $0x280;
	_ =	swait.ge [sflag:s10], $0x800  }
.LBB2_2:
0xcf: {  	s9 =	rddreg [dreg:$0x3];
	s8 =	smov.u32 s6;
	[sflag:s10] =	ssyncset.done $0x0  }
0xd0: {  	s8 =	sadd.s32 s8, s9;
	[sflag:s10] =	ssyncadd.s32 $0xFFFFF800  }
0xd1: {  	[tilespmem:s3], [sflag:$0x1] =	stream.linear.gather [hbm4b:s8+s3], $0x1400, $0x38;
	[tilespmem:$0xE000] =	vst v63  }
0xd2: {  	_ =	swait.ge [sflag:s10], $0x1400  }
0xd3: {  	[sflag:s10] =	ssyncset.done $0x0  }
0xd4: {  	[sflag:s10] =	ssyncadd.s32 $0xFFFFEC00  }
0xd5: {  	[spmem:s2] =	stream.indirect.scatter.add.f32 [tilespmem:s11], [sflag:$0x1], $0x10, s3, s12, $0xb8;
	[tilespmem:$0xE000] =	vst v63  }
0xd6: {  	_ =	swait.ge [sflag:s10], $0x800  }
0xd7: {  	[sflag:s10] =	ssyncset.done $0x0  }
0xd8: {  	[sflag:s10] =	ssyncadd.s32 $0xFFFFF800  }
0xd9: {  	[spmem:s2] =	stream.indirect.scatter.add.f32 [tilespmem:s11], [sflag:$0x1], $0x10, s12, s12, $0xb8;
	[tilespmem:$0xE000] =	vst v63  }
0xda: {  	_ =	swait.ge [sflag:s10], $0x800  }
0xdb: {  	[sflag:s10] =	ssyncset.done $0x0  }
0xdc: {  	s9 =	rddreg [dreg:$0x4];
	[sflag:s10] =	ssyncadd.s32 $0xFFFFF800  }
0xdd: {  	[spmem:s2] =	stream.indirect.scatter.add.f32 [tilespmem:s11], [sflag:$0x1], $0x10, s9, s12, $0xb8;
	[tilespmem:$0xE000] =	vst v63  }
0xde: {  	_ =	swait.ge [sflag:s10], $0x800  }
0xdf: {  	[sflag:s10] =	ssyncset.done $0x0  }
0xe0: {  	s9 =	rddreg [dreg:$0x5];
	[sflag:s10] =	ssyncadd.s32 $0xFFFFF800  }
0xe1: {  	[spmem:s2] =	stream.indirect.scatter.add.f32 [tilespmem:s11], [sflag:$0x1], $0x10, s9, s12, $0xb8;
	[tilespmem:$0xE000] =	vst v63  }
0xe2: {  	_ =	swait.ge [sflag:s10], $0x800  }
0xe3: {  	[sflag:s10] =	ssyncset.done $0x0  }
0xe4: {  	s9 =	rddreg [dreg:$0x6];
	[sflag:s10] =	ssyncadd.s32 $0xFFFFF800  }
0xe5: {  	[spmem:s2] =	stream.indirect.scatter.add.f32 [tilespmem:s11], [sflag:$0x1], $0x10, s9, s12, $0xb8;
	[tilespmem:$0xE000] =	vst v63  }
0xe6: {  	_ =	swait.ge [sflag:s10], $0x800  }
0xe7: {  	[sflag:s10] =	ssyncset.done $0x0  }
0xe8: {  	s9 =	rddreg [dreg:$0x7];
	[sflag:s10] =	ssyncadd.s32 $0xFFFFF800  }
0xe9: {  	[spmem:s2] =	stream.indirect.scatter.add.f32 [tilespmem:s11], [sflag:$0x1], $0x10, s9, s12, $0xb8;
	[tilespmem:$0xE000] =	vst v63  }
0xea: {  	_ =	swait.ge [sflag:s10], $0x800  }
0xeb: {  	[sflag:s10] =	ssyncset.done $0x0  }
0xec: {  	s9 =	rddreg [dreg:$0x8];
	[sflag:s10] =	ssyncadd.s32 $0xFFFFF800  }
0xed: {  	[spmem:s2] =	stream.indirect.scatter.add.f32 [tilespmem:s11], [sflag:$0x1], $0x10, s9, s12, $0xb8;
	[tilespmem:$0xE000] =	vst v63  }
0xee: {  	_ =	swait.ge [sflag:s10], $0x800  }
0xef: {  	[sflag:s10] =	ssyncset.done $0x0  }
0xf0: {  	s9 =	rddreg [dreg:$0x9];
	[sflag:s10] =	ssyncadd.s32 $0xFFFFF800  }
0xf1: {  	[spmem:s2] =	stream.indirect.scatter.add.f32 [tilespmem:s11], [sflag:$0x1], $0x10, s9, s12, $0xb8;
	[tilespmem:$0xE000] =	vst v63  }
0xf2: {  	_ =	swait.ge [sflag:s10], $0x800  }
0xf3: {  	[sflag:s10] =	ssyncset.done $0x0  }
0xf4: {  	s9 =	rddreg [dreg:$0xa];
	[sflag:s10] =	ssyncadd.s32 $0xFFFFF800  }
0xf5: {  	[spmem:s2] =	stream.indirect.scatter.add.f32 [tilespmem:s11], [sflag:$0x1], $0x10, s9, s12, $0xb8;
	[tilespmem:$0xE000] =	vst v63  }
0xf6: {  	_ =	swait.ge [sflag:s10], $0x800  }
0xf7: {  	[sflag:s10] =	ssyncset.done $0x0  }
0xf8: {  	s9 =	rddreg [dreg:$0xb];
	[sflag:s10] =	ssyncadd.s32 $0xFFFFF800  }
0xf9: {  	[spmem:s2] =	stream.indirect.scatter.add.f32 [tilespmem:s11], [sflag:$0x1], $0x10, s9, s12, $0xb8;
	[tilespmem:$0xE000] =	vst v63  }
0xfa: {  	_ =	swait.ge [sflag:s10], $0x800  }
0xfb: {  	[sflag:s10] =	ssyncset.done $0x0  }
0xfc: {  	s9 =	rddreg [dreg:$0xc];
	[sflag:s10] =	ssyncadd.s32 $0xFFFFF800  }
0xfd: {  	[spmem:s2] =	stream.indirect.scatter.add.f32 [tilespmem:s11], [sflag:$0x1], $0x10, s9, s12, $0xb8;
	[tilespmem:$0xE000] =	vst v63  }
0xfe: {  	_ =	swait.ge [sflag:s10], $0x800  }
0xff: {  	[sflag:s10] =	ssyncset.done $0x0  }
0x100: {  	s9 =	rddreg [dreg:$0xd];
	[sflag:s10] =	ssyncadd.s32 $0xFFFFF800  }
0x101: {  	[spmem:s2] =	stream.indirect.scatter.add.f32 [tilespmem:s11], [sflag:$0x1], $0x10, s9, s12, $0xb8;
	[tilespmem:$0xE000] =	vst v63  }
0x102: {  	_ =	swait.ge [sflag:s10], $0x800  }
0x103: {  	[sflag:s10] =	ssyncset.done $0x0  }
0x104: {  	s9 =	rddreg [dreg:$0xe];
	[sflag:s10] =	ssyncadd.s32 $0xFFFFF800  }
0x105: {  	[spmem:s2] =	stream.indirect.scatter.add.f32 [tilespmem:s11], [sflag:$0x1], $0x10, s9, s12, $0xb8;
	[tilespmem:$0xE000] =	vst v63  }
0x106: {  	_ =	swait.ge [sflag:s10], $0x800  }
0x107: {  	[sflag:s10] =	ssyncset.done $0x0  }
0x108: {  	s9 =	rddreg [dreg:$0xf];
	[sflag:s10] =	ssyncadd.s32 $0xFFFFF800  }
0x109: {  	[spmem:s2] =	stream.indirect.scatter.add.f32 [tilespmem:s11], [sflag:$0x1], $0x10, s9, s12, $0xb8;
	[tilespmem:$0xE000] =	vst v63  }
0x10a: {  	_ =	swait.ge [sflag:s10], $0x800  }
0x10b: {  	[sflag:s10] =	ssyncset.done $0x0  }
0x10c: {  	s9 =	rddreg [dreg:$0x10];
	[sflag:s10] =	ssyncadd.s32 $0xFFFFF800  }
0x10d: {  	[spmem:s2] =	stream.indirect.scatter.add.f32 [tilespmem:s11], [sflag:$0x1], $0x10, s9, s12, $0xb8;
	[tilespmem:$0xE000] =	vst v63  }
0x10e: {  	_ =	swait.ge [sflag:s10], $0x800  }
0x10f: {  	[sflag:s10] =	ssyncset.done $0x0  }
0x110: {  	s9 =	rddreg [dreg:$0x11];
	[sflag:s10] =	ssyncadd.s32 $0xFFFFF800  }
0x111: {  	[spmem:s2] =	stream.indirect.scatter.add.f32 [tilespmem:s11], [sflag:$0x1], $0x10, s9, s12, $0xb8;
	[tilespmem:$0xE000] =	vst v63  }
0x112: {  	_ =	swait.ge [sflag:s10], $0x800  }
0x113: {  	[sflag:s10] =	ssyncset.done $0x0  }
0x114: {  	s9 =	rddreg [dreg:$0x12];
	[sflag:s10] =	ssyncadd.s32 $0xFFFFF800  }
0x115: {  	[spmem:s2] =	stream.indirect.scatter.add.f32 [tilespmem:s11], [sflag:$0x1], $0x10, s9, s12, $0xb8;
	[tilespmem:$0xE000] =	vst v63  }
0x116: {  	_ =	swait.ge [sflag:s10], $0x800  }
0x117: {  	[sflag:s10] =	ssyncset.done $0x0  }
0x118: {  	[sflag:s10] =	ssyncadd.s32 $0xFFFFF800  }
0x119: {  	[spmem:s2] =	stream.indirect.scatter.add.f32 [tilespmem:s11], [sflag:$0x1], $0x10, s13, s12, $0xb8;
	[tilespmem:$0xE000] =	vst v63  }
0x11a: {  	_ =	swait.ge [sflag:s10], $0x800  }
0x11b: {  	[sflag:s10] =	ssyncset.done $0x0  }
0x11c: {  	[sflag:s10] =	ssyncadd.s32 $0xFFFFF800  }
0x11d: {  	[spmem:s2] =	stream.indirect.scatter.add.f32 [tilespmem:s11], [sflag:$0x1], $0x10, s14, s12, $0xb8;
	[tilespmem:$0xE000] =	vst v63  }
0x11e: {  	_ =	swait.ge [sflag:s10], $0x800  }
0x11f: {  	[sflag:s10] =	ssyncset.done $0x0  }
0x120: {  	[sflag:s10] =	ssyncadd.s32 $0xFFFFF800  }
0x121: {  	[spmem:s2] =	stream.indirect.scatter.add.f32 [tilespmem:s11], [sflag:$0x1], $0x10, s15, s12, $0xb8;
	[tilespmem:$0xE000] =	vst v63  }
0x122: {  	_ =	swait.ge [sflag:s10], $0x800  }
0x123: {  	[sflag:s10] =	ssyncset.done $0x0  }
0x124: {  	[sflag:s10] =	ssyncadd.s32 $0xFFFFF800  }
0x125: {  	[spmem:s2] =	stream.indirect.scatter.add.f32 [tilespmem:s11], [sflag:$0x1], $0x10, s16, s12, $0xb8;
	[tilespmem:$0xE000] =	vst v63  }
0x126: {  	_ =	swait.ge [sflag:s10], $0x800  }
0x127: {  	[sflag:s10] =	ssyncset.done $0x0  }
0x128: {  	[sflag:s10] =	ssyncadd.s32 $0xFFFFF800  }
0x129: {  	[spmem:s2] =	stream.indirect.scatter.add.f32 [tilespmem:s11], [sflag:$0x1], $0x10, s17, s12, $0xb8;
	[tilespmem:$0xE000] =	vst v63  }
0x12a: {  	_ =	swait.ge [sflag:s10], $0x800  }
0x12b: {  	[sflag:s10] =	ssyncset.done $0x0  }
0x12c: {  	[sflag:s10] =	ssyncadd.s32 $0xFFFFF800  }
0x12d: {  	[spmem:s2] =	stream.indirect.scatter.add.f32 [tilespmem:s11], [sflag:$0x1], $0x10, s18, s12, $0xb8;
	[tilespmem:$0xE000] =	vst v63  }
0x12e: {  	_ =	swait.ge [sflag:s10], $0x800  }
0x12f: {  	[sflag:s10] =	ssyncset.done $0x0  }
0x130: {  	[sflag:s10] =	ssyncadd.s32 $0xFFFFF800  }
0x131: {  	[spmem:s2] =	stream.indirect.scatter.add.f32 [tilespmem:s11], [sflag:$0x1], $0x10, s19, s12, $0xb8;
	[tilespmem:$0xE000] =	vst v63  }
0x132: {  	_ =	swait.ge [sflag:s10], $0x800  }
0x133: {  	[sflag:s10] =	ssyncset.done $0x0  }
0x134: {  	[sflag:s10] =	ssyncadd.s32 $0xFFFFF800  }
0x135: {  	[spmem:s2] =	stream.indirect.scatter.add.f32 [tilespmem:s11], [sflag:$0x1], $0x10, s20, s12, $0xb8;
	[tilespmem:$0xE000] =	vst v63  }
0x136: {  	_ =	swait.ge [sflag:s10], $0x800  }
0x137: {  	[sflag:s10] =	ssyncset.done $0x0  }
0x138: {  	[sflag:s10] =	ssyncadd.s32 $0xFFFFF800  }
0x139: {  	[spmem:s2] =	stream.indirect.scatter.add.f32 [tilespmem:s11], [sflag:$0x1], $0x10, s21, s12, $0xb8;
	[tilespmem:$0xE000] =	vst v63  }
0x13a: {  	_ =	swait.ge [sflag:s10], $0x800  }
0x13b: {  	[sflag:s10] =	ssyncset.done $0x0  }
0x13c: {  	[sflag:s10] =	ssyncadd.s32 $0xFFFFF800  }
0x13d: {  	[spmem:s2] =	stream.indirect.scatter.add.f32 [tilespmem:s11], [sflag:$0x1], $0x10, s22, s12, $0xb8;
	[tilespmem:$0xE000] =	vst v63  }
0x13e: {  	_ =	swait.ge [sflag:s10], $0x800  }
0x13f: {  	[sflag:s10] =	ssyncset.done $0x0  }
0x140: {  	[sflag:s10] =	ssyncadd.s32 $0xFFFFF800  }
0x141: {  	[spmem:s2] =	stream.indirect.scatter.add.f32 [tilespmem:s11], [sflag:$0x1], $0x10, s23, s12, $0xb8;
	[tilespmem:$0xE000] =	vst v63  }
0x142: {  	_ =	swait.ge [sflag:s10], $0x800  }
0x143: {  	[sflag:s10] =	ssyncset.done $0x0  }
0x144: {  	[sflag:s10] =	ssyncadd.s32 $0xFFFFF800  }
0x145: {  	[spmem:s2] =	stream.indirect.scatter.add.f32 [tilespmem:s11], [sflag:$0x1], $0x10, s24, s12, $0xb8;
	[tilespmem:$0xE000] =	vst v63  }
0x146: {  	_ =	swait.ge [sflag:s10], $0x800  }
0x147: {  	[sflag:s10] =	ssyncset.done $0x0  }
0x148: {  	[sflag:s10] =	ssyncadd.s32 $0xFFFFF800  }
0x149: {  	[spmem:s2] =	stream.indirect.scatter.add.f32 [tilespmem:s11], [sflag:$0x1], $0x10, s25, s12, $0xb8;
	[tilespmem:$0xE000] =	vst v63  }
0x14a: {  	_ =	swait.ge [sflag:s10], $0x800  }
0x14b: {  	[sflag:s10] =	ssyncset.done $0x0  }
0x14c: {  	[sflag:s10] =	ssyncadd.s32 $0xFFFFF800  }
0x14d: {  	[spmem:s2] =	stream.indirect.scatter.add.f32 [tilespmem:s11], [sflag:$0x1], $0x10, s26, s12, $0xb8;
	[tilespmem:$0xE000] =	vst v63  }
0x14e: {  	_ =	swait.ge [sflag:s10], $0x800  }
0x14f: {  	[sflag:s10] =	ssyncset.done $0x0  }
0x150: {  	[sflag:s10] =	ssyncadd.s32 $0xFFFFF800  }
0x151: {  	[spmem:s2] =	stream.indirect.scatter.add.f32 [tilespmem:s11], [sflag:$0x1], $0x10, s28, s12, $0xb8;
	[tilespmem:$0xE000] =	vst v63  }
0x152: {  	_ =	swait.ge [sflag:s10], $0x800  }
0x153: {  	[sflag:s10] =	ssyncset.done $0x0  }
0x154: {  	[sflag:s10] =	ssyncadd.s32 $0xFFFFF800  }
0x155: {  	[spmem:s2] =	stream.indirect.scatter.add.f32 [tilespmem:s11], [sflag:$0x1], $0x10, s29, s12, $0xb8;
	[tilespmem:$0xE000] =	vst v63  }
0x156: {  	_ =	swait.ge [sflag:s10], $0x800  }
0x157: {  	[sflag:s10] =	ssyncset.done $0x0  }
0x158: {  	[sflag:s10] =	ssyncadd.s32 $0xFFFFF800  }
0x159: {  	[spmem:s2] =	stream.indirect.scatter.add.f32 [tilespmem:s11], [sflag:$0x1], $0x10, s30, s12, $0xb8;
	[tilespmem:$0xE000] =	vst v63  }
0x15a: {  	_ =	swait.ge [sflag:s10], $0x800  }
0x15b: {  	[sflag:s10] =	ssyncset.done $0x0  }
0x15c: {  	[sflag:s10] =	ssyncadd.s32 $0xFFFFF800  }
0x15d: {  	[spmem:s2] =	stream.indirect.scatter.add.f32 [tilespmem:s11], [sflag:$0x1], $0x10, s31, s12, $0xb8;
	[tilespmem:$0xE000] =	vst v63  }
0x15e: {  	_ =	swait.ge [sflag:s10], $0x800  }
0x15f: {  	[sflag:s10] =	ssyncset.done $0x0  }
0x160: {  	[sflag:s10] =	ssyncadd.s32 $0xFFFFF800  }
0x161: {  	[spmem:s2] =	stream.indirect.scatter.add.f32 [tilespmem:s11], [sflag:$0x1], $0x10, s0, s12, $0xb8;
	[tilespmem:$0xE000] =	vst v63  }
0x162: {  	_ =	swait.ge [sflag:s10], $0x800  }
0x163: {  	[sflag:s10] =	ssyncset.done $0x0  }
0x164: {  	[sflag:s10] =	ssyncadd.s32 $0xFFFFF800  }
0x165: {  	[spmem:s2] =	stream.indirect.scatter.add.f32 [tilespmem:s11], [sflag:$0x1], $0x10, s1, s12, $0xb8;
	[tilespmem:$0xE000] =	vst v63  }
0x166: {  	_ =	swait.ge [sflag:s10], $0x800  }
0x167: {  	[sflag:s10] =	ssyncset.done $0x0  }
0x168: {  	[sflag:s10] =	ssyncadd.s32 $0xFFFFF800  }
0x169: {  	[spmem:s2] =	stream.indirect.scatter.add.f32 [tilespmem:s11], [sflag:$0x1], $0x10, s4, s12, $0xb8;
	[tilespmem:$0xE000] =	vst v63  }
0x16a: {  	_ =	swait.ge [sflag:s10], $0x800  }
0x16b: {  	[sflag:s10] =	ssyncset.done $0x0  }
0x16c: {  	p0 =	sne.s32 s6, $0xA00;
	[sflag:s10] =	ssyncadd.s32 $0xFFFFF800  }
0x16d: {  	[spmem:s2] =	stream.indirect.scatter.add.f32 [tilespmem:s11], [sflag:$0x1], $0x10, s5, s12, $0xb8;
	[tilespmem:$0xE000] =	vst v63  }
.Ltmp0:
0x16e: {  	_ =	swait.ge [sflag:s10], $0x800;
	(pc) =	sbr.rel @p0 .LBB2_2-.Ltmp0, $4  }
0x16f: {  	[sflag:s10] =	ssyncset.done $0x0  }
0x170: {  	[sflag:s10] =	ssyncadd.s32 $0xFFFFF800  }
0x171: {  	[spmem:s2] =	stream.indirect.scatter.add.f32 [tilespmem:s11], [sflag:$0x1], $0x10, s7, s12, $0xb8;
	[tilespmem:$0xE000] =	vst v63  }
0x172: {  	s6 =	sadd.s32 $0x280, s6;
	_ =	swait.ge [sflag:s10], $0x800  }
0x173: {  	[sflag:s10] =	ssyncset.done $0x0  }
0x174: {  	[sflag:s10] =	ssyncadd.s32 $0xFFFFF800  }
0x175: {  	[bflag:$0x0] =	sbarrier.arrive $0xFFFF  }
0x176: {  	s8 =	rddreg [dreg:$0x15]  }
0x177: {  	s6 =	rddreg [dreg:$0x16]  }
0x178: {  	s9 =	rddreg [dreg:$0x18]  }
0x179: {  	[hbm:s6], [sflag:s8] =	dma.local [spmem:s9], $0x1880  }
0x17a: {  	_ =	swait.ge [sflag:s10], $0x1880  }
0x17b: {  	s6 =	rddreg [dreg:$0x19]  }
0x17c: {  	s8 =	sadd.s32 $0x1, s6;
	s6 =	rddreg [dreg:$0x17]  }
0x17d: {  	p0 =	sne.s32 s8, s6  }
.Ltmp1:
0x17e: {  	_ = 	snop;
	(pc) =	sbr.rel @p0 .LBB2_1-.Ltmp1, $3  }
0x17f: {  	_ =	sdelay $0x1  }
0x180: {  	[sflag:s10] =	ssyncset.done $0x0;
	[dreg:$0x19] =	wrdreg s8  }
0x181: {  	[sflag:s10] =	ssyncadd.s32 $0xFFFFE780;
	s8 =	rddreg [dreg:$0x15]  }
0x182: {  	_ =	sfence.sel $0x180000  }
0x183: {  	[bflag:$0x0] =	sbarrier.arrive $0xFFFF  }
0x184: {  	_ =	strace $0x90000047  }
0x185: {  	s0 =	stileid.u32;
	[bflag:$0x2] =	sbarrier.arrive $0xFFFF  }
0x186: {  	p0 =	sne.s32 s0, $0x0;
	s0 =	rddreg [dreg:$0x2]  }
0x187: {  	s0 =	sadd.s32 @!p0 $0x100000, s0  }
0x188: {  	[sflag:s0] =	ssyncadd.tile.s32 @!p0 $0x1;
	_ =	shalt  }
.Lfunc_end2:
_tile_overlayer_lowered:
.L_overlay_start_2:
0x189: {  	(tag) =	ssettag $0x2  }
0x18a: {  	s0 =	rddreg [dreg:$0x0];
	s2 =	stileid.u32  }
0x18b: {  	s1 =	rddreg [dreg:$0x1];
	p0 =	sne.s32 s2, $0x0  }
0x18c: {  	s3 =	rddreg [dreg:$0x2];
	[bflag:$0x3] =	sbarrier.arrive $0xFFFF;
	s2 =	simm.s32 @!p0 $0x1C01  }
0x18d: {  	[timem:s3], [sflag:s2] =	dma.local @!p0 [hbm:s0], s1  }
0x18e: {  	s0 =	simm.s32 @!p0 $0x1  }
0x18f: {  	_ =	swait.ge @!p0 [sflag:s0], s1  }
0x190: {  	s1 =	ssub.s32 @!p0 $0x0, s1;
	[sflag:s0] =	ssyncset.done @!p0 $0x0  }
0x191: {  	[sflag:s0] =	ssyncadd.s32 @!p0 s1  }
0x192: {  	[bflag:$0x3] =	sbarrier.arrive $0xFFFF  }
0x193: {  	_ =	shalt  }

// kernel: kernel.14.cloned.1.call-start
scs
__scs_entry_jumppad:
0x0: {  	(pc) =	sbr.rel $0x88, $3  }
0x1: {  	(tag) =	ssettag $0x0;
	lr =	simm.s32 $0x1  }
0x2: {  	[smem:$0x3F93] =	sst lr;
	_ =	strace $0xD0000000  }
0x3: {  	_ = 	snop  }
0x4: {  	_ = 	snop  }
0x5: {  	_ = 	snop  }
0x6: {  	_ = 	snop  }
0x7: {  	_ = 	snop  }
__scs_overlays_trampoline_lowered:
0x8: {  	[smem:$0x3FA2] =	sst s0  }
0x9: {  	[smem:$0x3FA3] =	sst s1  }
0xa: {  	[smem:$0x3FA4] =	sst s2  }
0xb: {  	[smem:$0x3FA5] =	sst s3  }
0xc: {  	[smem:$0x3FA6] =	sst s4  }
0xd: {  	[smem:$0x3FA7] =	sst s5  }
0xe: {  	[smem:$0x3FA8] =	sst s6  }
0xf: {  	[smem:$0x3FA9] =	sst s7  }
0x10: {  	[smem:$0x3FAA] =	sst s8  }
0x11: {  	[smem:$0x3FAB] =	sst s9;
	s0 =	simm.s32 @!p0 $0x0  }
0x12: {  	s1 =	sld [smem:$0x3F91];
	s0 =	simm.s32 @p0 $0x1  }
0x13: {  	[smem:$0x3FAC] =	sst s0;
	s0 =	simm.s32 @!p1 $0x0  }
0x14: {  	s2 =	sld [smem:$0x3F90];
	s0 =	simm.s32 @p1 $0x1  }
0x15: {  	[smem:$0x3FAD] =	sst s0;
	s0 =	simm.s32 @!p2 $0x0  }
0x16: {  	s3 =	sld [smem:$0x3FDB];
	s0 =	simm.s32 @p2 $0x1  }
0x17: {  	s4 =	simm.s32 $0x1BF5;
	[smem:$0x3FAF] =	sst s0  }
0x18: {  	s0 =	sld [smem:$0x3F92];
	_ =	swait.ge [sflag:s4], $0x0  }
0x19: {  	s7 =	sld [smem:$0x3F93]  }
0x1a: {  	s8 =	sadd.s32 $0xFFFFE003, lr  }
0x1b: {  	s9 =	sadd.s32 $0xFFFFFEF7, lr;
	s5 =	simm.s32 $0xFFFFFFFF;
	p2 =	slt.u32 s8, $0xFFFFF086  }
0x1c: {  	p1 =	slt.u32 s9, $0xF7A;
	s5 =	simm.s32 @!p2 $0x0  }
0x1d: {  	s5 =	simm.s32 @p1 $0x1;
	p0 =	seq.s32 s7, s2  }
0x1e: {  	s7 =	smul.u32 @!p0 $0xF7A, s2;
	p2 =	seq.s32 @!p0 s5, $0x0  }
0x1f: {  	s9 =	smul.u32 $0xF7A, s1;
	s8 =	simm.s32 @!p0 $0x1BF5;
	p2 =	por !p2, p0  }
0x20: {  	[sflag:s8] =	ssyncset.s32 @!p0 $0xFFFFF086;
	s6 =	sadd.s32 @!p0 s3, s7;
	s7 =	simm.s32 @!p0 $0x108  }
0x21: {  	s3 =	sadd.s32 s3, s9;
	s6 =	sadd.s32 @!p0 $0x88, s6;
	s7 =	simm.s32 @p2 $0x1082  }
0x22: {  	[simem:s7], [sflag:s8] =	dma.local @!p0 [hbm:s6], $0xF7A  }
0x23: {  	s9 =	sor.u32 $0xD0000000, s2;
	s6 =	simm.s32 $0x108;
	_ =	swait.ge @!p0 [sflag:s8], $0x0  }
0x24: {  	s3 =	sadd.s32 $0x88, s3;
	s6 =	simm.s32 @!p1 $0x1082;
	[sflag:s4] =	ssyncset.s32 $0xFFFFF086  }
0x25: {  	[simem:s6], [sflag:s4] =	dma.local [hbm:s3], $0xF7A  }
0x26: {  	[smem:$0x3F93] =	sst s1;
	(tag) =	ssettag s2;
	_ =	strace s9  }
0x27: {  	s1 =	sld [smem:$0x3FA3]  }
0x28: {  	s2 =	sld [smem:$0x3FA4]  }
0x29: {  	s4 =	sld [smem:$0x3FA6]  }
0x2a: {  	p0 =	seq.s32 s5, $0x0;
	s5 =	sld [smem:$0x3FA7]  }
0x2b: {  	s6 =	sld [smem:$0x3FA8]  }
0x2c: {  	s7 =	sld [smem:$0x3FA9]  }
0x2d: {  	s3 =	simm.s32 $0x108;
	s8 =	sld [smem:$0x3FAA]  }
0x2e: {  	s3 =	simm.s32 @!p0 $0x1082;
	s9 =	sld [smem:$0x3FAB]  }
0x2f: {  	lr =	sadd.s32 s0, s3;
	s0 =	sld [smem:$0x3FA2]  }
0x30: {  	s3 =	sld [smem:$0x3FA5]  }
0x31: {  	[smem:$0x3FAE] =	sst s10  }
0x32: {  	s10 =	sld [smem:$0x3FAC];
	_ =	sdelay $0x3  }
0x33: {  	p0 =	seq.s32 s10, $0x1;
	s10 =	sld [smem:$0x3FAE];
	_ =	sdelay $0x3  }
0x34: {  	[smem:$0x3FAE] =	sst s10  }
0x35: {  	s10 =	sld [smem:$0x3FAD];
	_ =	sdelay $0x3  }
0x36: {  	p1 =	seq.s32 s10, $0x1;
	s10 =	sld [smem:$0x3FAE];
	_ =	sdelay $0x3  }
0x37: {  	[smem:$0x3FAE] =	sst s10  }
0x38: {  	s10 =	sld [smem:$0x3FAF]  }
0x39: {  	_ = 	snop;
	(pc) =	sbr.ind lr, $3  }
0x3a: {  	_ = 	snop  }
0x3b: {  	_ = 	snop  }
0x3c: {  	p2 =	seq.s32 s10, $0x1;
	s10 =	sld [smem:$0x3FAE]  }
0x3d: {  	_ =	shalt  }
0x3e: {  	_ =	shalt  }
0x3f: {  	_ =	shalt  }
0x40: {  	_ =	shalt  }
0x41: {  	_ =	shalt  }
0x42: {  	_ =	shalt  }
0x43: {  	_ =	shalt  }
0x44: {  	_ =	shalt  }
0x45: {  	_ =	shalt  }
0x46: {  	_ =	shalt  }
0x47: {  	_ =	shalt  }
0x48: {  	_ =	shalt  }
0x49: {  	_ =	shalt  }
0x4a: {  	_ =	shalt  }
0x4b: {  	_ =	shalt  }
0x4c: {  	_ =	shalt  }
0x4d: {  	_ =	shalt  }
0x4e: {  	_ =	shalt  }
0x4f: {  	_ =	shalt  }
0x50: {  	_ =	shalt  }
0x51: {  	_ =	shalt  }
0x52: {  	_ =	shalt  }
0x53: {  	_ =	shalt  }
0x54: {  	_ =	shalt  }
0x55: {  	_ =	shalt  }
0x56: {  	_ =	shalt  }
0x57: {  	_ =	shalt  }
0x58: {  	_ =	shalt  }
0x59: {  	_ =	shalt  }
0x5a: {  	_ =	shalt  }
0x5b: {  	_ =	shalt  }
0x5c: {  	_ =	shalt  }
0x5d: {  	_ =	shalt  }
0x5e: {  	_ =	shalt  }
0x5f: {  	_ =	shalt  }
0x60: {  	_ =	shalt  }
0x61: {  	_ =	shalt  }
0x62: {  	_ =	shalt  }
0x63: {  	_ =	shalt  }
0x64: {  	_ =	shalt  }
0x65: {  	_ =	shalt  }
0x66: {  	_ =	shalt  }
0x67: {  	_ =	shalt  }
0x68: {  	_ =	shalt  }
0x69: {  	_ =	shalt  }
0x6a: {  	_ =	shalt  }
0x6b: {  	_ =	shalt  }
0x6c: {  	_ =	shalt  }
0x6d: {  	_ =	shalt  }
0x6e: {  	_ =	shalt  }
0x6f: {  	_ =	shalt  }
0x70: {  	_ =	shalt  }
0x71: {  	_ =	shalt  }
0x72: {  	_ =	shalt  }
0x73: {  	_ =	shalt  }
0x74: {  	_ =	shalt  }
0x75: {  	_ =	shalt  }
0x76: {  	_ =	shalt  }
0x77: {  	_ =	shalt  }
0x78: {  	_ =	shalt  }
0x79: {  	_ =	shalt  }
0x7a: {  	_ =	shalt  }
0x7b: {  	_ =	shalt  }
0x7c: {  	_ =	shalt  }
0x7d: {  	_ =	shalt  }
0x7e: {  	_ =	shalt  }
0x7f: {  	_ =	shalt  }
0x80: {  	_ =	shalt  }
0x81: {  	_ =	shalt  }
0x82: {  	_ =	shalt  }
0x83: {  	_ =	shalt  }
0x84: {  	_ =	shalt  }
0x85: {  	_ =	shalt  }
0x86: {  	_ =	shalt  }
0x87: {  	_ =	shalt  }
.Lfunc_end0:
.L_simem_size_0:
called_computation.1_lowered:
.L_overlay_start_0:
0x88: {  	s2 =	sld [smem:$0x3FD9]  }
0x89: {  	s3 =	sld [smem:$0x3FFE];
	_ =	sdelay $0x1  }
0x8a: {  	s1 =	srdreg.scid  }
0x8b: {  	s0 =	sand.u32 $0x1, s1  }
0x8c: {  	s16 =	sshll.u32 s0, $0xA;
	s2 =	sadd.s32 s3, s2  }
0x8d: {  	s2 =	sadd.s32 s2, s16  }
0x8e: {  	[smem:$0x3FBA] =	sst s2  }
0x8f: {  	_ = 	snop  }
0x90: {  	(tm) =	ssettm $0x1  }
0x91: {  	s17 =	sld [smem:$0x3FFB];
	_ =	sdelay $0x3  }
0x92: {  	_ =	strace s17  }
0x93: {  	s2 =	sld [smem:$0x3FFC];
	_ =	sdelay $0x3  }
0x94: {  	_ =	strace s2  }
0x95: {  	s2 =	sld [smem:$0x3FFD];
	_ =	sdelay $0x3  }
0x96: {  	_ =	strace s2  }
0x97: {  	_ =	strace $0x8FFFFFFF  }
0x98: {  	s18 =	sld [smem:$0x3FDB];
	_ =	sdelay $0x1  }
0x99: {  	s19 =	simm.s32 $_scs_section_size  }
0x9a: {  	s4 =	simm.s32 $_size__tile_overlayer_lowered;
	s5 =	simm.s32 $_tile_overlayer_lowered  }
0x9b: {  	s22 =	simm.s32 $0x1BFF;
	s21 =	sshll.u32 s5, $0x1;
	s2 =	sadd.s32 s19, s18  }
0x9c: {  	s6 =	simm.s32 $0x0;
	s20 =	sshll.u32 s4, $0x1;
	s4 =	sadd.s32 s21, s2  }
0x9d: {  	[timem:s6], [sflag:s22] =	dma.local [hbm:s4], s20  }
0x9e: {  	_ =	swait.ge [sflag:s22], s20  }
0x9f: {  	s3 =	ssub.s32 $0x0, s20;
	[sflag:s22] =	ssyncset.done $0x0  }
0xa0: {  	[sflag:s22] =	ssyncadd.s32 s3;
	_ =	sdelay $0x1  }
0xa1: {  	s23 =	simm.s32 $0x1B8B  }
0xa2: {  	_ =	swait.ge [sflag:s23], $0x1  }
0xa3: {  	[sflag:s23] =	ssyncset.done $0x0  }
0xa4: {  	s25 =	simm.s32 $0x1B8E;
	s24 =	sld [smem:$0x3FFE];
	[sflag:s23] =	ssyncadd.s32 $0xFFFFFFFF  }
0xa5: {  	s26 =	simm.s32 $execute0_lowered;
	[smem:$0x3FD2] =	sst s25  }
0xa6: {  	s4 =	sshll.u32 s26, $0x1;
	_ =	strace $0x80000049;
	[dreg:$0x1] =	wrdreg $0xFFFFFFFF  }
0xa7: {  	s28 =	simm.s32 $_size_execute0_lowered;
	s2 =	sadd.s32 s2, s4;
	[dreg:$0x0] =	wrdreg $0x0  }
0xa8: {  	s4 =	sshll.u32 s28, $0x1;
	[dreg:$0x2] =	wrdreg s2  }
0xa9: {  	[dreg:$0x3] =	wrdreg s4  }
0xaa: {  	[dreg:$0x4] =	wrdreg $0xC0  }
0xab: {  	_ =	task [dreg:s6], $0x5FFFF  }
0xac: {  	[dreg:$0x1] =	wrdreg $0xFFFFFFFF  }
0xad: {  	[dreg:$0x0] =	wrdreg $0x60  }
0xae: {  	[dreg:$0x2] =	wrdreg s24  }
0xaf: {  	[dreg:$0x3] =	wrdreg $0x133500  }
0xb0: {  	[dreg:$0x4] =	wrdreg $0x70000  }
0xb1: {  	[dreg:$0x5] =	wrdreg $0x9  }
0xb2: {  	_ =	task.clear_ibuf [dreg:s6], $0x6FFFF;
	_ =	strace $0x90000049  }
0xb3: {  	s29 =	simm.s32 $0x9;
	_ =	strace $0x8000004B  }
0xb4: {  	_ =	swait.ge [sflag:s29], $0x1  }
0xb5: {  	[sflag:s29] =	ssyncadd.s32 $0xFFFFFFFF  }
0xb6: {  	_ =	strace $0x9000004B  }
0xb7: {  	_ =	sfence  }
0xb8: {  	s30 =	sld [smem:$0x0];
	_ =	sdelay $0x2  }
0xb9: {  	s31 =	sshll.u32 s1, $0xD;
	s1 =	sshrl.u32 s1, $0x2  }
0xba: {  	s3 =	sand.u32 $0x4000, s31;
	s1 =	sadd.s32 s1, s30  }
0xbb: {  	s0 =	sor.u32 s3, s0;
	s1 =	sshll.u32 s1, $0x11  }
0xbc: {  	s0 =	sor.u32 s1, s0  }
0xbd: {  	s0 =	sadd.s32 $0x8F2B, s0  }
0xbe: {  	[sflag:s0] =	ssyncadd.remote.s32 $0x1  }
0xbf: {  	_ =	sfence.sel $0xFFFF  }
0xc0: {  	[dreg:$0x0] =	wrdreg $0xFFFFFFFF;
	(pc) =	sbr.abs _section_cstart, $3  }
0xc1: {  	[dreg:$0x1] =	wrdreg $0xFFFFFFFF  }
0xc2: {  	_ =	task.clear_ibuf [dreg:s6], $0x2FFFF;
	_ =	strace $0x9FFFFFFF  }
0xc3: {  	(tm) =	ssettm $0x7FFFFFFF  }
tec
execute0_lowered:
.L_overlay_start_1:
0x0: {  	(tag) =	ssettag $0x1  }
0x1: {  	s0 =	rddreg [dreg:$0x0]  }
0x2: {  	s1 =	srdreg.scid;
	s2 =	rddreg [dreg:$0x1]  }
0x3: {  	s11 =	stileid.u32;
	s3 =	rddreg [dreg:$0x2]  }
0x4: {  	s4 =	simm.s32 $0x0;
	s17 =	simm.s32 $0x200;
	s18 =	simm.s32 $0x300  }
0x5: {  	s19 =	simm.s32 $0x400;
	s20 =	simm.s32 $0x900;
	s21 =	simm.s32 $0x500  }
0x6: {  	s22 =	simm.s32 $0xA00;
	s23 =	simm.s32 $0x600;
	s24 =	simm.s32 $0xB00  }
0x7: {  	s25 =	simm.s32 $0x700;
	s26 =	simm.s32 $0xC00;
	s28 =	simm.s32 $0x5  }
0x8: {  	s29 =	simm.s32 $0x6;
	[smem:$0x7FF] =	sst s4;
	s12 =	sadd.s32 $0x4DE00, s0  }
0x9: {  	s30 =	simm.s32 $0xD00;
	_ =	strace $0x8000004A;
	[dreg:$0x10] =	wrdreg s12  }
0xa: {  	s31 =	simm.s32 $0xE00;
	s6 =	smul.u32 $0x186A0, s11;
	[dreg:$0x6] =	wrdreg s17  }
0xb: {  	s1 =	sand.u32 $0x1, s1;
	s7 =	smul.u32 $0x18800, s11;
	[dreg:$0x7] =	wrdreg s18  }
0xc: {  	s9 =	smul.u32 $0x1900, s11;
	s13 =	sshll.u32 s11, $0x6;
	[dreg:$0x8] =	wrdreg s19  }
0xd: {  	s11 =	simm.s32 $0xD;
	s5 =	smul.u32 $0x186A00, s1;
	[dreg:$0x9] =	wrdreg s20  }
0xe: {  	s8 =	smul.u32 $0x188000, s1;
	s1 =	ssub.s32 $0x2, s1;
	[dreg:$0xa] =	wrdreg s21  }
0xf: {  	s17 =	simm.s32 $0x3000;
	s18 =	simm.s32 $0x4000;
	[dreg:$0xb] =	wrdreg s22  }
0x10: {  	s19 =	simm.s32 $0x1;
	s20 =	simm.s32 $0x5000;
	[dreg:$0xc] =	wrdreg s23  }
0x11: {  	s21 =	simm.s32 $0x2;
	[dreg:$0xd] =	wrdreg s24;
	s22 =	simm.s32 $0x6000  }
0x12: {  	[dreg:$0xe] =	wrdreg s25;
	s23 =	simm.s32 $0x3;
	s24 =	simm.s32 $0x7  }
0x13: {  	[dreg:$0xf] =	wrdreg s26;
	s25 =	simm.s32 $0x4;
	s26 =	simm.s32 $0x8  }
0x14: {  	s12 =	simm.s32 $0x0;
	s9 =	sadd.s32 s9, s0;
	s10 =	sshrl.u32 s1, $0x1  }
0x15: {  	s5 =	sadd.s32 s6, s5;
	s8 =	sadd.s32 s7, s8;
	s1 =	ssub.s32 s1, s10  }
0x16: {  	s7 =	sshrl.u32 s7, $0x1;
	s6 =	sshrl.u32 s6, $0x1;
	s10 =	sor.u32 $0x1C0D, s13  }
0x17: {  	s14 =	sadd.s32 $0x2200, s9;
	s15 =	sadd.s32 $0x4F800, s9;
	s13 =	simm.s32 $0x800  }
0x18: {  	s5 =	sshrl.u32 s5, $0x4;
	s8 =	sshrl.u32 s8, $0x4;
	s7 =	sadd.s32 s7, s2  }
0x19: {  	s6 =	sadd.s32 s6, s3;
	s1 =	smax.u32 s1, $0x1;
	[dreg:$0x4] =	wrdreg s14  }
0x1a: {  	[dreg:$0x5] =	wrdreg s15;
	s14 =	simm.s32 $0x100;
	s15 =	simm.s32 $0x1000  }
0x1b: {  	[dreg:$0x11] =	wrdreg s10;
	s5 =	sadd.s32 s5, s0;
	s0 =	sadd.s32 s8, s0  }
0x1c: {  	[dreg:$0x14] =	wrdreg s1;
	s9 =	sshrl.u32 s7, $0x3;
	s16 =	sshrl.u32 s6, $0x3  }
0x1d: {  	s1 =	simm.s32 $0xF00;
	s7 =	simm.s32 $0xB;
	[dreg:$0x16] =	wrdreg s16  }
0x1e: {  	s8 =	simm.s32 $0xC;
	s5 =	sadd.s32 $0x1B200, s5;
	[dreg:$0x15] =	wrdreg s9  }
0x1f: {  	s0 =	sadd.s32 $0x68800, s0;
	s16 =	simm.s32 $0x2000;
	[dreg:$0x12] =	wrdreg s5  }
0x20: {  	[dreg:$0x13] =	wrdreg s0;
	s0 =	simm.s32 $0x9;
	s5 =	simm.s32 $0xA  }
.LBB2_1:
0x21: {  	[dreg:$0x17] =	wrdreg s12  }
0x22: {  	s6 =	rddreg [dreg:$0x10]  }
0x23: {  	[spmem:s9], [sflag:s10] =	dma.local [hbm:s6], $0x1880  }
0x24: {  	_ =	swait.ge [sflag:s11], $0x1880  }
0x25: {  	[sflag:s11] =	ssyncset.done $0x0;
	s9 =	rddreg [dreg:$0x12]  }
0x26: {  	s12 =	rddreg [dreg:$0x16];
	[sflag:s11] =	ssyncadd.s32 $0xFFFFE780  }
0x27: {  	[spmem:s12], [sflag:s10] =	dma.local [hbm:s9], $0x186A  }
0x28: {  	_ =	swait.ge [sflag:s11], $0x186A  }
0x29: {  	[sflag:s11] =	ssyncset.done $0x0  }
0x2a: {  	[sflag:s11] =	ssyncadd.s32 $0xFFFFE796  }
0x2b: {  	[bflag:$0x0] =	sbarrier.arrive $0xFFFF  }
0x2c: {  	s9 =	rddreg [dreg:$0x5]  }
0x2d: {  	s6 =	sadd.s32 $0x0, s9  }
0x2e: {  	[tilespmem:s4], [sflag:$0xD] =	stream.linear.gather [hbm4b:s6+s4], $0x800, $0x38;
	[tilespmem:$0x1F750] =	vst v63  }
0x2f: {  	_ =	swait.ge [sflag:s11], $0x800  }
0x30: {  	s10 =	rddreg [dreg:$0x4];
	[sflag:s11] =	ssyncset.done $0x0  }
0x31: {  	[sflag:s11] =	ssyncadd.s32 $0xFFFFF800;
	s6 =	sadd.s32 $0x0, s10  }
0x32: {  	[tilespmem:s13], [sflag:$0xD] =	stream.linear.gather [hbm4b:s6+s4], $0x800, $0x38;
	[tilespmem:$0x1F750] =	vst v63  }
0x33: {  	_ =	swait.ge [sflag:s11], $0x800  }
0x34: {  	[sflag:s11] =	ssyncset.done $0x0  }
0x35: {  	[sflag:s11] =	ssyncadd.s32 $0xFFFFF800  }
0x36: {  	[tilespmem:s15], [sflag:$0x1] =	stream.indirect.gather [spmem:s3], $0x10, s4, s14, $0xb8;
	[tilespmem:$0x1F750] =	vst v63  }
0x37: {  	_ = 	snop  }
0x38: {  	[tilespmem:s16], [sflag:$0x2] =	stream.indirect.gather [spmem:s3], $0x10, s14, s14, $0xb8;
	[tilespmem:$0x1F750] =	vst v63  }
0x39: {  	s12 =	rddreg [dreg:$0x6]  }
0x3a: {  	[tilespmem:s17], [sflag:$0x3] =	stream.indirect.gather [spmem:s3], $0x10, s12, s14, $0xb8;
	[tilespmem:$0x1F750] =	vst v63  }
0x3b: {  	s9 =	rddreg [dreg:$0x7]  }
0x3c: {  	[tilespmem:s18], [sflag:$0x4] =	stream.indirect.gather [spmem:s3], $0x10, s9, s14, $0xb8;
	[tilespmem:$0x1F750] =	vst v63  }
0x3d: {  	_ =	swait.ge [sflag:s19], $0x1000  }
0x3e: {  	[sflag:s19] =	ssyncset.done $0x0  }
0x3f: {  	[sflag:s19] =	ssyncadd.s32 $0xFFFFF000  }
0x40: {  	[spmem:s2] =	stream.indirect.scatter.add.bf16 [tilespmem:s15], [sflag:$0x7], $0x10, s13, s14, $0xb8;
	[tilespmem:$0x1F750] =	vst v63  }
0x41: {  	s10 =	rddreg [dreg:$0x8]  }
0x42: {  	[tilespmem:s20], [sflag:$0x5] =	stream.indirect.gather [spmem:s3], $0x10, s10, s14, $0xb8;
	[tilespmem:$0x1F750] =	vst v63  }
0x43: {  	_ =	swait.ge [sflag:s21], $0x1000  }
0x44: {  	[sflag:s21] =	ssyncset.done $0x0  }
0x45: {  	s12 =	rddreg [dreg:$0x9];
	[sflag:s21] =	ssyncadd.s32 $0xFFFFF000  }
0x46: {  	[spmem:s2] =	stream.indirect.scatter.add.bf16 [tilespmem:s16], [sflag:$0x8], $0x10, s12, s14, $0xb8;
	[tilespmem:$0x1F750] =	vst v63  }
0x47: {  	s9 =	rddreg [dreg:$0xa]  }
0x48: {  	[tilespmem:s22], [sflag:$0x6] =	stream.indirect.gather [spmem:s3], $0x10, s9, s14, $0xb8;
	[tilespmem:$0x1F750] =	vst v63  }
0x49: {  	_ =	swait.ge [sflag:s23], $0x1000  }
0x4a: {  	[sflag:s23] =	ssyncset.done $0x0  }
0x4b: {  	s10 =	rddreg [dreg:$0xb];
	[sflag:s23] =	ssyncadd.s32 $0xFFFFF000  }
0x4c: {  	[spmem:s2] =	stream.indirect.scatter.add.bf16 [tilespmem:s17], [sflag:$0x9], $0x10, s10, s14, $0xb8;
	[tilespmem:$0x1F750] =	vst v63  }
0x4d: {  	_ =	swait.ge [sflag:s24], $0x1000  }
0x4e: {  	[sflag:s24] =	ssyncset.done $0x0  }
0x4f: {  	s12 =	rddreg [dreg:$0xc];
	[sflag:s24] =	ssyncadd.s32 $0xFFFFF000  }
0x50: {  	[tilespmem:s15], [sflag:$0x1] =	stream.indirect.gather [spmem:s3], $0x10, s12, s14, $0xb8;
	[tilespmem:$0x1F750] =	vst v63  }
0x51: {  	_ =	swait.ge [sflag:s25], $0x1000  }
0x52: {  	[sflag:s25] =	ssyncset.done $0x0  }
0x53: {  	s9 =	rddreg [dreg:$0xd];
	[sflag:s25] =	ssyncadd.s32 $0xFFFFF000  }
0x54: {  	[spmem:s2] =	stream.indirect.scatter.add.bf16 [tilespmem:s18], [sflag:$0xA], $0x10, s9, s14, $0xb8;
	[tilespmem:$0x1F750] =	vst v63  }
0x55: {  	_ =	swait.ge [sflag:s26], $0x1000  }
0x56: {  	[sflag:s26] =	ssyncset.done $0x0  }
0x57: {  	s10 =	rddreg [dreg:$0xe];
	[sflag:s26] =	ssyncadd.s32 $0xFFFFF000  }
0x58: {  	[tilespmem:s16], [sflag:$0x2] =	stream.indirect.gather [spmem:s3], $0x10, s10, s14, $0xb8;
	[tilespmem:$0x1F750] =	vst v63  }
0x59: {  	_ =	swait.ge [sflag:s28], $0x1000  }
0x5a: {  	[sflag:s28] =	ssyncset.done $0x0  }
0x5b: {  	s12 =	rddreg [dreg:$0xf];
	[sflag:s28] =	ssyncadd.s32 $0xFFFFF000  }
0x5c: {  	[spmem:s2] =	stream.indirect.scatter.add.bf16 [tilespmem:s20], [sflag:$0xB], $0x10, s12, s14, $0xb8;
	[tilespmem:$0x1F750] =	vst v63  }
0x5d: {  	_ =	swait.ge [sflag:s29], $0x1000  }
0x5e: {  	[sflag:s29] =	ssyncset.done $0x0  }
0x5f: {  	[sflag:s29] =	ssyncadd.s32 $0xFFFFF000  }
0x60: {  	[spmem:s2] =	stream.indirect.scatter.add.bf16 [tilespmem:s22], [sflag:$0xC], $0x10, s30, s14, $0xb8;
	[tilespmem:$0x1F750] =	vst v63  }
0x61: {  	_ =	swait.ge [sflag:s19], $0x1000  }
0x62: {  	[sflag:s19] =	ssyncset.done $0x0  }
0x63: {  	[sflag:s19] =	ssyncadd.s32 $0xFFFFF000  }
0x64: {  	[spmem:s2] =	stream.indirect.scatter.add.bf16 [tilespmem:s15], [sflag:$0x7], $0x10, s31, s14, $0xb8;
	[tilespmem:$0x1F750] =	vst v63  }
0x65: {  	_ =	swait.ge [sflag:s21], $0x1000  }
0x66: {  	[sflag:s21] =	ssyncset.done $0x0  }
0x67: {  	[sflag:s21] =	ssyncadd.s32 $0xFFFFF000  }
0x68: {  	[spmem:s2] =	stream.indirect.scatter.add.bf16 [tilespmem:s16], [sflag:$0x8], $0x10, s1, s14, $0xb8;
	[tilespmem:$0x1F750] =	vst v63  }
0x69: {  	_ =	swait.ge [sflag:s0], $0x1000  }
0x6a: {  	[sflag:s0] =	ssyncset.done $0x0  }
0x6b: {  	[sflag:s0] =	ssyncadd.s32 $0xFFFFF000  }
0x6c: {  	_ =	swait.ge [sflag:s5], $0x1000  }
0x6d: {  	[sflag:s5] =	ssyncset.done $0x0  }
0x6e: {  	[sflag:s5] =	ssyncadd.s32 $0xFFFFF000  }
0x6f: {  	_ =	swait.ge [sflag:s7], $0x1000  }
0x70: {  	[sflag:s7] =	ssyncset.done $0x0  }
0x71: {  	[sflag:s7] =	ssyncadd.s32 $0xFFFFF000  }
0x72: {  	_ =	swait.ge [sflag:s8], $0x1000  }
0x73: {  	[sflag:s8] =	ssyncset.done $0x0  }
0x74: {  	[sflag:s8] =	ssyncadd.s32 $0xFFFFF000  }
0x75: {  	_ =	swait.ge [sflag:s24], $0x1000  }
0x76: {  	[sflag:s24] =	ssyncset.done $0x0  }
0x77: {  	[sflag:s24] =	ssyncadd.s32 $0xFFFFF000  }
0x78: {  	s10 =	simm.s32 $0x200;
	_ =	swait.ge [sflag:s26], $0x1000  }
0x79: {  	s12 =	simm.s32 $0x100;
	s6 =	rddreg [dreg:$0x5];
	[sflag:s26] =	ssyncset.done $0x0  }
.LBB2_2:
0x7a: {  	[sflag:s26] =	ssyncadd.s32 $0xFFFFF000;
	s6 =	sadd.s32 s12, s6  }
0x7b: {  	[tilespmem:s4], [sflag:$0xD] =	stream.linear.gather [hbm4b:s6+s4], $0x800, $0x38;
	[tilespmem:$0x1F750] =	vst v63  }
0x7c: {  	_ =	swait.ge [sflag:s11], $0x800  }
0x7d: {  	s6 =	rddreg [dreg:$0x4];
	[sflag:s11] =	ssyncset.done $0x0  }
0x7e: {  	[sflag:s11] =	ssyncadd.s32 $0xFFFFF800;
	s6 =	sadd.s32 s12, s6  }
0x7f: {  	[tilespmem:s13], [sflag:$0xD] =	stream.linear.gather [hbm4b:s6+s4], $0x800, $0x38;
	[tilespmem:$0x1F750] =	vst v63  }
0x80: {  	_ =	swait.ge [sflag:s11], $0x800  }
0x81: {  	[sflag:s11] =	ssyncset.done $0x0  }
0x82: {  	[sflag:s11] =	ssyncadd.s32 $0xFFFFF800  }
0x83: {  	[tilespmem:s15], [sflag:$0x1] =	stream.indirect.gather [spmem:s3], $0x10, s4, s14, $0xb8;
	[tilespmem:$0x1F750] =	vst v63  }
0x84: {  	_ = 	snop  }
0x85: {  	[tilespmem:s16], [sflag:$0x2] =	stream.indirect.gather [spmem:s3], $0x10, s14, s14, $0xb8;
	[tilespmem:$0x1F750] =	vst v63  }
0x86: {  	s9 =	smov.u32 s10;
	s6 =	rddreg [dreg:$0x6]  }
0x87: {  	[tilespmem:s17], [sflag:$0x3] =	stream.indirect.gather [spmem:s3], $0x10, s6, s14, $0xb8;
	[tilespmem:$0x1F750] =	vst v63  }
0x88: {  	s12 =	smov.u32 s9;
	s9 =	rddreg [dreg:$0x7]  }
0x89: {  	[tilespmem:s18], [sflag:$0x4] =	stream.indirect.gather [spmem:s3], $0x10, s9, s14, $0xb8;
	[tilespmem:$0x1F750] =	vst v63  }
0x8a: {  	_ =	swait.ge [sflag:s19], $0x1000  }
0x8b: {  	[sflag:s19] =	ssyncset.done $0x0  }
0x8c: {  	[sflag:s19] =	ssyncadd.s32 $0xFFFFF000  }
0x8d: {  	[spmem:s2] =	stream.indirect.scatter.add.bf16 [tilespmem:s15], [sflag:$0x7], $0x10, s13, s14, $0xb8;
	[tilespmem:$0x1F750] =	vst v63  }
0x8e: {  	s9 =	rddreg [dreg:$0x8]  }
0x8f: {  	[tilespmem:s20], [sflag:$0x5] =	stream.indirect.gather [spmem:s3], $0x10, s9, s14, $0xb8;
	[tilespmem:$0x1F750] =	vst v63  }
0x90: {  	_ =	swait.ge [sflag:s21], $0x1000  }
0x91: {  	[sflag:s21] =	ssyncset.done $0x0  }
0x92: {  	s6 =	rddreg [dreg:$0x9];
	[sflag:s21] =	ssyncadd.s32 $0xFFFFF000  }
0x93: {  	[spmem:s2] =	stream.indirect.scatter.add.bf16 [tilespmem:s16], [sflag:$0x8], $0x10, s6, s14, $0xb8;
	[tilespmem:$0x1F750] =	vst v63  }
0x94: {  	s9 =	rddreg [dreg:$0xa]  }
0x95: {  	[tilespmem:s22], [sflag:$0x6] =	stream.indirect.gather [spmem:s3], $0x10, s9, s14, $0xb8;
	[tilespmem:$0x1F750] =	vst v63  }
0x96: {  	_ =	swait.ge [sflag:s23], $0x1000  }
0x97: {  	[sflag:s23] =	ssyncset.done $0x0  }
0x98: {  	s9 =	rddreg [dreg:$0xb];
	[sflag:s23] =	ssyncadd.s32 $0xFFFFF000  }
0x99: {  	[spmem:s2] =	stream.indirect.scatter.add.bf16 [tilespmem:s17], [sflag:$0x9], $0x10, s9, s14, $0xb8;
	[tilespmem:$0x1F750] =	vst v63  }
0x9a: {  	_ =	swait.ge [sflag:s24], $0x1000  }
0x9b: {  	[sflag:s24] =	ssyncset.done $0x0  }
0x9c: {  	s9 =	rddreg [dreg:$0xc];
	[sflag:s24] =	ssyncadd.s32 $0xFFFFF000  }
0x9d: {  	[tilespmem:s15], [sflag:$0x1] =	stream.indirect.gather [spmem:s3], $0x10, s9, s14, $0xb8;
	[tilespmem:$0x1F750] =	vst v63  }
0x9e: {  	_ =	swait.ge [sflag:s25], $0x1000  }
0x9f: {  	[sflag:s25] =	ssyncset.done $0x0  }
0xa0: {  	s9 =	rddreg [dreg:$0xd];
	[sflag:s25] =	ssyncadd.s32 $0xFFFFF000  }
0xa1: {  	[spmem:s2] =	stream.indirect.scatter.add.bf16 [tilespmem:s18], [sflag:$0xA], $0x10, s9, s14, $0xb8;
	[tilespmem:$0x1F750] =	vst v63  }
0xa2: {  	_ =	swait.ge [sflag:s26], $0x1000  }
0xa3: {  	[sflag:s26] =	ssyncset.done $0x0  }
0xa4: {  	s9 =	rddreg [dreg:$0xe];
	[sflag:s26] =	ssyncadd.s32 $0xFFFFF000  }
0xa5: {  	[tilespmem:s16], [sflag:$0x2] =	stream.indirect.gather [spmem:s3], $0x10, s9, s14, $0xb8;
	[tilespmem:$0x1F750] =	vst v63  }
0xa6: {  	_ =	swait.ge [sflag:s28], $0x1000  }
0xa7: {  	[sflag:s28] =	ssyncset.done $0x0  }
0xa8: {  	s9 =	rddreg [dreg:$0xf];
	[sflag:s28] =	ssyncadd.s32 $0xFFFFF000  }
0xa9: {  	[spmem:s2] =	stream.indirect.scatter.add.bf16 [tilespmem:s20], [sflag:$0xB], $0x10, s9, s14, $0xb8;
	[tilespmem:$0x1F750] =	vst v63  }
0xaa: {  	_ =	swait.ge [sflag:s29], $0x1000  }
0xab: {  	[sflag:s29] =	ssyncset.done $0x0  }
0xac: {  	[sflag:s29] =	ssyncadd.s32 $0xFFFFF000  }
0xad: {  	[spmem:s2] =	stream.indirect.scatter.add.bf16 [tilespmem:s22], [sflag:$0xC], $0x10, s30, s14, $0xb8;
	[tilespmem:$0x1F750] =	vst v63  }
0xae: {  	_ =	swait.ge [sflag:s19], $0x1000  }
0xaf: {  	[sflag:s19] =	ssyncset.done $0x0  }
0xb0: {  	[sflag:s19] =	ssyncadd.s32 $0xFFFFF000  }
0xb1: {  	[spmem:s2] =	stream.indirect.scatter.add.bf16 [tilespmem:s15], [sflag:$0x7], $0x10, s31, s14, $0xb8;
	[tilespmem:$0x1F750] =	vst v63  }
0xb2: {  	_ =	swait.ge [sflag:s21], $0x1000  }
0xb3: {  	[sflag:s21] =	ssyncset.done $0x0  }
0xb4: {  	[sflag:s21] =	ssyncadd.s32 $0xFFFFF000  }
0xb5: {  	[spmem:s2] =	stream.indirect.scatter.add.bf16 [tilespmem:s16], [sflag:$0x8], $0x10, s1, s14, $0xb8;
	[tilespmem:$0x1F750] =	vst v63  }
0xb6: {  	_ =	swait.ge [sflag:s0], $0x1000  }
0xb7: {  	[sflag:s0] =	ssyncset.done $0x0  }
0xb8: {  	[sflag:s0] =	ssyncadd.s32 $0xFFFFF000  }
0xb9: {  	_ =	swait.ge [sflag:s5], $0x1000  }
0xba: {  	[sflag:s5] =	ssyncset.done $0x0  }
0xbb: {  	[sflag:s5] =	ssyncadd.s32 $0xFFFFF000  }
0xbc: {  	_ =	swait.ge [sflag:s7], $0x1000  }
0xbd: {  	[sflag:s7] =	ssyncset.done $0x0  }
0xbe: {  	[sflag:s7] =	ssyncadd.s32 $0xFFFFF000  }
0xbf: {  	_ =	swait.ge [sflag:s8], $0x1000  }
0xc0: {  	[sflag:s8] =	ssyncset.done $0x0  }
0xc1: {  	p0 =	sne.s32 s10, $0x1800;
	[sflag:s8] =	ssyncadd.s32 $0xFFFFF000  }
.Ltmp0:
0xc2: {  	_ =	swait.ge [sflag:s24], $0x1000;
	(pc) =	sbr.rel @p0 .LBB2_2-.Ltmp0, $4  }
0xc3: {  	[sflag:s24] =	ssyncset.done $0x0  }
0xc4: {  	[sflag:s24] =	ssyncadd.s32 $0xFFFFF000  }
0xc5: {  	_ =	swait.ge [sflag:s26], $0x1000  }
0xc6: {  	s10 =	sadd.s32 $0x100, s10;
	s6 =	rddreg [dreg:$0x5];
	[sflag:s26] =	ssyncset.done $0x0  }
0xc7: {  	[sflag:s26] =	ssyncadd.s32 $0xFFFFF000;
	s6 =	sadd.s32 s12, s6  }
0xc8: {  	[tilespmem:s4], [sflag:$0xD] =	stream.linear.gather [hbm4b:s6+s4], $0x800, $0x38;
	[tilespmem:$0x1F750] =	vst v63  }
0xc9: {  	_ =	swait.ge [sflag:s11], $0x800  }
0xca: {  	s10 =	rddreg [dreg:$0x4];
	[sflag:s11] =	ssyncset.done $0x0  }
0xcb: {  	[sflag:s11] =	ssyncadd.s32 $0xFFFFF800;
	s6 =	sadd.s32 s12, s10  }
0xcc: {  	[tilespmem:s13], [sflag:$0xD] =	stream.linear.gather [hbm4b:s6+s4], $0x800, $0x38;
	[tilespmem:$0x1F750] =	vst v63  }
0xcd: {  	_ =	swait.ge [sflag:s11], $0x800  }
0xce: {  	[sflag:s11] =	ssyncset.done $0x0  }
0xcf: {  	[sflag:s11] =	ssyncadd.s32 $0xFFFFF800  }
0xd0: {  	[tilespmem:s15], [sflag:$0x1] =	stream.indirect.gather [spmem:s3], $0x10, s4, s14, $0xb8;
	[tilespmem:$0x1F750] =	vst v63  }
0xd1: {  	_ = 	snop  }
0xd2: {  	[tilespmem:s16], [sflag:$0x2] =	stream.indirect.gather [spmem:s3], $0x10, s14, s14, $0xb8;
	[tilespmem:$0x1F750] =	vst v63  }
0xd3: {  	s12 =	rddreg [dreg:$0x6]  }
0xd4: {  	[tilespmem:s17], [sflag:$0x3] =	stream.indirect.gather [spmem:s3], $0x10, s12, s14, $0xb8;
	[tilespmem:$0x1F750] =	vst v63  }
0xd5: {  	s9 =	rddreg [dreg:$0x7]  }
0xd6: {  	[tilespmem:s18], [sflag:$0x4] =	stream.indirect.gather [spmem:s3], $0x10, s9, s14, $0xb8;
	[tilespmem:$0x1F750] =	vst v63  }
0xd7: {  	_ =	swait.ge [sflag:s19], $0x1000  }
0xd8: {  	[sflag:s19] =	ssyncset.done $0x0  }
0xd9: {  	[sflag:s19] =	ssyncadd.s32 $0xFFFFF000  }
0xda: {  	[spmem:s2] =	stream.indirect.scatter.add.bf16 [tilespmem:s15], [sflag:$0x7], $0x10, s13, s14, $0xb8;
	[tilespmem:$0x1F750] =	vst v63  }
0xdb: {  	s9 =	rddreg [dreg:$0x8]  }
0xdc: {  	[tilespmem:s20], [sflag:$0x5] =	stream.indirect.gather [spmem:s3], $0x10, s9, s14, $0xb8;
	[tilespmem:$0x1F750] =	vst v63  }
0xdd: {  	_ =	swait.ge [sflag:s21], $0x1000  }
0xde: {  	[sflag:s21] =	ssyncset.done $0x0  }
0xdf: {  	s10 =	rddreg [dreg:$0x9];
	[sflag:s21] =	ssyncadd.s32 $0xFFFFF000  }
0xe0: {  	[spmem:s2] =	stream.indirect.scatter.add.bf16 [tilespmem:s16], [sflag:$0x8], $0x10, s10, s14, $0xb8;
	[tilespmem:$0x1F750] =	vst v63  }
0xe1: {  	s12 =	rddreg [dreg:$0xa]  }
0xe2: {  	[tilespmem:s22], [sflag:$0x6] =	stream.indirect.gather [spmem:s3], $0x10, s12, s14, $0xb8;
	[tilespmem:$0x1F750] =	vst v63  }
0xe3: {  	_ =	swait.ge [sflag:s23], $0x1000  }
0xe4: {  	[sflag:s23] =	ssyncset.done $0x0  }
0xe5: {  	s9 =	rddreg [dreg:$0xb];
	[sflag:s23] =	ssyncadd.s32 $0xFFFFF000  }
0xe6: {  	[spmem:s2] =	stream.indirect.scatter.add.bf16 [tilespmem:s17], [sflag:$0x9], $0x10, s9, s14, $0xb8;
	[tilespmem:$0x1F750] =	vst v63  }
0xe7: {  	_ =	swait.ge [sflag:s24], $0x1000  }
0xe8: {  	[sflag:s24] =	ssyncset.done $0x0  }
0xe9: {  	s10 =	rddreg [dreg:$0xc];
	[sflag:s24] =	ssyncadd.s32 $0xFFFFF000  }
0xea: {  	[tilespmem:s15], [sflag:$0x1] =	stream.indirect.gather [spmem:s3], $0x10, s10, s14, $0xb8;
	[tilespmem:$0x1F750] =	vst v63  }
0xeb: {  	_ =	swait.ge [sflag:s25], $0x1000  }
0xec: {  	[sflag:s25] =	ssyncset.done $0x0  }
0xed: {  	s12 =	rddreg [dreg:$0xd];
	[sflag:s25] =	ssyncadd.s32 $0xFFFFF000  }
0xee: {  	[spmem:s2] =	stream.indirect.scatter.add.bf16 [tilespmem:s18], [sflag:$0xA], $0x10, s12, s14, $0xb8;
	[tilespmem:$0x1F750] =	vst v63  }
0xef: {  	_ =	swait.ge [sflag:s26], $0x1000  }
0xf0: {  	[sflag:s26] =	ssyncset.done $0x0  }
0xf1: {  	s9 =	rddreg [dreg:$0xe];
	[sflag:s26] =	ssyncadd.s32 $0xFFFFF000  }
0xf2: {  	[tilespmem:s16], [sflag:$0x2] =	stream.indirect.gather [spmem:s3], $0x10, s9, s14, $0xb8;
	[tilespmem:$0x1F750] =	vst v63  }
0xf3: {  	_ =	swait.ge [sflag:s28], $0x1000  }
0xf4: {  	[sflag:s28] =	ssyncset.done $0x0  }
0xf5: {  	s10 =	rddreg [dreg:$0xf];
	[sflag:s28] =	ssyncadd.s32 $0xFFFFF000  }
0xf6: {  	[spmem:s2] =	stream.indirect.scatter.add.bf16 [tilespmem:s20], [sflag:$0xB], $0x10, s10, s14, $0xb8;
	[tilespmem:$0x1F750] =	vst v63  }
0xf7: {  	_ =	swait.ge [sflag:s29], $0x1000  }
0xf8: {  	[sflag:s29] =	ssyncset.done $0x0  }
0xf9: {  	[sflag:s29] =	ssyncadd.s32 $0xFFFFF000  }
0xfa: {  	[spmem:s2] =	stream.indirect.scatter.add.bf16 [tilespmem:s22], [sflag:$0xC], $0x10, s30, s14, $0xb8;
	[tilespmem:$0x1F750] =	vst v63  }
0xfb: {  	_ =	swait.ge [sflag:s19], $0x1000  }
0xfc: {  	[sflag:s19] =	ssyncset.done $0x0  }
0xfd: {  	[sflag:s19] =	ssyncadd.s32 $0xFFFFF000  }
0xfe: {  	[spmem:s2] =	stream.indirect.scatter.add.bf16 [tilespmem:s15], [sflag:$0x7], $0x10, s31, s14, $0xb8;
	[tilespmem:$0x1F750] =	vst v63  }
0xff: {  	_ =	swait.ge [sflag:s21], $0x1000  }
0x100: {  	[sflag:s21] =	ssyncset.done $0x0  }
0x101: {  	[sflag:s21] =	ssyncadd.s32 $0xFFFFF000  }
0x102: {  	[spmem:s2] =	stream.indirect.scatter.add.bf16 [tilespmem:s16], [sflag:$0x8], $0x10, s1, s14, $0xb8;
	[tilespmem:$0x1F750] =	vst v63  }
0x103: {  	_ =	swait.ge [sflag:s0], $0x1000  }
0x104: {  	[sflag:s0] =	ssyncset.done $0x0  }
0x105: {  	[sflag:s0] =	ssyncadd.s32 $0xFFFFF000  }
0x106: {  	_ =	swait.ge [sflag:s5], $0x1000  }
0x107: {  	[sflag:s5] =	ssyncset.done $0x0  }
0x108: {  	[sflag:s5] =	ssyncadd.s32 $0xFFFFF000  }
0x109: {  	_ =	swait.ge [sflag:s7], $0x1000  }
0x10a: {  	[sflag:s7] =	ssyncset.done $0x0  }
0x10b: {  	[sflag:s7] =	ssyncadd.s32 $0xFFFFF000  }
0x10c: {  	_ =	swait.ge [sflag:s8], $0x1000  }
0x10d: {  	[sflag:s8] =	ssyncset.done $0x0  }
0x10e: {  	[sflag:s8] =	ssyncadd.s32 $0xFFFFF000  }
0x10f: {  	_ =	swait.ge [sflag:s24], $0x1000  }
0x110: {  	[sflag:s24] =	ssyncset.done $0x0  }
0x111: {  	[sflag:s24] =	ssyncadd.s32 $0xFFFFF000  }
0x112: {  	_ =	swait.ge [sflag:s26], $0x1000  }
0x113: {  	[sflag:s26] =	ssyncset.done $0x0  }
0x114: {  	[sflag:s26] =	ssyncadd.s32 $0xFFFFF000  }
0x115: {  	[bflag:$0x0] =	sbarrier.arrive $0xFFFF  }
0x116: {  	s10 =	rddreg [dreg:$0x11]  }
0x117: {  	s12 =	rddreg [dreg:$0x13]  }
0x118: {  	s9 =	rddreg [dreg:$0x15]  }
0x119: {  	[hbm:s12], [sflag:s10] =	dma.local [spmem:s9], $0x1880  }
0x11a: {  	_ =	swait.ge [sflag:s11], $0x1880  }
0x11b: {  	s6 =	rddreg [dreg:$0x17]  }
0x11c: {  	s12 =	sadd.s32 $0x1, s6;
	s6 =	rddreg [dreg:$0x14]  }
0x11d: {  	p0 =	sne.s32 s12, s6  }
.Ltmp1:
0x11e: {  	_ = 	snop;
	(pc) =	sbr.rel @p0 .LBB2_1-.Ltmp1, $3  }
0x11f: {  	_ =	sdelay $0x1  }
0x120: {  	[sflag:s11] =	ssyncset.done $0x0  }
0x121: {  	[sflag:s11] =	ssyncadd.s32 $0xFFFFE780  }
0x122: {  	_ =	sfence.sel $0x180000  }
0x123: {  	[bflag:$0x0] =	sbarrier.arrive $0xFFFF  }
0x124: {  	_ =	strace $0x9000004A  }
0x125: {  	s0 =	stileid.u32;
	[bflag:$0x2] =	sbarrier.arrive $0xFFFF  }
0x126: {  	p0 =	sne.s32 s0, $0x0;
	s0 =	rddreg [dreg:$0x3]  }
0x127: {  	s0 =	sadd.s32 @!p0 $0x100000, s0  }
0x128: {  	[sflag:s0] =	ssyncadd.tile.s32 @!p0 $0x1;
	_ =	shalt  }
.Lfunc_end2:
_tile_overlayer_lowered:
.L_overlay_start_2:
0x129: {  	(tag) =	ssettag $0x2  }
0x12a: {  	s0 =	rddreg [dreg:$0x0];
	s2 =	stileid.u32  }
0x12b: {  	s1 =	rddreg [dreg:$0x1];
	p0 =	sne.s32 s2, $0x0  }
0x12c: {  	s3 =	rddreg [dreg:$0x2];
	[bflag:$0x3] =	sbarrier.arrive $0xFFFF;
	s2 =	simm.s32 @!p0 $0x1C0D  }
0x12d: {  	[timem:s3], [sflag:s2] =	dma.local @!p0 [hbm:s0], s1  }
0x12e: {  	s0 =	simm.s32 @!p0 $0xD  }
0x12f: {  	_ =	swait.ge @!p0 [sflag:s0], s1  }
0x130: {  	s1 =	ssub.s32 @!p0 $0x0, s1;
	[sflag:s0] =	ssyncset.done @!p0 $0x0  }
0x131: {  	[sflag:s0] =	ssyncadd.s32 @!p0 s1  }
0x132: {  	[bflag:$0x3] =	sbarrier.arrive $0xFFFF  }
0x133: {  	_ =	shalt  }

// kernel: kernel.17.cloned.1.call-start
scs
__scs_entry_jumppad:
0x0: {  	(pc) =	sbr.rel $0x88, $3  }
0x1: {  	(tag) =	ssettag $0x0;
	lr =	simm.s32 $0x1  }
0x2: {  	[smem:$0x3F93] =	sst lr;
	_ =	strace $0xD0000000  }
0x3: {  	_ = 	snop  }
0x4: {  	_ = 	snop  }
0x5: {  	_ = 	snop  }
0x6: {  	_ = 	snop  }
0x7: {  	_ = 	snop  }
__scs_overlays_trampoline_lowered:
0x8: {  	[smem:$0x3FA2] =	sst s0  }
0x9: {  	[smem:$0x3FA3] =	sst s1  }
0xa: {  	[smem:$0x3FA4] =	sst s2  }
0xb: {  	[smem:$0x3FA5] =	sst s3  }
0xc: {  	[smem:$0x3FA6] =	sst s4  }
0xd: {  	[smem:$0x3FA7] =	sst s5  }
0xe: {  	[smem:$0x3FA8] =	sst s6  }
0xf: {  	[smem:$0x3FA9] =	sst s7  }
0x10: {  	[smem:$0x3FAA] =	sst s8  }
0x11: {  	[smem:$0x3FAB] =	sst s9;
	s0 =	simm.s32 @!p0 $0x0  }
0x12: {  	s1 =	sld [smem:$0x3F91];
	s0 =	simm.s32 @p0 $0x1  }
0x13: {  	[smem:$0x3FAC] =	sst s0;
	s0 =	simm.s32 @!p1 $0x0  }
0x14: {  	s2 =	sld [smem:$0x3F90];
	s0 =	simm.s32 @p1 $0x1  }
0x15: {  	[smem:$0x3FAD] =	sst s0;
	s0 =	simm.s32 @!p2 $0x0  }
0x16: {  	s3 =	sld [smem:$0x3FDB];
	s0 =	simm.s32 @p2 $0x1  }
0x17: {  	s4 =	simm.s32 $0x1BF5;
	[smem:$0x3FAF] =	sst s0  }
0x18: {  	s0 =	sld [smem:$0x3F92];
	_ =	swait.ge [sflag:s4], $0x0  }
0x19: {  	s7 =	sld [smem:$0x3F93]  }
0x1a: {  	s8 =	sadd.s32 $0xFFFFE003, lr  }
0x1b: {  	s9 =	sadd.s32 $0xFFFFFEF7, lr;
	s5 =	simm.s32 $0xFFFFFFFF;
	p2 =	slt.u32 s8, $0xFFFFF086  }
0x1c: {  	p1 =	slt.u32 s9, $0xF7A;
	s5 =	simm.s32 @!p2 $0x0  }
0x1d: {  	s5 =	simm.s32 @p1 $0x1;
	p0 =	seq.s32 s7, s2  }
0x1e: {  	s7 =	smul.u32 @!p0 $0xF7A, s2;
	p2 =	seq.s32 @!p0 s5, $0x0  }
0x1f: {  	s9 =	smul.u32 $0xF7A, s1;
	s8 =	simm.s32 @!p0 $0x1BF5;
	p2 =	por !p2, p0  }
0x20: {  	[sflag:s8] =	ssyncset.s32 @!p0 $0xFFFFF086;
	s6 =	sadd.s32 @!p0 s3, s7;
	s7 =	simm.s32 @!p0 $0x108  }
0x21: {  	s3 =	sadd.s32 s3, s9;
	s6 =	sadd.s32 @!p0 $0x88, s6;
	s7 =	simm.s32 @p2 $0x1082  }
0x22: {  	[simem:s7], [sflag:s8] =	dma.local @!p0 [hbm:s6], $0xF7A  }
0x23: {  	s9 =	sor.u32 $0xD0000000, s2;
	s6 =	simm.s32 $0x108;
	_ =	swait.ge @!p0 [sflag:s8], $0x0  }
0x24: {  	s3 =	sadd.s32 $0x88, s3;
	s6 =	simm.s32 @!p1 $0x1082;
	[sflag:s4] =	ssyncset.s32 $0xFFFFF086  }
0x25: {  	[simem:s6], [sflag:s4] =	dma.local [hbm:s3], $0xF7A  }
0x26: {  	[smem:$0x3F93] =	sst s1;
	(tag) =	ssettag s2;
	_ =	strace s9  }
0x27: {  	s1 =	sld [smem:$0x3FA3]  }
0x28: {  	s2 =	sld [smem:$0x3FA4]  }
0x29: {  	s4 =	sld [smem:$0x3FA6]  }
0x2a: {  	p0 =	seq.s32 s5, $0x0;
	s5 =	sld [smem:$0x3FA7]  }
0x2b: {  	s6 =	sld [smem:$0x3FA8]  }
0x2c: {  	s7 =	sld [smem:$0x3FA9]  }
0x2d: {  	s3 =	simm.s32 $0x108;
	s8 =	sld [smem:$0x3FAA]  }
0x2e: {  	s3 =	simm.s32 @!p0 $0x1082;
	s9 =	sld [smem:$0x3FAB]  }
0x2f: {  	lr =	sadd.s32 s0, s3;
	s0 =	sld [smem:$0x3FA2]  }
0x30: {  	s3 =	sld [smem:$0x3FA5]  }
0x31: {  	[smem:$0x3FAE] =	sst s10  }
0x32: {  	s10 =	sld [smem:$0x3FAC];
	_ =	sdelay $0x3  }
0x33: {  	p0 =	seq.s32 s10, $0x1;
	s10 =	sld [smem:$0x3FAE];
	_ =	sdelay $0x3  }
0x34: {  	[smem:$0x3FAE] =	sst s10  }
0x35: {  	s10 =	sld [smem:$0x3FAD];
	_ =	sdelay $0x3  }
0x36: {  	p1 =	seq.s32 s10, $0x1;
	s10 =	sld [smem:$0x3FAE];
	_ =	sdelay $0x3  }
0x37: {  	[smem:$0x3FAE] =	sst s10  }
0x38: {  	s10 =	sld [smem:$0x3FAF]  }
0x39: {  	_ = 	snop;
	(pc) =	sbr.ind lr, $3  }
0x3a: {  	_ = 	snop  }
0x3b: {  	_ = 	snop  }
0x3c: {  	p2 =	seq.s32 s10, $0x1;
	s10 =	sld [smem:$0x3FAE]  }
0x3d: {  	_ =	shalt  }
0x3e: {  	_ =	shalt  }
0x3f: {  	_ =	shalt  }
0x40: {  	_ =	shalt  }
0x41: {  	_ =	shalt  }
0x42: {  	_ =	shalt  }
0x43: {  	_ =	shalt  }
0x44: {  	_ =	shalt  }
0x45: {  	_ =	shalt  }
0x46: {  	_ =	shalt  }
0x47: {  	_ =	shalt  }
0x48: {  	_ =	shalt  }
0x49: {  	_ =	shalt  }
0x4a: {  	_ =	shalt  }
0x4b: {  	_ =	shalt  }
0x4c: {  	_ =	shalt  }
0x4d: {  	_ =	shalt  }
0x4e: {  	_ =	shalt  }
0x4f: {  	_ =	shalt  }
0x50: {  	_ =	shalt  }
0x51: {  	_ =	shalt  }
0x52: {  	_ =	shalt  }
0x53: {  	_ =	shalt  }
0x54: {  	_ =	shalt  }
0x55: {  	_ =	shalt  }
0x56: {  	_ =	shalt  }
0x57: {  	_ =	shalt  }
0x58: {  	_ =	shalt  }
0x59: {  	_ =	shalt  }
0x5a: {  	_ =	shalt  }
0x5b: {  	_ =	shalt  }
0x5c: {  	_ =	shalt  }
0x5d: {  	_ =	shalt  }
0x5e: {  	_ =	shalt  }
0x5f: {  	_ =	shalt  }
0x60: {  	_ =	shalt  }
0x61: {  	_ =	shalt  }
0x62: {  	_ =	shalt  }
0x63: {  	_ =	shalt  }
0x64: {  	_ =	shalt  }
0x65: {  	_ =	shalt  }
0x66: {  	_ =	shalt  }
0x67: {  	_ =	shalt  }
0x68: {  	_ =	shalt  }
0x69: {  	_ =	shalt  }
0x6a: {  	_ =	shalt  }
0x6b: {  	_ =	shalt  }
0x6c: {  	_ =	shalt  }
0x6d: {  	_ =	shalt  }
0x6e: {  	_ =	shalt  }
0x6f: {  	_ =	shalt  }
0x70: {  	_ =	shalt  }
0x71: {  	_ =	shalt  }
0x72: {  	_ =	shalt  }
0x73: {  	_ =	shalt  }
0x74: {  	_ =	shalt  }
0x75: {  	_ =	shalt  }
0x76: {  	_ =	shalt  }
0x77: {  	_ =	shalt  }
0x78: {  	_ =	shalt  }
0x79: {  	_ =	shalt  }
0x7a: {  	_ =	shalt  }
0x7b: {  	_ =	shalt  }
0x7c: {  	_ =	shalt  }
0x7d: {  	_ =	shalt  }
0x7e: {  	_ =	shalt  }
0x7f: {  	_ =	shalt  }
0x80: {  	_ =	shalt  }
0x81: {  	_ =	shalt  }
0x82: {  	_ =	shalt  }
0x83: {  	_ =	shalt  }
0x84: {  	_ =	shalt  }
0x85: {  	_ =	shalt  }
0x86: {  	_ =	shalt  }
0x87: {  	_ =	shalt  }
.Lfunc_end0:
.L_simem_size_0:
called_computation.2_lowered:
.L_overlay_start_0:
0x88: {  	s2 =	sld [smem:$0x3FD9]  }
0x89: {  	s3 =	sld [smem:$0x3FFE];
	_ =	sdelay $0x1  }
0x8a: {  	s1 =	srdreg.scid  }
0x8b: {  	s0 =	sand.u32 $0x1, s1  }
0x8c: {  	s16 =	sshll.u32 s0, $0xA;
	s2 =	sadd.s32 s3, s2  }
0x8d: {  	s2 =	sadd.s32 s2, s16  }
0x8e: {  	[smem:$0x3FBA] =	sst s2  }
0x8f: {  	_ = 	snop  }
0x90: {  	(tm) =	ssettm $0x1  }
0x91: {  	s17 =	sld [smem:$0x3FFB];
	_ =	sdelay $0x3  }
0x92: {  	_ =	strace s17  }
0x93: {  	s2 =	sld [smem:$0x3FFC];
	_ =	sdelay $0x3  }
0x94: {  	_ =	strace s2  }
0x95: {  	s2 =	sld [smem:$0x3FFD];
	_ =	sdelay $0x3  }
0x96: {  	_ =	strace s2  }
0x97: {  	_ =	strace $0x8FFFFFFF  }
0x98: {  	s18 =	sld [smem:$0x3FDB];
	_ =	sdelay $0x1  }
0x99: {  	s19 =	simm.s32 $_scs_section_size  }
0x9a: {  	s4 =	simm.s32 $_size__tile_overlayer_lowered;
	s5 =	simm.s32 $_tile_overlayer_lowered  }
0x9b: {  	s22 =	simm.s32 $0x1BFF;
	s21 =	sshll.u32 s5, $0x1;
	s2 =	sadd.s32 s19, s18  }
0x9c: {  	s6 =	simm.s32 $0x0;
	s20 =	sshll.u32 s4, $0x1;
	s4 =	sadd.s32 s21, s2  }
0x9d: {  	[timem:s6], [sflag:s22] =	dma.local [hbm:s4], s20  }
0x9e: {  	_ =	swait.ge [sflag:s22], s20  }
0x9f: {  	s3 =	ssub.s32 $0x0, s20;
	[sflag:s22] =	ssyncset.done $0x0  }
0xa0: {  	[sflag:s22] =	ssyncadd.s32 s3;
	_ =	sdelay $0x1  }
0xa1: {  	s23 =	simm.s32 $0x1B8B  }
0xa2: {  	_ =	swait.ge [sflag:s23], $0x1  }
0xa3: {  	[sflag:s23] =	ssyncset.done $0x0  }
0xa4: {  	s25 =	simm.s32 $0x1B8E;
	s24 =	sld [smem:$0x3FFE];
	[sflag:s23] =	ssyncadd.s32 $0xFFFFFFFF  }
0xa5: {  	s26 =	simm.s32 $execute0_lowered;
	[smem:$0x3FD2] =	sst s25  }
0xa6: {  	s4 =	sshll.u32 s26, $0x1;
	_ =	strace $0x8000004C;
	[dreg:$0x1] =	wrdreg $0xFFFFFFFF  }
0xa7: {  	s28 =	simm.s32 $_size_execute0_lowered;
	s2 =	sadd.s32 s2, s4;
	[dreg:$0x0] =	wrdreg $0x0  }
0xa8: {  	s4 =	sshll.u32 s28, $0x1;
	[dreg:$0x2] =	wrdreg s2  }
0xa9: {  	[dreg:$0x3] =	wrdreg s4  }
0xaa: {  	[dreg:$0x4] =	wrdreg $0xC0  }
0xab: {  	_ =	task [dreg:s6], $0x5FFFF  }
0xac: {  	[dreg:$0x1] =	wrdreg $0xFFFFFFFF  }
0xad: {  	[dreg:$0x0] =	wrdreg $0x60  }
0xae: {  	[dreg:$0x2] =	wrdreg s24  }
0xaf: {  	[dreg:$0x3] =	wrdreg $0x133500  }
0xb0: {  	[dreg:$0x4] =	wrdreg $0x70000  }
0xb1: {  	[dreg:$0x5] =	wrdreg $0x9  }
0xb2: {  	_ =	task.clear_ibuf [dreg:s6], $0x6FFFF;
	_ =	strace $0x9000004C  }
0xb3: {  	s29 =	simm.s32 $0x9;
	_ =	strace $0x8000004E  }
0xb4: {  	_ =	swait.ge [sflag:s29], $0x1  }
0xb5: {  	[sflag:s29] =	ssyncadd.s32 $0xFFFFFFFF  }
0xb6: {  	_ =	strace $0x9000004E  }
0xb7: {  	_ =	sfence  }
0xb8: {  	s30 =	sld [smem:$0x0];
	_ =	sdelay $0x2  }
0xb9: {  	s31 =	sshll.u32 s1, $0xD;
	s1 =	sshrl.u32 s1, $0x2  }
0xba: {  	s3 =	sand.u32 $0x4000, s31;
	s1 =	sadd.s32 s1, s30  }
0xbb: {  	s0 =	sor.u32 s3, s0;
	s1 =	sshll.u32 s1, $0x11  }
0xbc: {  	s0 =	sor.u32 s1, s0  }
0xbd: {  	s0 =	sadd.s32 $0x8F2B, s0  }
0xbe: {  	[sflag:s0] =	ssyncadd.remote.s32 $0x1  }
0xbf: {  	_ =	sfence.sel $0xFFFF  }
0xc0: {  	[dreg:$0x0] =	wrdreg $0xFFFFFFFF;
	(pc) =	sbr.abs _section_cstart, $3  }
0xc1: {  	[dreg:$0x1] =	wrdreg $0xFFFFFFFF  }
0xc2: {  	_ =	task.clear_ibuf [dreg:s6], $0x2FFFF;
	_ =	strace $0x9FFFFFFF  }
0xc3: {  	(tm) =	ssettm $0x7FFFFFFF  }
tec
execute0_lowered:
.L_overlay_start_1:
0x0: {  	(tag) =	ssettag $0x1  }
0x1: {  	s0 =	rddreg [dreg:$0x0]  }
0x2: {  	s1 =	srdreg.scid;
	s2 =	rddreg [dreg:$0x1]  }
0x3: {  	s11 =	stileid.u32;
	s3 =	rddreg [dreg:$0x2]  }
0x4: {  	s4 =	simm.s32 $0x0;
	s17 =	simm.s32 $0x200;
	s18 =	simm.s32 $0x300  }
0x5: {  	s19 =	simm.s32 $0x400;
	s20 =	simm.s32 $0x900;
	s21 =	simm.s32 $0x500  }
0x6: {  	s22 =	simm.s32 $0xA00;
	s23 =	simm.s32 $0x600;
	s24 =	simm.s32 $0xB00  }
0x7: {  	s25 =	simm.s32 $0x700;
	s26 =	simm.s32 $0xC00;
	s28 =	simm.s32 $0x5  }
0x8: {  	s29 =	simm.s32 $0x6;
	[smem:$0x7FF] =	sst s4;
	s12 =	sadd.s32 $0x4DE00, s0  }
0x9: {  	s30 =	simm.s32 $0xD00;
	_ =	strace $0x8000004D;
	[dreg:$0x10] =	wrdreg s12  }
0xa: {  	s31 =	simm.s32 $0xE00;
	s6 =	smul.u32 $0x186A0, s11;
	[dreg:$0x6] =	wrdreg s17  }
0xb: {  	s1 =	sand.u32 $0x1, s1;
	s7 =	smul.u32 $0x18800, s11;
	[dreg:$0x7] =	wrdreg s18  }
0xc: {  	s9 =	smul.u32 $0x1900, s11;
	s13 =	sshll.u32 s11, $0x6;
	[dreg:$0x8] =	wrdreg s19  }
0xd: {  	s11 =	simm.s32 $0xD;
	s5 =	smul.u32 $0x186A00, s1;
	[dreg:$0x9] =	wrdreg s20  }
0xe: {  	s8 =	smul.u32 $0x188000, s1;
	s1 =	ssub.s32 $0x2, s1;
	[dreg:$0xa] =	wrdreg s21  }
0xf: {  	s17 =	simm.s32 $0x3000;
	s18 =	simm.s32 $0x4000;
	[dreg:$0xb] =	wrdreg s22  }
0x10: {  	s19 =	simm.s32 $0x1;
	s20 =	simm.s32 $0x5000;
	[dreg:$0xc] =	wrdreg s23  }
0x11: {  	s21 =	simm.s32 $0x2;
	[dreg:$0xd] =	wrdreg s24;
	s22 =	simm.s32 $0x6000  }
0x12: {  	[dreg:$0xe] =	wrdreg s25;
	s23 =	simm.s32 $0x3;
	s24 =	simm.s32 $0x7  }
0x13: {  	[dreg:$0xf] =	wrdreg s26;
	s25 =	simm.s32 $0x4;
	s26 =	simm.s32 $0x8  }
0x14: {  	s12 =	simm.s32 $0x0;
	s9 =	sadd.s32 s9, s0;
	s10 =	sshrl.u32 s1, $0x1  }
0x15: {  	s5 =	sadd.s32 s6, s5;
	s8 =	sadd.s32 s7, s8;
	s1 =	ssub.s32 s1, s10  }
0x16: {  	s7 =	sshrl.u32 s7, $0x1;
	s6 =	sshrl.u32 s6, $0x1;
	s10 =	sor.u32 $0x1C0D, s13  }
0x17: {  	s14 =	sadd.s32 $0x2200, s9;
	s15 =	sadd.s32 $0x4F800, s9;
	s13 =	simm.s32 $0x800  }
0x18: {  	s5 =	sshrl.u32 s5, $0x4;
	s8 =	sshrl.u32 s8, $0x4;
	s7 =	sadd.s32 s7, s2  }
0x19: {  	s6 =	sadd.s32 s6, s3;
	s1 =	smax.u32 s1, $0x1;
	[dreg:$0x4] =	wrdreg s14  }
0x1a: {  	[dreg:$0x5] =	wrdreg s15;
	s14 =	simm.s32 $0x100;
	s15 =	simm.s32 $0x1000  }
0x1b: {  	[dreg:$0x11] =	wrdreg s10;
	s5 =	sadd.s32 s5, s0;
	s0 =	sadd.s32 s8, s0  }
0x1c: {  	[dreg:$0x14] =	wrdreg s1;
	s9 =	sshrl.u32 s7, $0x3;
	s16 =	sshrl.u32 s6, $0x3  }
0x1d: {  	s1 =	simm.s32 $0xF00;
	s7 =	simm.s32 $0xB;
	[dreg:$0x16] =	wrdreg s16  }
0x1e: {  	s8 =	simm.s32 $0xC;
	s5 =	sadd.s32 $0x1B200, s5;
	[dreg:$0x15] =	wrdreg s9  }
0x1f: {  	s0 =	sadd.s32 $0x1EFE00, s0;
	s16 =	simm.s32 $0x2000;
	[dreg:$0x12] =	wrdreg s5  }
0x20: {  	[dreg:$0x13] =	wrdreg s0;
	s0 =	simm.s32 $0x9;
	s5 =	simm.s32 $0xA  }
.LBB2_1:
0x21: {  	[dreg:$0x17] =	wrdreg s12  }
0x22: {  	s6 =	rddreg [dreg:$0x10]  }
0x23: {  	[spmem:s9], [sflag:s10] =	dma.local [hbm:s6], $0x1880  }
0x24: {  	_ =	swait.ge [sflag:s11], $0x1880  }
0x25: {  	[sflag:s11] =	ssyncset.done $0x0;
	s9 =	rddreg [dreg:$0x12]  }
0x26: {  	s12 =	rddreg [dreg:$0x16];
	[sflag:s11] =	ssyncadd.s32 $0xFFFFE780  }
0x27: {  	[spmem:s12], [sflag:s10] =	dma.local [hbm:s9], $0x186A  }
0x28: {  	_ =	swait.ge [sflag:s11], $0x186A  }
0x29: {  	[sflag:s11] =	ssyncset.done $0x0  }
0x2a: {  	[sflag:s11] =	ssyncadd.s32 $0xFFFFE796  }
0x2b: {  	[bflag:$0x0] =	sbarrier.arrive $0xFFFF  }
0x2c: {  	s9 =	rddreg [dreg:$0x5]  }
0x2d: {  	s6 =	sadd.s32 $0x0, s9  }
0x2e: {  	[tilespmem:s4], [sflag:$0xD] =	stream.linear.gather [hbm4b:s6+s4], $0x800, $0x38;
	[tilespmem:$0x1F750] =	vst v63  }
0x2f: {  	_ =	swait.ge [sflag:s11], $0x800  }
0x30: {  	s10 =	rddreg [dreg:$0x4];
	[sflag:s11] =	ssyncset.done $0x0  }
0x31: {  	[sflag:s11] =	ssyncadd.s32 $0xFFFFF800;
	s6 =	sadd.s32 $0x0, s10  }
0x32: {  	[tilespmem:s13], [sflag:$0xD] =	stream.linear.gather [hbm4b:s6+s4], $0x800, $0x38;
	[tilespmem:$0x1F750] =	vst v63  }
0x33: {  	_ =	swait.ge [sflag:s11], $0x800  }
0x34: {  	[sflag:s11] =	ssyncset.done $0x0  }
0x35: {  	[sflag:s11] =	ssyncadd.s32 $0xFFFFF800  }
0x36: {  	[tilespmem:s15], [sflag:$0x1] =	stream.indirect.gather [spmem:s3], $0x10, s4, s14, $0xb8;
	[tilespmem:$0x1F750] =	vst v63  }
0x37: {  	_ = 	snop  }
0x38: {  	[tilespmem:s16], [sflag:$0x2] =	stream.indirect.gather [spmem:s3], $0x10, s14, s14, $0xb8;
	[tilespmem:$0x1F750] =	vst v63  }
0x39: {  	s12 =	rddreg [dreg:$0x6]  }
0x3a: {  	[tilespmem:s17], [sflag:$0x3] =	stream.indirect.gather [spmem:s3], $0x10, s12, s14, $0xb8;
	[tilespmem:$0x1F750] =	vst v63  }
0x3b: {  	s9 =	rddreg [dreg:$0x7]  }
0x3c: {  	[tilespmem:s18], [sflag:$0x4] =	stream.indirect.gather [spmem:s3], $0x10, s9, s14, $0xb8;
	[tilespmem:$0x1F750] =	vst v63  }
0x3d: {  	_ =	swait.ge [sflag:s19], $0x1000  }
0x3e: {  	[sflag:s19] =	ssyncset.done $0x0  }
0x3f: {  	[sflag:s19] =	ssyncadd.s32 $0xFFFFF000  }
0x40: {  	[spmem:s2] =	stream.indirect.scatter.add.bf16 [tilespmem:s15], [sflag:$0x7], $0x10, s13, s14, $0xb8;
	[tilespmem:$0x1F750] =	vst v63  }
0x41: {  	s10 =	rddreg [dreg:$0x8]  }
0x42: {  	[tilespmem:s20], [sflag:$0x5] =	stream.indirect.gather [spmem:s3], $0x10, s10, s14, $0xb8;
	[tilespmem:$0x1F750] =	vst v63  }
0x43: {  	_ =	swait.ge [sflag:s21], $0x1000  }
0x44: {  	[sflag:s21] =	ssyncset.done $0x0  }
0x45: {  	s12 =	rddreg [dreg:$0x9];
	[sflag:s21] =	ssyncadd.s32 $0xFFFFF000  }
0x46: {  	[spmem:s2] =	stream.indirect.scatter.add.bf16 [tilespmem:s16], [sflag:$0x8], $0x10, s12, s14, $0xb8;
	[tilespmem:$0x1F750] =	vst v63  }
0x47: {  	s9 =	rddreg [dreg:$0xa]  }
0x48: {  	[tilespmem:s22], [sflag:$0x6] =	stream.indirect.gather [spmem:s3], $0x10, s9, s14, $0xb8;
	[tilespmem:$0x1F750] =	vst v63  }
0x49: {  	_ =	swait.ge [sflag:s23], $0x1000  }
0x4a: {  	[sflag:s23] =	ssyncset.done $0x0  }
0x4b: {  	s10 =	rddreg [dreg:$0xb];
	[sflag:s23] =	ssyncadd.s32 $0xFFFFF000  }
0x4c: {  	[spmem:s2] =	stream.indirect.scatter.add.bf16 [tilespmem:s17], [sflag:$0x9], $0x10, s10, s14, $0xb8;
	[tilespmem:$0x1F750] =	vst v63  }
0x4d: {  	_ =	swait.ge [sflag:s24], $0x1000  }
0x4e: {  	[sflag:s24] =	ssyncset.done $0x0  }
0x4f: {  	s12 =	rddreg [dreg:$0xc];
	[sflag:s24] =	ssyncadd.s32 $0xFFFFF000  }
0x50: {  	[tilespmem:s15], [sflag:$0x1] =	stream.indirect.gather [spmem:s3], $0x10, s12, s14, $0xb8;
	[tilespmem:$0x1F750] =	vst v63  }
0x51: {  	_ =	swait.ge [sflag:s25], $0x1000  }
0x52: {  	[sflag:s25] =	ssyncset.done $0x0  }
0x53: {  	s9 =	rddreg [dreg:$0xd];
	[sflag:s25] =	ssyncadd.s32 $0xFFFFF000  }
0x54: {  	[spmem:s2] =	stream.indirect.scatter.add.bf16 [tilespmem:s18], [sflag:$0xA], $0x10, s9, s14, $0xb8;
	[tilespmem:$0x1F750] =	vst v63  }
0x55: {  	_ =	swait.ge [sflag:s26], $0x1000  }
0x56: {  	[sflag:s26] =	ssyncset.done $0x0  }
0x57: {  	s10 =	rddreg [dreg:$0xe];
	[sflag:s26] =	ssyncadd.s32 $0xFFFFF000  }
0x58: {  	[tilespmem:s16], [sflag:$0x2] =	stream.indirect.gather [spmem:s3], $0x10, s10, s14, $0xb8;
	[tilespmem:$0x1F750] =	vst v63  }
0x59: {  	_ =	swait.ge [sflag:s28], $0x1000  }
0x5a: {  	[sflag:s28] =	ssyncset.done $0x0  }
0x5b: {  	s12 =	rddreg [dreg:$0xf];
	[sflag:s28] =	ssyncadd.s32 $0xFFFFF000  }
0x5c: {  	[spmem:s2] =	stream.indirect.scatter.add.bf16 [tilespmem:s20], [sflag:$0xB], $0x10, s12, s14, $0xb8;
	[tilespmem:$0x1F750] =	vst v63  }
0x5d: {  	_ =	swait.ge [sflag:s29], $0x1000  }
0x5e: {  	[sflag:s29] =	ssyncset.done $0x0  }
0x5f: {  	[sflag:s29] =	ssyncadd.s32 $0xFFFFF000  }
0x60: {  	[spmem:s2] =	stream.indirect.scatter.add.bf16 [tilespmem:s22], [sflag:$0xC], $0x10, s30, s14, $0xb8;
	[tilespmem:$0x1F750] =	vst v63  }
0x61: {  	_ =	swait.ge [sflag:s19], $0x1000  }
0x62: {  	[sflag:s19] =	ssyncset.done $0x0  }
0x63: {  	[sflag:s19] =	ssyncadd.s32 $0xFFFFF000  }
0x64: {  	[spmem:s2] =	stream.indirect.scatter.add.bf16 [tilespmem:s15], [sflag:$0x7], $0x10, s31, s14, $0xb8;
	[tilespmem:$0x1F750] =	vst v63  }
0x65: {  	_ =	swait.ge [sflag:s21], $0x1000  }
0x66: {  	[sflag:s21] =	ssyncset.done $0x0  }
0x67: {  	[sflag:s21] =	ssyncadd.s32 $0xFFFFF000  }
0x68: {  	[spmem:s2] =	stream.indirect.scatter.add.bf16 [tilespmem:s16], [sflag:$0x8], $0x10, s1, s14, $0xb8;
	[tilespmem:$0x1F750] =	vst v63  }
0x69: {  	_ =	swait.ge [sflag:s0], $0x1000  }
0x6a: {  	[sflag:s0] =	ssyncset.done $0x0  }
0x6b: {  	[sflag:s0] =	ssyncadd.s32 $0xFFFFF000  }
0x6c: {  	_ =	swait.ge [sflag:s5], $0x1000  }
0x6d: {  	[sflag:s5] =	ssyncset.done $0x0  }
0x6e: {  	[sflag:s5] =	ssyncadd.s32 $0xFFFFF000  }
0x6f: {  	_ =	swait.ge [sflag:s7], $0x1000  }
0x70: {  	[sflag:s7] =	ssyncset.done $0x0  }
0x71: {  	[sflag:s7] =	ssyncadd.s32 $0xFFFFF000  }
0x72: {  	_ =	swait.ge [sflag:s8], $0x1000  }
0x73: {  	[sflag:s8] =	ssyncset.done $0x0  }
0x74: {  	[sflag:s8] =	ssyncadd.s32 $0xFFFFF000  }
0x75: {  	_ =	swait.ge [sflag:s24], $0x1000  }
0x76: {  	[sflag:s24] =	ssyncset.done $0x0  }
0x77: {  	[sflag:s24] =	ssyncadd.s32 $0xFFFFF000  }
0x78: {  	s10 =	simm.s32 $0x200;
	_ =	swait.ge [sflag:s26], $0x1000  }
0x79: {  	s12 =	simm.s32 $0x100;
	s6 =	rddreg [dreg:$0x5];
	[sflag:s26] =	ssyncset.done $0x0  }
.LBB2_2:
0x7a: {  	[sflag:s26] =	ssyncadd.s32 $0xFFFFF000;
	s6 =	sadd.s32 s12, s6  }
0x7b: {  	[tilespmem:s4], [sflag:$0xD] =	stream.linear.gather [hbm4b:s6+s4], $0x800, $0x38;
	[tilespmem:$0x1F750] =	vst v63  }
0x7c: {  	_ =	swait.ge [sflag:s11], $0x800  }
0x7d: {  	s6 =	rddreg [dreg:$0x4];
	[sflag:s11] =	ssyncset.done $0x0  }
0x7e: {  	[sflag:s11] =	ssyncadd.s32 $0xFFFFF800;
	s6 =	sadd.s32 s12, s6  }
0x7f: {  	[tilespmem:s13], [sflag:$0xD] =	stream.linear.gather [hbm4b:s6+s4], $0x800, $0x38;
	[tilespmem:$0x1F750] =	vst v63  }
0x80: {  	_ =	swait.ge [sflag:s11], $0x800  }
0x81: {  	[sflag:s11] =	ssyncset.done $0x0  }
0x82: {  	[sflag:s11] =	ssyncadd.s32 $0xFFFFF800  }
0x83: {  	[tilespmem:s15], [sflag:$0x1] =	stream.indirect.gather [spmem:s3], $0x10, s4, s14, $0xb8;
	[tilespmem:$0x1F750] =	vst v63  }
0x84: {  	_ = 	snop  }
0x85: {  	[tilespmem:s16], [sflag:$0x2] =	stream.indirect.gather [spmem:s3], $0x10, s14, s14, $0xb8;
	[tilespmem:$0x1F750] =	vst v63  }
0x86: {  	s9 =	smov.u32 s10;
	s6 =	rddreg [dreg:$0x6]  }
0x87: {  	[tilespmem:s17], [sflag:$0x3] =	stream.indirect.gather [spmem:s3], $0x10, s6, s14, $0xb8;
	[tilespmem:$0x1F750] =	vst v63  }
0x88: {  	s12 =	smov.u32 s9;
	s9 =	rddreg [dreg:$0x7]  }
0x89: {  	[tilespmem:s18], [sflag:$0x4] =	stream.indirect.gather [spmem:s3], $0x10, s9, s14, $0xb8;
	[tilespmem:$0x1F750] =	vst v63  }
0x8a: {  	_ =	swait.ge [sflag:s19], $0x1000  }
0x8b: {  	[sflag:s19] =	ssyncset.done $0x0  }
0x8c: {  	[sflag:s19] =	ssyncadd.s32 $0xFFFFF000  }
0x8d: {  	[spmem:s2] =	stream.indirect.scatter.add.bf16 [tilespmem:s15], [sflag:$0x7], $0x10, s13, s14, $0xb8;
	[tilespmem:$0x1F750] =	vst v63  }
0x8e: {  	s9 =	rddreg [dreg:$0x8]  }
0x8f: {  	[tilespmem:s20], [sflag:$0x5] =	stream.indirect.gather [spmem:s3], $0x10, s9, s14, $0xb8;
	[tilespmem:$0x1F750] =	vst v63  }
0x90: {  	_ =	swait.ge [sflag:s21], $0x1000  }
0x91: {  	[sflag:s21] =	ssyncset.done $0x0  }
0x92: {  	s6 =	rddreg [dreg:$0x9];
	[sflag:s21] =	ssyncadd.s32 $0xFFFFF000  }
0x93: {  	[spmem:s2] =	stream.indirect.scatter.add.bf16 [tilespmem:s16], [sflag:$0x8], $0x10, s6, s14, $0xb8;
	[tilespmem:$0x1F750] =	vst v63  }
0x94: {  	s9 =	rddreg [dreg:$0xa]  }
0x95: {  	[tilespmem:s22], [sflag:$0x6] =	stream.indirect.gather [spmem:s3], $0x10, s9, s14, $0xb8;
	[tilespmem:$0x1F750] =	vst v63  }
0x96: {  	_ =	swait.ge [sflag:s23], $0x1000  }
0x97: {  	[sflag:s23] =	ssyncset.done $0x0  }
0x98: {  	s9 =	rddreg [dreg:$0xb];
	[sflag:s23] =	ssyncadd.s32 $0xFFFFF000  }
0x99: {  	[spmem:s2] =	stream.indirect.scatter.add.bf16 [tilespmem:s17], [sflag:$0x9], $0x10, s9, s14, $0xb8;
	[tilespmem:$0x1F750] =	vst v63  }
0x9a: {  	_ =	swait.ge [sflag:s24], $0x1000  }
0x9b: {  	[sflag:s24] =	ssyncset.done $0x0  }
0x9c: {  	s9 =	rddreg [dreg:$0xc];
	[sflag:s24] =	ssyncadd.s32 $0xFFFFF000  }
0x9d: {  	[tilespmem:s15], [sflag:$0x1] =	stream.indirect.gather [spmem:s3], $0x10, s9, s14, $0xb8;
	[tilespmem:$0x1F750] =	vst v63  }
0x9e: {  	_ =	swait.ge [sflag:s25], $0x1000  }
0x9f: {  	[sflag:s25] =	ssyncset.done $0x0  }
0xa0: {  	s9 =	rddreg [dreg:$0xd];
	[sflag:s25] =	ssyncadd.s32 $0xFFFFF000  }
0xa1: {  	[spmem:s2] =	stream.indirect.scatter.add.bf16 [tilespmem:s18], [sflag:$0xA], $0x10, s9, s14, $0xb8;
	[tilespmem:$0x1F750] =	vst v63  }
0xa2: {  	_ =	swait.ge [sflag:s26], $0x1000  }
0xa3: {  	[sflag:s26] =	ssyncset.done $0x0  }
0xa4: {  	s9 =	rddreg [dreg:$0xe];
	[sflag:s26] =	ssyncadd.s32 $0xFFFFF000  }
0xa5: {  	[tilespmem:s16], [sflag:$0x2] =	stream.indirect.gather [spmem:s3], $0x10, s9, s14, $0xb8;
	[tilespmem:$0x1F750] =	vst v63  }
0xa6: {  	_ =	swait.ge [sflag:s28], $0x1000  }
0xa7: {  	[sflag:s28] =	ssyncset.done $0x0  }
0xa8: {  	s9 =	rddreg [dreg:$0xf];
	[sflag:s28] =	ssyncadd.s32 $0xFFFFF000  }
0xa9: {  	[spmem:s2] =	stream.indirect.scatter.add.bf16 [tilespmem:s20], [sflag:$0xB], $0x10, s9, s14, $0xb8;
	[tilespmem:$0x1F750] =	vst v63  }
0xaa: {  	_ =	swait.ge [sflag:s29], $0x1000  }
0xab: {  	[sflag:s29] =	ssyncset.done $0x0  }
0xac: {  	[sflag:s29] =	ssyncadd.s32 $0xFFFFF000  }
0xad: {  	[spmem:s2] =	stream.indirect.scatter.add.bf16 [tilespmem:s22], [sflag:$0xC], $0x10, s30, s14, $0xb8;
	[tilespmem:$0x1F750] =	vst v63  }
0xae: {  	_ =	swait.ge [sflag:s19], $0x1000  }
0xaf: {  	[sflag:s19] =	ssyncset.done $0x0  }
0xb0: {  	[sflag:s19] =	ssyncadd.s32 $0xFFFFF000  }
0xb1: {  	[spmem:s2] =	stream.indirect.scatter.add.bf16 [tilespmem:s15], [sflag:$0x7], $0x10, s31, s14, $0xb8;
	[tilespmem:$0x1F750] =	vst v63  }
0xb2: {  	_ =	swait.ge [sflag:s21], $0x1000  }
0xb3: {  	[sflag:s21] =	ssyncset.done $0x0  }
0xb4: {  	[sflag:s21] =	ssyncadd.s32 $0xFFFFF000  }
0xb5: {  	[spmem:s2] =	stream.indirect.scatter.add.bf16 [tilespmem:s16], [sflag:$0x8], $0x10, s1, s14, $0xb8;
	[tilespmem:$0x1F750] =	vst v63  }
0xb6: {  	_ =	swait.ge [sflag:s0], $0x1000  }
0xb7: {  	[sflag:s0] =	ssyncset.done $0x0  }
0xb8: {  	[sflag:s0] =	ssyncadd.s32 $0xFFFFF000  }
0xb9: {  	_ =	swait.ge [sflag:s5], $0x1000  }
0xba: {  	[sflag:s5] =	ssyncset.done $0x0  }
0xbb: {  	[sflag:s5] =	ssyncadd.s32 $0xFFFFF000  }
0xbc: {  	_ =	swait.ge [sflag:s7], $0x1000  }
0xbd: {  	[sflag:s7] =	ssyncset.done $0x0  }
0xbe: {  	[sflag:s7] =	ssyncadd.s32 $0xFFFFF000  }
0xbf: {  	_ =	swait.ge [sflag:s8], $0x1000  }
0xc0: {  	[sflag:s8] =	ssyncset.done $0x0  }
0xc1: {  	p0 =	sne.s32 s10, $0x1800;
	[sflag:s8] =	ssyncadd.s32 $0xFFFFF000  }
.Ltmp0:
0xc2: {  	_ =	swait.ge [sflag:s24], $0x1000;
	(pc) =	sbr.rel @p0 .LBB2_2-.Ltmp0, $4  }
0xc3: {  	[sflag:s24] =	ssyncset.done $0x0  }
0xc4: {  	[sflag:s24] =	ssyncadd.s32 $0xFFFFF000  }
0xc5: {  	_ =	swait.ge [sflag:s26], $0x1000  }
0xc6: {  	s10 =	sadd.s32 $0x100, s10;
	s6 =	rddreg [dreg:$0x5];
	[sflag:s26] =	ssyncset.done $0x0  }
0xc7: {  	[sflag:s26] =	ssyncadd.s32 $0xFFFFF000;
	s6 =	sadd.s32 s12, s6  }
0xc8: {  	[tilespmem:s4], [sflag:$0xD] =	stream.linear.gather [hbm4b:s6+s4], $0x800, $0x38;
	[tilespmem:$0x1F750] =	vst v63  }
0xc9: {  	_ =	swait.ge [sflag:s11], $0x800  }
0xca: {  	s10 =	rddreg [dreg:$0x4];
	[sflag:s11] =	ssyncset.done $0x0  }
0xcb: {  	[sflag:s11] =	ssyncadd.s32 $0xFFFFF800;
	s6 =	sadd.s32 s12, s10  }
0xcc: {  	[tilespmem:s13], [sflag:$0xD] =	stream.linear.gather [hbm4b:s6+s4], $0x800, $0x38;
	[tilespmem:$0x1F750] =	vst v63  }
0xcd: {  	_ =	swait.ge [sflag:s11], $0x800  }
0xce: {  	[sflag:s11] =	ssyncset.done $0x0  }
0xcf: {  	[sflag:s11] =	ssyncadd.s32 $0xFFFFF800  }
0xd0: {  	[tilespmem:s15], [sflag:$0x1] =	stream.indirect.gather [spmem:s3], $0x10, s4, s14, $0xb8;
	[tilespmem:$0x1F750] =	vst v63  }
0xd1: {  	_ = 	snop  }
0xd2: {  	[tilespmem:s16], [sflag:$0x2] =	stream.indirect.gather [spmem:s3], $0x10, s14, s14, $0xb8;
	[tilespmem:$0x1F750] =	vst v63  }
0xd3: {  	s12 =	rddreg [dreg:$0x6]  }
0xd4: {  	[tilespmem:s17], [sflag:$0x3] =	stream.indirect.gather [spmem:s3], $0x10, s12, s14, $0xb8;
	[tilespmem:$0x1F750] =	vst v63  }
0xd5: {  	s9 =	rddreg [dreg:$0x7]  }
0xd6: {  	[tilespmem:s18], [sflag:$0x4] =	stream.indirect.gather [spmem:s3], $0x10, s9, s14, $0xb8;
	[tilespmem:$0x1F750] =	vst v63  }
0xd7: {  	_ =	swait.ge [sflag:s19], $0x1000  }
0xd8: {  	[sflag:s19] =	ssyncset.done $0x0  }
0xd9: {  	[sflag:s19] =	ssyncadd.s32 $0xFFFFF000  }
0xda: {  	[spmem:s2] =	stream.indirect.scatter.add.bf16 [tilespmem:s15], [sflag:$0x7], $0x10, s13, s14, $0xb8;
	[tilespmem:$0x1F750] =	vst v63  }
0xdb: {  	s9 =	rddreg [dreg:$0x8]  }
0xdc: {  	[tilespmem:s20], [sflag:$0x5] =	stream.indirect.gather [spmem:s3], $0x10, s9, s14, $0xb8;
	[tilespmem:$0x1F750] =	vst v63  }
0xdd: {  	_ =	swait.ge [sflag:s21], $0x1000  }
0xde: {  	[sflag:s21] =	ssyncset.done $0x0  }
0xdf: {  	s10 =	rddreg [dreg:$0x9];
	[sflag:s21] =	ssyncadd.s32 $0xFFFFF000  }
0xe0: {  	[spmem:s2] =	stream.indirect.scatter.add.bf16 [tilespmem:s16], [sflag:$0x8], $0x10, s10, s14, $0xb8;
	[tilespmem:$0x1F750] =	vst v63  }
0xe1: {  	s12 =	rddreg [dreg:$0xa]  }
0xe2: {  	[tilespmem:s22], [sflag:$0x6] =	stream.indirect.gather [spmem:s3], $0x10, s12, s14, $0xb8;
	[tilespmem:$0x1F750] =	vst v63  }
0xe3: {  	_ =	swait.ge [sflag:s23], $0x1000  }
0xe4: {  	[sflag:s23] =	ssyncset.done $0x0  }
0xe5: {  	s9 =	rddreg [dreg:$0xb];
	[sflag:s23] =	ssyncadd.s32 $0xFFFFF000  }
0xe6: {  	[spmem:s2] =	stream.indirect.scatter.add.bf16 [tilespmem:s17], [sflag:$0x9], $0x10, s9, s14, $0xb8;
	[tilespmem:$0x1F750] =	vst v63  }
0xe7: {  	_ =	swait.ge [sflag:s24], $0x1000  }
0xe8: {  	[sflag:s24] =	ssyncset.done $0x0  }
0xe9: {  	s10 =	rddreg [dreg:$0xc];
	[sflag:s24] =	ssyncadd.s32 $0xFFFFF000  }
0xea: {  	[tilespmem:s15], [sflag:$0x1] =	stream.indirect.gather [spmem:s3], $0x10, s10, s14, $0xb8;
	[tilespmem:$0x1F750] =	vst v63  }
0xeb: {  	_ =	swait.ge [sflag:s25], $0x1000  }
0xec: {  	[sflag:s25] =	ssyncset.done $0x0  }
0xed: {  	s12 =	rddreg [dreg:$0xd];
	[sflag:s25] =	ssyncadd.s32 $0xFFFFF000  }
0xee: {  	[spmem:s2] =	stream.indirect.scatter.add.bf16 [tilespmem:s18], [sflag:$0xA], $0x10, s12, s14, $0xb8;
	[tilespmem:$0x1F750] =	vst v63  }
0xef: {  	_ =	swait.ge [sflag:s26], $0x1000  }
0xf0: {  	[sflag:s26] =	ssyncset.done $0x0  }
0xf1: {  	s9 =	rddreg [dreg:$0xe];
	[sflag:s26] =	ssyncadd.s32 $0xFFFFF000  }
0xf2: {  	[tilespmem:s16], [sflag:$0x2] =	stream.indirect.gather [spmem:s3], $0x10, s9, s14, $0xb8;
	[tilespmem:$0x1F750] =	vst v63  }
0xf3: {  	_ =	swait.ge [sflag:s28], $0x1000  }
0xf4: {  	[sflag:s28] =	ssyncset.done $0x0  }
0xf5: {  	s10 =	rddreg [dreg:$0xf];
	[sflag:s28] =	ssyncadd.s32 $0xFFFFF000  }
0xf6: {  	[spmem:s2] =	stream.indirect.scatter.add.bf16 [tilespmem:s20], [sflag:$0xB], $0x10, s10, s14, $0xb8;
	[tilespmem:$0x1F750] =	vst v63  }
0xf7: {  	_ =	swait.ge [sflag:s29], $0x1000  }
0xf8: {  	[sflag:s29] =	ssyncset.done $0x0  }
0xf9: {  	[sflag:s29] =	ssyncadd.s32 $0xFFFFF000  }
0xfa: {  	[spmem:s2] =	stream.indirect.scatter.add.bf16 [tilespmem:s22], [sflag:$0xC], $0x10, s30, s14, $0xb8;
	[tilespmem:$0x1F750] =	vst v63  }
0xfb: {  	_ =	swait.ge [sflag:s19], $0x1000  }
0xfc: {  	[sflag:s19] =	ssyncset.done $0x0  }
0xfd: {  	[sflag:s19] =	ssyncadd.s32 $0xFFFFF000  }
0xfe: {  	[spmem:s2] =	stream.indirect.scatter.add.bf16 [tilespmem:s15], [sflag:$0x7], $0x10, s31, s14, $0xb8;
	[tilespmem:$0x1F750] =	vst v63  }
0xff: {  	_ =	swait.ge [sflag:s21], $0x1000  }
0x100: {  	[sflag:s21] =	ssyncset.done $0x0  }
0x101: {  	[sflag:s21] =	ssyncadd.s32 $0xFFFFF000  }
0x102: {  	[spmem:s2] =	stream.indirect.scatter.add.bf16 [tilespmem:s16], [sflag:$0x8], $0x10, s1, s14, $0xb8;
	[tilespmem:$0x1F750] =	vst v63  }
0x103: {  	_ =	swait.ge [sflag:s0], $0x1000  }
0x104: {  	[sflag:s0] =	ssyncset.done $0x0  }
0x105: {  	[sflag:s0] =	ssyncadd.s32 $0xFFFFF000  }
0x106: {  	_ =	swait.ge [sflag:s5], $0x1000  }
0x107: {  	[sflag:s5] =	ssyncset.done $0x0  }
0x108: {  	[sflag:s5] =	ssyncadd.s32 $0xFFFFF000  }
0x109: {  	_ =	swait.ge [sflag:s7], $0x1000  }
0x10a: {  	[sflag:s7] =	ssyncset.done $0x0  }
0x10b: {  	[sflag:s7] =	ssyncadd.s32 $0xFFFFF000  }
0x10c: {  	_ =	swait.ge [sflag:s8], $0x1000  }
0x10d: {  	[sflag:s8] =	ssyncset.done $0x0  }
0x10e: {  	[sflag:s8] =	ssyncadd.s32 $0xFFFFF000  }
0x10f: {  	_ =	swait.ge [sflag:s24], $0x1000  }
0x110: {  	[sflag:s24] =	ssyncset.done $0x0  }
0x111: {  	[sflag:s24] =	ssyncadd.s32 $0xFFFFF000  }
0x112: {  	_ =	swait.ge [sflag:s26], $0x1000  }
0x113: {  	[sflag:s26] =	ssyncset.done $0x0  }
0x114: {  	[sflag:s26] =	ssyncadd.s32 $0xFFFFF000  }
0x115: {  	[bflag:$0x0] =	sbarrier.arrive $0xFFFF  }
0x116: {  	s10 =	rddreg [dreg:$0x11]  }
0x117: {  	s12 =	rddreg [dreg:$0x13]  }
0x118: {  	s9 =	rddreg [dreg:$0x15]  }
0x119: {  	[hbm:s12], [sflag:s10] =	dma.local [spmem:s9], $0x1880  }
0x11a: {  	_ =	swait.ge [sflag:s11], $0x1880  }
0x11b: {  	s6 =	rddreg [dreg:$0x17]  }
0x11c: {  	s12 =	sadd.s32 $0x1, s6;
	s6 =	rddreg [dreg:$0x14]  }
0x11d: {  	p0 =	sne.s32 s12, s6  }
.Ltmp1:
0x11e: {  	_ = 	snop;
	(pc) =	sbr.rel @p0 .LBB2_1-.Ltmp1, $3  }
0x11f: {  	_ =	sdelay $0x1  }
0x120: {  	[sflag:s11] =	ssyncset.done $0x0  }
0x121: {  	[sflag:s11] =	ssyncadd.s32 $0xFFFFE780  }
0x122: {  	_ =	sfence.sel $0x180000  }
0x123: {  	[bflag:$0x0] =	sbarrier.arrive $0xFFFF  }
0x124: {  	_ =	strace $0x9000004D  }
0x125: {  	s0 =	stileid.u32;
	[bflag:$0x2] =	sbarrier.arrive $0xFFFF  }
0x126: {  	p0 =	sne.s32 s0, $0x0;
	s0 =	rddreg [dreg:$0x3]  }
0x127: {  	s0 =	sadd.s32 @!p0 $0x100000, s0  }
0x128: {  	[sflag:s0] =	ssyncadd.tile.s32 @!p0 $0x1;
	_ =	shalt  }
.Lfunc_end2:
_tile_overlayer_lowered:
.L_overlay_start_2:
0x129: {  	(tag) =	ssettag $0x2  }
0x12a: {  	s0 =	rddreg [dreg:$0x0];
	s2 =	stileid.u32  }
0x12b: {  	s1 =	rddreg [dreg:$0x1];
	p0 =	sne.s32 s2, $0x0  }
0x12c: {  	s3 =	rddreg [dreg:$0x2];
	[bflag:$0x3] =	sbarrier.arrive $0xFFFF;
	s2 =	simm.s32 @!p0 $0x1C0D  }
0x12d: {  	[timem:s3], [sflag:s2] =	dma.local @!p0 [hbm:s0], s1  }
0x12e: {  	s0 =	simm.s32 @!p0 $0xD  }
0x12f: {  	_ =	swait.ge @!p0 [sflag:s0], s1  }
0x130: {  	s1 =	ssub.s32 @!p0 $0x0, s1;
	[sflag:s0] =	ssyncset.done @!p0 $0x0  }
0x131: {  	[sflag:s0] =	ssyncadd.s32 @!p0 s1  }
0x132: {  	[bflag:$0x3] =	sbarrier.arrive $0xFFFF  }
0x133: {  	_ =	shalt  }

// kernel: kernel.20.cloned.1.call-start
scs
__scs_entry_jumppad:
0x0: {  	(pc) =	sbr.rel $0x88, $3  }
0x1: {  	(tag) =	ssettag $0x0;
	lr =	simm.s32 $0x1  }
0x2: {  	[smem:$0x3F93] =	sst lr;
	_ =	strace $0xD0000000  }
0x3: {  	_ = 	snop  }
0x4: {  	_ = 	snop  }
0x5: {  	_ = 	snop  }
0x6: {  	_ = 	snop  }
0x7: {  	_ = 	snop  }
__scs_overlays_trampoline_lowered:
0x8: {  	[smem:$0x3FA2] =	sst s0  }
0x9: {  	[smem:$0x3FA3] =	sst s1  }
0xa: {  	[smem:$0x3FA4] =	sst s2  }
0xb: {  	[smem:$0x3FA5] =	sst s3  }
0xc: {  	[smem:$0x3FA6] =	sst s4  }
0xd: {  	[smem:$0x3FA7] =	sst s5  }
0xe: {  	[smem:$0x3FA8] =	sst s6  }
0xf: {  	[smem:$0x3FA9] =	sst s7  }
0x10: {  	[smem:$0x3FAA] =	sst s8  }
0x11: {  	[smem:$0x3FAB] =	sst s9;
	s0 =	simm.s32 @!p0 $0x0  }
0x12: {  	s1 =	sld [smem:$0x3F91];
	s0 =	simm.s32 @p0 $0x1  }
0x13: {  	[smem:$0x3FAC] =	sst s0;
	s0 =	simm.s32 @!p1 $0x0  }
0x14: {  	s2 =	sld [smem:$0x3F90];
	s0 =	simm.s32 @p1 $0x1  }
0x15: {  	[smem:$0x3FAD] =	sst s0;
	s0 =	simm.s32 @!p2 $0x0  }
0x16: {  	s3 =	sld [smem:$0x3FDB];
	s0 =	simm.s32 @p2 $0x1  }
0x17: {  	s4 =	simm.s32 $0x1BF5;
	[smem:$0x3FAF] =	sst s0  }
0x18: {  	s0 =	sld [smem:$0x3F92];
	_ =	swait.ge [sflag:s4], $0x0  }
0x19: {  	s7 =	sld [smem:$0x3F93]  }
0x1a: {  	s8 =	sadd.s32 $0xFFFFE003, lr  }
0x1b: {  	s9 =	sadd.s32 $0xFFFFFEF7, lr;
	s5 =	simm.s32 $0xFFFFFFFF;
	p2 =	slt.u32 s8, $0xFFFFF086  }
0x1c: {  	p1 =	slt.u32 s9, $0xF7A;
	s5 =	simm.s32 @!p2 $0x0  }
0x1d: {  	s5 =	simm.s32 @p1 $0x1;
	p0 =	seq.s32 s7, s2  }
0x1e: {  	s7 =	smul.u32 @!p0 $0xF7A, s2;
	p2 =	seq.s32 @!p0 s5, $0x0  }
0x1f: {  	s9 =	smul.u32 $0xF7A, s1;
	s8 =	simm.s32 @!p0 $0x1BF5;
	p2 =	por !p2, p0  }
0x20: {  	[sflag:s8] =	ssyncset.s32 @!p0 $0xFFFFF086;
	s6 =	sadd.s32 @!p0 s3, s7;
	s7 =	simm.s32 @!p0 $0x108  }
0x21: {  	s3 =	sadd.s32 s3, s9;
	s6 =	sadd.s32 @!p0 $0x88, s6;
	s7 =	simm.s32 @p2 $0x1082  }
0x22: {  	[simem:s7], [sflag:s8] =	dma.local @!p0 [hbm:s6], $0xF7A  }
0x23: {  	s9 =	sor.u32 $0xD0000000, s2;
	s6 =	simm.s32 $0x108;
	_ =	swait.ge @!p0 [sflag:s8], $0x0  }
0x24: {  	s3 =	sadd.s32 $0x88, s3;
	s6 =	simm.s32 @!p1 $0x1082;
	[sflag:s4] =	ssyncset.s32 $0xFFFFF086  }
0x25: {  	[simem:s6], [sflag:s4] =	dma.local [hbm:s3], $0xF7A  }
0x26: {  	[smem:$0x3F93] =	sst s1;
	(tag) =	ssettag s2;
	_ =	strace s9  }
0x27: {  	s1 =	sld [smem:$0x3FA3]  }
0x28: {  	s2 =	sld [smem:$0x3FA4]  }
0x29: {  	s4 =	sld [smem:$0x3FA6]  }
0x2a: {  	p0 =	seq.s32 s5, $0x0;
	s5 =	sld [smem:$0x3FA7]  }
0x2b: {  	s6 =	sld [smem:$0x3FA8]  }
0x2c: {  	s7 =	sld [smem:$0x3FA9]  }
0x2d: {  	s3 =	simm.s32 $0x108;
	s8 =	sld [smem:$0x3FAA]  }
0x2e: {  	s3 =	simm.s32 @!p0 $0x1082;
	s9 =	sld [smem:$0x3FAB]  }
0x2f: {  	lr =	sadd.s32 s0, s3;
	s0 =	sld [smem:$0x3FA2]  }
0x30: {  	s3 =	sld [smem:$0x3FA5]  }
0x31: {  	[smem:$0x3FAE] =	sst s10  }
0x32: {  	s10 =	sld [smem:$0x3FAC];
	_ =	sdelay $0x3  }
0x33: {  	p0 =	seq.s32 s10, $0x1;
	s10 =	sld [smem:$0x3FAE];
	_ =	sdelay $0x3  }
0x34: {  	[smem:$0x3FAE] =	sst s10  }
0x35: {  	s10 =	sld [smem:$0x3FAD];
	_ =	sdelay $0x3  }
0x36: {  	p1 =	seq.s32 s10, $0x1;
	s10 =	sld [smem:$0x3FAE];
	_ =	sdelay $0x3  }
0x37: {  	[smem:$0x3FAE] =	sst s10  }
0x38: {  	s10 =	sld [smem:$0x3FAF]  }
0x39: {  	_ = 	snop;
	(pc) =	sbr.ind lr, $3  }
0x3a: {  	_ = 	snop  }
0x3b: {  	_ = 	snop  }
0x3c: {  	p2 =	seq.s32 s10, $0x1;
	s10 =	sld [smem:$0x3FAE]  }
0x3d: {  	_ =	shalt  }
0x3e: {  	_ =	shalt  }
0x3f: {  	_ =	shalt  }
0x40: {  	_ =	shalt  }
0x41: {  	_ =	shalt  }
0x42: {  	_ =	shalt  }
0x43: {  	_ =	shalt  }
0x44: {  	_ =	shalt  }
0x45: {  	_ =	shalt  }
0x46: {  	_ =	shalt  }
0x47: {  	_ =	shalt  }
0x48: {  	_ =	shalt  }
0x49: {  	_ =	shalt  }
0x4a: {  	_ =	shalt  }
0x4b: {  	_ =	shalt  }
0x4c: {  	_ =	shalt  }
0x4d: {  	_ =	shalt  }
0x4e: {  	_ =	shalt  }
0x4f: {  	_ =	shalt  }
0x50: {  	_ =	shalt  }
0x51: {  	_ =	shalt  }
0x52: {  	_ =	shalt  }
0x53: {  	_ =	shalt  }
0x54: {  	_ =	shalt  }
0x55: {  	_ =	shalt  }
0x56: {  	_ =	shalt  }
0x57: {  	_ =	shalt  }
0x58: {  	_ =	shalt  }
0x59: {  	_ =	shalt  }
0x5a: {  	_ =	shalt  }
0x5b: {  	_ =	shalt  }
0x5c: {  	_ =	shalt  }
0x5d: {  	_ =	shalt  }
0x5e: {  	_ =	shalt  }
0x5f: {  	_ =	shalt  }
0x60: {  	_ =	shalt  }
0x61: {  	_ =	shalt  }
0x62: {  	_ =	shalt  }
0x63: {  	_ =	shalt  }
0x64: {  	_ =	shalt  }
0x65: {  	_ =	shalt  }
0x66: {  	_ =	shalt  }
0x67: {  	_ =	shalt  }
0x68: {  	_ =	shalt  }
0x69: {  	_ =	shalt  }
0x6a: {  	_ =	shalt  }
0x6b: {  	_ =	shalt  }
0x6c: {  	_ =	shalt  }
0x6d: {  	_ =	shalt  }
0x6e: {  	_ =	shalt  }
0x6f: {  	_ =	shalt  }
0x70: {  	_ =	shalt  }
0x71: {  	_ =	shalt  }
0x72: {  	_ =	shalt  }
0x73: {  	_ =	shalt  }
0x74: {  	_ =	shalt  }
0x75: {  	_ =	shalt  }
0x76: {  	_ =	shalt  }
0x77: {  	_ =	shalt  }
0x78: {  	_ =	shalt  }
0x79: {  	_ =	shalt  }
0x7a: {  	_ =	shalt  }
0x7b: {  	_ =	shalt  }
0x7c: {  	_ =	shalt  }
0x7d: {  	_ =	shalt  }
0x7e: {  	_ =	shalt  }
0x7f: {  	_ =	shalt  }
0x80: {  	_ =	shalt  }
0x81: {  	_ =	shalt  }
0x82: {  	_ =	shalt  }
0x83: {  	_ =	shalt  }
0x84: {  	_ =	shalt  }
0x85: {  	_ =	shalt  }
0x86: {  	_ =	shalt  }
0x87: {  	_ =	shalt  }
.Lfunc_end0:
.L_simem_size_0:
called_computation.3_lowered:
.L_overlay_start_0:
0x88: {  	s2 =	sld [smem:$0x3FD9]  }
0x89: {  	s3 =	sld [smem:$0x3FFE];
	_ =	sdelay $0x1  }
0x8a: {  	s1 =	srdreg.scid  }
0x8b: {  	s0 =	sand.u32 $0x1, s1  }
0x8c: {  	s16 =	sshll.u32 s0, $0xA;
	s2 =	sadd.s32 s3, s2  }
0x8d: {  	s2 =	sadd.s32 s2, s16  }
0x8e: {  	[smem:$0x3FBA] =	sst s2  }
0x8f: {  	_ = 	snop  }
0x90: {  	(tm) =	ssettm $0x1  }
0x91: {  	s17 =	sld [smem:$0x3FFB];
	_ =	sdelay $0x3  }
0x92: {  	_ =	strace s17  }
0x93: {  	s2 =	sld [smem:$0x3FFC];
	_ =	sdelay $0x3  }
0x94: {  	_ =	strace s2  }
0x95: {  	s2 =	sld [smem:$0x3FFD];
	_ =	sdelay $0x3  }
0x96: {  	_ =	strace s2  }
0x97: {  	_ =	strace $0x8FFFFFFF  }
0x98: {  	s18 =	sld [smem:$0x3FDB];
	_ =	sdelay $0x1  }
0x99: {  	s19 =	simm.s32 $_scs_section_size  }
0x9a: {  	s4 =	simm.s32 $_size__tile_overlayer_lowered;
	s5 =	simm.s32 $_tile_overlayer_lowered  }
0x9b: {  	s22 =	simm.s32 $0x1BFF;
	s21 =	sshll.u32 s5, $0x1;
	s2 =	sadd.s32 s19, s18  }
0x9c: {  	s6 =	simm.s32 $0x0;
	s20 =	sshll.u32 s4, $0x1;
	s4 =	sadd.s32 s21, s2  }
0x9d: {  	[timem:s6], [sflag:s22] =	dma.local [hbm:s4], s20  }
0x9e: {  	_ =	swait.ge [sflag:s22], s20  }
0x9f: {  	s3 =	ssub.s32 $0x0, s20;
	[sflag:s22] =	ssyncset.done $0x0  }
0xa0: {  	[sflag:s22] =	ssyncadd.s32 s3;
	_ =	sdelay $0x1  }
0xa1: {  	s23 =	simm.s32 $0x1B8B  }
0xa2: {  	_ =	swait.ge [sflag:s23], $0x1  }
0xa3: {  	[sflag:s23] =	ssyncset.done $0x0  }
0xa4: {  	s25 =	simm.s32 $0x1B8E;
	s24 =	sld [smem:$0x3FFE];
	[sflag:s23] =	ssyncadd.s32 $0xFFFFFFFF  }
0xa5: {  	s26 =	simm.s32 $execute0_lowered;
	[smem:$0x3FD2] =	sst s25  }
0xa6: {  	s4 =	sshll.u32 s26, $0x1;
	_ =	strace $0x8000004F;
	[dreg:$0x1] =	wrdreg $0xFFFFFFFF  }
0xa7: {  	s28 =	simm.s32 $_size_execute0_lowered;
	s2 =	sadd.s32 s2, s4;
	[dreg:$0x0] =	wrdreg $0x0  }
0xa8: {  	s4 =	sshll.u32 s28, $0x1;
	[dreg:$0x2] =	wrdreg s2  }
0xa9: {  	[dreg:$0x3] =	wrdreg s4  }
0xaa: {  	[dreg:$0x4] =	wrdreg $0xC0  }
0xab: {  	_ =	task [dreg:s6], $0x5FFFF  }
0xac: {  	[dreg:$0x1] =	wrdreg $0xFFFFFFFF  }
0xad: {  	[dreg:$0x0] =	wrdreg $0x60  }
0xae: {  	[dreg:$0x2] =	wrdreg s24  }
0xaf: {  	[dreg:$0x3] =	wrdreg $0x133500  }
0xb0: {  	[dreg:$0x4] =	wrdreg $0x70000  }
0xb1: {  	[dreg:$0x5] =	wrdreg $0x9  }
0xb2: {  	_ =	task.clear_ibuf [dreg:s6], $0x6FFFF;
	_ =	strace $0x9000004F  }
0xb3: {  	s29 =	simm.s32 $0x9;
	_ =	strace $0x80000051  }
0xb4: {  	_ =	swait.ge [sflag:s29], $0x1  }
0xb5: {  	[sflag:s29] =	ssyncadd.s32 $0xFFFFFFFF  }
0xb6: {  	_ =	strace $0x90000051  }
0xb7: {  	_ =	sfence  }
0xb8: {  	s30 =	sld [smem:$0x0];
	_ =	sdelay $0x2  }
0xb9: {  	s31 =	sshll.u32 s1, $0xD;
	s1 =	sshrl.u32 s1, $0x2  }
0xba: {  	s3 =	sand.u32 $0x4000, s31;
	s1 =	sadd.s32 s1, s30  }
0xbb: {  	s0 =	sor.u32 s3, s0;
	s1 =	sshll.u32 s1, $0x11  }
0xbc: {  	s0 =	sor.u32 s1, s0  }
0xbd: {  	s0 =	sadd.s32 $0x8F2B, s0  }
0xbe: {  	[sflag:s0] =	ssyncadd.remote.s32 $0x1  }
0xbf: {  	_ =	sfence.sel $0xFFFF  }
0xc0: {  	[dreg:$0x0] =	wrdreg $0xFFFFFFFF;
	(pc) =	sbr.abs _section_cstart, $3  }
0xc1: {  	[dreg:$0x1] =	wrdreg $0xFFFFFFFF  }
0xc2: {  	_ =	task.clear_ibuf [dreg:s6], $0x2FFFF;
	_ =	strace $0x9FFFFFFF  }
0xc3: {  	(tm) =	ssettm $0x7FFFFFFF  }
tec
execute0_lowered:
.L_overlay_start_1:
0x0: {  	(tag) =	ssettag $0x1  }
0x1: {  	s0 =	rddreg [dreg:$0x0]  }
0x2: {  	s1 =	srdreg.scid;
	s2 =	rddreg [dreg:$0x1]  }
0x3: {  	s11 =	stileid.u32;
	s3 =	rddreg [dreg:$0x2]  }
0x4: {  	s4 =	simm.s32 $0x0;
	s17 =	simm.s32 $0x200;
	s18 =	simm.s32 $0x300  }
0x5: {  	s19 =	simm.s32 $0x400;
	s20 =	simm.s32 $0x900;
	s21 =	simm.s32 $0x500  }
0x6: {  	s22 =	simm.s32 $0xA00;
	s23 =	simm.s32 $0x600;
	s24 =	simm.s32 $0xB00  }
0x7: {  	s25 =	simm.s32 $0x700;
	s26 =	simm.s32 $0xC00;
	s28 =	simm.s32 $0x5  }
0x8: {  	s29 =	simm.s32 $0x6;
	[smem:$0x7FF] =	sst s4;
	s12 =	sadd.s32 $0x4DE00, s0  }
0x9: {  	s30 =	simm.s32 $0xD00;
	_ =	strace $0x80000050;
	[dreg:$0x10] =	wrdreg s12  }
0xa: {  	s31 =	simm.s32 $0xE00;
	s6 =	smul.u32 $0x186A0, s11;
	[dreg:$0x6] =	wrdreg s17  }
0xb: {  	s1 =	sand.u32 $0x1, s1;
	s7 =	smul.u32 $0x18800, s11;
	[dreg:$0x7] =	wrdreg s18  }
0xc: {  	s9 =	smul.u32 $0x1900, s11;
	s13 =	sshll.u32 s11, $0x6;
	[dreg:$0x8] =	wrdreg s19  }
0xd: {  	s11 =	simm.s32 $0xD;
	s5 =	smul.u32 $0x186A00, s1;
	[dreg:$0x9] =	wrdreg s20  }
0xe: {  	s8 =	smul.u32 $0x188000, s1;
	s1 =	ssub.s32 $0x2, s1;
	[dreg:$0xa] =	wrdreg s21  }
0xf: {  	s17 =	simm.s32 $0x3000;
	s18 =	simm.s32 $0x4000;
	[dreg:$0xb] =	wrdreg s22  }
0x10: {  	s19 =	simm.s32 $0x1;
	s20 =	simm.s32 $0x5000;
	[dreg:$0xc] =	wrdreg s23  }
0x11: {  	s21 =	simm.s32 $0x2;
	[dreg:$0xd] =	wrdreg s24;
	s22 =	simm.s32 $0x6000  }
0x12: {  	[dreg:$0xe] =	wrdreg s25;
	s23 =	simm.s32 $0x3;
	s24 =	simm.s32 $0x7  }
0x13: {  	[dreg:$0xf] =	wrdreg s26;
	s25 =	simm.s32 $0x4;
	s26 =	simm.s32 $0x8  }
0x14: {  	s12 =	simm.s32 $0x0;
	s9 =	sadd.s32 s9, s0;
	s10 =	sshrl.u32 s1, $0x1  }
0x15: {  	s5 =	sadd.s32 s6, s5;
	s8 =	sadd.s32 s7, s8;
	s1 =	ssub.s32 s1, s10  }
0x16: {  	s7 =	sshrl.u32 s7, $0x1;
	s6 =	sshrl.u32 s6, $0x1;
	s10 =	sor.u32 $0x1C0D, s13  }
0x17: {  	s14 =	sadd.s32 $0x2200, s9;
	s15 =	sadd.s32 $0x4F800, s9;
	s13 =	simm.s32 $0x800  }
0x18: {  	s5 =	sshrl.u32 s5, $0x4;
	s8 =	sshrl.u32 s8, $0x4;
	s7 =	sadd.s32 s7, s2  }
0x19: {  	s6 =	sadd.s32 s6, s3;
	s1 =	smax.u32 s1, $0x1;
	[dreg:$0x4] =	wrdreg s14  }
0x1a: {  	[dreg:$0x5] =	wrdreg s15;
	s14 =	simm.s32 $0x100;
	s15 =	simm.s32 $0x1000  }
0x1b: {  	[dreg:$0x11] =	wrdreg s10;
	s5 =	sadd.s32 s5, s0;
	s0 =	sadd.s32 s8, s0  }
0x1c: {  	[dreg:$0x14] =	wrdreg s1;
	s9 =	sshrl.u32 s7, $0x3;
	s16 =	sshrl.u32 s6, $0x3  }
0x1d: {  	s1 =	simm.s32 $0xF00;
	s7 =	simm.s32 $0xB;
	[dreg:$0x16] =	wrdreg s16  }
0x1e: {  	s8 =	simm.s32 $0xC;
	s5 =	sadd.s32 $0x1B200, s5;
	[dreg:$0x15] =	wrdreg s9  }
0x1f: {  	s0 =	sadd.s32 $0x68800, s0;
	s16 =	simm.s32 $0x2000;
	[dreg:$0x12] =	wrdreg s5  }
0x20: {  	[dreg:$0x13] =	wrdreg s0;
	s0 =	simm.s32 $0x9;
	s5 =	simm.s32 $0xA  }
.LBB2_1:
0x21: {  	[dreg:$0x17] =	wrdreg s12  }
0x22: {  	s6 =	rddreg [dreg:$0x10]  }
0x23: {  	[spmem:s9], [sflag:s10] =	dma.local [hbm:s6], $0x1880  }
0x24: {  	_ =	swait.ge [sflag:s11], $0x1880  }
0x25: {  	[sflag:s11] =	ssyncset.done $0x0;
	s9 =	rddreg [dreg:$0x12]  }
0x26: {  	s12 =	rddreg [dreg:$0x16];
	[sflag:s11] =	ssyncadd.s32 $0xFFFFE780  }
0x27: {  	[spmem:s12], [sflag:s10] =	dma.local [hbm:s9], $0x186A  }
0x28: {  	_ =	swait.ge [sflag:s11], $0x186A  }
0x29: {  	[sflag:s11] =	ssyncset.done $0x0  }
0x2a: {  	[sflag:s11] =	ssyncadd.s32 $0xFFFFE796  }
0x2b: {  	[bflag:$0x0] =	sbarrier.arrive $0xFFFF  }
0x2c: {  	s9 =	rddreg [dreg:$0x5]  }
0x2d: {  	s6 =	sadd.s32 $0x0, s9  }
0x2e: {  	[tilespmem:s4], [sflag:$0xD] =	stream.linear.gather [hbm4b:s6+s4], $0x800, $0x38;
	[tilespmem:$0x1F750] =	vst v63  }
0x2f: {  	_ =	swait.ge [sflag:s11], $0x800  }
0x30: {  	s10 =	rddreg [dreg:$0x4];
	[sflag:s11] =	ssyncset.done $0x0  }
0x31: {  	[sflag:s11] =	ssyncadd.s32 $0xFFFFF800;
	s6 =	sadd.s32 $0x0, s10  }
0x32: {  	[tilespmem:s13], [sflag:$0xD] =	stream.linear.gather [hbm4b:s6+s4], $0x800, $0x38;
	[tilespmem:$0x1F750] =	vst v63  }
0x33: {  	_ =	swait.ge [sflag:s11], $0x800  }
0x34: {  	[sflag:s11] =	ssyncset.done $0x0  }
0x35: {  	[sflag:s11] =	ssyncadd.s32 $0xFFFFF800  }
0x36: {  	[tilespmem:s15], [sflag:$0x1] =	stream.indirect.gather [spmem:s3], $0x10, s4, s14, $0xb8;
	[tilespmem:$0x1F750] =	vst v63  }
0x37: {  	_ = 	snop  }
0x38: {  	[tilespmem:s16], [sflag:$0x2] =	stream.indirect.gather [spmem:s3], $0x10, s14, s14, $0xb8;
	[tilespmem:$0x1F750] =	vst v63  }
0x39: {  	s12 =	rddreg [dreg:$0x6]  }
0x3a: {  	[tilespmem:s17], [sflag:$0x3] =	stream.indirect.gather [spmem:s3], $0x10, s12, s14, $0xb8;
	[tilespmem:$0x1F750] =	vst v63  }
0x3b: {  	s9 =	rddreg [dreg:$0x7]  }
0x3c: {  	[tilespmem:s18], [sflag:$0x4] =	stream.indirect.gather [spmem:s3], $0x10, s9, s14, $0xb8;
	[tilespmem:$0x1F750] =	vst v63  }
0x3d: {  	_ =	swait.ge [sflag:s19], $0x1000  }
0x3e: {  	[sflag:s19] =	ssyncset.done $0x0  }
0x3f: {  	[sflag:s19] =	ssyncadd.s32 $0xFFFFF000  }
0x40: {  	[spmem:s2] =	stream.indirect.scatter.add.bf16 [tilespmem:s15], [sflag:$0x7], $0x10, s13, s14, $0xb8;
	[tilespmem:$0x1F750] =	vst v63  }
0x41: {  	s10 =	rddreg [dreg:$0x8]  }
0x42: {  	[tilespmem:s20], [sflag:$0x5] =	stream.indirect.gather [spmem:s3], $0x10, s10, s14, $0xb8;
	[tilespmem:$0x1F750] =	vst v63  }
0x43: {  	_ =	swait.ge [sflag:s21], $0x1000  }
0x44: {  	[sflag:s21] =	ssyncset.done $0x0  }
0x45: {  	s12 =	rddreg [dreg:$0x9];
	[sflag:s21] =	ssyncadd.s32 $0xFFFFF000  }
0x46: {  	[spmem:s2] =	stream.indirect.scatter.add.bf16 [tilespmem:s16], [sflag:$0x8], $0x10, s12, s14, $0xb8;
	[tilespmem:$0x1F750] =	vst v63  }
0x47: {  	s9 =	rddreg [dreg:$0xa]  }
0x48: {  	[tilespmem:s22], [sflag:$0x6] =	stream.indirect.gather [spmem:s3], $0x10, s9, s14, $0xb8;
	[tilespmem:$0x1F750] =	vst v63  }
0x49: {  	_ =	swait.ge [sflag:s23], $0x1000  }
0x4a: {  	[sflag:s23] =	ssyncset.done $0x0  }
0x4b: {  	s10 =	rddreg [dreg:$0xb];
	[sflag:s23] =	ssyncadd.s32 $0xFFFFF000  }
0x4c: {  	[spmem:s2] =	stream.indirect.scatter.add.bf16 [tilespmem:s17], [sflag:$0x9], $0x10, s10, s14, $0xb8;
	[tilespmem:$0x1F750] =	vst v63  }
0x4d: {  	_ =	swait.ge [sflag:s24], $0x1000  }
0x4e: {  	[sflag:s24] =	ssyncset.done $0x0  }
0x4f: {  	s12 =	rddreg [dreg:$0xc];
	[sflag:s24] =	ssyncadd.s32 $0xFFFFF000  }
0x50: {  	[tilespmem:s15], [sflag:$0x1] =	stream.indirect.gather [spmem:s3], $0x10, s12, s14, $0xb8;
	[tilespmem:$0x1F750] =	vst v63  }
0x51: {  	_ =	swait.ge [sflag:s25], $0x1000  }
0x52: {  	[sflag:s25] =	ssyncset.done $0x0  }
0x53: {  	s9 =	rddreg [dreg:$0xd];
	[sflag:s25] =	ssyncadd.s32 $0xFFFFF000  }
0x54: {  	[spmem:s2] =	stream.indirect.scatter.add.bf16 [tilespmem:s18], [sflag:$0xA], $0x10, s9, s14, $0xb8;
	[tilespmem:$0x1F750] =	vst v63  }
0x55: {  	_ =	swait.ge [sflag:s26], $0x1000  }
0x56: {  	[sflag:s26] =	ssyncset.done $0x0  }
0x57: {  	s10 =	rddreg [dreg:$0xe];
	[sflag:s26] =	ssyncadd.s32 $0xFFFFF000  }
0x58: {  	[tilespmem:s16], [sflag:$0x2] =	stream.indirect.gather [spmem:s3], $0x10, s10, s14, $0xb8;
	[tilespmem:$0x1F750] =	vst v63  }
0x59: {  	_ =	swait.ge [sflag:s28], $0x1000  }
0x5a: {  	[sflag:s28] =	ssyncset.done $0x0  }
0x5b: {  	s12 =	rddreg [dreg:$0xf];
	[sflag:s28] =	ssyncadd.s32 $0xFFFFF000  }
0x5c: {  	[spmem:s2] =	stream.indirect.scatter.add.bf16 [tilespmem:s20], [sflag:$0xB], $0x10, s12, s14, $0xb8;
	[tilespmem:$0x1F750] =	vst v63  }
0x5d: {  	_ =	swait.ge [sflag:s29], $0x1000  }
0x5e: {  	[sflag:s29] =	ssyncset.done $0x0  }
0x5f: {  	[sflag:s29] =	ssyncadd.s32 $0xFFFFF000  }
0x60: {  	[spmem:s2] =	stream.indirect.scatter.add.bf16 [tilespmem:s22], [sflag:$0xC], $0x10, s30, s14, $0xb8;
	[tilespmem:$0x1F750] =	vst v63  }
0x61: {  	_ =	swait.ge [sflag:s19], $0x1000  }
0x62: {  	[sflag:s19] =	ssyncset.done $0x0  }
0x63: {  	[sflag:s19] =	ssyncadd.s32 $0xFFFFF000  }
0x64: {  	[spmem:s2] =	stream.indirect.scatter.add.bf16 [tilespmem:s15], [sflag:$0x7], $0x10, s31, s14, $0xb8;
	[tilespmem:$0x1F750] =	vst v63  }
0x65: {  	_ =	swait.ge [sflag:s21], $0x1000  }
0x66: {  	[sflag:s21] =	ssyncset.done $0x0  }
0x67: {  	[sflag:s21] =	ssyncadd.s32 $0xFFFFF000  }
0x68: {  	[spmem:s2] =	stream.indirect.scatter.add.bf16 [tilespmem:s16], [sflag:$0x8], $0x10, s1, s14, $0xb8;
	[tilespmem:$0x1F750] =	vst v63  }
0x69: {  	_ =	swait.ge [sflag:s0], $0x1000  }
0x6a: {  	[sflag:s0] =	ssyncset.done $0x0  }
0x6b: {  	[sflag:s0] =	ssyncadd.s32 $0xFFFFF000  }
0x6c: {  	_ =	swait.ge [sflag:s5], $0x1000  }
0x6d: {  	[sflag:s5] =	ssyncset.done $0x0  }
0x6e: {  	[sflag:s5] =	ssyncadd.s32 $0xFFFFF000  }
0x6f: {  	_ =	swait.ge [sflag:s7], $0x1000  }
0x70: {  	[sflag:s7] =	ssyncset.done $0x0  }
0x71: {  	[sflag:s7] =	ssyncadd.s32 $0xFFFFF000  }
0x72: {  	_ =	swait.ge [sflag:s8], $0x1000  }
0x73: {  	[sflag:s8] =	ssyncset.done $0x0  }
0x74: {  	[sflag:s8] =	ssyncadd.s32 $0xFFFFF000  }
0x75: {  	_ =	swait.ge [sflag:s24], $0x1000  }
0x76: {  	[sflag:s24] =	ssyncset.done $0x0  }
0x77: {  	[sflag:s24] =	ssyncadd.s32 $0xFFFFF000  }
0x78: {  	s10 =	simm.s32 $0x200;
	_ =	swait.ge [sflag:s26], $0x1000  }
0x79: {  	s12 =	simm.s32 $0x100;
	s6 =	rddreg [dreg:$0x5];
	[sflag:s26] =	ssyncset.done $0x0  }
.LBB2_2:
0x7a: {  	[sflag:s26] =	ssyncadd.s32 $0xFFFFF000;
	s6 =	sadd.s32 s12, s6  }
0x7b: {  	[tilespmem:s4], [sflag:$0xD] =	stream.linear.gather [hbm4b:s6+s4], $0x800, $0x38;
	[tilespmem:$0x1F750] =	vst v63  }
0x7c: {  	_ =	swait.ge [sflag:s11], $0x800  }
0x7d: {  	s6 =	rddreg [dreg:$0x4];
	[sflag:s11] =	ssyncset.done $0x0  }
0x7e: {  	[sflag:s11] =	ssyncadd.s32 $0xFFFFF800;
	s6 =	sadd.s32 s12, s6  }
0x7f: {  	[tilespmem:s13], [sflag:$0xD] =	stream.linear.gather [hbm4b:s6+s4], $0x800, $0x38;
	[tilespmem:$0x1F750] =	vst v63  }
0x80: {  	_ =	swait.ge [sflag:s11], $0x800  }
0x81: {  	[sflag:s11] =	ssyncset.done $0x0  }
0x82: {  	[sflag:s11] =	ssyncadd.s32 $0xFFFFF800  }
0x83: {  	[tilespmem:s15], [sflag:$0x1] =	stream.indirect.gather [spmem:s3], $0x10, s4, s14, $0xb8;
	[tilespmem:$0x1F750] =	vst v63  }
0x84: {  	_ = 	snop  }
0x85: {  	[tilespmem:s16], [sflag:$0x2] =	stream.indirect.gather [spmem:s3], $0x10, s14, s14, $0xb8;
	[tilespmem:$0x1F750] =	vst v63  }
0x86: {  	s9 =	smov.u32 s10;
	s6 =	rddreg [dreg:$0x6]  }
0x87: {  	[tilespmem:s17], [sflag:$0x3] =	stream.indirect.gather [spmem:s3], $0x10, s6, s14, $0xb8;
	[tilespmem:$0x1F750] =	vst v63  }
0x88: {  	s12 =	smov.u32 s9;
	s9 =	rddreg [dreg:$0x7]  }
0x89: {  	[tilespmem:s18], [sflag:$0x4] =	stream.indirect.gather [spmem:s3], $0x10, s9, s14, $0xb8;
	[tilespmem:$0x1F750] =	vst v63  }
0x8a: {  	_ =	swait.ge [sflag:s19], $0x1000  }
0x8b: {  	[sflag:s19] =	ssyncset.done $0x0  }
0x8c: {  	[sflag:s19] =	ssyncadd.s32 $0xFFFFF000  }
0x8d: {  	[spmem:s2] =	stream.indirect.scatter.add.bf16 [tilespmem:s15], [sflag:$0x7], $0x10, s13, s14, $0xb8;
	[tilespmem:$0x1F750] =	vst v63  }
0x8e: {  	s9 =	rddreg [dreg:$0x8]  }
0x8f: {  	[tilespmem:s20], [sflag:$0x5] =	stream.indirect.gather [spmem:s3], $0x10, s9, s14, $0xb8;
	[tilespmem:$0x1F750] =	vst v63  }
0x90: {  	_ =	swait.ge [sflag:s21], $0x1000  }
0x91: {  	[sflag:s21] =	ssyncset.done $0x0  }
0x92: {  	s6 =	rddreg [dreg:$0x9];
	[sflag:s21] =	ssyncadd.s32 $0xFFFFF000  }
0x93: {  	[spmem:s2] =	stream.indirect.scatter.add.bf16 [tilespmem:s16], [sflag:$0x8], $0x10, s6, s14, $0xb8;
	[tilespmem:$0x1F750] =	vst v63  }
0x94: {  	s9 =	rddreg [dreg:$0xa]  }
0x95: {  	[tilespmem:s22], [sflag:$0x6] =	stream.indirect.gather [spmem:s3], $0x10, s9, s14, $0xb8;
	[tilespmem:$0x1F750] =	vst v63  }
0x96: {  	_ =	swait.ge [sflag:s23], $0x1000  }
0x97: {  	[sflag:s23] =	ssyncset.done $0x0  }
0x98: {  	s9 =	rddreg [dreg:$0xb];
	[sflag:s23] =	ssyncadd.s32 $0xFFFFF000  }
0x99: {  	[spmem:s2] =	stream.indirect.scatter.add.bf16 [tilespmem:s17], [sflag:$0x9], $0x10, s9, s14, $0xb8;
	[tilespmem:$0x1F750] =	vst v63  }
0x9a: {  	_ =	swait.ge [sflag:s24], $0x1000  }
0x9b: {  	[sflag:s24] =	ssyncset.done $0x0  }
0x9c: {  	s9 =	rddreg [dreg:$0xc];
	[sflag:s24] =	ssyncadd.s32 $0xFFFFF000  }
0x9d: {  	[tilespmem:s15], [sflag:$0x1] =	stream.indirect.gather [spmem:s3], $0x10, s9, s14, $0xb8;
	[tilespmem:$0x1F750] =	vst v63  }
0x9e: {  	_ =	swait.ge [sflag:s25], $0x1000  }
0x9f: {  	[sflag:s25] =	ssyncset.done $0x0  }
0xa0: {  	s9 =	rddreg [dreg:$0xd];
	[sflag:s25] =	ssyncadd.s32 $0xFFFFF000  }
0xa1: {  	[spmem:s2] =	stream.indirect.scatter.add.bf16 [tilespmem:s18], [sflag:$0xA], $0x10, s9, s14, $0xb8;
	[tilespmem:$0x1F750] =	vst v63  }
0xa2: {  	_ =	swait.ge [sflag:s26], $0x1000  }
0xa3: {  	[sflag:s26] =	ssyncset.done $0x0  }
0xa4: {  	s9 =	rddreg [dreg:$0xe];
	[sflag:s26] =	ssyncadd.s32 $0xFFFFF000  }
0xa5: {  	[tilespmem:s16], [sflag:$0x2] =	stream.indirect.gather [spmem:s3], $0x10, s9, s14, $0xb8;
	[tilespmem:$0x1F750] =	vst v63  }
0xa6: {  	_ =	swait.ge [sflag:s28], $0x1000  }
0xa7: {  	[sflag:s28] =	ssyncset.done $0x0  }
0xa8: {  	s9 =	rddreg [dreg:$0xf];
	[sflag:s28] =	ssyncadd.s32 $0xFFFFF000  }
0xa9: {  	[spmem:s2] =	stream.indirect.scatter.add.bf16 [tilespmem:s20], [sflag:$0xB], $0x10, s9, s14, $0xb8;
	[tilespmem:$0x1F750] =	vst v63  }
0xaa: {  	_ =	swait.ge [sflag:s29], $0x1000  }
0xab: {  	[sflag:s29] =	ssyncset.done $0x0  }
0xac: {  	[sflag:s29] =	ssyncadd.s32 $0xFFFFF000  }
0xad: {  	[spmem:s2] =	stream.indirect.scatter.add.bf16 [tilespmem:s22], [sflag:$0xC], $0x10, s30, s14, $0xb8;
	[tilespmem:$0x1F750] =	vst v63  }
0xae: {  	_ =	swait.ge [sflag:s19], $0x1000  }
0xaf: {  	[sflag:s19] =	ssyncset.done $0x0  }
0xb0: {  	[sflag:s19] =	ssyncadd.s32 $0xFFFFF000  }
0xb1: {  	[spmem:s2] =	stream.indirect.scatter.add.bf16 [tilespmem:s15], [sflag:$0x7], $0x10, s31, s14, $0xb8;
	[tilespmem:$0x1F750] =	vst v63  }
0xb2: {  	_ =	swait.ge [sflag:s21], $0x1000  }
0xb3: {  	[sflag:s21] =	ssyncset.done $0x0  }
0xb4: {  	[sflag:s21] =	ssyncadd.s32 $0xFFFFF000  }
0xb5: {  	[spmem:s2] =	stream.indirect.scatter.add.bf16 [tilespmem:s16], [sflag:$0x8], $0x10, s1, s14, $0xb8;
	[tilespmem:$0x1F750] =	vst v63  }
0xb6: {  	_ =	swait.ge [sflag:s0], $0x1000  }
0xb7: {  	[sflag:s0] =	ssyncset.done $0x0  }
0xb8: {  	[sflag:s0] =	ssyncadd.s32 $0xFFFFF000  }
0xb9: {  	_ =	swait.ge [sflag:s5], $0x1000  }
0xba: {  	[sflag:s5] =	ssyncset.done $0x0  }
0xbb: {  	[sflag:s5] =	ssyncadd.s32 $0xFFFFF000  }
0xbc: {  	_ =	swait.ge [sflag:s7], $0x1000  }
0xbd: {  	[sflag:s7] =	ssyncset.done $0x0  }
0xbe: {  	[sflag:s7] =	ssyncadd.s32 $0xFFFFF000  }
0xbf: {  	_ =	swait.ge [sflag:s8], $0x1000  }
0xc0: {  	[sflag:s8] =	ssyncset.done $0x0  }
0xc1: {  	p0 =	sne.s32 s10, $0x1800;
	[sflag:s8] =	ssyncadd.s32 $0xFFFFF000  }
.Ltmp0:
0xc2: {  	_ =	swait.ge [sflag:s24], $0x1000;
	(pc) =	sbr.rel @p0 .LBB2_2-.Ltmp0, $4  }
0xc3: {  	[sflag:s24] =	ssyncset.done $0x0  }
0xc4: {  	[sflag:s24] =	ssyncadd.s32 $0xFFFFF000  }
0xc5: {  	_ =	swait.ge [sflag:s26], $0x1000  }
0xc6: {  	s10 =	sadd.s32 $0x100, s10;
	s6 =	rddreg [dreg:$0x5];
	[sflag:s26] =	ssyncset.done $0x0  }
0xc7: {  	[sflag:s26] =	ssyncadd.s32 $0xFFFFF000;
	s6 =	sadd.s32 s12, s6  }
0xc8: {  	[tilespmem:s4], [sflag:$0xD] =	stream.linear.gather [hbm4b:s6+s4], $0x800, $0x38;
	[tilespmem:$0x1F750] =	vst v63  }
0xc9: {  	_ =	swait.ge [sflag:s11], $0x800  }
0xca: {  	s10 =	rddreg [dreg:$0x4];
	[sflag:s11] =	ssyncset.done $0x0  }
0xcb: {  	[sflag:s11] =	ssyncadd.s32 $0xFFFFF800;
	s6 =	sadd.s32 s12, s10  }
0xcc: {  	[tilespmem:s13], [sflag:$0xD] =	stream.linear.gather [hbm4b:s6+s4], $0x800, $0x38;
	[tilespmem:$0x1F750] =	vst v63  }
0xcd: {  	_ =	swait.ge [sflag:s11], $0x800  }
0xce: {  	[sflag:s11] =	ssyncset.done $0x0  }
0xcf: {  	[sflag:s11] =	ssyncadd.s32 $0xFFFFF800  }
0xd0: {  	[tilespmem:s15], [sflag:$0x1] =	stream.indirect.gather [spmem:s3], $0x10, s4, s14, $0xb8;
	[tilespmem:$0x1F750] =	vst v63  }
0xd1: {  	_ = 	snop  }
0xd2: {  	[tilespmem:s16], [sflag:$0x2] =	stream.indirect.gather [spmem:s3], $0x10, s14, s14, $0xb8;
	[tilespmem:$0x1F750] =	vst v63  }
0xd3: {  	s12 =	rddreg [dreg:$0x6]  }
0xd4: {  	[tilespmem:s17], [sflag:$0x3] =	stream.indirect.gather [spmem:s3], $0x10, s12, s14, $0xb8;
	[tilespmem:$0x1F750] =	vst v63  }
0xd5: {  	s9 =	rddreg [dreg:$0x7]  }
0xd6: {  	[tilespmem:s18], [sflag:$0x4] =	stream.indirect.gather [spmem:s3], $0x10, s9, s14, $0xb8;
	[tilespmem:$0x1F750] =	vst v63  }
0xd7: {  	_ =	swait.ge [sflag:s19], $0x1000  }
0xd8: {  	[sflag:s19] =	ssyncset.done $0x0  }
0xd9: {  	[sflag:s19] =	ssyncadd.s32 $0xFFFFF000  }
0xda: {  	[spmem:s2] =	stream.indirect.scatter.add.bf16 [tilespmem:s15], [sflag:$0x7], $0x10, s13, s14, $0xb8;
	[tilespmem:$0x1F750] =	vst v63  }
0xdb: {  	s9 =	rddreg [dreg:$0x8]  }
0xdc: {  	[tilespmem:s20], [sflag:$0x5] =	stream.indirect.gather [spmem:s3], $0x10, s9, s14, $0xb8;
	[tilespmem:$0x1F750] =	vst v63  }
0xdd: {  	_ =	swait.ge [sflag:s21], $0x1000  }
0xde: {  	[sflag:s21] =	ssyncset.done $0x0  }
0xdf: {  	s10 =	rddreg [dreg:$0x9];
	[sflag:s21] =	ssyncadd.s32 $0xFFFFF000  }
0xe0: {  	[spmem:s2] =	stream.indirect.scatter.add.bf16 [tilespmem:s16], [sflag:$0x8], $0x10, s10, s14, $0xb8;
	[tilespmem:$0x1F750] =	vst v63  }
0xe1: {  	s12 =	rddreg [dreg:$0xa]  }
0xe2: {  	[tilespmem:s22], [sflag:$0x6] =	stream.indirect.gather [spmem:s3], $0x10, s12, s14, $0xb8;
	[tilespmem:$0x1F750] =	vst v63  }
0xe3: {  	_ =	swait.ge [sflag:s23], $0x1000  }
0xe4: {  	[sflag:s23] =	ssyncset.done $0x0  }
0xe5: {  	s9 =	rddreg [dreg:$0xb];
	[sflag:s23] =	ssyncadd.s32 $0xFFFFF000  }
0xe6: {  	[spmem:s2] =	stream.indirect.scatter.add.bf16 [tilespmem:s17], [sflag:$0x9], $0x10, s9, s14, $0xb8;
	[tilespmem:$0x1F750] =	vst v63  }
0xe7: {  	_ =	swait.ge [sflag:s24], $0x1000  }
0xe8: {  	[sflag:s24] =	ssyncset.done $0x0  }
0xe9: {  	s10 =	rddreg [dreg:$0xc];
	[sflag:s24] =	ssyncadd.s32 $0xFFFFF000  }
0xea: {  	[tilespmem:s15], [sflag:$0x1] =	stream.indirect.gather [spmem:s3], $0x10, s10, s14, $0xb8;
	[tilespmem:$0x1F750] =	vst v63  }
0xeb: {  	_ =	swait.ge [sflag:s25], $0x1000  }
0xec: {  	[sflag:s25] =	ssyncset.done $0x0  }
0xed: {  	s12 =	rddreg [dreg:$0xd];
	[sflag:s25] =	ssyncadd.s32 $0xFFFFF000  }
0xee: {  	[spmem:s2] =	stream.indirect.scatter.add.bf16 [tilespmem:s18], [sflag:$0xA], $0x10, s12, s14, $0xb8;
	[tilespmem:$0x1F750] =	vst v63  }
0xef: {  	_ =	swait.ge [sflag:s26], $0x1000  }
0xf0: {  	[sflag:s26] =	ssyncset.done $0x0  }
0xf1: {  	s9 =	rddreg [dreg:$0xe];
	[sflag:s26] =	ssyncadd.s32 $0xFFFFF000  }
0xf2: {  	[tilespmem:s16], [sflag:$0x2] =	stream.indirect.gather [spmem:s3], $0x10, s9, s14, $0xb8;
	[tilespmem:$0x1F750] =	vst v63  }
0xf3: {  	_ =	swait.ge [sflag:s28], $0x1000  }
0xf4: {  	[sflag:s28] =	ssyncset.done $0x0  }
0xf5: {  	s10 =	rddreg [dreg:$0xf];
	[sflag:s28] =	ssyncadd.s32 $0xFFFFF000  }
0xf6: {  	[spmem:s2] =	stream.indirect.scatter.add.bf16 [tilespmem:s20], [sflag:$0xB], $0x10, s10, s14, $0xb8;
	[tilespmem:$0x1F750] =	vst v63  }
0xf7: {  	_ =	swait.ge [sflag:s29], $0x1000  }
0xf8: {  	[sflag:s29] =	ssyncset.done $0x0  }
0xf9: {  	[sflag:s29] =	ssyncadd.s32 $0xFFFFF000  }
0xfa: {  	[spmem:s2] =	stream.indirect.scatter.add.bf16 [tilespmem:s22], [sflag:$0xC], $0x10, s30, s14, $0xb8;
	[tilespmem:$0x1F750] =	vst v63  }
0xfb: {  	_ =	swait.ge [sflag:s19], $0x1000  }
0xfc: {  	[sflag:s19] =	ssyncset.done $0x0  }
0xfd: {  	[sflag:s19] =	ssyncadd.s32 $0xFFFFF000  }
0xfe: {  	[spmem:s2] =	stream.indirect.scatter.add.bf16 [tilespmem:s15], [sflag:$0x7], $0x10, s31, s14, $0xb8;
	[tilespmem:$0x1F750] =	vst v63  }
0xff: {  	_ =	swait.ge [sflag:s21], $0x1000  }
0x100: {  	[sflag:s21] =	ssyncset.done $0x0  }
0x101: {  	[sflag:s21] =	ssyncadd.s32 $0xFFFFF000  }
0x102: {  	[spmem:s2] =	stream.indirect.scatter.add.bf16 [tilespmem:s16], [sflag:$0x8], $0x10, s1, s14, $0xb8;
	[tilespmem:$0x1F750] =	vst v63  }
0x103: {  	_ =	swait.ge [sflag:s0], $0x1000  }
0x104: {  	[sflag:s0] =	ssyncset.done $0x0  }
0x105: {  	[sflag:s0] =	ssyncadd.s32 $0xFFFFF000  }
0x106: {  	_ =	swait.ge [sflag:s5], $0x1000  }
0x107: {  	[sflag:s5] =	ssyncset.done $0x0  }
0x108: {  	[sflag:s5] =	ssyncadd.s32 $0xFFFFF000  }
0x109: {  	_ =	swait.ge [sflag:s7], $0x1000  }
0x10a: {  	[sflag:s7] =	ssyncset.done $0x0  }
0x10b: {  	[sflag:s7] =	ssyncadd.s32 $0xFFFFF000  }
0x10c: {  	_ =	swait.ge [sflag:s8], $0x1000  }
0x10d: {  	[sflag:s8] =	ssyncset.done $0x0  }
0x10e: {  	[sflag:s8] =	ssyncadd.s32 $0xFFFFF000  }
0x10f: {  	_ =	swait.ge [sflag:s24], $0x1000  }
0x110: {  	[sflag:s24] =	ssyncset.done $0x0  }
0x111: {  	[sflag:s24] =	ssyncadd.s32 $0xFFFFF000  }
0x112: {  	_ =	swait.ge [sflag:s26], $0x1000  }
0x113: {  	[sflag:s26] =	ssyncset.done $0x0  }
0x114: {  	[sflag:s26] =	ssyncadd.s32 $0xFFFFF000  }
0x115: {  	[bflag:$0x0] =	sbarrier.arrive $0xFFFF  }
0x116: {  	s10 =	rddreg [dreg:$0x11]  }
0x117: {  	s12 =	rddreg [dreg:$0x13]  }
0x118: {  	s9 =	rddreg [dreg:$0x15]  }
0x119: {  	[hbm:s12], [sflag:s10] =	dma.local [spmem:s9], $0x1880  }
0x11a: {  	_ =	swait.ge [sflag:s11], $0x1880  }
0x11b: {  	s6 =	rddreg [dreg:$0x17]  }
0x11c: {  	s12 =	sadd.s32 $0x1, s6;
	s6 =	rddreg [dreg:$0x14]  }
0x11d: {  	p0 =	sne.s32 s12, s6  }
.Ltmp1:
0x11e: {  	_ = 	snop;
	(pc) =	sbr.rel @p0 .LBB2_1-.Ltmp1, $3  }
0x11f: {  	_ =	sdelay $0x1  }
0x120: {  	[sflag:s11] =	ssyncset.done $0x0  }
0x121: {  	[sflag:s11] =	ssyncadd.s32 $0xFFFFE780  }
0x122: {  	_ =	sfence.sel $0x180000  }
0x123: {  	[bflag:$0x0] =	sbarrier.arrive $0xFFFF  }
0x124: {  	_ =	strace $0x90000050  }
0x125: {  	s0 =	stileid.u32;
	[bflag:$0x2] =	sbarrier.arrive $0xFFFF  }
0x126: {  	p0 =	sne.s32 s0, $0x0;
	s0 =	rddreg [dreg:$0x3]  }
0x127: {  	s0 =	sadd.s32 @!p0 $0x100000, s0  }
0x128: {  	[sflag:s0] =	ssyncadd.tile.s32 @!p0 $0x1;
	_ =	shalt  }
.Lfunc_end2:
_tile_overlayer_lowered:
.L_overlay_start_2:
0x129: {  	(tag) =	ssettag $0x2  }
0x12a: {  	s0 =	rddreg [dreg:$0x0];
	s2 =	stileid.u32  }
0x12b: {  	s1 =	rddreg [dreg:$0x1];
	p0 =	sne.s32 s2, $0x0  }
0x12c: {  	s3 =	rddreg [dreg:$0x2];
	[bflag:$0x3] =	sbarrier.arrive $0xFFFF;
	s2 =	simm.s32 @!p0 $0x1C0D  }
0x12d: {  	[timem:s3], [sflag:s2] =	dma.local @!p0 [hbm:s0], s1  }
0x12e: {  	s0 =	simm.s32 @!p0 $0xD  }
0x12f: {  	_ =	swait.ge @!p0 [sflag:s0], s1  }
0x130: {  	s1 =	ssub.s32 @!p0 $0x0, s1;
	[sflag:s0] =	ssyncset.done @!p0 $0x0  }
0x131: {  	[sflag:s0] =	ssyncadd.s32 @!p0 s1  }
0x132: {  	[bflag:$0x3] =	sbarrier.arrive $0xFFFF  }
0x133: {  	_ =	shalt  }

</sc_bundles>
